<compile_context>
chip_gen: v7x
topology: tpu7x:2x2x1
jax: 0.10.2.dev20260603
libtpu: 0.0.44.dev20260713+nightly
codegen_flags: <defaults>
</compile_context>

<pallas_src>
import functools

import jax
import jax.numpy as jnp
from jax import lax
from jax.experimental import pallas as pl
from jax.experimental.pallas import tpu as pltpu
from jax.experimental.pallas import tpu_sc as plsc

N = 10000
E = 320000
D = 128
NC = 2
NS = 16
NW = NC * NS
PER_W = E // NW
CH = 100
NCH = PER_W // CH
QF = NCH // 4
RPT = 624
RCH = 48
NRC = RPT // RCH
TAIL = N - NS * RPT

BLK = 1000
NBLK = N // BLK
NPAD = 10240


def _vsc_mesh():
    return plsc.VectorSubcoreMesh(
        core_axis_name="c", subcore_axis_name="s", num_cores=NC, num_subcores=NS
    )


def _deg_body(src_hbm, deg_hbm, src_v, ones_v, zero_v, acc):
    c = lax.axis_index("c")
    s = lax.axis_index("s")
    wid = s * NC + c
    soff = pl.multiple_of(wid * PER_W, 8)
    pltpu.sync_copy(src_hbm.at[pl.ds(soff, PER_W)], src_v)

    one16 = jnp.ones((16,), jnp.float32)

    def fill_ones(i, _):
        ones_v[pl.ds(i * 16, 16)] = one16
        return 0

    lax.fori_loop(0, PER_W // 16, fill_ones, 0)

    @pl.when(s == 0)
    def _():
        zero16 = jnp.zeros((16,), jnp.float32)

        def fill_zero(i, _):
            zero_v[pl.ds(i * 16, 16)] = zero16
            return 0

        lax.fori_loop(0, NPAD // 16, fill_zero, 0)
        pltpu.sync_copy(zero_v, acc)

    plsc.subcore_barrier()
    pltpu.sync_copy(ones_v, acc.at[src_v], add=True)
    plsc.subcore_barrier()

    @pl.when(s == 0)
    def _():
        off = pl.multiple_of(c * NPAD, NPAD)
        pltpu.sync_copy(acc, deg_hbm.at[pl.ds(off, NPAD)])


def _deg_call(src_flat):
    k = functools.partial(
        pl.kernel,
        out_type=jax.ShapeDtypeStruct((NC * NPAD,), jnp.float32),
        mesh=_vsc_mesh(),
        scratch_types=[
            pltpu.VMEM((PER_W,), jnp.int32),
            pltpu.VMEM((PER_W,), jnp.float32),
            pltpu.VMEM((NPAD,), jnp.float32),
            pltpu.VMEM_SHARED((NPAD,), jnp.float32),
        ],
    )(_deg_body)
    return k(src_flat)


def _mm_body(x_ref, d0_ref, d1_ref, w_ref, y_ref):
    deg = d0_ref[...] + d1_ref[...]
    norm = lax.rsqrt(jnp.maximum(deg, 1.0))
    xs = x_ref[...] * norm
    y_ref[...] = lax.dot_general(
        xs, w_ref[...], (((1,), (1,)), ((), ())),
        preferred_element_type=jnp.float32,
    )


def _mm_call(x, deg_part, W):
    d0 = deg_part[:N].reshape(N, 1)
    d1 = deg_part[NPAD:NPAD + N].reshape(N, 1)
    return pl.pallas_call(
        _mm_body,
        grid=(NBLK,),
        in_specs=[
            pl.BlockSpec((BLK, D), lambda i: (i, 0)),
            pl.BlockSpec((BLK, 1), lambda i: (i, 0)),
            pl.BlockSpec((BLK, 1), lambda i: (i, 0)),
            pl.BlockSpec((D, D), lambda i: (0, 0)),
        ],
        out_specs=pl.BlockSpec((BLK, D), lambda i: (i, 0)),
        out_shape=jax.ShapeDtypeStruct((N, D), jnp.float32),
    )(x, d0, d1, W)


def _agg_body(
    y_hbm, src_hbm, dst_hbm, part_hbm, src_v, dst_v, rows_a, rows_b, rows_c,
    acc, gsem_a, gsem_b, gsem_c,
):
    c = lax.axis_index("c")
    s = lax.axis_index("s")
    wid = s * NC + c

    zero16 = jnp.zeros((16,), jnp.float32)

    def fill_zero(i, _):
        r = i // (D // 16)
        col = i % (D // 16)
        rows_a[r, pl.ds(col * 16, 16)] = zero16
        return 0

    lax.fori_loop(0, CH * (D // 16), fill_zero, 0)
    row0 = pl.multiple_of(s * RPT, 8)
    for kk in range(NRC):
        pltpu.async_copy(
            rows_a.at[pl.ds(0, RCH)], acc.at[pl.ds(row0 + kk * RCH, RCH)], gsem_a
        )

    @pl.when(s == NS - 1)
    def _():
        pltpu.async_copy(
            rows_a.at[pl.ds(0, TAIL)], acc.at[pl.ds(NS * RPT, TAIL)], gsem_b
        )

    for kk in range(NRC):
        pltpu.make_async_copy(
            rows_a.at[pl.ds(0, RCH)], acc.at[pl.ds(row0 + kk * RCH, RCH)], gsem_a
        ).wait()

    @pl.when(s == NS - 1)
    def _():
        pltpu.make_async_copy(
            rows_a.at[pl.ds(0, TAIL)], acc.at[pl.ds(NS * RPT, TAIL)], gsem_b
        ).wait()

    plsc.subcore_barrier()

    bufs = ((rows_a, gsem_a), (rows_b, gsem_b), (rows_c, gsem_c))
    for q in range(4):
        pltpu.sync_copy(src_hbm.at[wid, q], src_v)
        pltpu.sync_copy(dst_hbm.at[wid, q], dst_v)
        for p in range(3):
            pltpu.async_copy(y_hbm.at[src_v.at[p]], bufs[p][0], bufs[p][1])

        def body(i, _):
            for p in range(3):
                j = 3 * i + p
                rv, sm = bufs[p]
                pltpu.make_async_copy(y_hbm.at[src_v.at[j]], rv, sm).wait()
                pltpu.sync_copy(rv, acc.at[dst_v.at[j]], add=True)

                @pl.when(j + 3 < QF)
                def _():
                    pltpu.async_copy(y_hbm.at[src_v.at[j + 3]], rv, sm)

            return 0

        lax.fori_loop(0, QF // 3, body, 0)
        jt = QF - 1
        pltpu.make_async_copy(y_hbm.at[src_v.at[jt]], rows_a, gsem_a).wait()
        pltpu.sync_copy(rows_a, acc.at[dst_v.at[jt]], add=True)
    plsc.subcore_barrier()

    for kk in range(NRC):
        pltpu.async_copy(
            acc.at[pl.ds(row0 + kk * RCH, RCH)],
            part_hbm.at[c, pl.ds(row0 + kk * RCH, RCH)],
            gsem_a,
        )

    @pl.when(s == NS - 1)
    def _():
        pltpu.async_copy(
            acc.at[pl.ds(NS * RPT, TAIL)], part_hbm.at[c, pl.ds(NS * RPT, TAIL)],
            gsem_b,
        )

    for kk in range(NRC):
        pltpu.make_async_copy(
            acc.at[pl.ds(row0 + kk * RCH, RCH)],
            part_hbm.at[c, pl.ds(row0 + kk * RCH, RCH)],
            gsem_a,
        ).wait()

    @pl.when(s == NS - 1)
    def _():
        pltpu.make_async_copy(
            acc.at[pl.ds(NS * RPT, TAIL)], part_hbm.at[c, pl.ds(NS * RPT, TAIL)],
            gsem_b,
        ).wait()


def _agg_call(y, src3, dst3):
    src3 = src3.reshape(NW, 4, QF, CH)
    dst3 = dst3.reshape(NW, 4, QF, CH)
    k = functools.partial(
        pl.kernel,
        out_type=jax.ShapeDtypeStruct((NC, N, D), jnp.float32),
        mesh=_vsc_mesh(),
        scratch_types=[
            pltpu.VMEM((QF, CH), jnp.int32),
            pltpu.VMEM((QF, CH), jnp.int32),
            pltpu.VMEM((CH, D), jnp.float32),
            pltpu.VMEM((CH, D), jnp.float32),
            pltpu.VMEM((CH, D), jnp.float32),
            pltpu.VMEM_SHARED((N, D), jnp.float32),
            pltpu.SemaphoreType.DMA,
            pltpu.SemaphoreType.DMA,
            pltpu.SemaphoreType.DMA,
        ],
    )(_agg_body)
    return k(y, src3, dst3)


def _fin_body(p_ref, w_ref, b_ref, o_ref):
    bias2 = jnp.sum(w_ref[...], axis=1) + b_ref[0, :]
    o_ref[...] = p_ref[0] + p_ref[1] + bias2[None, :]


def _fin_call(part, W, b2):
    return pl.pallas_call(
        _fin_body,
        grid=(NBLK,),
        in_specs=[
            pl.BlockSpec((NC, BLK, D), lambda i: (0, i, 0)),
            pl.BlockSpec((D, D), lambda i: (0, 0)),
            pl.BlockSpec((1, D), lambda i: (0, 0)),
        ],
        out_specs=pl.BlockSpec((BLK, D), lambda i: (i, 0)),
        out_shape=jax.ShapeDtypeStruct((N, D), jnp.float32),
    )(part, W, b2)


def kernel(x, edge_index, W, b):
    src3 = edge_index[0].reshape(NW, NCH, CH)
    dst3 = edge_index[1].reshape(NW, NCH, CH)
    deg_part = _deg_call(edge_index[0])
    y = _mm_call(x, deg_part, W)
    part = _agg_call(y, src3, dst3)
    return _fin_call(part, W, b.reshape(1, D))

# --- scband reference (transcript-rebuilt; emitter-appended) ---
"""Pipeline reference for scband-generic-gnnlayer-76381698392933 (READ-ONLY COPY).

The authoritative reference and input builder live on the scoring server;
editing this copy changes nothing except your own understanding.
"""

import jax, jax.numpy as jnp
import numpy as np

N = 10000
E = 320000
D_IN = 128
D_OUT = 128


def setup_inputs(seed: int = 0) -> dict:
    key = jax.random.key(seed)
    k1, k2, k3, k4 = jax.random.split(key, 4)
    x = jax.random.normal(k1, (N, D_IN), dtype=jnp.float32)
    edge_index = jax.random.randint(k2, (2, E), 0, N)
    # Linear layer params (nn.Linear(in_channels, out_channels)): W [out,in], b [out]
    W = jax.random.normal(k3, (D_OUT, D_IN), dtype=jnp.float32) * 0.05
    b = jax.random.normal(k4, (D_OUT,), dtype=jnp.float32) * 0.05
    return {"x": x, "edge_index": edge_index, "W": W, "b": b}


def reference(x, edge_index, W, b):
    src = edge_index[0]
    dst = edge_index[1]
    # norm == 'both' branch: out-degree based source normalization (as written in the torch code)
    deg = jnp.bincount(src, length=N).astype(jnp.float32)
    deg = jnp.clip(deg, 1.0, None)
    norm = jnp.power(deg, -0.5)
    feat = x * norm[:, None]
    # copy_src -> sum aggregation onto destination nodes
    msgs = feat[src]
    agg = jax.ops.segment_sum(msgs, dst, num_segments=N)
    # NOTE: in the torch code self.bias is a Python bool (True), so `self.bias + feat` adds 1.0
    agg = agg + 1.0
    # final linear
    return agg @ W.T + b

if __name__ == "__main__":
    import jax
    _d = setup_inputs()
    print(jax.jit(kernel)(*tuple(_d.values())))

</pallas_src>

<mosaic_0001>
#map = affine_map<(d0, d1) -> (0, 0)>
#map1 = affine_map<(d0, d1) -> (0, 0, 0, 0)>
#map2 = affine_map<(d0, d1) -> (0, 0, 0)>
module attributes {stable_mosaic.version = 14 : i64} {
  func.func @_agg_body(%arg0: i32, %arg1: i32, %arg2: memref<10000x128xf32, #tpu.memory_space<hbm>>, %arg3: memref<32x4x25x100xi32, #tpu.memory_space<hbm>>, %arg4: memref<32x4x25x100xi32, #tpu.memory_space<hbm>>, %arg5: memref<2x10000x128xf32, #tpu.memory_space<hbm>>, %arg6: memref<25x100xi32, #tpu.memory_space<vmem>>, %arg7: memref<25x100xi32, #tpu.memory_space<vmem>>, %arg8: memref<100x128xf32, #tpu.memory_space<vmem>>, %arg9: memref<100x128xf32, #tpu.memory_space<vmem>>, %arg10: memref<100x128xf32, #tpu.memory_space<vmem>>, %arg11: memref<10000x128xf32, #tpu.memory_space<vmem_shared>>, %arg12: memref<!tpu.dma_semaphore, #tpu.memory_space<semaphore_mem>>, %arg13: memref<!tpu.dma_semaphore, #tpu.memory_space<semaphore_mem>>, %arg14: memref<!tpu.dma_semaphore, #tpu.memory_space<semaphore_mem>>) attributes {dimension_semantics = [#tpu.dimension_semantics<core_parallel>, #tpu.dimension_semantics<subcore_parallel>], iteration_bounds = array<i64: 2, 16>, scalar_prefetch = 0 : i64, scratch_operands = 9 : i64, tpu.core_type = #tpu.core_type<sc_vector_subcore>, window_params = [{transform_indices = #map}, {transform_indices = #map1}, {transform_indices = #map1}, {transform_indices = #map2}]} {
    %mul3A = arith.constant 2 : i32
    %mul3A_0 = arith.muli %arg1, %mul3A : i32
    %add3A = arith.addi %mul3A_0, %arg0 : i32
    %broadcast_in_dim3A = arith.constant 0.000000e+00 : f32
    %broadcast_in_dim3A_1 = vector.broadcast %broadcast_in_dim3A : f32 to vector<16xf32>
    %scan3A = arith.constant 0 : i32
    %scan3A_2 = arith.constant 0 : i32
    %scan3A_3 = arith.constant 800 : i32
    %scan3A_4 = arith.addi %scan3A_2, %scan3A_3 : i32
    %scan3A_5 = arith.constant 1 : i32
    %scan3A_6 = scf.for %scan3A_723 = %scan3A_2 to %scan3A_4 step %scan3A_5 iter_args(%scan3A_724 = %scan3A) -> (i32)  : i32 {
      %jit3A = arith.constant 8 : i32
      %div3A = arith.divsi %scan3A_723, %jit3A : i32
      %sign3A = arith.constant 0 : i32
      %sign3A_725 = arith.cmpi sgt, %scan3A_723, %sign3A : i32
      %sign3A_726 = arith.extui %sign3A_725 : i1 to i32
      %sign3A_727 = arith.constant 0 : i32
      %sign3A_728 = arith.cmpi slt, %scan3A_723, %sign3A_727 : i32
      %sign3A_729 = arith.extui %sign3A_728 : i1 to i32
      %sign3A_730 = arith.subi %sign3A_726, %sign3A_729 : i32
      %sign3A_731 = arith.constant 0 : i32
      %sign3A_732 = arith.cmpi sgt, %jit3A, %sign3A_731 : i32
      %sign3A_733 = arith.extui %sign3A_732 : i1 to i32
      %sign3A_734 = arith.constant 0 : i32
      %sign3A_735 = arith.cmpi slt, %jit3A, %sign3A_734 : i32
      %sign3A_736 = arith.extui %sign3A_735 : i1 to i32
      %sign3A_737 = arith.subi %sign3A_733, %sign3A_736 : i32
      %ne3A = arith.cmpi ne, %sign3A_730, %sign3A_737 : i32
      %rem3A = arith.remsi %scan3A_723, %jit3A : i32
      %ne3A_738 = arith.constant 0 : i32
      %ne3A_739 = arith.cmpi ne, %rem3A, %ne3A_738 : i32
      %and3A = arith.andi %ne3A, %ne3A_739 : i1
      %sub3A = arith.constant 1 : i32
      %sub3A_740 = arith.subi %div3A, %sub3A : i32
      %select_n3A = arith.select %and3A, %sub3A_740, %div3A : i32
      %jit3A_741 = arith.constant 8 : i32
      %eq3A_742 = arith.constant 0 : i32
      %eq3A_743 = arith.cmpi eq, %jit3A_741, %eq3A_742 : i32
      %jit3A_744 = arith.constant 1 : i32
      %select_n3A_745 = arith.select %eq3A_743, %jit3A_744, %jit3A_741 : i32
      %rem3A_746 = arith.remsi %scan3A_723, %select_n3A_745 : i32
      %ne3A_747 = arith.constant 0 : i32
      %ne3A_748 = arith.cmpi ne, %rem3A_746, %ne3A_747 : i32
      %lt3A = arith.constant 0 : i32
      %lt3A_749 = arith.cmpi slt, %rem3A_746, %lt3A : i32
      %lt3A_750 = arith.constant 0 : i32
      %lt3A_751 = arith.cmpi slt, %select_n3A_745, %lt3A_750 : i32
      %ne3A_752 = arith.xori %lt3A_749, %lt3A_751 : i1
      %and3A_753 = arith.andi %ne3A_752, %ne3A_748 : i1
      %add3A_754 = arith.addi %rem3A_746, %select_n3A_745 : i32
      %select_n3A_755 = arith.select %and3A_753, %add3A_754, %rem3A_746 : i32
      %mul3A_756 = arith.constant 16 : i32
      %mul3A_757 = arith.muli %select_n3A_755, %mul3A_756 : i32
      %swap3A = arith.index_cast %select_n3A : i32 to index
      %swap3A_758 = arith.index_cast %mul3A_757 : i32 to index
      %swap3A_759 = tpu.vector_load %arg8[%swap3A, %swap3A_758] {strides = array<i32>} : memref<100x128xf32, #tpu.memory_space<vmem>>, vector<1x16xf32>,
      %swap3A_760 = vector.shape_cast %swap3A_759 : vector<1x16xf32> to vector<16xf32>
      %swap3A_761 = vector.shape_cast %broadcast_in_dim3A_1 : vector<16xf32> to vector<1x16xf32>
      tpu.vector_store %arg8[%swap3A, %swap3A_758], %swap3A_761 {strides = array<i32>} : memref<100x128xf32, #tpu.memory_space<vmem>>, vector<1x16xf32>,
      %scan3A_762 = arith.constant 0 : i32
      scf.yield %scan3A_762 : i32
    }
    %scan3A_7 = arith.constant 800 : i32
    %mul3A_8 = arith.constant 624 : i32
    %mul3A_9 = arith.muli %arg1, %mul3A_8 : i32
    %multiple_of3A = tpu.assume_multiple %mul3A_9, 8 : i32
    %add3A_10 = arith.constant 0 : i32
    %add3A_11 = arith.addi %multiple_of3A, %add3A_10 : i32
    %dma_start3A = arith.constant 0 : i32
    %dma_start3A_12 = arith.constant 0 : i32
    %dma_start3A_13 = tpu.memref_slice %arg8[%dma_start3A, %dma_start3A_12] : memref<100x128xf32, #tpu.memory_space<vmem>> -> memref<48x128xf32, #tpu.memory_space<vmem>>
    %dma_start3A_14 = arith.constant 0 : i32
    %dma_start3A_15 = tpu.memref_slice %arg11[%add3A_11, %dma_start3A_14] : memref<10000x128xf32, #tpu.memory_space<vmem_shared>> -> memref<48x128xf32, #tpu.memory_space<vmem_shared>>
    %dma_start3A_16 = arith.constant 0 : i32
    %dma_start3A_17 = tpu.memref_slice %arg11[%add3A_11, %dma_start3A_16] : memref<10000x128xf32, #tpu.memory_space<vmem_shared>> -> memref<48x128xf32, #tpu.memory_space<vmem_shared>>
    %dma_start3A_18 = arith.constant 0 : i32
    %dma_start3A_19 = arith.constant 0 : i32
    %dma_start3A_20 = tpu.memref_slice %arg8[%dma_start3A_18, %dma_start3A_19] : memref<100x128xf32, #tpu.memory_space<vmem>> -> memref<48x128xf32, #tpu.memory_space<vmem>>
    tpu.enqueue_dma source(%dma_start3A_20 : memref<48x128xf32, #tpu.memory_space<vmem>>) target(%dma_start3A_17 : memref<48x128xf32, #tpu.memory_space<vmem_shared>>) target_semaphore(%arg12 : memref<!tpu.dma_semaphore, #tpu.memory_space<semaphore_mem>>)
    %add3A_21 = arith.constant 48 : i32
    %add3A_22 = arith.addi %multiple_of3A, %add3A_21 : i32
    %dma_start3A_23 = arith.constant 0 : i32
    %dma_start3A_24 = arith.constant 0 : i32
    %dma_start3A_25 = tpu.memref_slice %arg8[%dma_start3A_23, %dma_start3A_24] : memref<100x128xf32, #tpu.memory_space<vmem>> -> memref<48x128xf32, #tpu.memory_space<vmem>>
    %dma_start3A_26 = arith.constant 0 : i32
    %dma_start3A_27 = tpu.memref_slice %arg11[%add3A_22, %dma_start3A_26] : memref<10000x128xf32, #tpu.memory_space<vmem_shared>> -> memref<48x128xf32, #tpu.memory_space<vmem_shared>>
    %dma_start3A_28 = arith.constant 0 : i32
    %dma_start3A_29 = tpu.memref_slice %arg11[%add3A_22, %dma_start3A_28] : memref<10000x128xf32, #tpu.memory_space<vmem_shared>> -> memref<48x128xf32, #tpu.memory_space<vmem_shared>>
    %dma_start3A_30 = arith.constant 0 : i32
    %dma_start3A_31 = arith.constant 0 : i32
    %dma_start3A_32 = tpu.memref_slice %arg8[%dma_start3A_30, %dma_start3A_31] : memref<100x128xf32, #tpu.memory_space<vmem>> -> memref<48x128xf32, #tpu.memory_space<vmem>>
    tpu.enqueue_dma source(%dma_start3A_32 : memref<48x128xf32, #tpu.memory_space<vmem>>) target(%dma_start3A_29 : memref<48x128xf32, #tpu.memory_space<vmem_shared>>) target_semaphore(%arg12 : memref<!tpu.dma_semaphore, #tpu.memory_space<semaphore_mem>>)
    %add3A_33 = arith.constant 96 : i32
    %add3A_34 = arith.addi %multiple_of3A, %add3A_33 : i32
    %dma_start3A_35 = arith.constant 0 : i32
    %dma_start3A_36 = arith.constant 0 : i32
    %dma_start3A_37 = tpu.memref_slice %arg8[%dma_start3A_35, %dma_start3A_36] : memref<100x128xf32, #tpu.memory_space<vmem>> -> memref<48x128xf32, #tpu.memory_space<vmem>>
    %dma_start3A_38 = arith.constant 0 : i32
    %dma_start3A_39 = tpu.memref_slice %arg11[%add3A_34, %dma_start3A_38] : memref<10000x128xf32, #tpu.memory_space<vmem_shared>> -> memref<48x128xf32, #tpu.memory_space<vmem_shared>>
    %dma_start3A_40 = arith.constant 0 : i32
    %dma_start3A_41 = tpu.memref_slice %arg11[%add3A_34, %dma_start3A_40] : memref<10000x128xf32, #tpu.memory_space<vmem_shared>> -> memref<48x128xf32, #tpu.memory_space<vmem_shared>>
    %dma_start3A_42 = arith.constant 0 : i32
    %dma_start3A_43 = arith.constant 0 : i32
    %dma_start3A_44 = tpu.memref_slice %arg8[%dma_start3A_42, %dma_start3A_43] : memref<100x128xf32, #tpu.memory_space<vmem>> -> memref<48x128xf32, #tpu.memory_space<vmem>>
    tpu.enqueue_dma source(%dma_start3A_44 : memref<48x128xf32, #tpu.memory_space<vmem>>) target(%dma_start3A_41 : memref<48x128xf32, #tpu.memory_space<vmem_shared>>) target_semaphore(%arg12 : memref<!tpu.dma_semaphore, #tpu.memory_space<semaphore_mem>>)
    %add3A_45 = arith.constant 144 : i32
    %add3A_46 = arith.addi %multiple_of3A, %add3A_45 : i32
    %dma_start3A_47 = arith.constant 0 : i32
    %dma_start3A_48 = arith.constant 0 : i32
    %dma_start3A_49 = tpu.memref_slice %arg8[%dma_start3A_47, %dma_start3A_48] : memref<100x128xf32, #tpu.memory_space<vmem>> -> memref<48x128xf32, #tpu.memory_space<vmem>>
    %dma_start3A_50 = arith.constant 0 : i32
    %dma_start3A_51 = tpu.memref_slice %arg11[%add3A_46, %dma_start3A_50] : memref<10000x128xf32, #tpu.memory_space<vmem_shared>> -> memref<48x128xf32, #tpu.memory_space<vmem_shared>>
    %dma_start3A_52 = arith.constant 0 : i32
    %dma_start3A_53 = tpu.memref_slice %arg11[%add3A_46, %dma_start3A_52] : memref<10000x128xf32, #tpu.memory_space<vmem_shared>> -> memref<48x128xf32, #tpu.memory_space<vmem_shared>>
    %dma_start3A_54 = arith.constant 0 : i32
    %dma_start3A_55 = arith.constant 0 : i32
    %dma_start3A_56 = tpu.memref_slice %arg8[%dma_start3A_54, %dma_start3A_55] : memref<100x128xf32, #tpu.memory_space<vmem>> -> memref<48x128xf32, #tpu.memory_space<vmem>>
    tpu.enqueue_dma source(%dma_start3A_56 : memref<48x128xf32, #tpu.memory_space<vmem>>) target(%dma_start3A_53 : memref<48x128xf32, #tpu.memory_space<vmem_shared>>) target_semaphore(%arg12 : memref<!tpu.dma_semaphore, #tpu.memory_space<semaphore_mem>>)
    %add3A_57 = arith.constant 192 : i32
    %add3A_58 = arith.addi %multiple_of3A, %add3A_57 : i32
    %dma_start3A_59 = arith.constant 0 : i32
    %dma_start3A_60 = arith.constant 0 : i32
    %dma_start3A_61 = tpu.memref_slice %arg8[%dma_start3A_59, %dma_start3A_60] : memref<100x128xf32, #tpu.memory_space<vmem>> -> memref<48x128xf32, #tpu.memory_space<vmem>>
    %dma_start3A_62 = arith.constant 0 : i32
    %dma_start3A_63 = tpu.memref_slice %arg11[%add3A_58, %dma_start3A_62] : memref<10000x128xf32, #tpu.memory_space<vmem_shared>> -> memref<48x128xf32, #tpu.memory_space<vmem_shared>>
    %dma_start3A_64 = arith.constant 0 : i32
    %dma_start3A_65 = tpu.memref_slice %arg11[%add3A_58, %dma_start3A_64] : memref<10000x128xf32, #tpu.memory_space<vmem_shared>> -> memref<48x128xf32, #tpu.memory_space<vmem_shared>>
    %dma_start3A_66 = arith.constant 0 : i32
    %dma_start3A_67 = arith.constant 0 : i32
    %dma_start3A_68 = tpu.memref_slice %arg8[%dma_start3A_66, %dma_start3A_67] : memref<100x128xf32, #tpu.memory_space<vmem>> -> memref<48x128xf32, #tpu.memory_space<vmem>>
    tpu.enqueue_dma source(%dma_start3A_68 : memref<48x128xf32, #tpu.memory_space<vmem>>) target(%dma_start3A_65 : memref<48x128xf32, #tpu.memory_space<vmem_shared>>) target_semaphore(%arg12 : memref<!tpu.dma_semaphore, #tpu.memory_space<semaphore_mem>>)
    %add3A_69 = arith.constant 240 : i32
    %add3A_70 = arith.addi %multiple_of3A, %add3A_69 : i32
    %dma_start3A_71 = arith.constant 0 : i32
    %dma_start3A_72 = arith.constant 0 : i32
    %dma_start3A_73 = tpu.memref_slice %arg8[%dma_start3A_71, %dma_start3A_72] : memref<100x128xf32, #tpu.memory_space<vmem>> -> memref<48x128xf32, #tpu.memory_space<vmem>>
    %dma_start3A_74 = arith.constant 0 : i32
    %dma_start3A_75 = tpu.memref_slice %arg11[%add3A_70, %dma_start3A_74] : memref<10000x128xf32, #tpu.memory_space<vmem_shared>> -> memref<48x128xf32, #tpu.memory_space<vmem_shared>>
    %dma_start3A_76 = arith.constant 0 : i32
    %dma_start3A_77 = tpu.memref_slice %arg11[%add3A_70, %dma_start3A_76] : memref<10000x128xf32, #tpu.memory_space<vmem_shared>> -> memref<48x128xf32, #tpu.memory_space<vmem_shared>>
    %dma_start3A_78 = arith.constant 0 : i32
    %dma_start3A_79 = arith.constant 0 : i32
    %dma_start3A_80 = tpu.memref_slice %arg8[%dma_start3A_78, %dma_start3A_79] : memref<100x128xf32, #tpu.memory_space<vmem>> -> memref<48x128xf32, #tpu.memory_space<vmem>>
    tpu.enqueue_dma source(%dma_start3A_80 : memref<48x128xf32, #tpu.memory_space<vmem>>) target(%dma_start3A_77 : memref<48x128xf32, #tpu.memory_space<vmem_shared>>) target_semaphore(%arg12 : memref<!tpu.dma_semaphore, #tpu.memory_space<semaphore_mem>>)
    %add3A_81 = arith.constant 288 : i32
    %add3A_82 = arith.addi %multiple_of3A, %add3A_81 : i32
    %dma_start3A_83 = arith.constant 0 : i32
    %dma_start3A_84 = arith.constant 0 : i32
    %dma_start3A_85 = tpu.memref_slice %arg8[%dma_start3A_83, %dma_start3A_84] : memref<100x128xf32, #tpu.memory_space<vmem>> -> memref<48x128xf32, #tpu.memory_space<vmem>>
    %dma_start3A_86 = arith.constant 0 : i32
    %dma_start3A_87 = tpu.memref_slice %arg11[%add3A_82, %dma_start3A_86] : memref<10000x128xf32, #tpu.memory_space<vmem_shared>> -> memref<48x128xf32, #tpu.memory_space<vmem_shared>>
    %dma_start3A_88 = arith.constant 0 : i32
    %dma_start3A_89 = tpu.memref_slice %arg11[%add3A_82, %dma_start3A_88] : memref<10000x128xf32, #tpu.memory_space<vmem_shared>> -> memref<48x128xf32, #tpu.memory_space<vmem_shared>>
    %dma_start3A_90 = arith.constant 0 : i32
    %dma_start3A_91 = arith.constant 0 : i32
    %dma_start3A_92 = tpu.memref_slice %arg8[%dma_start3A_90, %dma_start3A_91] : memref<100x128xf32, #tpu.memory_space<vmem>> -> memref<48x128xf32, #tpu.memory_space<vmem>>
    tpu.enqueue_dma source(%dma_start3A_92 : memref<48x128xf32, #tpu.memory_space<vmem>>) target(%dma_start3A_89 : memref<48x128xf32, #tpu.memory_space<vmem_shared>>) target_semaphore(%arg12 : memref<!tpu.dma_semaphore, #tpu.memory_space<semaphore_mem>>)
    %add3A_93 = arith.constant 336 : i32
    %add3A_94 = arith.addi %multiple_of3A, %add3A_93 : i32
    %dma_start3A_95 = arith.constant 0 : i32
    %dma_start3A_96 = arith.constant 0 : i32
    %dma_start3A_97 = tpu.memref_slice %arg8[%dma_start3A_95, %dma_start3A_96] : memref<100x128xf32, #tpu.memory_space<vmem>> -> memref<48x128xf32, #tpu.memory_space<vmem>>
    %dma_start3A_98 = arith.constant 0 : i32
    %dma_start3A_99 = tpu.memref_slice %arg11[%add3A_94, %dma_start3A_98] : memref<10000x128xf32, #tpu.memory_space<vmem_shared>> -> memref<48x128xf32, #tpu.memory_space<vmem_shared>>
    %dma_start3A_100 = arith.constant 0 : i32
    %dma_start3A_101 = tpu.memref_slice %arg11[%add3A_94, %dma_start3A_100] : memref<10000x128xf32, #tpu.memory_space<vmem_shared>> -> memref<48x128xf32, #tpu.memory_space<vmem_shared>>
    %dma_start3A_102 = arith.constant 0 : i32
    %dma_start3A_103 = arith.constant 0 : i32
    %dma_start3A_104 = tpu.memref_slice %arg8[%dma_start3A_102, %dma_start3A_103] : memref<100x128xf32, #tpu.memory_space<vmem>> -> memref<48x128xf32, #tpu.memory_space<vmem>>
    tpu.enqueue_dma source(%dma_start3A_104 : memref<48x128xf32, #tpu.memory_space<vmem>>) target(%dma_start3A_101 : memref<48x128xf32, #tpu.memory_space<vmem_shared>>) target_semaphore(%arg12 : memref<!tpu.dma_semaphore, #tpu.memory_space<semaphore_mem>>)
    %add3A_105 = arith.constant 384 : i32
    %add3A_106 = arith.addi %multiple_of3A, %add3A_105 : i32
    %dma_start3A_107 = arith.constant 0 : i32
    %dma_start3A_108 = arith.constant 0 : i32
    %dma_start3A_109 = tpu.memref_slice %arg8[%dma_start3A_107, %dma_start3A_108] : memref<100x128xf32, #tpu.memory_space<vmem>> -> memref<48x128xf32, #tpu.memory_space<vmem>>
    %dma_start3A_110 = arith.constant 0 : i32
    %dma_start3A_111 = tpu.memref_slice %arg11[%add3A_106, %dma_start3A_110] : memref<10000x128xf32, #tpu.memory_space<vmem_shared>> -> memref<48x128xf32, #tpu.memory_space<vmem_shared>>
    %dma_start3A_112 = arith.constant 0 : i32
    %dma_start3A_113 = tpu.memref_slice %arg11[%add3A_106, %dma_start3A_112] : memref<10000x128xf32, #tpu.memory_space<vmem_shared>> -> memref<48x128xf32, #tpu.memory_space<vmem_shared>>
    %dma_start3A_114 = arith.constant 0 : i32
    %dma_start3A_115 = arith.constant 0 : i32
    %dma_start3A_116 = tpu.memref_slice %arg8[%dma_start3A_114, %dma_start3A_115] : memref<100x128xf32, #tpu.memory_space<vmem>> -> memref<48x128xf32, #tpu.memory_space<vmem>>
    tpu.enqueue_dma source(%dma_start3A_116 : memref<48x128xf32, #tpu.memory_space<vmem>>) target(%dma_start3A_113 : memref<48x128xf32, #tpu.memory_space<vmem_shared>>) target_semaphore(%arg12 : memref<!tpu.dma_semaphore, #tpu.memory_space<semaphore_mem>>)
    %add3A_117 = arith.constant 432 : i32
    %add3A_118 = arith.addi %multiple_of3A, %add3A_117 : i32
    %dma_start3A_119 = arith.constant 0 : i32
    %dma_start3A_120 = arith.constant 0 : i32
    %dma_start3A_121 = tpu.memref_slice %arg8[%dma_start3A_119, %dma_start3A_120] : memref<100x128xf32, #tpu.memory_space<vmem>> -> memref<48x128xf32, #tpu.memory_space<vmem>>
    %dma_start3A_122 = arith.constant 0 : i32
    %dma_start3A_123 = tpu.memref_slice %arg11[%add3A_118, %dma_start3A_122] : memref<10000x128xf32, #tpu.memory_space<vmem_shared>> -> memref<48x128xf32, #tpu.memory_space<vmem_shared>>
    %dma_start3A_124 = arith.constant 0 : i32
    %dma_start3A_125 = tpu.memref_slice %arg11[%add3A_118, %dma_start3A_124] : memref<10000x128xf32, #tpu.memory_space<vmem_shared>> -> memref<48x128xf32, #tpu.memory_space<vmem_shared>>
    %dma_start3A_126 = arith.constant 0 : i32
    %dma_start3A_127 = arith.constant 0 : i32
    %dma_start3A_128 = tpu.memref_slice %arg8[%dma_start3A_126, %dma_start3A_127] : memref<100x128xf32, #tpu.memory_space<vmem>> -> memref<48x128xf32, #tpu.memory_space<vmem>>
    tpu.enqueue_dma source(%dma_start3A_128 : memref<48x128xf32, #tpu.memory_space<vmem>>) target(%dma_start3A_125 : memref<48x128xf32, #tpu.memory_space<vmem_shared>>) target_semaphore(%arg12 : memref<!tpu.dma_semaphore, #tpu.memory_space<semaphore_mem>>)
    %add3A_129 = arith.constant 480 : i32
    %add3A_130 = arith.addi %multiple_of3A, %add3A_129 : i32
    %dma_start3A_131 = arith.constant 0 : i32
    %dma_start3A_132 = arith.constant 0 : i32
    %dma_start3A_133 = tpu.memref_slice %arg8[%dma_start3A_131, %dma_start3A_132] : memref<100x128xf32, #tpu.memory_space<vmem>> -> memref<48x128xf32, #tpu.memory_space<vmem>>
    %dma_start3A_134 = arith.constant 0 : i32
    %dma_start3A_135 = tpu.memref_slice %arg11[%add3A_130, %dma_start3A_134] : memref<10000x128xf32, #tpu.memory_space<vmem_shared>> -> memref<48x128xf32, #tpu.memory_space<vmem_shared>>
    %dma_start3A_136 = arith.constant 0 : i32
    %dma_start3A_137 = tpu.memref_slice %arg11[%add3A_130, %dma_start3A_136] : memref<10000x128xf32, #tpu.memory_space<vmem_shared>> -> memref<48x128xf32, #tpu.memory_space<vmem_shared>>
    %dma_start3A_138 = arith.constant 0 : i32
    %dma_start3A_139 = arith.constant 0 : i32
    %dma_start3A_140 = tpu.memref_slice %arg8[%dma_start3A_138, %dma_start3A_139] : memref<100x128xf32, #tpu.memory_space<vmem>> -> memref<48x128xf32, #tpu.memory_space<vmem>>
    tpu.enqueue_dma source(%dma_start3A_140 : memref<48x128xf32, #tpu.memory_space<vmem>>) target(%dma_start3A_137 : memref<48x128xf32, #tpu.memory_space<vmem_shared>>) target_semaphore(%arg12 : memref<!tpu.dma_semaphore, #tpu.memory_space<semaphore_mem>>)
    %add3A_141 = arith.constant 528 : i32
    %add3A_142 = arith.addi %multiple_of3A, %add3A_141 : i32
    %dma_start3A_143 = arith.constant 0 : i32
    %dma_start3A_144 = arith.constant 0 : i32
    %dma_start3A_145 = tpu.memref_slice %arg8[%dma_start3A_143, %dma_start3A_144] : memref<100x128xf32, #tpu.memory_space<vmem>> -> memref<48x128xf32, #tpu.memory_space<vmem>>
    %dma_start3A_146 = arith.constant 0 : i32
    %dma_start3A_147 = tpu.memref_slice %arg11[%add3A_142, %dma_start3A_146] : memref<10000x128xf32, #tpu.memory_space<vmem_shared>> -> memref<48x128xf32, #tpu.memory_space<vmem_shared>>
    %dma_start3A_148 = arith.constant 0 : i32
    %dma_start3A_149 = tpu.memref_slice %arg11[%add3A_142, %dma_start3A_148] : memref<10000x128xf32, #tpu.memory_space<vmem_shared>> -> memref<48x128xf32, #tpu.memory_space<vmem_shared>>
    %dma_start3A_150 = arith.constant 0 : i32
    %dma_start3A_151 = arith.constant 0 : i32
    %dma_start3A_152 = tpu.memref_slice %arg8[%dma_start3A_150, %dma_start3A_151] : memref<100x128xf32, #tpu.memory_space<vmem>> -> memref<48x128xf32, #tpu.memory_space<vmem>>
    tpu.enqueue_dma source(%dma_start3A_152 : memref<48x128xf32, #tpu.memory_space<vmem>>) target(%dma_start3A_149 : memref<48x128xf32, #tpu.memory_space<vmem_shared>>) target_semaphore(%arg12 : memref<!tpu.dma_semaphore, #tpu.memory_space<semaphore_mem>>)
    %add3A_153 = arith.constant 576 : i32
    %add3A_154 = arith.addi %multiple_of3A, %add3A_153 : i32
    %dma_start3A_155 = arith.constant 0 : i32
    %dma_start3A_156 = arith.constant 0 : i32
    %dma_start3A_157 = tpu.memref_slice %arg8[%dma_start3A_155, %dma_start3A_156] : memref<100x128xf32, #tpu.memory_space<vmem>> -> memref<48x128xf32, #tpu.memory_space<vmem>>
    %dma_start3A_158 = arith.constant 0 : i32
    %dma_start3A_159 = tpu.memref_slice %arg11[%add3A_154, %dma_start3A_158] : memref<10000x128xf32, #tpu.memory_space<vmem_shared>> -> memref<48x128xf32, #tpu.memory_space<vmem_shared>>
    %dma_start3A_160 = arith.constant 0 : i32
    %dma_start3A_161 = tpu.memref_slice %arg11[%add3A_154, %dma_start3A_160] : memref<10000x128xf32, #tpu.memory_space<vmem_shared>> -> memref<48x128xf32, #tpu.memory_space<vmem_shared>>
    %dma_start3A_162 = arith.constant 0 : i32
    %dma_start3A_163 = arith.constant 0 : i32
    %dma_start3A_164 = tpu.memref_slice %arg8[%dma_start3A_162, %dma_start3A_163] : memref<100x128xf32, #tpu.memory_space<vmem>> -> memref<48x128xf32, #tpu.memory_space<vmem>>
    tpu.enqueue_dma source(%dma_start3A_164 : memref<48x128xf32, #tpu.memory_space<vmem>>) target(%dma_start3A_161 : memref<48x128xf32, #tpu.memory_space<vmem_shared>>) target_semaphore(%arg12 : memref<!tpu.dma_semaphore, #tpu.memory_space<semaphore_mem>>)
    %eq3A = arith.constant 15 : i32
    %eq3A_165 = arith.cmpi eq, %arg1, %eq3A : i32
    %convert_element_type3A = arith.extui %eq3A_165 : i1 to i32
    %cond3A = arith.constant 0 : i32
    %cond3A_166 = arith.cmpi ne, %convert_element_type3A, %cond3A : i32
    scf.if %cond3A_166 {
      %dma_start3A_723 = arith.constant 0 : i32
      %dma_start3A_724 = arith.constant 0 : i32
      %dma_start3A_725 = tpu.memref_slice %arg8[%dma_start3A_723, %dma_start3A_724] : memref<100x128xf32, #tpu.memory_space<vmem>> -> memref<16x128xf32, #tpu.memory_space<vmem>>
      %dma_start3A_726 = arith.constant 9984 : i32
      %dma_start3A_727 = arith.constant 0 : i32
      %dma_start3A_728 = tpu.memref_slice %arg11[%dma_start3A_726, %dma_start3A_727] : memref<10000x128xf32, #tpu.memory_space<vmem_shared>> -> memref<16x128xf32, #tpu.memory_space<vmem_shared>>
      %dma_start3A_729 = arith.constant 9984 : i32
      %dma_start3A_730 = arith.constant 0 : i32
      %dma_start3A_731 = tpu.memref_slice %arg11[%dma_start3A_729, %dma_start3A_730] : memref<10000x128xf32, #tpu.memory_space<vmem_shared>> -> memref<16x128xf32, #tpu.memory_space<vmem_shared>>
      %dma_start3A_732 = arith.constant 0 : i32
      %dma_start3A_733 = arith.constant 0 : i32
      %dma_start3A_734 = tpu.memref_slice %arg8[%dma_start3A_732, %dma_start3A_733] : memref<100x128xf32, #tpu.memory_space<vmem>> -> memref<16x128xf32, #tpu.memory_space<vmem>>
      tpu.enqueue_dma source(%dma_start3A_734 : memref<16x128xf32, #tpu.memory_space<vmem>>) target(%dma_start3A_731 : memref<16x128xf32, #tpu.memory_space<vmem_shared>>) target_semaphore(%arg13 : memref<!tpu.dma_semaphore, #tpu.memory_space<semaphore_mem>>)
    } else {
    }
    %add3A_167 = arith.constant 0 : i32
    %add3A_168 = arith.addi %multiple_of3A, %add3A_167 : i32
    %dma_wait3A = arith.constant 0 : i32
    %dma_wait3A_169 = arith.constant 0 : i32
    %dma_wait3A_170 = tpu.memref_slice %arg8[%dma_wait3A, %dma_wait3A_169] : memref<100x128xf32, #tpu.memory_space<vmem>> -> memref<48x128xf32, #tpu.memory_space<vmem>>
    %dma_wait3A_171 = arith.constant 0 : i32
    %dma_wait3A_172 = tpu.memref_slice %arg11[%add3A_168, %dma_wait3A_171] : memref<10000x128xf32, #tpu.memory_space<vmem_shared>> -> memref<48x128xf32, #tpu.memory_space<vmem_shared>>
    %dma_wait3A_173 = arith.constant 0 : i32
    %dma_wait3A_174 = tpu.memref_slice %arg11[%add3A_168, %dma_wait3A_173] : memref<10000x128xf32, #tpu.memory_space<vmem_shared>> -> memref<48x128xf32, #tpu.memory_space<vmem_shared>>
    %dma_wait3A_175 = arith.constant 0 : i32
    %dma_wait3A_176 = arith.constant 0 : i32
    %dma_wait3A_177 = tpu.memref_slice %arg8[%dma_wait3A_175, %dma_wait3A_176] : memref<100x128xf32, #tpu.memory_space<vmem>> -> memref<48x128xf32, #tpu.memory_space<vmem>>
    tpu.wait_dma2 semaphore(%arg12 : memref<!tpu.dma_semaphore, #tpu.memory_space<semaphore_mem>>) src(%dma_wait3A_177 : memref<48x128xf32, #tpu.memory_space<vmem>>) dst(%dma_wait3A_174 : memref<48x128xf32, #tpu.memory_space<vmem_shared>>)
    %add3A_178 = arith.constant 48 : i32
    %add3A_179 = arith.addi %multiple_of3A, %add3A_178 : i32
    %dma_wait3A_180 = arith.constant 0 : i32
    %dma_wait3A_181 = arith.constant 0 : i32
    %dma_wait3A_182 = tpu.memref_slice %arg8[%dma_wait3A_180, %dma_wait3A_181] : memref<100x128xf32, #tpu.memory_space<vmem>> -> memref<48x128xf32, #tpu.memory_space<vmem>>
    %dma_wait3A_183 = arith.constant 0 : i32
    %dma_wait3A_184 = tpu.memref_slice %arg11[%add3A_179, %dma_wait3A_183] : memref<10000x128xf32, #tpu.memory_space<vmem_shared>> -> memref<48x128xf32, #tpu.memory_space<vmem_shared>>
    %dma_wait3A_185 = arith.constant 0 : i32
    %dma_wait3A_186 = tpu.memref_slice %arg11[%add3A_179, %dma_wait3A_185] : memref<10000x128xf32, #tpu.memory_space<vmem_shared>> -> memref<48x128xf32, #tpu.memory_space<vmem_shared>>
    %dma_wait3A_187 = arith.constant 0 : i32
    %dma_wait3A_188 = arith.constant 0 : i32
    %dma_wait3A_189 = tpu.memref_slice %arg8[%dma_wait3A_187, %dma_wait3A_188] : memref<100x128xf32, #tpu.memory_space<vmem>> -> memref<48x128xf32, #tpu.memory_space<vmem>>
    tpu.wait_dma2 semaphore(%arg12 : memref<!tpu.dma_semaphore, #tpu.memory_space<semaphore_mem>>) src(%dma_wait3A_189 : memref<48x128xf32, #tpu.memory_space<vmem>>) dst(%dma_wait3A_186 : memref<48x128xf32, #tpu.memory_space<vmem_shared>>)
    %add3A_190 = arith.constant 96 : i32
    %add3A_191 = arith.addi %multiple_of3A, %add3A_190 : i32
    %dma_wait3A_192 = arith.constant 0 : i32
    %dma_wait3A_193 = arith.constant 0 : i32
    %dma_wait3A_194 = tpu.memref_slice %arg8[%dma_wait3A_192, %dma_wait3A_193] : memref<100x128xf32, #tpu.memory_space<vmem>> -> memref<48x128xf32, #tpu.memory_space<vmem>>
    %dma_wait3A_195 = arith.constant 0 : i32
    %dma_wait3A_196 = tpu.memref_slice %arg11[%add3A_191, %dma_wait3A_195] : memref<10000x128xf32, #tpu.memory_space<vmem_shared>> -> memref<48x128xf32, #tpu.memory_space<vmem_shared>>
    %dma_wait3A_197 = arith.constant 0 : i32
    %dma_wait3A_198 = tpu.memref_slice %arg11[%add3A_191, %dma_wait3A_197] : memref<10000x128xf32, #tpu.memory_space<vmem_shared>> -> memref<48x128xf32, #tpu.memory_space<vmem_shared>>
    %dma_wait3A_199 = arith.constant 0 : i32
    %dma_wait3A_200 = arith.constant 0 : i32
    %dma_wait3A_201 = tpu.memref_slice %arg8[%dma_wait3A_199, %dma_wait3A_200] : memref<100x128xf32, #tpu.memory_space<vmem>> -> memref<48x128xf32, #tpu.memory_space<vmem>>
    tpu.wait_dma2 semaphore(%arg12 : memref<!tpu.dma_semaphore, #tpu.memory_space<semaphore_mem>>) src(%dma_wait3A_201 : memref<48x128xf32, #tpu.memory_space<vmem>>) dst(%dma_wait3A_198 : memref<48x128xf32, #tpu.memory_space<vmem_shared>>)
    %add3A_202 = arith.constant 144 : i32
    %add3A_203 = arith.addi %multiple_of3A, %add3A_202 : i32
    %dma_wait3A_204 = arith.constant 0 : i32
    %dma_wait3A_205 = arith.constant 0 : i32
    %dma_wait3A_206 = tpu.memref_slice %arg8[%dma_wait3A_204, %dma_wait3A_205] : memref<100x128xf32, #tpu.memory_space<vmem>> -> memref<48x128xf32, #tpu.memory_space<vmem>>
    %dma_wait3A_207 = arith.constant 0 : i32
    %dma_wait3A_208 = tpu.memref_slice %arg11[%add3A_203, %dma_wait3A_207] : memref<10000x128xf32, #tpu.memory_space<vmem_shared>> -> memref<48x128xf32, #tpu.memory_space<vmem_shared>>
    %dma_wait3A_209 = arith.constant 0 : i32
    %dma_wait3A_210 = tpu.memref_slice %arg11[%add3A_203, %dma_wait3A_209] : memref<10000x128xf32, #tpu.memory_space<vmem_shared>> -> memref<48x128xf32, #tpu.memory_space<vmem_shared>>
    %dma_wait3A_211 = arith.constant 0 : i32
    %dma_wait3A_212 = arith.constant 0 : i32
    %dma_wait3A_213 = tpu.memref_slice %arg8[%dma_wait3A_211, %dma_wait3A_212] : memref<100x128xf32, #tpu.memory_space<vmem>> -> memref<48x128xf32, #tpu.memory_space<vmem>>
    tpu.wait_dma2 semaphore(%arg12 : memref<!tpu.dma_semaphore, #tpu.memory_space<semaphore_mem>>) src(%dma_wait3A_213 : memref<48x128xf32, #tpu.memory_space<vmem>>) dst(%dma_wait3A_210 : memref<48x128xf32, #tpu.memory_space<vmem_shared>>)
    %add3A_214 = arith.constant 192 : i32
    %add3A_215 = arith.addi %multiple_of3A, %add3A_214 : i32
    %dma_wait3A_216 = arith.constant 0 : i32
    %dma_wait3A_217 = arith.constant 0 : i32
    %dma_wait3A_218 = tpu.memref_slice %arg8[%dma_wait3A_216, %dma_wait3A_217] : memref<100x128xf32, #tpu.memory_space<vmem>> -> memref<48x128xf32, #tpu.memory_space<vmem>>
    %dma_wait3A_219 = arith.constant 0 : i32
    %dma_wait3A_220 = tpu.memref_slice %arg11[%add3A_215, %dma_wait3A_219] : memref<10000x128xf32, #tpu.memory_space<vmem_shared>> -> memref<48x128xf32, #tpu.memory_space<vmem_shared>>
    %dma_wait3A_221 = arith.constant 0 : i32
    %dma_wait3A_222 = tpu.memref_slice %arg11[%add3A_215, %dma_wait3A_221] : memref<10000x128xf32, #tpu.memory_space<vmem_shared>> -> memref<48x128xf32, #tpu.memory_space<vmem_shared>>
    %dma_wait3A_223 = arith.constant 0 : i32
    %dma_wait3A_224 = arith.constant 0 : i32
    %dma_wait3A_225 = tpu.memref_slice %arg8[%dma_wait3A_223, %dma_wait3A_224] : memref<100x128xf32, #tpu.memory_space<vmem>> -> memref<48x128xf32, #tpu.memory_space<vmem>>
    tpu.wait_dma2 semaphore(%arg12 : memref<!tpu.dma_semaphore, #tpu.memory_space<semaphore_mem>>) src(%dma_wait3A_225 : memref<48x128xf32, #tpu.memory_space<vmem>>) dst(%dma_wait3A_222 : memref<48x128xf32, #tpu.memory_space<vmem_shared>>)
    %add3A_226 = arith.constant 240 : i32
    %add3A_227 = arith.addi %multiple_of3A, %add3A_226 : i32
    %dma_wait3A_228 = arith.constant 0 : i32
    %dma_wait3A_229 = arith.constant 0 : i32
    %dma_wait3A_230 = tpu.memref_slice %arg8[%dma_wait3A_228, %dma_wait3A_229] : memref<100x128xf32, #tpu.memory_space<vmem>> -> memref<48x128xf32, #tpu.memory_space<vmem>>
    %dma_wait3A_231 = arith.constant 0 : i32
    %dma_wait3A_232 = tpu.memref_slice %arg11[%add3A_227, %dma_wait3A_231] : memref<10000x128xf32, #tpu.memory_space<vmem_shared>> -> memref<48x128xf32, #tpu.memory_space<vmem_shared>>
    %dma_wait3A_233 = arith.constant 0 : i32
    %dma_wait3A_234 = tpu.memref_slice %arg11[%add3A_227, %dma_wait3A_233] : memref<10000x128xf32, #tpu.memory_space<vmem_shared>> -> memref<48x128xf32, #tpu.memory_space<vmem_shared>>
    %dma_wait3A_235 = arith.constant 0 : i32
    %dma_wait3A_236 = arith.constant 0 : i32
    %dma_wait3A_237 = tpu.memref_slice %arg8[%dma_wait3A_235, %dma_wait3A_236] : memref<100x128xf32, #tpu.memory_space<vmem>> -> memref<48x128xf32, #tpu.memory_space<vmem>>
    tpu.wait_dma2 semaphore(%arg12 : memref<!tpu.dma_semaphore, #tpu.memory_space<semaphore_mem>>) src(%dma_wait3A_237 : memref<48x128xf32, #tpu.memory_space<vmem>>) dst(%dma_wait3A_234 : memref<48x128xf32, #tpu.memory_space<vmem_shared>>)
    %add3A_238 = arith.constant 288 : i32
    %add3A_239 = arith.addi %multiple_of3A, %add3A_238 : i32
    %dma_wait3A_240 = arith.constant 0 : i32
    %dma_wait3A_241 = arith.constant 0 : i32
    %dma_wait3A_242 = tpu.memref_slice %arg8[%dma_wait3A_240, %dma_wait3A_241] : memref<100x128xf32, #tpu.memory_space<vmem>> -> memref<48x128xf32, #tpu.memory_space<vmem>>
    %dma_wait3A_243 = arith.constant 0 : i32
    %dma_wait3A_244 = tpu.memref_slice %arg11[%add3A_239, %dma_wait3A_243] : memref<10000x128xf32, #tpu.memory_space<vmem_shared>> -> memref<48x128xf32, #tpu.memory_space<vmem_shared>>
    %dma_wait3A_245 = arith.constant 0 : i32
    %dma_wait3A_246 = tpu.memref_slice %arg11[%add3A_239, %dma_wait3A_245] : memref<10000x128xf32, #tpu.memory_space<vmem_shared>> -> memref<48x128xf32, #tpu.memory_space<vmem_shared>>
    %dma_wait3A_247 = arith.constant 0 : i32
    %dma_wait3A_248 = arith.constant 0 : i32
    %dma_wait3A_249 = tpu.memref_slice %arg8[%dma_wait3A_247, %dma_wait3A_248] : memref<100x128xf32, #tpu.memory_space<vmem>> -> memref<48x128xf32, #tpu.memory_space<vmem>>
    tpu.wait_dma2 semaphore(%arg12 : memref<!tpu.dma_semaphore, #tpu.memory_space<semaphore_mem>>) src(%dma_wait3A_249 : memref<48x128xf32, #tpu.memory_space<vmem>>) dst(%dma_wait3A_246 : memref<48x128xf32, #tpu.memory_space<vmem_shared>>)
    %add3A_250 = arith.constant 336 : i32
    %add3A_251 = arith.addi %multiple_of3A, %add3A_250 : i32
    %dma_wait3A_252 = arith.constant 0 : i32
    %dma_wait3A_253 = arith.constant 0 : i32
    %dma_wait3A_254 = tpu.memref_slice %arg8[%dma_wait3A_252, %dma_wait3A_253] : memref<100x128xf32, #tpu.memory_space<vmem>> -> memref<48x128xf32, #tpu.memory_space<vmem>>
    %dma_wait3A_255 = arith.constant 0 : i32
    %dma_wait3A_256 = tpu.memref_slice %arg11[%add3A_251, %dma_wait3A_255] : memref<10000x128xf32, #tpu.memory_space<vmem_shared>> -> memref<48x128xf32, #tpu.memory_space<vmem_shared>>
    %dma_wait3A_257 = arith.constant 0 : i32
    %dma_wait3A_258 = tpu.memref_slice %arg11[%add3A_251, %dma_wait3A_257] : memref<10000x128xf32, #tpu.memory_space<vmem_shared>> -> memref<48x128xf32, #tpu.memory_space<vmem_shared>>
    %dma_wait3A_259 = arith.constant 0 : i32
    %dma_wait3A_260 = arith.constant 0 : i32
    %dma_wait3A_261 = tpu.memref_slice %arg8[%dma_wait3A_259, %dma_wait3A_260] : memref<100x128xf32, #tpu.memory_space<vmem>> -> memref<48x128xf32, #tpu.memory_space<vmem>>
    tpu.wait_dma2 semaphore(%arg12 : memref<!tpu.dma_semaphore, #tpu.memory_space<semaphore_mem>>) src(%dma_wait3A_261 : memref<48x128xf32, #tpu.memory_space<vmem>>) dst(%dma_wait3A_258 : memref<48x128xf32, #tpu.memory_space<vmem_shared>>)
    %add3A_262 = arith.constant 384 : i32
    %add3A_263 = arith.addi %multiple_of3A, %add3A_262 : i32
    %dma_wait3A_264 = arith.constant 0 : i32
    %dma_wait3A_265 = arith.constant 0 : i32
    %dma_wait3A_266 = tpu.memref_slice %arg8[%dma_wait3A_264, %dma_wait3A_265] : memref<100x128xf32, #tpu.memory_space<vmem>> -> memref<48x128xf32, #tpu.memory_space<vmem>>
    %dma_wait3A_267 = arith.constant 0 : i32
    %dma_wait3A_268 = tpu.memref_slice %arg11[%add3A_263, %dma_wait3A_267] : memref<10000x128xf32, #tpu.memory_space<vmem_shared>> -> memref<48x128xf32, #tpu.memory_space<vmem_shared>>
    %dma_wait3A_269 = arith.constant 0 : i32
    %dma_wait3A_270 = tpu.memref_slice %arg11[%add3A_263, %dma_wait3A_269] : memref<10000x128xf32, #tpu.memory_space<vmem_shared>> -> memref<48x128xf32, #tpu.memory_space<vmem_shared>>
    %dma_wait3A_271 = arith.constant 0 : i32
    %dma_wait3A_272 = arith.constant 0 : i32
    %dma_wait3A_273 = tpu.memref_slice %arg8[%dma_wait3A_271, %dma_wait3A_272] : memref<100x128xf32, #tpu.memory_space<vmem>> -> memref<48x128xf32, #tpu.memory_space<vmem>>
    tpu.wait_dma2 semaphore(%arg12 : memref<!tpu.dma_semaphore, #tpu.memory_space<semaphore_mem>>) src(%dma_wait3A_273 : memref<48x128xf32, #tpu.memory_space<vmem>>) dst(%dma_wait3A_270 : memref<48x128xf32, #tpu.memory_space<vmem_shared>>)
    %add3A_274 = arith.constant 432 : i32
    %add3A_275 = arith.addi %multiple_of3A, %add3A_274 : i32
    %dma_wait3A_276 = arith.constant 0 : i32
    %dma_wait3A_277 = arith.constant 0 : i32
    %dma_wait3A_278 = tpu.memref_slice %arg8[%dma_wait3A_276, %dma_wait3A_277] : memref<100x128xf32, #tpu.memory_space<vmem>> -> memref<48x128xf32, #tpu.memory_space<vmem>>
    %dma_wait3A_279 = arith.constant 0 : i32
    %dma_wait3A_280 = tpu.memref_slice %arg11[%add3A_275, %dma_wait3A_279] : memref<10000x128xf32, #tpu.memory_space<vmem_shared>> -> memref<48x128xf32, #tpu.memory_space<vmem_shared>>
    %dma_wait3A_281 = arith.constant 0 : i32
    %dma_wait3A_282 = tpu.memref_slice %arg11[%add3A_275, %dma_wait3A_281] : memref<10000x128xf32, #tpu.memory_space<vmem_shared>> -> memref<48x128xf32, #tpu.memory_space<vmem_shared>>
    %dma_wait3A_283 = arith.constant 0 : i32
    %dma_wait3A_284 = arith.constant 0 : i32
    %dma_wait3A_285 = tpu.memref_slice %arg8[%dma_wait3A_283, %dma_wait3A_284] : memref<100x128xf32, #tpu.memory_space<vmem>> -> memref<48x128xf32, #tpu.memory_space<vmem>>
    tpu.wait_dma2 semaphore(%arg12 : memref<!tpu.dma_semaphore, #tpu.memory_space<semaphore_mem>>) src(%dma_wait3A_285 : memref<48x128xf32, #tpu.memory_space<vmem>>) dst(%dma_wait3A_282 : memref<48x128xf32, #tpu.memory_space<vmem_shared>>)
    %add3A_286 = arith.constant 480 : i32
    %add3A_287 = arith.addi %multiple_of3A, %add3A_286 : i32
    %dma_wait3A_288 = arith.constant 0 : i32
    %dma_wait3A_289 = arith.constant 0 : i32
    %dma_wait3A_290 = tpu.memref_slice %arg8[%dma_wait3A_288, %dma_wait3A_289] : memref<100x128xf32, #tpu.memory_space<vmem>> -> memref<48x128xf32, #tpu.memory_space<vmem>>
    %dma_wait3A_291 = arith.constant 0 : i32
    %dma_wait3A_292 = tpu.memref_slice %arg11[%add3A_287, %dma_wait3A_291] : memref<10000x128xf32, #tpu.memory_space<vmem_shared>> -> memref<48x128xf32, #tpu.memory_space<vmem_shared>>
    %dma_wait3A_293 = arith.constant 0 : i32
    %dma_wait3A_294 = tpu.memref_slice %arg11[%add3A_287, %dma_wait3A_293] : memref<10000x128xf32, #tpu.memory_space<vmem_shared>> -> memref<48x128xf32, #tpu.memory_space<vmem_shared>>
    %dma_wait3A_295 = arith.constant 0 : i32
    %dma_wait3A_296 = arith.constant 0 : i32
    %dma_wait3A_297 = tpu.memref_slice %arg8[%dma_wait3A_295, %dma_wait3A_296] : memref<100x128xf32, #tpu.memory_space<vmem>> -> memref<48x128xf32, #tpu.memory_space<vmem>>
    tpu.wait_dma2 semaphore(%arg12 : memref<!tpu.dma_semaphore, #tpu.memory_space<semaphore_mem>>) src(%dma_wait3A_297 : memref<48x128xf32, #tpu.memory_space<vmem>>) dst(%dma_wait3A_294 : memref<48x128xf32, #tpu.memory_space<vmem_shared>>)
    %add3A_298 = arith.constant 528 : i32
    %add3A_299 = arith.addi %multiple_of3A, %add3A_298 : i32
    %dma_wait3A_300 = arith.constant 0 : i32
    %dma_wait3A_301 = arith.constant 0 : i32
    %dma_wait3A_302 = tpu.memref_slice %arg8[%dma_wait3A_300, %dma_wait3A_301] : memref<100x128xf32, #tpu.memory_space<vmem>> -> memref<48x128xf32, #tpu.memory_space<vmem>>
    %dma_wait3A_303 = arith.constant 0 : i32
    %dma_wait3A_304 = tpu.memref_slice %arg11[%add3A_299, %dma_wait3A_303] : memref<10000x128xf32, #tpu.memory_space<vmem_shared>> -> memref<48x128xf32, #tpu.memory_space<vmem_shared>>
    %dma_wait3A_305 = arith.constant 0 : i32
    %dma_wait3A_306 = tpu.memref_slice %arg11[%add3A_299, %dma_wait3A_305] : memref<10000x128xf32, #tpu.memory_space<vmem_shared>> -> memref<48x128xf32, #tpu.memory_space<vmem_shared>>
    %dma_wait3A_307 = arith.constant 0 : i32
    %dma_wait3A_308 = arith.constant 0 : i32
    %dma_wait3A_309 = tpu.memref_slice %arg8[%dma_wait3A_307, %dma_wait3A_308] : memref<100x128xf32, #tpu.memory_space<vmem>> -> memref<48x128xf32, #tpu.memory_space<vmem>>
    tpu.wait_dma2 semaphore(%arg12 : memref<!tpu.dma_semaphore, #tpu.memory_space<semaphore_mem>>) src(%dma_wait3A_309 : memref<48x128xf32, #tpu.memory_space<vmem>>) dst(%dma_wait3A_306 : memref<48x128xf32, #tpu.memory_space<vmem_shared>>)
    %add3A_310 = arith.constant 576 : i32
    %add3A_311 = arith.addi %multiple_of3A, %add3A_310 : i32
    %dma_wait3A_312 = arith.constant 0 : i32
    %dma_wait3A_313 = arith.constant 0 : i32
    %dma_wait3A_314 = tpu.memref_slice %arg8[%dma_wait3A_312, %dma_wait3A_313] : memref<100x128xf32, #tpu.memory_space<vmem>> -> memref<48x128xf32, #tpu.memory_space<vmem>>
    %dma_wait3A_315 = arith.constant 0 : i32
    %dma_wait3A_316 = tpu.memref_slice %arg11[%add3A_311, %dma_wait3A_315] : memref<10000x128xf32, #tpu.memory_space<vmem_shared>> -> memref<48x128xf32, #tpu.memory_space<vmem_shared>>
    %dma_wait3A_317 = arith.constant 0 : i32
    %dma_wait3A_318 = tpu.memref_slice %arg11[%add3A_311, %dma_wait3A_317] : memref<10000x128xf32, #tpu.memory_space<vmem_shared>> -> memref<48x128xf32, #tpu.memory_space<vmem_shared>>
    %dma_wait3A_319 = arith.constant 0 : i32
    %dma_wait3A_320 = arith.constant 0 : i32
    %dma_wait3A_321 = tpu.memref_slice %arg8[%dma_wait3A_319, %dma_wait3A_320] : memref<100x128xf32, #tpu.memory_space<vmem>> -> memref<48x128xf32, #tpu.memory_space<vmem>>
    tpu.wait_dma2 semaphore(%arg12 : memref<!tpu.dma_semaphore, #tpu.memory_space<semaphore_mem>>) src(%dma_wait3A_321 : memref<48x128xf32, #tpu.memory_space<vmem>>) dst(%dma_wait3A_318 : memref<48x128xf32, #tpu.memory_space<vmem_shared>>)
    %eq3A_322 = arith.constant 15 : i32
    %eq3A_323 = arith.cmpi eq, %arg1, %eq3A_322 : i32
    %convert_element_type3A_324 = arith.extui %eq3A_323 : i1 to i32
    %cond3A_325 = arith.constant 0 : i32
    %cond3A_326 = arith.cmpi ne, %convert_element_type3A_324, %cond3A_325 : i32
    scf.if %cond3A_326 {
      %dma_wait3A_723 = arith.constant 0 : i32
      %dma_wait3A_724 = arith.constant 0 : i32
      %dma_wait3A_725 = tpu.memref_slice %arg8[%dma_wait3A_723, %dma_wait3A_724] : memref<100x128xf32, #tpu.memory_space<vmem>> -> memref<16x128xf32, #tpu.memory_space<vmem>>
      %dma_wait3A_726 = arith.constant 9984 : i32
      %dma_wait3A_727 = arith.constant 0 : i32
      %dma_wait3A_728 = tpu.memref_slice %arg11[%dma_wait3A_726, %dma_wait3A_727] : memref<10000x128xf32, #tpu.memory_space<vmem_shared>> -> memref<16x128xf32, #tpu.memory_space<vmem_shared>>
      %dma_wait3A_729 = arith.constant 9984 : i32
      %dma_wait3A_730 = arith.constant 0 : i32
      %dma_wait3A_731 = tpu.memref_slice %arg11[%dma_wait3A_729, %dma_wait3A_730] : memref<10000x128xf32, #tpu.memory_space<vmem_shared>> -> memref<16x128xf32, #tpu.memory_space<vmem_shared>>
      %dma_wait3A_732 = arith.constant 0 : i32
      %dma_wait3A_733 = arith.constant 0 : i32
      %dma_wait3A_734 = tpu.memref_slice %arg8[%dma_wait3A_732, %dma_wait3A_733] : memref<100x128xf32, #tpu.memory_space<vmem>> -> memref<16x128xf32, #tpu.memory_space<vmem>>
      tpu.wait_dma2 semaphore(%arg13 : memref<!tpu.dma_semaphore, #tpu.memory_space<semaphore_mem>>) src(%dma_wait3A_734 : memref<16x128xf32, #tpu.memory_space<vmem>>) dst(%dma_wait3A_731 : memref<16x128xf32, #tpu.memory_space<vmem_shared>>)
    } else {
    }
    %barrier3A = arith.constant 0 : index
    tpu.barrier barrier_id(%barrier3A)
    %run_scoped3A = arith.constant 0 : i32
    "tpu.region"() ({
      %run_scoped3A_723 = tpu.sem_alloc : memref<!tpu.dma_semaphore, #tpu.memory_space<semaphore_mem>>
      %dma_start3A_724 = arith.constant 0 : i32
      %dma_start3A_725 = arith.constant 0 : i32
      %dma_start3A_726 = tpu.memref_slice %arg3[%add3A, %run_scoped3A, %dma_start3A_724, %dma_start3A_725] : memref<32x4x25x100xi32, #tpu.memory_space<hbm>> -> memref<1x1x25x100xi32, #tpu.memory_space<hbm>>
      %dma_start3A_727 = tpu.memref_squeeze %dma_start3A_726 : memref<1x1x25x100xi32, #tpu.memory_space<hbm>> -> memref<25x100xi32, #tpu.memory_space<hbm>>
      %dma_start3A_728 = arith.constant 0 : i32
      %dma_start3A_729 = arith.constant 0 : i32
      %dma_start3A_730 = tpu.memref_slice %arg3[%add3A, %run_scoped3A, %dma_start3A_728, %dma_start3A_729] : memref<32x4x25x100xi32, #tpu.memory_space<hbm>> -> memref<1x1x25x100xi32, #tpu.memory_space<hbm>>
      %dma_start3A_731 = tpu.memref_squeeze %dma_start3A_730 : memref<1x1x25x100xi32, #tpu.memory_space<hbm>> -> memref<25x100xi32, #tpu.memory_space<hbm>>
      tpu.enqueue_dma source(%dma_start3A_731 : memref<25x100xi32, #tpu.memory_space<hbm>>) target(%arg6 : memref<25x100xi32, #tpu.memory_space<vmem>>) target_semaphore(%run_scoped3A_723 : memref<!tpu.dma_semaphore, #tpu.memory_space<semaphore_mem>>)
      %dma_wait3A_732 = arith.constant 0 : i32
      %dma_wait3A_733 = arith.constant 0 : i32
      %dma_wait3A_734 = tpu.memref_slice %arg3[%add3A, %run_scoped3A, %dma_wait3A_732, %dma_wait3A_733] : memref<32x4x25x100xi32, #tpu.memory_space<hbm>> -> memref<1x1x25x100xi32, #tpu.memory_space<hbm>>
      %dma_wait3A_735 = tpu.memref_squeeze %dma_wait3A_734 : memref<1x1x25x100xi32, #tpu.memory_space<hbm>> -> memref<25x100xi32, #tpu.memory_space<hbm>>
      %dma_wait3A_736 = arith.constant 0 : i32
      %dma_wait3A_737 = arith.constant 0 : i32
      %dma_wait3A_738 = tpu.memref_slice %arg3[%add3A, %run_scoped3A, %dma_wait3A_736, %dma_wait3A_737] : memref<32x4x25x100xi32, #tpu.memory_space<hbm>> -> memref<1x1x25x100xi32, #tpu.memory_space<hbm>>
      %dma_wait3A_739 = tpu.memref_squeeze %dma_wait3A_738 : memref<1x1x25x100xi32, #tpu.memory_space<hbm>> -> memref<25x100xi32, #tpu.memory_space<hbm>>
      tpu.wait_dma2 semaphore(%run_scoped3A_723 : memref<!tpu.dma_semaphore, #tpu.memory_space<semaphore_mem>>) src(%dma_wait3A_739 : memref<25x100xi32, #tpu.memory_space<hbm>>) dst(%arg6 : memref<25x100xi32, #tpu.memory_space<vmem>>)
      tpu.yield
    }) : () -> ()
    %run_scoped3A_327 = arith.constant 0 : i32
    "tpu.region"() ({
      %run_scoped3A_723 = tpu.sem_alloc : memref<!tpu.dma_semaphore, #tpu.memory_space<semaphore_mem>>
      %dma_start3A_724 = arith.constant 0 : i32
      %dma_start3A_725 = arith.constant 0 : i32
      %dma_start3A_726 = tpu.memref_slice %arg4[%add3A, %run_scoped3A_327, %dma_start3A_724, %dma_start3A_725] : memref<32x4x25x100xi32, #tpu.memory_space<hbm>> -> memref<1x1x25x100xi32, #tpu.memory_space<hbm>>
      %dma_start3A_727 = tpu.memref_squeeze %dma_start3A_726 : memref<1x1x25x100xi32, #tpu.memory_space<hbm>> -> memref<25x100xi32, #tpu.memory_space<hbm>>
      %dma_start3A_728 = arith.constant 0 : i32
      %dma_start3A_729 = arith.constant 0 : i32
      %dma_start3A_730 = tpu.memref_slice %arg4[%add3A, %run_scoped3A_327, %dma_start3A_728, %dma_start3A_729] : memref<32x4x25x100xi32, #tpu.memory_space<hbm>> -> memref<1x1x25x100xi32, #tpu.memory_space<hbm>>
      %dma_start3A_731 = tpu.memref_squeeze %dma_start3A_730 : memref<1x1x25x100xi32, #tpu.memory_space<hbm>> -> memref<25x100xi32, #tpu.memory_space<hbm>>
      tpu.enqueue_dma source(%dma_start3A_731 : memref<25x100xi32, #tpu.memory_space<hbm>>) target(%arg7 : memref<25x100xi32, #tpu.memory_space<vmem>>) target_semaphore(%run_scoped3A_723 : memref<!tpu.dma_semaphore, #tpu.memory_space<semaphore_mem>>)
      %dma_wait3A_732 = arith.constant 0 : i32
      %dma_wait3A_733 = arith.constant 0 : i32
      %dma_wait3A_734 = tpu.memref_slice %arg4[%add3A, %run_scoped3A_327, %dma_wait3A_732, %dma_wait3A_733] : memref<32x4x25x100xi32, #tpu.memory_space<hbm>> -> memref<1x1x25x100xi32, #tpu.memory_space<hbm>>
      %dma_wait3A_735 = tpu.memref_squeeze %dma_wait3A_734 : memref<1x1x25x100xi32, #tpu.memory_space<hbm>> -> memref<25x100xi32, #tpu.memory_space<hbm>>
      %dma_wait3A_736 = arith.constant 0 : i32
      %dma_wait3A_737 = arith.constant 0 : i32
      %dma_wait3A_738 = tpu.memref_slice %arg4[%add3A, %run_scoped3A_327, %dma_wait3A_736, %dma_wait3A_737] : memref<32x4x25x100xi32, #tpu.memory_space<hbm>> -> memref<1x1x25x100xi32, #tpu.memory_space<hbm>>
      %dma_wait3A_739 = tpu.memref_squeeze %dma_wait3A_738 : memref<1x1x25x100xi32, #tpu.memory_space<hbm>> -> memref<25x100xi32, #tpu.memory_space<hbm>>
      tpu.wait_dma2 semaphore(%run_scoped3A_723 : memref<!tpu.dma_semaphore, #tpu.memory_space<semaphore_mem>>) src(%dma_wait3A_739 : memref<25x100xi32, #tpu.memory_space<hbm>>) dst(%arg7 : memref<25x100xi32, #tpu.memory_space<vmem>>)
      tpu.yield
    }) : () -> ()
    %dma_start3A_328 = arith.constant 0 : i32
    %dma_start3A_329 = arith.constant 0 : i32
    %dma_start3A_330 = tpu.memref_slice %arg6[%dma_start3A_328, %dma_start3A_329] : memref<25x100xi32, #tpu.memory_space<vmem>> -> memref<1x100xi32, #tpu.memory_space<vmem>>
    %dma_start3A_331 = tpu.memref_squeeze %dma_start3A_330 : memref<1x100xi32, #tpu.memory_space<vmem>> -> memref<100xi32, #tpu.memory_space<vmem>>
    %dma_start3A_332 = arith.constant 0 : i32
    %dma_start3A_333 = arith.constant 0 : i32
    %dma_start3A_334 = tpu.memref_slice %arg2[%dma_start3A_332, %dma_start3A_333] : memref<10000x128xf32, #tpu.memory_space<hbm>> -> memref<10000x128xf32, #tpu.memory_space<hbm>>
    tpu.enqueue_indirect_dma source(%dma_start3A_334 : memref<10000x128xf32, #tpu.memory_space<hbm>>) target(%arg8 : memref<100x128xf32, #tpu.memory_space<vmem>>) offsets(%dma_start3A_331 : memref<100xi32, #tpu.memory_space<vmem>>) semaphore(%arg12 : memref<!tpu.dma_semaphore, #tpu.memory_space<semaphore_mem>>)
    %dma_start3A_335 = arith.constant 1 : i32
    %dma_start3A_336 = arith.constant 0 : i32
    %dma_start3A_337 = tpu.memref_slice %arg6[%dma_start3A_335, %dma_start3A_336] : memref<25x100xi32, #tpu.memory_space<vmem>> -> memref<1x100xi32, #tpu.memory_space<vmem>>
    %dma_start3A_338 = tpu.memref_squeeze %dma_start3A_337 : memref<1x100xi32, #tpu.memory_space<vmem>> -> memref<100xi32, #tpu.memory_space<vmem>>
    %dma_start3A_339 = arith.constant 0 : i32
    %dma_start3A_340 = arith.constant 0 : i32
    %dma_start3A_341 = tpu.memref_slice %arg2[%dma_start3A_339, %dma_start3A_340] : memref<10000x128xf32, #tpu.memory_space<hbm>> -> memref<10000x128xf32, #tpu.memory_space<hbm>>
    tpu.enqueue_indirect_dma source(%dma_start3A_341 : memref<10000x128xf32, #tpu.memory_space<hbm>>) target(%arg9 : memref<100x128xf32, #tpu.memory_space<vmem>>) offsets(%dma_start3A_338 : memref<100xi32, #tpu.memory_space<vmem>>) semaphore(%arg13 : memref<!tpu.dma_semaphore, #tpu.memory_space<semaphore_mem>>)
    %dma_start3A_342 = arith.constant 2 : i32
    %dma_start3A_343 = arith.constant 0 : i32
    %dma_start3A_344 = tpu.memref_slice %arg6[%dma_start3A_342, %dma_start3A_343] : memref<25x100xi32, #tpu.memory_space<vmem>> -> memref<1x100xi32, #tpu.memory_space<vmem>>
    %dma_start3A_345 = tpu.memref_squeeze %dma_start3A_344 : memref<1x100xi32, #tpu.memory_space<vmem>> -> memref<100xi32, #tpu.memory_space<vmem>>
    %dma_start3A_346 = arith.constant 0 : i32
    %dma_start3A_347 = arith.constant 0 : i32
    %dma_start3A_348 = tpu.memref_slice %arg2[%dma_start3A_346, %dma_start3A_347] : memref<10000x128xf32, #tpu.memory_space<hbm>> -> memref<10000x128xf32, #tpu.memory_space<hbm>>
    tpu.enqueue_indirect_dma source(%dma_start3A_348 : memref<10000x128xf32, #tpu.memory_space<hbm>>) target(%arg10 : memref<100x128xf32, #tpu.memory_space<vmem>>) offsets(%dma_start3A_345 : memref<100xi32, #tpu.memory_space<vmem>>) semaphore(%arg14 : memref<!tpu.dma_semaphore, #tpu.memory_space<semaphore_mem>>)
    %scan3A_349 = arith.constant 0 : i32
    %scan3A_350 = arith.constant 0 : i32
    %scan3A_351 = arith.constant 8 : i32
    %scan3A_352 = arith.addi %scan3A_350, %scan3A_351 : i32
    %scan3A_353 = arith.constant 1 : i32
    %scan3A_354 = scf.for %scan3A_723 = %scan3A_350 to %scan3A_352 step %scan3A_353 iter_args(%scan3A_724 = %scan3A_349) -> (i32)  : i32 {
      %mul3A_725 = arith.constant 3 : i32
      %mul3A_726 = arith.muli %mul3A_725, %scan3A_723 : i32
      %add3A_727 = arith.constant 0 : i32
      %add3A_728 = arith.addi %mul3A_726, %add3A_727 : i32
      %dma_wait3A_729 = arith.constant 0 : i32
      %dma_wait3A_730 = tpu.memref_slice %arg6[%add3A_728, %dma_wait3A_729] : memref<25x100xi32, #tpu.memory_space<vmem>> -> memref<1x100xi32, #tpu.memory_space<vmem>>
      %dma_wait3A_731 = tpu.memref_squeeze %dma_wait3A_730 : memref<1x100xi32, #tpu.memory_space<vmem>> -> memref<100xi32, #tpu.memory_space<vmem>>
      %dma_wait3A_732 = arith.constant 0 : i32
      %dma_wait3A_733 = arith.constant 0 : i32
      %dma_wait3A_734 = tpu.memref_slice %arg2[%dma_wait3A_732, %dma_wait3A_733] : memref<10000x128xf32, #tpu.memory_space<hbm>> -> memref<10000x128xf32, #tpu.memory_space<hbm>>
      tpu.wait_indirect_dma semaphore(%arg12 : memref<!tpu.dma_semaphore, #tpu.memory_space<semaphore_mem>>) src(%dma_wait3A_734 : memref<10000x128xf32, #tpu.memory_space<hbm>>) dst(%arg8 : memref<100x128xf32, #tpu.memory_space<vmem>>)
      "tpu.region"() ({
        %run_scoped3A_776 = tpu.sem_alloc : memref<!tpu.dma_semaphore, #tpu.memory_space<semaphore_mem>>
        %dma_start3A_777 = arith.constant 0 : i32
        %dma_start3A_778 = tpu.memref_slice %arg7[%add3A_728, %dma_start3A_777] : memref<25x100xi32, #tpu.memory_space<vmem>> -> memref<1x100xi32, #tpu.memory_space<vmem>>
        %dma_start3A_779 = tpu.memref_squeeze %dma_start3A_778 : memref<1x100xi32, #tpu.memory_space<vmem>> -> memref<100xi32, #tpu.memory_space<vmem>>
        %dma_start3A_780 = arith.constant 0 : i32
        %dma_start3A_781 = arith.constant 0 : i32
        %dma_start3A_782 = tpu.memref_slice %arg11[%dma_start3A_780, %dma_start3A_781] : memref<10000x128xf32, #tpu.memory_space<vmem_shared>> -> memref<10000x128xf32, #tpu.memory_space<vmem_shared>>
        tpu.enqueue_indirect_dma source(%arg8 : memref<100x128xf32, #tpu.memory_space<vmem>>) target(%dma_start3A_782 : memref<10000x128xf32, #tpu.memory_space<vmem_shared>>) offsets(%dma_start3A_779 : memref<100xi32, #tpu.memory_space<vmem>>) semaphore(%run_scoped3A_776 : memref<!tpu.dma_semaphore, #tpu.memory_space<semaphore_mem>>) {add = true}
        %dma_wait3A_783 = arith.constant 0 : i32
        %dma_wait3A_784 = tpu.memref_slice %arg7[%add3A_728, %dma_wait3A_783] : memref<25x100xi32, #tpu.memory_space<vmem>> -> memref<1x100xi32, #tpu.memory_space<vmem>>
        %dma_wait3A_785 = tpu.memref_squeeze %dma_wait3A_784 : memref<1x100xi32, #tpu.memory_space<vmem>> -> memref<100xi32, #tpu.memory_space<vmem>>
        %dma_wait3A_786 = arith.constant 0 : i32
        %dma_wait3A_787 = arith.constant 0 : i32
        %dma_wait3A_788 = tpu.memref_slice %arg11[%dma_wait3A_786, %dma_wait3A_787] : memref<10000x128xf32, #tpu.memory_space<vmem_shared>> -> memref<10000x128xf32, #tpu.memory_space<vmem_shared>>
        tpu.wait_indirect_dma semaphore(%run_scoped3A_776 : memref<!tpu.dma_semaphore, #tpu.memory_space<semaphore_mem>>) src(%arg8 : memref<100x128xf32, #tpu.memory_space<vmem>>) dst(%dma_wait3A_788 : memref<10000x128xf32, #tpu.memory_space<vmem_shared>>)
        tpu.yield
      }) : () -> ()
      %add3A_735 = arith.constant 3 : i32
      %add3A_736 = arith.addi %add3A_728, %add3A_735 : i32
      %lt3A = arith.constant 25 : i32
      %lt3A_737 = arith.cmpi slt, %add3A_736, %lt3A : i32
      %convert_element_type3A_738 = arith.extui %lt3A_737 : i1 to i32
      %cond3A_739 = arith.constant 0 : i32
      %cond3A_740 = arith.cmpi ne, %convert_element_type3A_738, %cond3A_739 : i32
      scf.if %cond3A_740 {
        %add3A_776 = arith.constant 3 : i32
        %add3A_777 = arith.addi %add3A_728, %add3A_776 : i32
        %dma_start3A_778 = arith.constant 0 : i32
        %dma_start3A_779 = tpu.memref_slice %arg6[%add3A_777, %dma_start3A_778] : memref<25x100xi32, #tpu.memory_space<vmem>> -> memref<1x100xi32, #tpu.memory_space<vmem>>
        %dma_start3A_780 = tpu.memref_squeeze %dma_start3A_779 : memref<1x100xi32, #tpu.memory_space<vmem>> -> memref<100xi32, #tpu.memory_space<vmem>>
        %dma_start3A_781 = arith.constant 0 : i32
        %dma_start3A_782 = arith.constant 0 : i32
        %dma_start3A_783 = tpu.memref_slice %arg2[%dma_start3A_781, %dma_start3A_782] : memref<10000x128xf32, #tpu.memory_space<hbm>> -> memref<10000x128xf32, #tpu.memory_space<hbm>>
        tpu.enqueue_indirect_dma source(%dma_start3A_783 : memref<10000x128xf32, #tpu.memory_space<hbm>>) target(%arg8 : memref<100x128xf32, #tpu.memory_space<vmem>>) offsets(%dma_start3A_780 : memref<100xi32, #tpu.memory_space<vmem>>) semaphore(%arg12 : memref<!tpu.dma_semaphore, #tpu.memory_space<semaphore_mem>>)
      } else {
      }
      %mul3A_741 = arith.constant 3 : i32
      %mul3A_742 = arith.muli %mul3A_741, %scan3A_723 : i32
      %add3A_743 = arith.constant 1 : i32
      %add3A_744 = arith.addi %mul3A_742, %add3A_743 : i32
      %dma_wait3A_745 = arith.constant 0 : i32
      %dma_wait3A_746 = tpu.memref_slice %arg6[%add3A_744, %dma_wait3A_745] : memref<25x100xi32, #tpu.memory_space<vmem>> -> memref<1x100xi32, #tpu.memory_space<vmem>>
      %dma_wait3A_747 = tpu.memref_squeeze %dma_wait3A_746 : memref<1x100xi32, #tpu.memory_space<vmem>> -> memref<100xi32, #tpu.memory_space<vmem>>
      %dma_wait3A_748 = arith.constant 0 : i32
      %dma_wait3A_749 = arith.constant 0 : i32
      %dma_wait3A_750 = tpu.memref_slice %arg2[%dma_wait3A_748, %dma_wait3A_749] : memref<10000x128xf32, #tpu.memory_space<hbm>> -> memref<10000x128xf32, #tpu.memory_space<hbm>>
      tpu.wait_indirect_dma semaphore(%arg13 : memref<!tpu.dma_semaphore, #tpu.memory_space<semaphore_mem>>) src(%dma_wait3A_750 : memref<10000x128xf32, #tpu.memory_space<hbm>>) dst(%arg9 : memref<100x128xf32, #tpu.memory_space<vmem>>)
      "tpu.region"() ({
        %run_scoped3A_776 = tpu.sem_alloc : memref<!tpu.dma_semaphore, #tpu.memory_space<semaphore_mem>>
        %dma_start3A_777 = arith.constant 0 : i32
        %dma_start3A_778 = tpu.memref_slice %arg7[%add3A_744, %dma_start3A_777] : memref<25x100xi32, #tpu.memory_space<vmem>> -> memref<1x100xi32, #tpu.memory_space<vmem>>
        %dma_start3A_779 = tpu.memref_squeeze %dma_start3A_778 : memref<1x100xi32, #tpu.memory_space<vmem>> -> memref<100xi32, #tpu.memory_space<vmem>>
        %dma_start3A_780 = arith.constant 0 : i32
        %dma_start3A_781 = arith.constant 0 : i32
        %dma_start3A_782 = tpu.memref_slice %arg11[%dma_start3A_780, %dma_start3A_781] : memref<10000x128xf32, #tpu.memory_space<vmem_shared>> -> memref<10000x128xf32, #tpu.memory_space<vmem_shared>>
        tpu.enqueue_indirect_dma source(%arg9 : memref<100x128xf32, #tpu.memory_space<vmem>>) target(%dma_start3A_782 : memref<10000x128xf32, #tpu.memory_space<vmem_shared>>) offsets(%dma_start3A_779 : memref<100xi32, #tpu.memory_space<vmem>>) semaphore(%run_scoped3A_776 : memref<!tpu.dma_semaphore, #tpu.memory_space<semaphore_mem>>) {add = true}
        %dma_wait3A_783 = arith.constant 0 : i32
        %dma_wait3A_784 = tpu.memref_slice %arg7[%add3A_744, %dma_wait3A_783] : memref<25x100xi32, #tpu.memory_space<vmem>> -> memref<1x100xi32, #tpu.memory_space<vmem>>
        %dma_wait3A_785 = tpu.memref_squeeze %dma_wait3A_784 : memref<1x100xi32, #tpu.memory_space<vmem>> -> memref<100xi32, #tpu.memory_space<vmem>>
        %dma_wait3A_786 = arith.constant 0 : i32
        %dma_wait3A_787 = arith.constant 0 : i32
        %dma_wait3A_788 = tpu.memref_slice %arg11[%dma_wait3A_786, %dma_wait3A_787] : memref<10000x128xf32, #tpu.memory_space<vmem_shared>> -> memref<10000x128xf32, #tpu.memory_space<vmem_shared>>
        tpu.wait_indirect_dma semaphore(%run_scoped3A_776 : memref<!tpu.dma_semaphore, #tpu.memory_space<semaphore_mem>>) src(%arg9 : memref<100x128xf32, #tpu.memory_space<vmem>>) dst(%dma_wait3A_788 : memref<10000x128xf32, #tpu.memory_space<vmem_shared>>)
        tpu.yield
      }) : () -> ()
      %add3A_751 = arith.constant 3 : i32
      %add3A_752 = arith.addi %add3A_744, %add3A_751 : i32
      %lt3A_753 = arith.constant 25 : i32
      %lt3A_754 = arith.cmpi slt, %add3A_752, %lt3A_753 : i32
      %convert_element_type3A_755 = arith.extui %lt3A_754 : i1 to i32
      %cond3A_756 = arith.constant 0 : i32
      %cond3A_757 = arith.cmpi ne, %convert_element_type3A_755, %cond3A_756 : i32
      scf.if %cond3A_757 {
        %add3A_776 = arith.constant 3 : i32
        %add3A_777 = arith.addi %add3A_744, %add3A_776 : i32
        %dma_start3A_778 = arith.constant 0 : i32
        %dma_start3A_779 = tpu.memref_slice %arg6[%add3A_777, %dma_start3A_778] : memref<25x100xi32, #tpu.memory_space<vmem>> -> memref<1x100xi32, #tpu.memory_space<vmem>>
        %dma_start3A_780 = tpu.memref_squeeze %dma_start3A_779 : memref<1x100xi32, #tpu.memory_space<vmem>> -> memref<100xi32, #tpu.memory_space<vmem>>
        %dma_start3A_781 = arith.constant 0 : i32
        %dma_start3A_782 = arith.constant 0 : i32
        %dma_start3A_783 = tpu.memref_slice %arg2[%dma_start3A_781, %dma_start3A_782] : memref<10000x128xf32, #tpu.memory_space<hbm>> -> memref<10000x128xf32, #tpu.memory_space<hbm>>
        tpu.enqueue_indirect_dma source(%dma_start3A_783 : memref<10000x128xf32, #tpu.memory_space<hbm>>) target(%arg9 : memref<100x128xf32, #tpu.memory_space<vmem>>) offsets(%dma_start3A_780 : memref<100xi32, #tpu.memory_space<vmem>>) semaphore(%arg13 : memref<!tpu.dma_semaphore, #tpu.memory_space<semaphore_mem>>)
      } else {
      }
      %mul3A_758 = arith.constant 3 : i32
      %mul3A_759 = arith.muli %mul3A_758, %scan3A_723 : i32
      %add3A_760 = arith.constant 2 : i32
      %add3A_761 = arith.addi %mul3A_759, %add3A_760 : i32
      %dma_wait3A_762 = arith.constant 0 : i32
      %dma_wait3A_763 = tpu.memref_slice %arg6[%add3A_761, %dma_wait3A_762] : memref<25x100xi32, #tpu.memory_space<vmem>> -> memref<1x100xi32, #tpu.memory_space<vmem>>
      %dma_wait3A_764 = tpu.memref_squeeze %dma_wait3A_763 : memref<1x100xi32, #tpu.memory_space<vmem>> -> memref<100xi32, #tpu.memory_space<vmem>>
      %dma_wait3A_765 = arith.constant 0 : i32
      %dma_wait3A_766 = arith.constant 0 : i32
      %dma_wait3A_767 = tpu.memref_slice %arg2[%dma_wait3A_765, %dma_wait3A_766] : memref<10000x128xf32, #tpu.memory_space<hbm>> -> memref<10000x128xf32, #tpu.memory_space<hbm>>
      tpu.wait_indirect_dma semaphore(%arg14 : memref<!tpu.dma_semaphore, #tpu.memory_space<semaphore_mem>>) src(%dma_wait3A_767 : memref<10000x128xf32, #tpu.memory_space<hbm>>) dst(%arg10 : memref<100x128xf32, #tpu.memory_space<vmem>>)
      "tpu.region"() ({
        %run_scoped3A_776 = tpu.sem_alloc : memref<!tpu.dma_semaphore, #tpu.memory_space<semaphore_mem>>
        %dma_start3A_777 = arith.constant 0 : i32
        %dma_start3A_778 = tpu.memref_slice %arg7[%add3A_761, %dma_start3A_777] : memref<25x100xi32, #tpu.memory_space<vmem>> -> memref<1x100xi32, #tpu.memory_space<vmem>>
        %dma_start3A_779 = tpu.memref_squeeze %dma_start3A_778 : memref<1x100xi32, #tpu.memory_space<vmem>> -> memref<100xi32, #tpu.memory_space<vmem>>
        %dma_start3A_780 = arith.constant 0 : i32
        %dma_start3A_781 = arith.constant 0 : i32
        %dma_start3A_782 = tpu.memref_slice %arg11[%dma_start3A_780, %dma_start3A_781] : memref<10000x128xf32, #tpu.memory_space<vmem_shared>> -> memref<10000x128xf32, #tpu.memory_space<vmem_shared>>
        tpu.enqueue_indirect_dma source(%arg10 : memref<100x128xf32, #tpu.memory_space<vmem>>) target(%dma_start3A_782 : memref<10000x128xf32, #tpu.memory_space<vmem_shared>>) offsets(%dma_start3A_779 : memref<100xi32, #tpu.memory_space<vmem>>) semaphore(%run_scoped3A_776 : memref<!tpu.dma_semaphore, #tpu.memory_space<semaphore_mem>>) {add = true}
        %dma_wait3A_783 = arith.constant 0 : i32
        %dma_wait3A_784 = tpu.memref_slice %arg7[%add3A_761, %dma_wait3A_783] : memref<25x100xi32, #tpu.memory_space<vmem>> -> memref<1x100xi32, #tpu.memory_space<vmem>>
        %dma_wait3A_785 = tpu.memref_squeeze %dma_wait3A_784 : memref<1x100xi32, #tpu.memory_space<vmem>> -> memref<100xi32, #tpu.memory_space<vmem>>
        %dma_wait3A_786 = arith.constant 0 : i32
        %dma_wait3A_787 = arith.constant 0 : i32
        %dma_wait3A_788 = tpu.memref_slice %arg11[%dma_wait3A_786, %dma_wait3A_787] : memref<10000x128xf32, #tpu.memory_space<vmem_shared>> -> memref<10000x128xf32, #tpu.memory_space<vmem_shared>>
        tpu.wait_indirect_dma semaphore(%run_scoped3A_776 : memref<!tpu.dma_semaphore, #tpu.memory_space<semaphore_mem>>) src(%arg10 : memref<100x128xf32, #tpu.memory_space<vmem>>) dst(%dma_wait3A_788 : memref<10000x128xf32, #tpu.memory_space<vmem_shared>>)
        tpu.yield
      }) : () -> ()
      %add3A_768 = arith.constant 3 : i32
      %add3A_769 = arith.addi %add3A_761, %add3A_768 : i32
      %lt3A_770 = arith.constant 25 : i32
      %lt3A_771 = arith.cmpi slt, %add3A_769, %lt3A_770 : i32
      %convert_element_type3A_772 = arith.extui %lt3A_771 : i1 to i32
      %cond3A_773 = arith.constant 0 : i32
      %cond3A_774 = arith.cmpi ne, %convert_element_type3A_772, %cond3A_773 : i32
      scf.if %cond3A_774 {
        %add3A_776 = arith.constant 3 : i32
        %add3A_777 = arith.addi %add3A_761, %add3A_776 : i32
        %dma_start3A_778 = arith.constant 0 : i32
        %dma_start3A_779 = tpu.memref_slice %arg6[%add3A_777, %dma_start3A_778] : memref<25x100xi32, #tpu.memory_space<vmem>> -> memref<1x100xi32, #tpu.memory_space<vmem>>
        %dma_start3A_780 = tpu.memref_squeeze %dma_start3A_779 : memref<1x100xi32, #tpu.memory_space<vmem>> -> memref<100xi32, #tpu.memory_space<vmem>>
        %dma_start3A_781 = arith.constant 0 : i32
        %dma_start3A_782 = arith.constant 0 : i32
        %dma_start3A_783 = tpu.memref_slice %arg2[%dma_start3A_781, %dma_start3A_782] : memref<10000x128xf32, #tpu.memory_space<hbm>> -> memref<10000x128xf32, #tpu.memory_space<hbm>>
        tpu.enqueue_indirect_dma source(%dma_start3A_783 : memref<10000x128xf32, #tpu.memory_space<hbm>>) target(%arg10 : memref<100x128xf32, #tpu.memory_space<vmem>>) offsets(%dma_start3A_780 : memref<100xi32, #tpu.memory_space<vmem>>) semaphore(%arg14 : memref<!tpu.dma_semaphore, #tpu.memory_space<semaphore_mem>>)
      } else {
      }
      %scan3A_775 = arith.constant 0 : i32
      scf.yield %scan3A_775 : i32
    }
    %scan3A_355 = arith.constant 8 : i32
    %dma_wait3A_356 = arith.constant 24 : i32
    %dma_wait3A_357 = arith.constant 0 : i32
    %dma_wait3A_358 = tpu.memref_slice %arg6[%dma_wait3A_356, %dma_wait3A_357] : memref<25x100xi32, #tpu.memory_space<vmem>> -> memref<1x100xi32, #tpu.memory_space<vmem>>
    %dma_wait3A_359 = tpu.memref_squeeze %dma_wait3A_358 : memref<1x100xi32, #tpu.memory_space<vmem>> -> memref<100xi32, #tpu.memory_space<vmem>>
    %dma_wait3A_360 = arith.constant 0 : i32
    %dma_wait3A_361 = arith.constant 0 : i32
    %dma_wait3A_362 = tpu.memref_slice %arg2[%dma_wait3A_360, %dma_wait3A_361] : memref<10000x128xf32, #tpu.memory_space<hbm>> -> memref<10000x128xf32, #tpu.memory_space<hbm>>
    tpu.wait_indirect_dma semaphore(%arg12 : memref<!tpu.dma_semaphore, #tpu.memory_space<semaphore_mem>>) src(%dma_wait3A_362 : memref<10000x128xf32, #tpu.memory_space<hbm>>) dst(%arg8 : memref<100x128xf32, #tpu.memory_space<vmem>>)
    %run_scoped3A_363 = arith.constant 24 : i32
    "tpu.region"() ({
      %run_scoped3A_723 = tpu.sem_alloc : memref<!tpu.dma_semaphore, #tpu.memory_space<semaphore_mem>>
      %dma_start3A_724 = arith.constant 0 : i32
      %dma_start3A_725 = tpu.memref_slice %arg7[%run_scoped3A_363, %dma_start3A_724] : memref<25x100xi32, #tpu.memory_space<vmem>> -> memref<1x100xi32, #tpu.memory_space<vmem>>
      %dma_start3A_726 = tpu.memref_squeeze %dma_start3A_725 : memref<1x100xi32, #tpu.memory_space<vmem>> -> memref<100xi32, #tpu.memory_space<vmem>>
      %dma_start3A_727 = arith.constant 0 : i32
      %dma_start3A_728 = arith.constant 0 : i32
      %dma_start3A_729 = tpu.memref_slice %arg11[%dma_start3A_727, %dma_start3A_728] : memref<10000x128xf32, #tpu.memory_space<vmem_shared>> -> memref<10000x128xf32, #tpu.memory_space<vmem_shared>>
      tpu.enqueue_indirect_dma source(%arg8 : memref<100x128xf32, #tpu.memory_space<vmem>>) target(%dma_start3A_729 : memref<10000x128xf32, #tpu.memory_space<vmem_shared>>) offsets(%dma_start3A_726 : memref<100xi32, #tpu.memory_space<vmem>>) semaphore(%run_scoped3A_723 : memref<!tpu.dma_semaphore, #tpu.memory_space<semaphore_mem>>) {add = true}
      %dma_wait3A_730 = arith.constant 0 : i32
      %dma_wait3A_731 = tpu.memref_slice %arg7[%run_scoped3A_363, %dma_wait3A_730] : memref<25x100xi32, #tpu.memory_space<vmem>> -> memref<1x100xi32, #tpu.memory_space<vmem>>
      %dma_wait3A_732 = tpu.memref_squeeze %dma_wait3A_731 : memref<1x100xi32, #tpu.memory_space<vmem>> -> memref<100xi32, #tpu.memory_space<vmem>>
      %dma_wait3A_733 = arith.constant 0 : i32
      %dma_wait3A_734 = arith.constant 0 : i32
      %dma_wait3A_735 = tpu.memref_slice %arg11[%dma_wait3A_733, %dma_wait3A_734] : memref<10000x128xf32, #tpu.memory_space<vmem_shared>> -> memref<10000x128xf32, #tpu.memory_space<vmem_shared>>
      tpu.wait_indirect_dma semaphore(%run_scoped3A_723 : memref<!tpu.dma_semaphore, #tpu.memory_space<semaphore_mem>>) src(%arg8 : memref<100x128xf32, #tpu.memory_space<vmem>>) dst(%dma_wait3A_735 : memref<10000x128xf32, #tpu.memory_space<vmem_shared>>)
      tpu.yield
    }) : () -> ()
    %run_scoped3A_364 = arith.constant 1 : i32
    "tpu.region"() ({
      %run_scoped3A_723 = tpu.sem_alloc : memref<!tpu.dma_semaphore, #tpu.memory_space<semaphore_mem>>
      %dma_start3A_724 = arith.constant 0 : i32
      %dma_start3A_725 = arith.constant 0 : i32
      %dma_start3A_726 = tpu.memref_slice %arg3[%add3A, %run_scoped3A_364, %dma_start3A_724, %dma_start3A_725] : memref<32x4x25x100xi32, #tpu.memory_space<hbm>> -> memref<1x1x25x100xi32, #tpu.memory_space<hbm>>
      %dma_start3A_727 = tpu.memref_squeeze %dma_start3A_726 : memref<1x1x25x100xi32, #tpu.memory_space<hbm>> -> memref<25x100xi32, #tpu.memory_space<hbm>>
      %dma_start3A_728 = arith.constant 0 : i32
      %dma_start3A_729 = arith.constant 0 : i32
      %dma_start3A_730 = tpu.memref_slice %arg3[%add3A, %run_scoped3A_364, %dma_start3A_728, %dma_start3A_729] : memref<32x4x25x100xi32, #tpu.memory_space<hbm>> -> memref<1x1x25x100xi32, #tpu.memory_space<hbm>>
      %dma_start3A_731 = tpu.memref_squeeze %dma_start3A_730 : memref<1x1x25x100xi32, #tpu.memory_space<hbm>> -> memref<25x100xi32, #tpu.memory_space<hbm>>
      tpu.enqueue_dma source(%dma_start3A_731 : memref<25x100xi32, #tpu.memory_space<hbm>>) target(%arg6 : memref<25x100xi32, #tpu.memory_space<vmem>>) target_semaphore(%run_scoped3A_723 : memref<!tpu.dma_semaphore, #tpu.memory_space<semaphore_mem>>)
      %dma_wait3A_732 = arith.constant 0 : i32
      %dma_wait3A_733 = arith.constant 0 : i32
      %dma_wait3A_734 = tpu.memref_slice %arg3[%add3A, %run_scoped3A_364, %dma_wait3A_732, %dma_wait3A_733] : memref<32x4x25x100xi32, #tpu.memory_space<hbm>> -> memref<1x1x25x100xi32, #tpu.memory_space<hbm>>
      %dma_wait3A_735 = tpu.memref_squeeze %dma_wait3A_734 : memref<1x1x25x100xi32, #tpu.memory_space<hbm>> -> memref<25x100xi32, #tpu.memory_space<hbm>>
      %dma_wait3A_736 = arith.constant 0 : i32
      %dma_wait3A_737 = arith.constant 0 : i32
      %dma_wait3A_738 = tpu.memref_slice %arg3[%add3A, %run_scoped3A_364, %dma_wait3A_736, %dma_wait3A_737] : memref<32x4x25x100xi32, #tpu.memory_space<hbm>> -> memref<1x1x25x100xi32, #tpu.memory_space<hbm>>
      %dma_wait3A_739 = tpu.memref_squeeze %dma_wait3A_738 : memref<1x1x25x100xi32, #tpu.memory_space<hbm>> -> memref<25x100xi32, #tpu.memory_space<hbm>>
      tpu.wait_dma2 semaphore(%run_scoped3A_723 : memref<!tpu.dma_semaphore, #tpu.memory_space<semaphore_mem>>) src(%dma_wait3A_739 : memref<25x100xi32, #tpu.memory_space<hbm>>) dst(%arg6 : memref<25x100xi32, #tpu.memory_space<vmem>>)
      tpu.yield
    }) : () -> ()
    %run_scoped3A_365 = arith.constant 1 : i32
    "tpu.region"() ({
      %run_scoped3A_723 = tpu.sem_alloc : memref<!tpu.dma_semaphore, #tpu.memory_space<semaphore_mem>>
      %dma_start3A_724 = arith.constant 0 : i32
      %dma_start3A_725 = arith.constant 0 : i32
      %dma_start3A_726 = tpu.memref_slice %arg4[%add3A, %run_scoped3A_365, %dma_start3A_724, %dma_start3A_725] : memref<32x4x25x100xi32, #tpu.memory_space<hbm>> -> memref<1x1x25x100xi32, #tpu.memory_space<hbm>>
      %dma_start3A_727 = tpu.memref_squeeze %dma_start3A_726 : memref<1x1x25x100xi32, #tpu.memory_space<hbm>> -> memref<25x100xi32, #tpu.memory_space<hbm>>
      %dma_start3A_728 = arith.constant 0 : i32
      %dma_start3A_729 = arith.constant 0 : i32
      %dma_start3A_730 = tpu.memref_slice %arg4[%add3A, %run_scoped3A_365, %dma_start3A_728, %dma_start3A_729] : memref<32x4x25x100xi32, #tpu.memory_space<hbm>> -> memref<1x1x25x100xi32, #tpu.memory_space<hbm>>
      %dma_start3A_731 = tpu.memref_squeeze %dma_start3A_730 : memref<1x1x25x100xi32, #tpu.memory_space<hbm>> -> memref<25x100xi32, #tpu.memory_space<hbm>>
      tpu.enqueue_dma source(%dma_start3A_731 : memref<25x100xi32, #tpu.memory_space<hbm>>) target(%arg7 : memref<25x100xi32, #tpu.memory_space<vmem>>) target_semaphore(%run_scoped3A_723 : memref<!tpu.dma_semaphore, #tpu.memory_space<semaphore_mem>>)
      %dma_wait3A_732 = arith.constant 0 : i32
      %dma_wait3A_733 = arith.constant 0 : i32
      %dma_wait3A_734 = tpu.memref_slice %arg4[%add3A, %run_scoped3A_365, %dma_wait3A_732, %dma_wait3A_733] : memref<32x4x25x100xi32, #tpu.memory_space<hbm>> -> memref<1x1x25x100xi32, #tpu.memory_space<hbm>>
      %dma_wait3A_735 = tpu.memref_squeeze %dma_wait3A_734 : memref<1x1x25x100xi32, #tpu.memory_space<hbm>> -> memref<25x100xi32, #tpu.memory_space<hbm>>
      %dma_wait3A_736 = arith.constant 0 : i32
      %dma_wait3A_737 = arith.constant 0 : i32
      %dma_wait3A_738 = tpu.memref_slice %arg4[%add3A, %run_scoped3A_365, %dma_wait3A_736, %dma_wait3A_737] : memref<32x4x25x100xi32, #tpu.memory_space<hbm>> -> memref<1x1x25x100xi32, #tpu.memory_space<hbm>>
      %dma_wait3A_739 = tpu.memref_squeeze %dma_wait3A_738 : memref<1x1x25x100xi32, #tpu.memory_space<hbm>> -> memref<25x100xi32, #tpu.memory_space<hbm>>
      tpu.wait_dma2 semaphore(%run_scoped3A_723 : memref<!tpu.dma_semaphore, #tpu.memory_space<semaphore_mem>>) src(%dma_wait3A_739 : memref<25x100xi32, #tpu.memory_space<hbm>>) dst(%arg7 : memref<25x100xi32, #tpu.memory_space<vmem>>)
      tpu.yield
    }) : () -> ()
    %dma_start3A_366 = arith.constant 0 : i32
    %dma_start3A_367 = arith.constant 0 : i32
    %dma_start3A_368 = tpu.memref_slice %arg6[%dma_start3A_366, %dma_start3A_367] : memref<25x100xi32, #tpu.memory_space<vmem>> -> memref<1x100xi32, #tpu.memory_space<vmem>>
    %dma_start3A_369 = tpu.memref_squeeze %dma_start3A_368 : memref<1x100xi32, #tpu.memory_space<vmem>> -> memref<100xi32, #tpu.memory_space<vmem>>
    %dma_start3A_370 = arith.constant 0 : i32
    %dma_start3A_371 = arith.constant 0 : i32
    %dma_start3A_372 = tpu.memref_slice %arg2[%dma_start3A_370, %dma_start3A_371] : memref<10000x128xf32, #tpu.memory_space<hbm>> -> memref<10000x128xf32, #tpu.memory_space<hbm>>
    tpu.enqueue_indirect_dma source(%dma_start3A_372 : memref<10000x128xf32, #tpu.memory_space<hbm>>) target(%arg8 : memref<100x128xf32, #tpu.memory_space<vmem>>) offsets(%dma_start3A_369 : memref<100xi32, #tpu.memory_space<vmem>>) semaphore(%arg12 : memref<!tpu.dma_semaphore, #tpu.memory_space<semaphore_mem>>)
    %dma_start3A_373 = arith.constant 1 : i32
    %dma_start3A_374 = arith.constant 0 : i32
    %dma_start3A_375 = tpu.memref_slice %arg6[%dma_start3A_373, %dma_start3A_374] : memref<25x100xi32, #tpu.memory_space<vmem>> -> memref<1x100xi32, #tpu.memory_space<vmem>>
    %dma_start3A_376 = tpu.memref_squeeze %dma_start3A_375 : memref<1x100xi32, #tpu.memory_space<vmem>> -> memref<100xi32, #tpu.memory_space<vmem>>
    %dma_start3A_377 = arith.constant 0 : i32
    %dma_start3A_378 = arith.constant 0 : i32
    %dma_start3A_379 = tpu.memref_slice %arg2[%dma_start3A_377, %dma_start3A_378] : memref<10000x128xf32, #tpu.memory_space<hbm>> -> memref<10000x128xf32, #tpu.memory_space<hbm>>
    tpu.enqueue_indirect_dma source(%dma_start3A_379 : memref<10000x128xf32, #tpu.memory_space<hbm>>) target(%arg9 : memref<100x128xf32, #tpu.memory_space<vmem>>) offsets(%dma_start3A_376 : memref<100xi32, #tpu.memory_space<vmem>>) semaphore(%arg13 : memref<!tpu.dma_semaphore, #tpu.memory_space<semaphore_mem>>)
    %dma_start3A_380 = arith.constant 2 : i32
    %dma_start3A_381 = arith.constant 0 : i32
    %dma_start3A_382 = tpu.memref_slice %arg6[%dma_start3A_380, %dma_start3A_381] : memref<25x100xi32, #tpu.memory_space<vmem>> -> memref<1x100xi32, #tpu.memory_space<vmem>>
    %dma_start3A_383 = tpu.memref_squeeze %dma_start3A_382 : memref<1x100xi32, #tpu.memory_space<vmem>> -> memref<100xi32, #tpu.memory_space<vmem>>
    %dma_start3A_384 = arith.constant 0 : i32
    %dma_start3A_385 = arith.constant 0 : i32
    %dma_start3A_386 = tpu.memref_slice %arg2[%dma_start3A_384, %dma_start3A_385] : memref<10000x128xf32, #tpu.memory_space<hbm>> -> memref<10000x128xf32, #tpu.memory_space<hbm>>
    tpu.enqueue_indirect_dma source(%dma_start3A_386 : memref<10000x128xf32, #tpu.memory_space<hbm>>) target(%arg10 : memref<100x128xf32, #tpu.memory_space<vmem>>) offsets(%dma_start3A_383 : memref<100xi32, #tpu.memory_space<vmem>>) semaphore(%arg14 : memref<!tpu.dma_semaphore, #tpu.memory_space<semaphore_mem>>)
    %scan3A_387 = arith.constant 0 : i32
    %scan3A_388 = arith.constant 0 : i32
    %scan3A_389 = arith.constant 8 : i32
    %scan3A_390 = arith.addi %scan3A_388, %scan3A_389 : i32
    %scan3A_391 = arith.constant 1 : i32
    %scan3A_392 = scf.for %scan3A_723 = %scan3A_388 to %scan3A_390 step %scan3A_391 iter_args(%scan3A_724 = %scan3A_387) -> (i32)  : i32 {
      %mul3A_725 = arith.constant 3 : i32
      %mul3A_726 = arith.muli %mul3A_725, %scan3A_723 : i32
      %add3A_727 = arith.constant 0 : i32
      %add3A_728 = arith.addi %mul3A_726, %add3A_727 : i32
      %dma_wait3A_729 = arith.constant 0 : i32
      %dma_wait3A_730 = tpu.memref_slice %arg6[%add3A_728, %dma_wait3A_729] : memref<25x100xi32, #tpu.memory_space<vmem>> -> memref<1x100xi32, #tpu.memory_space<vmem>>
      %dma_wait3A_731 = tpu.memref_squeeze %dma_wait3A_730 : memref<1x100xi32, #tpu.memory_space<vmem>> -> memref<100xi32, #tpu.memory_space<vmem>>
      %dma_wait3A_732 = arith.constant 0 : i32
      %dma_wait3A_733 = arith.constant 0 : i32
      %dma_wait3A_734 = tpu.memref_slice %arg2[%dma_wait3A_732, %dma_wait3A_733] : memref<10000x128xf32, #tpu.memory_space<hbm>> -> memref<10000x128xf32, #tpu.memory_space<hbm>>
      tpu.wait_indirect_dma semaphore(%arg12 : memref<!tpu.dma_semaphore, #tpu.memory_space<semaphore_mem>>) src(%dma_wait3A_734 : memref<10000x128xf32, #tpu.memory_space<hbm>>) dst(%arg8 : memref<100x128xf32, #tpu.memory_space<vmem>>)
      "tpu.region"() ({
        %run_scoped3A_776 = tpu.sem_alloc : memref<!tpu.dma_semaphore, #tpu.memory_space<semaphore_mem>>
        %dma_start3A_777 = arith.constant 0 : i32
        %dma_start3A_778 = tpu.memref_slice %arg7[%add3A_728, %dma_start3A_777] : memref<25x100xi32, #tpu.memory_space<vmem>> -> memref<1x100xi32, #tpu.memory_space<vmem>>
        %dma_start3A_779 = tpu.memref_squeeze %dma_start3A_778 : memref<1x100xi32, #tpu.memory_space<vmem>> -> memref<100xi32, #tpu.memory_space<vmem>>
        %dma_start3A_780 = arith.constant 0 : i32
        %dma_start3A_781 = arith.constant 0 : i32
        %dma_start3A_782 = tpu.memref_slice %arg11[%dma_start3A_780, %dma_start3A_781] : memref<10000x128xf32, #tpu.memory_space<vmem_shared>> -> memref<10000x128xf32, #tpu.memory_space<vmem_shared>>
        tpu.enqueue_indirect_dma source(%arg8 : memref<100x128xf32, #tpu.memory_space<vmem>>) target(%dma_start3A_782 : memref<10000x128xf32, #tpu.memory_space<vmem_shared>>) offsets(%dma_start3A_779 : memref<100xi32, #tpu.memory_space<vmem>>) semaphore(%run_scoped3A_776 : memref<!tpu.dma_semaphore, #tpu.memory_space<semaphore_mem>>) {add = true}
        %dma_wait3A_783 = arith.constant 0 : i32
        %dma_wait3A_784 = tpu.memref_slice %arg7[%add3A_728, %dma_wait3A_783] : memref<25x100xi32, #tpu.memory_space<vmem>> -> memref<1x100xi32, #tpu.memory_space<vmem>>
        %dma_wait3A_785 = tpu.memref_squeeze %dma_wait3A_784 : memref<1x100xi32, #tpu.memory_space<vmem>> -> memref<100xi32, #tpu.memory_space<vmem>>
        %dma_wait3A_786 = arith.constant 0 : i32
        %dma_wait3A_787 = arith.constant 0 : i32
        %dma_wait3A_788 = tpu.memref_slice %arg11[%dma_wait3A_786, %dma_wait3A_787] : memref<10000x128xf32, #tpu.memory_space<vmem_shared>> -> memref<10000x128xf32, #tpu.memory_space<vmem_shared>>
        tpu.wait_indirect_dma semaphore(%run_scoped3A_776 : memref<!tpu.dma_semaphore, #tpu.memory_space<semaphore_mem>>) src(%arg8 : memref<100x128xf32, #tpu.memory_space<vmem>>) dst(%dma_wait3A_788 : memref<10000x128xf32, #tpu.memory_space<vmem_shared>>)
        tpu.yield
      }) : () -> ()
      %add3A_735 = arith.constant 3 : i32
      %add3A_736 = arith.addi %add3A_728, %add3A_735 : i32
      %lt3A = arith.constant 25 : i32
      %lt3A_737 = arith.cmpi slt, %add3A_736, %lt3A : i32
      %convert_element_type3A_738 = arith.extui %lt3A_737 : i1 to i32
      %cond3A_739 = arith.constant 0 : i32
      %cond3A_740 = arith.cmpi ne, %convert_element_type3A_738, %cond3A_739 : i32
      scf.if %cond3A_740 {
        %add3A_776 = arith.constant 3 : i32
        %add3A_777 = arith.addi %add3A_728, %add3A_776 : i32
        %dma_start3A_778 = arith.constant 0 : i32
        %dma_start3A_779 = tpu.memref_slice %arg6[%add3A_777, %dma_start3A_778] : memref<25x100xi32, #tpu.memory_space<vmem>> -> memref<1x100xi32, #tpu.memory_space<vmem>>
        %dma_start3A_780 = tpu.memref_squeeze %dma_start3A_779 : memref<1x100xi32, #tpu.memory_space<vmem>> -> memref<100xi32, #tpu.memory_space<vmem>>
        %dma_start3A_781 = arith.constant 0 : i32
        %dma_start3A_782 = arith.constant 0 : i32
        %dma_start3A_783 = tpu.memref_slice %arg2[%dma_start3A_781, %dma_start3A_782] : memref<10000x128xf32, #tpu.memory_space<hbm>> -> memref<10000x128xf32, #tpu.memory_space<hbm>>
        tpu.enqueue_indirect_dma source(%dma_start3A_783 : memref<10000x128xf32, #tpu.memory_space<hbm>>) target(%arg8 : memref<100x128xf32, #tpu.memory_space<vmem>>) offsets(%dma_start3A_780 : memref<100xi32, #tpu.memory_space<vmem>>) semaphore(%arg12 : memref<!tpu.dma_semaphore, #tpu.memory_space<semaphore_mem>>)
      } else {
      }
      %mul3A_741 = arith.constant 3 : i32
      %mul3A_742 = arith.muli %mul3A_741, %scan3A_723 : i32
      %add3A_743 = arith.constant 1 : i32
      %add3A_744 = arith.addi %mul3A_742, %add3A_743 : i32
      %dma_wait3A_745 = arith.constant 0 : i32
      %dma_wait3A_746 = tpu.memref_slice %arg6[%add3A_744, %dma_wait3A_745] : memref<25x100xi32, #tpu.memory_space<vmem>> -> memref<1x100xi32, #tpu.memory_space<vmem>>
      %dma_wait3A_747 = tpu.memref_squeeze %dma_wait3A_746 : memref<1x100xi32, #tpu.memory_space<vmem>> -> memref<100xi32, #tpu.memory_space<vmem>>
      %dma_wait3A_748 = arith.constant 0 : i32
      %dma_wait3A_749 = arith.constant 0 : i32
      %dma_wait3A_750 = tpu.memref_slice %arg2[%dma_wait3A_748, %dma_wait3A_749] : memref<10000x128xf32, #tpu.memory_space<hbm>> -> memref<10000x128xf32, #tpu.memory_space<hbm>>
      tpu.wait_indirect_dma semaphore(%arg13 : memref<!tpu.dma_semaphore, #tpu.memory_space<semaphore_mem>>) src(%dma_wait3A_750 : memref<10000x128xf32, #tpu.memory_space<hbm>>) dst(%arg9 : memref<100x128xf32, #tpu.memory_space<vmem>>)
      "tpu.region"() ({
        %run_scoped3A_776 = tpu.sem_alloc : memref<!tpu.dma_semaphore, #tpu.memory_space<semaphore_mem>>
        %dma_start3A_777 = arith.constant 0 : i32
        %dma_start3A_778 = tpu.memref_slice %arg7[%add3A_744, %dma_start3A_777] : memref<25x100xi32, #tpu.memory_space<vmem>> -> memref<1x100xi32, #tpu.memory_space<vmem>>
        %dma_start3A_779 = tpu.memref_squeeze %dma_start3A_778 : memref<1x100xi32, #tpu.memory_space<vmem>> -> memref<100xi32, #tpu.memory_space<vmem>>
        %dma_start3A_780 = arith.constant 0 : i32
        %dma_start3A_781 = arith.constant 0 : i32
        %dma_start3A_782 = tpu.memref_slice %arg11[%dma_start3A_780, %dma_start3A_781] : memref<10000x128xf32, #tpu.memory_space<vmem_shared>> -> memref<10000x128xf32, #tpu.memory_space<vmem_shared>>
        tpu.enqueue_indirect_dma source(%arg9 : memref<100x128xf32, #tpu.memory_space<vmem>>) target(%dma_start3A_782 : memref<10000x128xf32, #tpu.memory_space<vmem_shared>>) offsets(%dma_start3A_779 : memref<100xi32, #tpu.memory_space<vmem>>) semaphore(%run_scoped3A_776 : memref<!tpu.dma_semaphore, #tpu.memory_space<semaphore_mem>>) {add = true}
        %dma_wait3A_783 = arith.constant 0 : i32
        %dma_wait3A_784 = tpu.memref_slice %arg7[%add3A_744, %dma_wait3A_783] : memref<25x100xi32, #tpu.memory_space<vmem>> -> memref<1x100xi32, #tpu.memory_space<vmem>>
        %dma_wait3A_785 = tpu.memref_squeeze %dma_wait3A_784 : memref<1x100xi32, #tpu.memory_space<vmem>> -> memref<100xi32, #tpu.memory_space<vmem>>
        %dma_wait3A_786 = arith.constant 0 : i32
        %dma_wait3A_787 = arith.constant 0 : i32
        %dma_wait3A_788 = tpu.memref_slice %arg11[%dma_wait3A_786, %dma_wait3A_787] : memref<10000x128xf32, #tpu.memory_space<vmem_shared>> -> memref<10000x128xf32, #tpu.memory_space<vmem_shared>>
        tpu.wait_indirect_dma semaphore(%run_scoped3A_776 : memref<!tpu.dma_semaphore, #tpu.memory_space<semaphore_mem>>) src(%arg9 : memref<100x128xf32, #tpu.memory_space<vmem>>) dst(%dma_wait3A_788 : memref<10000x128xf32, #tpu.memory_space<vmem_shared>>)
        tpu.yield
      }) : () -> ()
      %add3A_751 = arith.constant 3 : i32
      %add3A_752 = arith.addi %add3A_744, %add3A_751 : i32
      %lt3A_753 = arith.constant 25 : i32
      %lt3A_754 = arith.cmpi slt, %add3A_752, %lt3A_753 : i32
      %convert_element_type3A_755 = arith.extui %lt3A_754 : i1 to i32
      %cond3A_756 = arith.constant 0 : i32
      %cond3A_757 = arith.cmpi ne, %convert_element_type3A_755, %cond3A_756 : i32
      scf.if %cond3A_757 {
        %add3A_776 = arith.constant 3 : i32
        %add3A_777 = arith.addi %add3A_744, %add3A_776 : i32
        %dma_start3A_778 = arith.constant 0 : i32
        %dma_start3A_779 = tpu.memref_slice %arg6[%add3A_777, %dma_start3A_778] : memref<25x100xi32, #tpu.memory_space<vmem>> -> memref<1x100xi32, #tpu.memory_space<vmem>>
        %dma_start3A_780 = tpu.memref_squeeze %dma_start3A_779 : memref<1x100xi32, #tpu.memory_space<vmem>> -> memref<100xi32, #tpu.memory_space<vmem>>
        %dma_start3A_781 = arith.constant 0 : i32
        %dma_start3A_782 = arith.constant 0 : i32
        %dma_start3A_783 = tpu.memref_slice %arg2[%dma_start3A_781, %dma_start3A_782] : memref<10000x128xf32, #tpu.memory_space<hbm>> -> memref<10000x128xf32, #tpu.memory_space<hbm>>
        tpu.enqueue_indirect_dma source(%dma_start3A_783 : memref<10000x128xf32, #tpu.memory_space<hbm>>) target(%arg9 : memref<100x128xf32, #tpu.memory_space<vmem>>) offsets(%dma_start3A_780 : memref<100xi32, #tpu.memory_space<vmem>>) semaphore(%arg13 : memref<!tpu.dma_semaphore, #tpu.memory_space<semaphore_mem>>)
      } else {
      }
      %mul3A_758 = arith.constant 3 : i32
      %mul3A_759 = arith.muli %mul3A_758, %scan3A_723 : i32
      %add3A_760 = arith.constant 2 : i32
      %add3A_761 = arith.addi %mul3A_759, %add3A_760 : i32
      %dma_wait3A_762 = arith.constant 0 : i32
      %dma_wait3A_763 = tpu.memref_slice %arg6[%add3A_761, %dma_wait3A_762] : memref<25x100xi32, #tpu.memory_space<vmem>> -> memref<1x100xi32, #tpu.memory_space<vmem>>
      %dma_wait3A_764 = tpu.memref_squeeze %dma_wait3A_763 : memref<1x100xi32, #tpu.memory_space<vmem>> -> memref<100xi32, #tpu.memory_space<vmem>>
      %dma_wait3A_765 = arith.constant 0 : i32
      %dma_wait3A_766 = arith.constant 0 : i32
      %dma_wait3A_767 = tpu.memref_slice %arg2[%dma_wait3A_765, %dma_wait3A_766] : memref<10000x128xf32, #tpu.memory_space<hbm>> -> memref<10000x128xf32, #tpu.memory_space<hbm>>
      tpu.wait_indirect_dma semaphore(%arg14 : memref<!tpu.dma_semaphore, #tpu.memory_space<semaphore_mem>>) src(%dma_wait3A_767 : memref<10000x128xf32, #tpu.memory_space<hbm>>) dst(%arg10 : memref<100x128xf32, #tpu.memory_space<vmem>>)
      "tpu.region"() ({
        %run_scoped3A_776 = tpu.sem_alloc : memref<!tpu.dma_semaphore, #tpu.memory_space<semaphore_mem>>
        %dma_start3A_777 = arith.constant 0 : i32
        %dma_start3A_778 = tpu.memref_slice %arg7[%add3A_761, %dma_start3A_777] : memref<25x100xi32, #tpu.memory_space<vmem>> -> memref<1x100xi32, #tpu.memory_space<vmem>>
        %dma_start3A_779 = tpu.memref_squeeze %dma_start3A_778 : memref<1x100xi32, #tpu.memory_space<vmem>> -> memref<100xi32, #tpu.memory_space<vmem>>
        %dma_start3A_780 = arith.constant 0 : i32
        %dma_start3A_781 = arith.constant 0 : i32
        %dma_start3A_782 = tpu.memref_slice %arg11[%dma_start3A_780, %dma_start3A_781] : memref<10000x128xf32, #tpu.memory_space<vmem_shared>> -> memref<10000x128xf32, #tpu.memory_space<vmem_shared>>
        tpu.enqueue_indirect_dma source(%arg10 : memref<100x128xf32, #tpu.memory_space<vmem>>) target(%dma_start3A_782 : memref<10000x128xf32, #tpu.memory_space<vmem_shared>>) offsets(%dma_start3A_779 : memref<100xi32, #tpu.memory_space<vmem>>) semaphore(%run_scoped3A_776 : memref<!tpu.dma_semaphore, #tpu.memory_space<semaphore_mem>>) {add = true}
        %dma_wait3A_783 = arith.constant 0 : i32
        %dma_wait3A_784 = tpu.memref_slice %arg7[%add3A_761, %dma_wait3A_783] : memref<25x100xi32, #tpu.memory_space<vmem>> -> memref<1x100xi32, #tpu.memory_space<vmem>>
        %dma_wait3A_785 = tpu.memref_squeeze %dma_wait3A_784 : memref<1x100xi32, #tpu.memory_space<vmem>> -> memref<100xi32, #tpu.memory_space<vmem>>
        %dma_wait3A_786 = arith.constant 0 : i32
        %dma_wait3A_787 = arith.constant 0 : i32
        %dma_wait3A_788 = tpu.memref_slice %arg11[%dma_wait3A_786, %dma_wait3A_787] : memref<10000x128xf32, #tpu.memory_space<vmem_shared>> -> memref<10000x128xf32, #tpu.memory_space<vmem_shared>>
        tpu.wait_indirect_dma semaphore(%run_scoped3A_776 : memref<!tpu.dma_semaphore, #tpu.memory_space<semaphore_mem>>) src(%arg10 : memref<100x128xf32, #tpu.memory_space<vmem>>) dst(%dma_wait3A_788 : memref<10000x128xf32, #tpu.memory_space<vmem_shared>>)
        tpu.yield
      }) : () -> ()
      %add3A_768 = arith.constant 3 : i32
      %add3A_769 = arith.addi %add3A_761, %add3A_768 : i32
      %lt3A_770 = arith.constant 25 : i32
      %lt3A_771 = arith.cmpi slt, %add3A_769, %lt3A_770 : i32
      %convert_element_type3A_772 = arith.extui %lt3A_771 : i1 to i32
      %cond3A_773 = arith.constant 0 : i32
      %cond3A_774 = arith.cmpi ne, %convert_element_type3A_772, %cond3A_773 : i32
      scf.if %cond3A_774 {
        %add3A_776 = arith.constant 3 : i32
        %add3A_777 = arith.addi %add3A_761, %add3A_776 : i32
        %dma_start3A_778 = arith.constant 0 : i32
        %dma_start3A_779 = tpu.memref_slice %arg6[%add3A_777, %dma_start3A_778] : memref<25x100xi32, #tpu.memory_space<vmem>> -> memref<1x100xi32, #tpu.memory_space<vmem>>
        %dma_start3A_780 = tpu.memref_squeeze %dma_start3A_779 : memref<1x100xi32, #tpu.memory_space<vmem>> -> memref<100xi32, #tpu.memory_space<vmem>>
        %dma_start3A_781 = arith.constant 0 : i32
        %dma_start3A_782 = arith.constant 0 : i32
        %dma_start3A_783 = tpu.memref_slice %arg2[%dma_start3A_781, %dma_start3A_782] : memref<10000x128xf32, #tpu.memory_space<hbm>> -> memref<10000x128xf32, #tpu.memory_space<hbm>>
        tpu.enqueue_indirect_dma source(%dma_start3A_783 : memref<10000x128xf32, #tpu.memory_space<hbm>>) target(%arg10 : memref<100x128xf32, #tpu.memory_space<vmem>>) offsets(%dma_start3A_780 : memref<100xi32, #tpu.memory_space<vmem>>) semaphore(%arg14 : memref<!tpu.dma_semaphore, #tpu.memory_space<semaphore_mem>>)
      } else {
      }
      %scan3A_775 = arith.constant 0 : i32
      scf.yield %scan3A_775 : i32
    }
    %scan3A_393 = arith.constant 8 : i32
    %dma_wait3A_394 = arith.constant 24 : i32
    %dma_wait3A_395 = arith.constant 0 : i32
    %dma_wait3A_396 = tpu.memref_slice %arg6[%dma_wait3A_394, %dma_wait3A_395] : memref<25x100xi32, #tpu.memory_space<vmem>> -> memref<1x100xi32, #tpu.memory_space<vmem>>
    %dma_wait3A_397 = tpu.memref_squeeze %dma_wait3A_396 : memref<1x100xi32, #tpu.memory_space<vmem>> -> memref<100xi32, #tpu.memory_space<vmem>>
    %dma_wait3A_398 = arith.constant 0 : i32
    %dma_wait3A_399 = arith.constant 0 : i32
    %dma_wait3A_400 = tpu.memref_slice %arg2[%dma_wait3A_398, %dma_wait3A_399] : memref<10000x128xf32, #tpu.memory_space<hbm>> -> memref<10000x128xf32, #tpu.memory_space<hbm>>
    tpu.wait_indirect_dma semaphore(%arg12 : memref<!tpu.dma_semaphore, #tpu.memory_space<semaphore_mem>>) src(%dma_wait3A_400 : memref<10000x128xf32, #tpu.memory_space<hbm>>) dst(%arg8 : memref<100x128xf32, #tpu.memory_space<vmem>>)
    %run_scoped3A_401 = arith.constant 24 : i32
    "tpu.region"() ({
      %run_scoped3A_723 = tpu.sem_alloc : memref<!tpu.dma_semaphore, #tpu.memory_space<semaphore_mem>>
      %dma_start3A_724 = arith.constant 0 : i32
      %dma_start3A_725 = tpu.memref_slice %arg7[%run_scoped3A_401, %dma_start3A_724] : memref<25x100xi32, #tpu.memory_space<vmem>> -> memref<1x100xi32, #tpu.memory_space<vmem>>
      %dma_start3A_726 = tpu.memref_squeeze %dma_start3A_725 : memref<1x100xi32, #tpu.memory_space<vmem>> -> memref<100xi32, #tpu.memory_space<vmem>>
      %dma_start3A_727 = arith.constant 0 : i32
      %dma_start3A_728 = arith.constant 0 : i32
      %dma_start3A_729 = tpu.memref_slice %arg11[%dma_start3A_727, %dma_start3A_728] : memref<10000x128xf32, #tpu.memory_space<vmem_shared>> -> memref<10000x128xf32, #tpu.memory_space<vmem_shared>>
      tpu.enqueue_indirect_dma source(%arg8 : memref<100x128xf32, #tpu.memory_space<vmem>>) target(%dma_start3A_729 : memref<10000x128xf32, #tpu.memory_space<vmem_shared>>) offsets(%dma_start3A_726 : memref<100xi32, #tpu.memory_space<vmem>>) semaphore(%run_scoped3A_723 : memref<!tpu.dma_semaphore, #tpu.memory_space<semaphore_mem>>) {add = true}
      %dma_wait3A_730 = arith.constant 0 : i32
      %dma_wait3A_731 = tpu.memref_slice %arg7[%run_scoped3A_401, %dma_wait3A_730] : memref<25x100xi32, #tpu.memory_space<vmem>> -> memref<1x100xi32, #tpu.memory_space<vmem>>
      %dma_wait3A_732 = tpu.memref_squeeze %dma_wait3A_731 : memref<1x100xi32, #tpu.memory_space<vmem>> -> memref<100xi32, #tpu.memory_space<vmem>>
      %dma_wait3A_733 = arith.constant 0 : i32
      %dma_wait3A_734 = arith.constant 0 : i32
      %dma_wait3A_735 = tpu.memref_slice %arg11[%dma_wait3A_733, %dma_wait3A_734] : memref<10000x128xf32, #tpu.memory_space<vmem_shared>> -> memref<10000x128xf32, #tpu.memory_space<vmem_shared>>
      tpu.wait_indirect_dma semaphore(%run_scoped3A_723 : memref<!tpu.dma_semaphore, #tpu.memory_space<semaphore_mem>>) src(%arg8 : memref<100x128xf32, #tpu.memory_space<vmem>>) dst(%dma_wait3A_735 : memref<10000x128xf32, #tpu.memory_space<vmem_shared>>)
      tpu.yield
    }) : () -> ()
    %run_scoped3A_402 = arith.constant 2 : i32
    "tpu.region"() ({
      %run_scoped3A_723 = tpu.sem_alloc : memref<!tpu.dma_semaphore, #tpu.memory_space<semaphore_mem>>
      %dma_start3A_724 = arith.constant 0 : i32
      %dma_start3A_725 = arith.constant 0 : i32
      %dma_start3A_726 = tpu.memref_slice %arg3[%add3A, %run_scoped3A_402, %dma_start3A_724, %dma_start3A_725] : memref<32x4x25x100xi32, #tpu.memory_space<hbm>> -> memref<1x1x25x100xi32, #tpu.memory_space<hbm>>
      %dma_start3A_727 = tpu.memref_squeeze %dma_start3A_726 : memref<1x1x25x100xi32, #tpu.memory_space<hbm>> -> memref<25x100xi32, #tpu.memory_space<hbm>>
      %dma_start3A_728 = arith.constant 0 : i32
      %dma_start3A_729 = arith.constant 0 : i32
      %dma_start3A_730 = tpu.memref_slice %arg3[%add3A, %run_scoped3A_402, %dma_start3A_728, %dma_start3A_729] : memref<32x4x25x100xi32, #tpu.memory_space<hbm>> -> memref<1x1x25x100xi32, #tpu.memory_space<hbm>>
      %dma_start3A_731 = tpu.memref_squeeze %dma_start3A_730 : memref<1x1x25x100xi32, #tpu.memory_space<hbm>> -> memref<25x100xi32, #tpu.memory_space<hbm>>
      tpu.enqueue_dma source(%dma_start3A_731 : memref<25x100xi32, #tpu.memory_space<hbm>>) target(%arg6 : memref<25x100xi32, #tpu.memory_space<vmem>>) target_semaphore(%run_scoped3A_723 : memref<!tpu.dma_semaphore, #tpu.memory_space<semaphore_mem>>)
      %dma_wait3A_732 = arith.constant 0 : i32
      %dma_wait3A_733 = arith.constant 0 : i32
      %dma_wait3A_734 = tpu.memref_slice %arg3[%add3A, %run_scoped3A_402, %dma_wait3A_732, %dma_wait3A_733] : memref<32x4x25x100xi32, #tpu.memory_space<hbm>> -> memref<1x1x25x100xi32, #tpu.memory_space<hbm>>
      %dma_wait3A_735 = tpu.memref_squeeze %dma_wait3A_734 : memref<1x1x25x100xi32, #tpu.memory_space<hbm>> -> memref<25x100xi32, #tpu.memory_space<hbm>>
      %dma_wait3A_736 = arith.constant 0 : i32
      %dma_wait3A_737 = arith.constant 0 : i32
      %dma_wait3A_738 = tpu.memref_slice %arg3[%add3A, %run_scoped3A_402, %dma_wait3A_736, %dma_wait3A_737] : memref<32x4x25x100xi32, #tpu.memory_space<hbm>> -> memref<1x1x25x100xi32, #tpu.memory_space<hbm>>
      %dma_wait3A_739 = tpu.memref_squeeze %dma_wait3A_738 : memref<1x1x25x100xi32, #tpu.memory_space<hbm>> -> memref<25x100xi32, #tpu.memory_space<hbm>>
      tpu.wait_dma2 semaphore(%run_scoped3A_723 : memref<!tpu.dma_semaphore, #tpu.memory_space<semaphore_mem>>) src(%dma_wait3A_739 : memref<25x100xi32, #tpu.memory_space<hbm>>) dst(%arg6 : memref<25x100xi32, #tpu.memory_space<vmem>>)
      tpu.yield
    }) : () -> ()
    %run_scoped3A_403 = arith.constant 2 : i32
    "tpu.region"() ({
      %run_scoped3A_723 = tpu.sem_alloc : memref<!tpu.dma_semaphore, #tpu.memory_space<semaphore_mem>>
      %dma_start3A_724 = arith.constant 0 : i32
      %dma_start3A_725 = arith.constant 0 : i32
      %dma_start3A_726 = tpu.memref_slice %arg4[%add3A, %run_scoped3A_403, %dma_start3A_724, %dma_start3A_725] : memref<32x4x25x100xi32, #tpu.memory_space<hbm>> -> memref<1x1x25x100xi32, #tpu.memory_space<hbm>>
      %dma_start3A_727 = tpu.memref_squeeze %dma_start3A_726 : memref<1x1x25x100xi32, #tpu.memory_space<hbm>> -> memref<25x100xi32, #tpu.memory_space<hbm>>
      %dma_start3A_728 = arith.constant 0 : i32
      %dma_start3A_729 = arith.constant 0 : i32
      %dma_start3A_730 = tpu.memref_slice %arg4[%add3A, %run_scoped3A_403, %dma_start3A_728, %dma_start3A_729] : memref<32x4x25x100xi32, #tpu.memory_space<hbm>> -> memref<1x1x25x100xi32, #tpu.memory_space<hbm>>
      %dma_start3A_731 = tpu.memref_squeeze %dma_start3A_730 : memref<1x1x25x100xi32, #tpu.memory_space<hbm>> -> memref<25x100xi32, #tpu.memory_space<hbm>>
      tpu.enqueue_dma source(%dma_start3A_731 : memref<25x100xi32, #tpu.memory_space<hbm>>) target(%arg7 : memref<25x100xi32, #tpu.memory_space<vmem>>) target_semaphore(%run_scoped3A_723 : memref<!tpu.dma_semaphore, #tpu.memory_space<semaphore_mem>>)
      %dma_wait3A_732 = arith.constant 0 : i32
      %dma_wait3A_733 = arith.constant 0 : i32
      %dma_wait3A_734 = tpu.memref_slice %arg4[%add3A, %run_scoped3A_403, %dma_wait3A_732, %dma_wait3A_733] : memref<32x4x25x100xi32, #tpu.memory_space<hbm>> -> memref<1x1x25x100xi32, #tpu.memory_space<hbm>>
      %dma_wait3A_735 = tpu.memref_squeeze %dma_wait3A_734 : memref<1x1x25x100xi32, #tpu.memory_space<hbm>> -> memref<25x100xi32, #tpu.memory_space<hbm>>
      %dma_wait3A_736 = arith.constant 0 : i32
      %dma_wait3A_737 = arith.constant 0 : i32
      %dma_wait3A_738 = tpu.memref_slice %arg4[%add3A, %run_scoped3A_403, %dma_wait3A_736, %dma_wait3A_737] : memref<32x4x25x100xi32, #tpu.memory_space<hbm>> -> memref<1x1x25x100xi32, #tpu.memory_space<hbm>>
      %dma_wait3A_739 = tpu.memref_squeeze %dma_wait3A_738 : memref<1x1x25x100xi32, #tpu.memory_space<hbm>> -> memref<25x100xi32, #tpu.memory_space<hbm>>
      tpu.wait_dma2 semaphore(%run_scoped3A_723 : memref<!tpu.dma_semaphore, #tpu.memory_space<semaphore_mem>>) src(%dma_wait3A_739 : memref<25x100xi32, #tpu.memory_space<hbm>>) dst(%arg7 : memref<25x100xi32, #tpu.memory_space<vmem>>)
      tpu.yield
    }) : () -> ()
    %dma_start3A_404 = arith.constant 0 : i32
    %dma_start3A_405 = arith.constant 0 : i32
    %dma_start3A_406 = tpu.memref_slice %arg6[%dma_start3A_404, %dma_start3A_405] : memref<25x100xi32, #tpu.memory_space<vmem>> -> memref<1x100xi32, #tpu.memory_space<vmem>>
    %dma_start3A_407 = tpu.memref_squeeze %dma_start3A_406 : memref<1x100xi32, #tpu.memory_space<vmem>> -> memref<100xi32, #tpu.memory_space<vmem>>
    %dma_start3A_408 = arith.constant 0 : i32
    %dma_start3A_409 = arith.constant 0 : i32
    %dma_start3A_410 = tpu.memref_slice %arg2[%dma_start3A_408, %dma_start3A_409] : memref<10000x128xf32, #tpu.memory_space<hbm>> -> memref<10000x128xf32, #tpu.memory_space<hbm>>
    tpu.enqueue_indirect_dma source(%dma_start3A_410 : memref<10000x128xf32, #tpu.memory_space<hbm>>) target(%arg8 : memref<100x128xf32, #tpu.memory_space<vmem>>) offsets(%dma_start3A_407 : memref<100xi32, #tpu.memory_space<vmem>>) semaphore(%arg12 : memref<!tpu.dma_semaphore, #tpu.memory_space<semaphore_mem>>)
    %dma_start3A_411 = arith.constant 1 : i32
    %dma_start3A_412 = arith.constant 0 : i32
    %dma_start3A_413 = tpu.memref_slice %arg6[%dma_start3A_411, %dma_start3A_412] : memref<25x100xi32, #tpu.memory_space<vmem>> -> memref<1x100xi32, #tpu.memory_space<vmem>>
    %dma_start3A_414 = tpu.memref_squeeze %dma_start3A_413 : memref<1x100xi32, #tpu.memory_space<vmem>> -> memref<100xi32, #tpu.memory_space<vmem>>
    %dma_start3A_415 = arith.constant 0 : i32
    %dma_start3A_416 = arith.constant 0 : i32
    %dma_start3A_417 = tpu.memref_slice %arg2[%dma_start3A_415, %dma_start3A_416] : memref<10000x128xf32, #tpu.memory_space<hbm>> -> memref<10000x128xf32, #tpu.memory_space<hbm>>
    tpu.enqueue_indirect_dma source(%dma_start3A_417 : memref<10000x128xf32, #tpu.memory_space<hbm>>) target(%arg9 : memref<100x128xf32, #tpu.memory_space<vmem>>) offsets(%dma_start3A_414 : memref<100xi32, #tpu.memory_space<vmem>>) semaphore(%arg13 : memref<!tpu.dma_semaphore, #tpu.memory_space<semaphore_mem>>)
    %dma_start3A_418 = arith.constant 2 : i32
    %dma_start3A_419 = arith.constant 0 : i32
    %dma_start3A_420 = tpu.memref_slice %arg6[%dma_start3A_418, %dma_start3A_419] : memref<25x100xi32, #tpu.memory_space<vmem>> -> memref<1x100xi32, #tpu.memory_space<vmem>>
    %dma_start3A_421 = tpu.memref_squeeze %dma_start3A_420 : memref<1x100xi32, #tpu.memory_space<vmem>> -> memref<100xi32, #tpu.memory_space<vmem>>
    %dma_start3A_422 = arith.constant 0 : i32
    %dma_start3A_423 = arith.constant 0 : i32
    %dma_start3A_424 = tpu.memref_slice %arg2[%dma_start3A_422, %dma_start3A_423] : memref<10000x128xf32, #tpu.memory_space<hbm>> -> memref<10000x128xf32, #tpu.memory_space<hbm>>
    tpu.enqueue_indirect_dma source(%dma_start3A_424 : memref<10000x128xf32, #tpu.memory_space<hbm>>) target(%arg10 : memref<100x128xf32, #tpu.memory_space<vmem>>) offsets(%dma_start3A_421 : memref<100xi32, #tpu.memory_space<vmem>>) semaphore(%arg14 : memref<!tpu.dma_semaphore, #tpu.memory_space<semaphore_mem>>)
    %scan3A_425 = arith.constant 0 : i32
    %scan3A_426 = arith.constant 0 : i32
    %scan3A_427 = arith.constant 8 : i32
    %scan3A_428 = arith.addi %scan3A_426, %scan3A_427 : i32
    %scan3A_429 = arith.constant 1 : i32
    %scan3A_430 = scf.for %scan3A_723 = %scan3A_426 to %scan3A_428 step %scan3A_429 iter_args(%scan3A_724 = %scan3A_425) -> (i32)  : i32 {
      %mul3A_725 = arith.constant 3 : i32
      %mul3A_726 = arith.muli %mul3A_725, %scan3A_723 : i32
      %add3A_727 = arith.constant 0 : i32
      %add3A_728 = arith.addi %mul3A_726, %add3A_727 : i32
      %dma_wait3A_729 = arith.constant 0 : i32
      %dma_wait3A_730 = tpu.memref_slice %arg6[%add3A_728, %dma_wait3A_729] : memref<25x100xi32, #tpu.memory_space<vmem>> -> memref<1x100xi32, #tpu.memory_space<vmem>>
      %dma_wait3A_731 = tpu.memref_squeeze %dma_wait3A_730 : memref<1x100xi32, #tpu.memory_space<vmem>> -> memref<100xi32, #tpu.memory_space<vmem>>
      %dma_wait3A_732 = arith.constant 0 : i32
      %dma_wait3A_733 = arith.constant 0 : i32
      %dma_wait3A_734 = tpu.memref_slice %arg2[%dma_wait3A_732, %dma_wait3A_733] : memref<10000x128xf32, #tpu.memory_space<hbm>> -> memref<10000x128xf32, #tpu.memory_space<hbm>>
      tpu.wait_indirect_dma semaphore(%arg12 : memref<!tpu.dma_semaphore, #tpu.memory_space<semaphore_mem>>) src(%dma_wait3A_734 : memref<10000x128xf32, #tpu.memory_space<hbm>>) dst(%arg8 : memref<100x128xf32, #tpu.memory_space<vmem>>)
      "tpu.region"() ({
        %run_scoped3A_776 = tpu.sem_alloc : memref<!tpu.dma_semaphore, #tpu.memory_space<semaphore_mem>>
        %dma_start3A_777 = arith.constant 0 : i32
        %dma_start3A_778 = tpu.memref_slice %arg7[%add3A_728, %dma_start3A_777] : memref<25x100xi32, #tpu.memory_space<vmem>> -> memref<1x100xi32, #tpu.memory_space<vmem>>
        %dma_start3A_779 = tpu.memref_squeeze %dma_start3A_778 : memref<1x100xi32, #tpu.memory_space<vmem>> -> memref<100xi32, #tpu.memory_space<vmem>>
        %dma_start3A_780 = arith.constant 0 : i32
        %dma_start3A_781 = arith.constant 0 : i32
        %dma_start3A_782 = tpu.memref_slice %arg11[%dma_start3A_780, %dma_start3A_781] : memref<10000x128xf32, #tpu.memory_space<vmem_shared>> -> memref<10000x128xf32, #tpu.memory_space<vmem_shared>>
        tpu.enqueue_indirect_dma source(%arg8 : memref<100x128xf32, #tpu.memory_space<vmem>>) target(%dma_start3A_782 : memref<10000x128xf32, #tpu.memory_space<vmem_shared>>) offsets(%dma_start3A_779 : memref<100xi32, #tpu.memory_space<vmem>>) semaphore(%run_scoped3A_776 : memref<!tpu.dma_semaphore, #tpu.memory_space<semaphore_mem>>) {add = true}
        %dma_wait3A_783 = arith.constant 0 : i32
        %dma_wait3A_784 = tpu.memref_slice %arg7[%add3A_728, %dma_wait3A_783] : memref<25x100xi32, #tpu.memory_space<vmem>> -> memref<1x100xi32, #tpu.memory_space<vmem>>
        %dma_wait3A_785 = tpu.memref_squeeze %dma_wait3A_784 : memref<1x100xi32, #tpu.memory_space<vmem>> -> memref<100xi32, #tpu.memory_space<vmem>>
        %dma_wait3A_786 = arith.constant 0 : i32
        %dma_wait3A_787 = arith.constant 0 : i32
        %dma_wait3A_788 = tpu.memref_slice %arg11[%dma_wait3A_786, %dma_wait3A_787] : memref<10000x128xf32, #tpu.memory_space<vmem_shared>> -> memref<10000x128xf32, #tpu.memory_space<vmem_shared>>
        tpu.wait_indirect_dma semaphore(%run_scoped3A_776 : memref<!tpu.dma_semaphore, #tpu.memory_space<semaphore_mem>>) src(%arg8 : memref<100x128xf32, #tpu.memory_space<vmem>>) dst(%dma_wait3A_788 : memref<10000x128xf32, #tpu.memory_space<vmem_shared>>)
        tpu.yield
      }) : () -> ()
      %add3A_735 = arith.constant 3 : i32
      %add3A_736 = arith.addi %add3A_728, %add3A_735 : i32
      %lt3A = arith.constant 25 : i32
      %lt3A_737 = arith.cmpi slt, %add3A_736, %lt3A : i32
      %convert_element_type3A_738 = arith.extui %lt3A_737 : i1 to i32
      %cond3A_739 = arith.constant 0 : i32
      %cond3A_740 = arith.cmpi ne, %convert_element_type3A_738, %cond3A_739 : i32
      scf.if %cond3A_740 {
        %add3A_776 = arith.constant 3 : i32
        %add3A_777 = arith.addi %add3A_728, %add3A_776 : i32
        %dma_start3A_778 = arith.constant 0 : i32
        %dma_start3A_779 = tpu.memref_slice %arg6[%add3A_777, %dma_start3A_778] : memref<25x100xi32, #tpu.memory_space<vmem>> -> memref<1x100xi32, #tpu.memory_space<vmem>>
        %dma_start3A_780 = tpu.memref_squeeze %dma_start3A_779 : memref<1x100xi32, #tpu.memory_space<vmem>> -> memref<100xi32, #tpu.memory_space<vmem>>
        %dma_start3A_781 = arith.constant 0 : i32
        %dma_start3A_782 = arith.constant 0 : i32
        %dma_start3A_783 = tpu.memref_slice %arg2[%dma_start3A_781, %dma_start3A_782] : memref<10000x128xf32, #tpu.memory_space<hbm>> -> memref<10000x128xf32, #tpu.memory_space<hbm>>
        tpu.enqueue_indirect_dma source(%dma_start3A_783 : memref<10000x128xf32, #tpu.memory_space<hbm>>) target(%arg8 : memref<100x128xf32, #tpu.memory_space<vmem>>) offsets(%dma_start3A_780 : memref<100xi32, #tpu.memory_space<vmem>>) semaphore(%arg12 : memref<!tpu.dma_semaphore, #tpu.memory_space<semaphore_mem>>)
      } else {
      }
      %mul3A_741 = arith.constant 3 : i32
      %mul3A_742 = arith.muli %mul3A_741, %scan3A_723 : i32
      %add3A_743 = arith.constant 1 : i32
      %add3A_744 = arith.addi %mul3A_742, %add3A_743 : i32
      %dma_wait3A_745 = arith.constant 0 : i32
      %dma_wait3A_746 = tpu.memref_slice %arg6[%add3A_744, %dma_wait3A_745] : memref<25x100xi32, #tpu.memory_space<vmem>> -> memref<1x100xi32, #tpu.memory_space<vmem>>
      %dma_wait3A_747 = tpu.memref_squeeze %dma_wait3A_746 : memref<1x100xi32, #tpu.memory_space<vmem>> -> memref<100xi32, #tpu.memory_space<vmem>>
      %dma_wait3A_748 = arith.constant 0 : i32
      %dma_wait3A_749 = arith.constant 0 : i32
      %dma_wait3A_750 = tpu.memref_slice %arg2[%dma_wait3A_748, %dma_wait3A_749] : memref<10000x128xf32, #tpu.memory_space<hbm>> -> memref<10000x128xf32, #tpu.memory_space<hbm>>
      tpu.wait_indirect_dma semaphore(%arg13 : memref<!tpu.dma_semaphore, #tpu.memory_space<semaphore_mem>>) src(%dma_wait3A_750 : memref<10000x128xf32, #tpu.memory_space<hbm>>) dst(%arg9 : memref<100x128xf32, #tpu.memory_space<vmem>>)
      "tpu.region"() ({
        %run_scoped3A_776 = tpu.sem_alloc : memref<!tpu.dma_semaphore, #tpu.memory_space<semaphore_mem>>
        %dma_start3A_777 = arith.constant 0 : i32
        %dma_start3A_778 = tpu.memref_slice %arg7[%add3A_744, %dma_start3A_777] : memref<25x100xi32, #tpu.memory_space<vmem>> -> memref<1x100xi32, #tpu.memory_space<vmem>>
        %dma_start3A_779 = tpu.memref_squeeze %dma_start3A_778 : memref<1x100xi32, #tpu.memory_space<vmem>> -> memref<100xi32, #tpu.memory_space<vmem>>
        %dma_start3A_780 = arith.constant 0 : i32
        %dma_start3A_781 = arith.constant 0 : i32
        %dma_start3A_782 = tpu.memref_slice %arg11[%dma_start3A_780, %dma_start3A_781] : memref<10000x128xf32, #tpu.memory_space<vmem_shared>> -> memref<10000x128xf32, #tpu.memory_space<vmem_shared>>
        tpu.enqueue_indirect_dma source(%arg9 : memref<100x128xf32, #tpu.memory_space<vmem>>) target(%dma_start3A_782 : memref<10000x128xf32, #tpu.memory_space<vmem_shared>>) offsets(%dma_start3A_779 : memref<100xi32, #tpu.memory_space<vmem>>) semaphore(%run_scoped3A_776 : memref<!tpu.dma_semaphore, #tpu.memory_space<semaphore_mem>>) {add = true}
        %dma_wait3A_783 = arith.constant 0 : i32
        %dma_wait3A_784 = tpu.memref_slice %arg7[%add3A_744, %dma_wait3A_783] : memref<25x100xi32, #tpu.memory_space<vmem>> -> memref<1x100xi32, #tpu.memory_space<vmem>>
        %dma_wait3A_785 = tpu.memref_squeeze %dma_wait3A_784 : memref<1x100xi32, #tpu.memory_space<vmem>> -> memref<100xi32, #tpu.memory_space<vmem>>
        %dma_wait3A_786 = arith.constant 0 : i32
        %dma_wait3A_787 = arith.constant 0 : i32
        %dma_wait3A_788 = tpu.memref_slice %arg11[%dma_wait3A_786, %dma_wait3A_787] : memref<10000x128xf32, #tpu.memory_space<vmem_shared>> -> memref<10000x128xf32, #tpu.memory_space<vmem_shared>>
        tpu.wait_indirect_dma semaphore(%run_scoped3A_776 : memref<!tpu.dma_semaphore, #tpu.memory_space<semaphore_mem>>) src(%arg9 : memref<100x128xf32, #tpu.memory_space<vmem>>) dst(%dma_wait3A_788 : memref<10000x128xf32, #tpu.memory_space<vmem_shared>>)
        tpu.yield
      }) : () -> ()
      %add3A_751 = arith.constant 3 : i32
      %add3A_752 = arith.addi %add3A_744, %add3A_751 : i32
      %lt3A_753 = arith.constant 25 : i32
      %lt3A_754 = arith.cmpi slt, %add3A_752, %lt3A_753 : i32
      %convert_element_type3A_755 = arith.extui %lt3A_754 : i1 to i32
      %cond3A_756 = arith.constant 0 : i32
      %cond3A_757 = arith.cmpi ne, %convert_element_type3A_755, %cond3A_756 : i32
      scf.if %cond3A_757 {
        %add3A_776 = arith.constant 3 : i32
        %add3A_777 = arith.addi %add3A_744, %add3A_776 : i32
        %dma_start3A_778 = arith.constant 0 : i32
        %dma_start3A_779 = tpu.memref_slice %arg6[%add3A_777, %dma_start3A_778] : memref<25x100xi32, #tpu.memory_space<vmem>> -> memref<1x100xi32, #tpu.memory_space<vmem>>
        %dma_start3A_780 = tpu.memref_squeeze %dma_start3A_779 : memref<1x100xi32, #tpu.memory_space<vmem>> -> memref<100xi32, #tpu.memory_space<vmem>>
        %dma_start3A_781 = arith.constant 0 : i32
        %dma_start3A_782 = arith.constant 0 : i32
        %dma_start3A_783 = tpu.memref_slice %arg2[%dma_start3A_781, %dma_start3A_782] : memref<10000x128xf32, #tpu.memory_space<hbm>> -> memref<10000x128xf32, #tpu.memory_space<hbm>>
        tpu.enqueue_indirect_dma source(%dma_start3A_783 : memref<10000x128xf32, #tpu.memory_space<hbm>>) target(%arg9 : memref<100x128xf32, #tpu.memory_space<vmem>>) offsets(%dma_start3A_780 : memref<100xi32, #tpu.memory_space<vmem>>) semaphore(%arg13 : memref<!tpu.dma_semaphore, #tpu.memory_space<semaphore_mem>>)
      } else {
      }
      %mul3A_758 = arith.constant 3 : i32
      %mul3A_759 = arith.muli %mul3A_758, %scan3A_723 : i32
      %add3A_760 = arith.constant 2 : i32
      %add3A_761 = arith.addi %mul3A_759, %add3A_760 : i32
      %dma_wait3A_762 = arith.constant 0 : i32
      %dma_wait3A_763 = tpu.memref_slice %arg6[%add3A_761, %dma_wait3A_762] : memref<25x100xi32, #tpu.memory_space<vmem>> -> memref<1x100xi32, #tpu.memory_space<vmem>>
      %dma_wait3A_764 = tpu.memref_squeeze %dma_wait3A_763 : memref<1x100xi32, #tpu.memory_space<vmem>> -> memref<100xi32, #tpu.memory_space<vmem>>
      %dma_wait3A_765 = arith.constant 0 : i32
      %dma_wait3A_766 = arith.constant 0 : i32
      %dma_wait3A_767 = tpu.memref_slice %arg2[%dma_wait3A_765, %dma_wait3A_766] : memref<10000x128xf32, #tpu.memory_space<hbm>> -> memref<10000x128xf32, #tpu.memory_space<hbm>>
      tpu.wait_indirect_dma semaphore(%arg14 : memref<!tpu.dma_semaphore, #tpu.memory_space<semaphore_mem>>) src(%dma_wait3A_767 : memref<10000x128xf32, #tpu.memory_space<hbm>>) dst(%arg10 : memref<100x128xf32, #tpu.memory_space<vmem>>)
      "tpu.region"() ({
        %run_scoped3A_776 = tpu.sem_alloc : memref<!tpu.dma_semaphore, #tpu.memory_space<semaphore_mem>>
        %dma_start3A_777 = arith.constant 0 : i32
        %dma_start3A_778 = tpu.memref_slice %arg7[%add3A_761, %dma_start3A_777] : memref<25x100xi32, #tpu.memory_space<vmem>> -> memref<1x100xi32, #tpu.memory_space<vmem>>
        %dma_start3A_779 = tpu.memref_squeeze %dma_start3A_778 : memref<1x100xi32, #tpu.memory_space<vmem>> -> memref<100xi32, #tpu.memory_space<vmem>>
        %dma_start3A_780 = arith.constant 0 : i32
        %dma_start3A_781 = arith.constant 0 : i32
        %dma_start3A_782 = tpu.memref_slice %arg11[%dma_start3A_780, %dma_start3A_781] : memref<10000x128xf32, #tpu.memory_space<vmem_shared>> -> memref<10000x128xf32, #tpu.memory_space<vmem_shared>>
        tpu.enqueue_indirect_dma source(%arg10 : memref<100x128xf32, #tpu.memory_space<vmem>>) target(%dma_start3A_782 : memref<10000x128xf32, #tpu.memory_space<vmem_shared>>) offsets(%dma_start3A_779 : memref<100xi32, #tpu.memory_space<vmem>>) semaphore(%run_scoped3A_776 : memref<!tpu.dma_semaphore, #tpu.memory_space<semaphore_mem>>) {add = true}
        %dma_wait3A_783 = arith.constant 0 : i32
        %dma_wait3A_784 = tpu.memref_slice %arg7[%add3A_761, %dma_wait3A_783] : memref<25x100xi32, #tpu.memory_space<vmem>> -> memref<1x100xi32, #tpu.memory_space<vmem>>
        %dma_wait3A_785 = tpu.memref_squeeze %dma_wait3A_784 : memref<1x100xi32, #tpu.memory_space<vmem>> -> memref<100xi32, #tpu.memory_space<vmem>>
        %dma_wait3A_786 = arith.constant 0 : i32
        %dma_wait3A_787 = arith.constant 0 : i32
        %dma_wait3A_788 = tpu.memref_slice %arg11[%dma_wait3A_786, %dma_wait3A_787] : memref<10000x128xf32, #tpu.memory_space<vmem_shared>> -> memref<10000x128xf32, #tpu.memory_space<vmem_shared>>
        tpu.wait_indirect_dma semaphore(%run_scoped3A_776 : memref<!tpu.dma_semaphore, #tpu.memory_space<semaphore_mem>>) src(%arg10 : memref<100x128xf32, #tpu.memory_space<vmem>>) dst(%dma_wait3A_788 : memref<10000x128xf32, #tpu.memory_space<vmem_shared>>)
        tpu.yield
      }) : () -> ()
      %add3A_768 = arith.constant 3 : i32
      %add3A_769 = arith.addi %add3A_761, %add3A_768 : i32
      %lt3A_770 = arith.constant 25 : i32
      %lt3A_771 = arith.cmpi slt, %add3A_769, %lt3A_770 : i32
      %convert_element_type3A_772 = arith.extui %lt3A_771 : i1 to i32
      %cond3A_773 = arith.constant 0 : i32
      %cond3A_774 = arith.cmpi ne, %convert_element_type3A_772, %cond3A_773 : i32
      scf.if %cond3A_774 {
        %add3A_776 = arith.constant 3 : i32
        %add3A_777 = arith.addi %add3A_761, %add3A_776 : i32
        %dma_start3A_778 = arith.constant 0 : i32
        %dma_start3A_779 = tpu.memref_slice %arg6[%add3A_777, %dma_start3A_778] : memref<25x100xi32, #tpu.memory_space<vmem>> -> memref<1x100xi32, #tpu.memory_space<vmem>>
        %dma_start3A_780 = tpu.memref_squeeze %dma_start3A_779 : memref<1x100xi32, #tpu.memory_space<vmem>> -> memref<100xi32, #tpu.memory_space<vmem>>
        %dma_start3A_781 = arith.constant 0 : i32
        %dma_start3A_782 = arith.constant 0 : i32
        %dma_start3A_783 = tpu.memref_slice %arg2[%dma_start3A_781, %dma_start3A_782] : memref<10000x128xf32, #tpu.memory_space<hbm>> -> memref<10000x128xf32, #tpu.memory_space<hbm>>
        tpu.enqueue_indirect_dma source(%dma_start3A_783 : memref<10000x128xf32, #tpu.memory_space<hbm>>) target(%arg10 : memref<100x128xf32, #tpu.memory_space<vmem>>) offsets(%dma_start3A_780 : memref<100xi32, #tpu.memory_space<vmem>>) semaphore(%arg14 : memref<!tpu.dma_semaphore, #tpu.memory_space<semaphore_mem>>)
      } else {
      }
      %scan3A_775 = arith.constant 0 : i32
      scf.yield %scan3A_775 : i32
    }
    %scan3A_431 = arith.constant 8 : i32
    %dma_wait3A_432 = arith.constant 24 : i32
    %dma_wait3A_433 = arith.constant 0 : i32
    %dma_wait3A_434 = tpu.memref_slice %arg6[%dma_wait3A_432, %dma_wait3A_433] : memref<25x100xi32, #tpu.memory_space<vmem>> -> memref<1x100xi32, #tpu.memory_space<vmem>>
    %dma_wait3A_435 = tpu.memref_squeeze %dma_wait3A_434 : memref<1x100xi32, #tpu.memory_space<vmem>> -> memref<100xi32, #tpu.memory_space<vmem>>
    %dma_wait3A_436 = arith.constant 0 : i32
    %dma_wait3A_437 = arith.constant 0 : i32
    %dma_wait3A_438 = tpu.memref_slice %arg2[%dma_wait3A_436, %dma_wait3A_437] : memref<10000x128xf32, #tpu.memory_space<hbm>> -> memref<10000x128xf32, #tpu.memory_space<hbm>>
    tpu.wait_indirect_dma semaphore(%arg12 : memref<!tpu.dma_semaphore, #tpu.memory_space<semaphore_mem>>) src(%dma_wait3A_438 : memref<10000x128xf32, #tpu.memory_space<hbm>>) dst(%arg8 : memref<100x128xf32, #tpu.memory_space<vmem>>)
    %run_scoped3A_439 = arith.constant 24 : i32
    "tpu.region"() ({
      %run_scoped3A_723 = tpu.sem_alloc : memref<!tpu.dma_semaphore, #tpu.memory_space<semaphore_mem>>
      %dma_start3A_724 = arith.constant 0 : i32
      %dma_start3A_725 = tpu.memref_slice %arg7[%run_scoped3A_439, %dma_start3A_724] : memref<25x100xi32, #tpu.memory_space<vmem>> -> memref<1x100xi32, #tpu.memory_space<vmem>>
      %dma_start3A_726 = tpu.memref_squeeze %dma_start3A_725 : memref<1x100xi32, #tpu.memory_space<vmem>> -> memref<100xi32, #tpu.memory_space<vmem>>
      %dma_start3A_727 = arith.constant 0 : i32
      %dma_start3A_728 = arith.constant 0 : i32
      %dma_start3A_729 = tpu.memref_slice %arg11[%dma_start3A_727, %dma_start3A_728] : memref<10000x128xf32, #tpu.memory_space<vmem_shared>> -> memref<10000x128xf32, #tpu.memory_space<vmem_shared>>
      tpu.enqueue_indirect_dma source(%arg8 : memref<100x128xf32, #tpu.memory_space<vmem>>) target(%dma_start3A_729 : memref<10000x128xf32, #tpu.memory_space<vmem_shared>>) offsets(%dma_start3A_726 : memref<100xi32, #tpu.memory_space<vmem>>) semaphore(%run_scoped3A_723 : memref<!tpu.dma_semaphore, #tpu.memory_space<semaphore_mem>>) {add = true}
      %dma_wait3A_730 = arith.constant 0 : i32
      %dma_wait3A_731 = tpu.memref_slice %arg7[%run_scoped3A_439, %dma_wait3A_730] : memref<25x100xi32, #tpu.memory_space<vmem>> -> memref<1x100xi32, #tpu.memory_space<vmem>>
      %dma_wait3A_732 = tpu.memref_squeeze %dma_wait3A_731 : memref<1x100xi32, #tpu.memory_space<vmem>> -> memref<100xi32, #tpu.memory_space<vmem>>
      %dma_wait3A_733 = arith.constant 0 : i32
      %dma_wait3A_734 = arith.constant 0 : i32
      %dma_wait3A_735 = tpu.memref_slice %arg11[%dma_wait3A_733, %dma_wait3A_734] : memref<10000x128xf32, #tpu.memory_space<vmem_shared>> -> memref<10000x128xf32, #tpu.memory_space<vmem_shared>>
      tpu.wait_indirect_dma semaphore(%run_scoped3A_723 : memref<!tpu.dma_semaphore, #tpu.memory_space<semaphore_mem>>) src(%arg8 : memref<100x128xf32, #tpu.memory_space<vmem>>) dst(%dma_wait3A_735 : memref<10000x128xf32, #tpu.memory_space<vmem_shared>>)
      tpu.yield
    }) : () -> ()
    %run_scoped3A_440 = arith.constant 3 : i32
    "tpu.region"() ({
      %run_scoped3A_723 = tpu.sem_alloc : memref<!tpu.dma_semaphore, #tpu.memory_space<semaphore_mem>>
      %dma_start3A_724 = arith.constant 0 : i32
      %dma_start3A_725 = arith.constant 0 : i32
      %dma_start3A_726 = tpu.memref_slice %arg3[%add3A, %run_scoped3A_440, %dma_start3A_724, %dma_start3A_725] : memref<32x4x25x100xi32, #tpu.memory_space<hbm>> -> memref<1x1x25x100xi32, #tpu.memory_space<hbm>>
      %dma_start3A_727 = tpu.memref_squeeze %dma_start3A_726 : memref<1x1x25x100xi32, #tpu.memory_space<hbm>> -> memref<25x100xi32, #tpu.memory_space<hbm>>
      %dma_start3A_728 = arith.constant 0 : i32
      %dma_start3A_729 = arith.constant 0 : i32
      %dma_start3A_730 = tpu.memref_slice %arg3[%add3A, %run_scoped3A_440, %dma_start3A_728, %dma_start3A_729] : memref<32x4x25x100xi32, #tpu.memory_space<hbm>> -> memref<1x1x25x100xi32, #tpu.memory_space<hbm>>
      %dma_start3A_731 = tpu.memref_squeeze %dma_start3A_730 : memref<1x1x25x100xi32, #tpu.memory_space<hbm>> -> memref<25x100xi32, #tpu.memory_space<hbm>>
      tpu.enqueue_dma source(%dma_start3A_731 : memref<25x100xi32, #tpu.memory_space<hbm>>) target(%arg6 : memref<25x100xi32, #tpu.memory_space<vmem>>) target_semaphore(%run_scoped3A_723 : memref<!tpu.dma_semaphore, #tpu.memory_space<semaphore_mem>>)
      %dma_wait3A_732 = arith.constant 0 : i32
      %dma_wait3A_733 = arith.constant 0 : i32
      %dma_wait3A_734 = tpu.memref_slice %arg3[%add3A, %run_scoped3A_440, %dma_wait3A_732, %dma_wait3A_733] : memref<32x4x25x100xi32, #tpu.memory_space<hbm>> -> memref<1x1x25x100xi32, #tpu.memory_space<hbm>>
      %dma_wait3A_735 = tpu.memref_squeeze %dma_wait3A_734 : memref<1x1x25x100xi32, #tpu.memory_space<hbm>> -> memref<25x100xi32, #tpu.memory_space<hbm>>
      %dma_wait3A_736 = arith.constant 0 : i32
      %dma_wait3A_737 = arith.constant 0 : i32
      %dma_wait3A_738 = tpu.memref_slice %arg3[%add3A, %run_scoped3A_440, %dma_wait3A_736, %dma_wait3A_737] : memref<32x4x25x100xi32, #tpu.memory_space<hbm>> -> memref<1x1x25x100xi32, #tpu.memory_space<hbm>>
      %dma_wait3A_739 = tpu.memref_squeeze %dma_wait3A_738 : memref<1x1x25x100xi32, #tpu.memory_space<hbm>> -> memref<25x100xi32, #tpu.memory_space<hbm>>
      tpu.wait_dma2 semaphore(%run_scoped3A_723 : memref<!tpu.dma_semaphore, #tpu.memory_space<semaphore_mem>>) src(%dma_wait3A_739 : memref<25x100xi32, #tpu.memory_space<hbm>>) dst(%arg6 : memref<25x100xi32, #tpu.memory_space<vmem>>)
      tpu.yield
    }) : () -> ()
    %run_scoped3A_441 = arith.constant 3 : i32
    "tpu.region"() ({
      %run_scoped3A_723 = tpu.sem_alloc : memref<!tpu.dma_semaphore, #tpu.memory_space<semaphore_mem>>
      %dma_start3A_724 = arith.constant 0 : i32
      %dma_start3A_725 = arith.constant 0 : i32
      %dma_start3A_726 = tpu.memref_slice %arg4[%add3A, %run_scoped3A_441, %dma_start3A_724, %dma_start3A_725] : memref<32x4x25x100xi32, #tpu.memory_space<hbm>> -> memref<1x1x25x100xi32, #tpu.memory_space<hbm>>
      %dma_start3A_727 = tpu.memref_squeeze %dma_start3A_726 : memref<1x1x25x100xi32, #tpu.memory_space<hbm>> -> memref<25x100xi32, #tpu.memory_space<hbm>>
      %dma_start3A_728 = arith.constant 0 : i32
      %dma_start3A_729 = arith.constant 0 : i32
      %dma_start3A_730 = tpu.memref_slice %arg4[%add3A, %run_scoped3A_441, %dma_start3A_728, %dma_start3A_729] : memref<32x4x25x100xi32, #tpu.memory_space<hbm>> -> memref<1x1x25x100xi32, #tpu.memory_space<hbm>>
      %dma_start3A_731 = tpu.memref_squeeze %dma_start3A_730 : memref<1x1x25x100xi32, #tpu.memory_space<hbm>> -> memref<25x100xi32, #tpu.memory_space<hbm>>
      tpu.enqueue_dma source(%dma_start3A_731 : memref<25x100xi32, #tpu.memory_space<hbm>>) target(%arg7 : memref<25x100xi32, #tpu.memory_space<vmem>>) target_semaphore(%run_scoped3A_723 : memref<!tpu.dma_semaphore, #tpu.memory_space<semaphore_mem>>)
      %dma_wait3A_732 = arith.constant 0 : i32
      %dma_wait3A_733 = arith.constant 0 : i32
      %dma_wait3A_734 = tpu.memref_slice %arg4[%add3A, %run_scoped3A_441, %dma_wait3A_732, %dma_wait3A_733] : memref<32x4x25x100xi32, #tpu.memory_space<hbm>> -> memref<1x1x25x100xi32, #tpu.memory_space<hbm>>
      %dma_wait3A_735 = tpu.memref_squeeze %dma_wait3A_734 : memref<1x1x25x100xi32, #tpu.memory_space<hbm>> -> memref<25x100xi32, #tpu.memory_space<hbm>>
      %dma_wait3A_736 = arith.constant 0 : i32
      %dma_wait3A_737 = arith.constant 0 : i32
      %dma_wait3A_738 = tpu.memref_slice %arg4[%add3A, %run_scoped3A_441, %dma_wait3A_736, %dma_wait3A_737] : memref<32x4x25x100xi32, #tpu.memory_space<hbm>> -> memref<1x1x25x100xi32, #tpu.memory_space<hbm>>
      %dma_wait3A_739 = tpu.memref_squeeze %dma_wait3A_738 : memref<1x1x25x100xi32, #tpu.memory_space<hbm>> -> memref<25x100xi32, #tpu.memory_space<hbm>>
      tpu.wait_dma2 semaphore(%run_scoped3A_723 : memref<!tpu.dma_semaphore, #tpu.memory_space<semaphore_mem>>) src(%dma_wait3A_739 : memref<25x100xi32, #tpu.memory_space<hbm>>) dst(%arg7 : memref<25x100xi32, #tpu.memory_space<vmem>>)
      tpu.yield
    }) : () -> ()
    %dma_start3A_442 = arith.constant 0 : i32
    %dma_start3A_443 = arith.constant 0 : i32
    %dma_start3A_444 = tpu.memref_slice %arg6[%dma_start3A_442, %dma_start3A_443] : memref<25x100xi32, #tpu.memory_space<vmem>> -> memref<1x100xi32, #tpu.memory_space<vmem>>
    %dma_start3A_445 = tpu.memref_squeeze %dma_start3A_444 : memref<1x100xi32, #tpu.memory_space<vmem>> -> memref<100xi32, #tpu.memory_space<vmem>>
    %dma_start3A_446 = arith.constant 0 : i32
    %dma_start3A_447 = arith.constant 0 : i32
    %dma_start3A_448 = tpu.memref_slice %arg2[%dma_start3A_446, %dma_start3A_447] : memref<10000x128xf32, #tpu.memory_space<hbm>> -> memref<10000x128xf32, #tpu.memory_space<hbm>>
    tpu.enqueue_indirect_dma source(%dma_start3A_448 : memref<10000x128xf32, #tpu.memory_space<hbm>>) target(%arg8 : memref<100x128xf32, #tpu.memory_space<vmem>>) offsets(%dma_start3A_445 : memref<100xi32, #tpu.memory_space<vmem>>) semaphore(%arg12 : memref<!tpu.dma_semaphore, #tpu.memory_space<semaphore_mem>>)
    %dma_start3A_449 = arith.constant 1 : i32
    %dma_start3A_450 = arith.constant 0 : i32
    %dma_start3A_451 = tpu.memref_slice %arg6[%dma_start3A_449, %dma_start3A_450] : memref<25x100xi32, #tpu.memory_space<vmem>> -> memref<1x100xi32, #tpu.memory_space<vmem>>
    %dma_start3A_452 = tpu.memref_squeeze %dma_start3A_451 : memref<1x100xi32, #tpu.memory_space<vmem>> -> memref<100xi32, #tpu.memory_space<vmem>>
    %dma_start3A_453 = arith.constant 0 : i32
    %dma_start3A_454 = arith.constant 0 : i32
    %dma_start3A_455 = tpu.memref_slice %arg2[%dma_start3A_453, %dma_start3A_454] : memref<10000x128xf32, #tpu.memory_space<hbm>> -> memref<10000x128xf32, #tpu.memory_space<hbm>>
    tpu.enqueue_indirect_dma source(%dma_start3A_455 : memref<10000x128xf32, #tpu.memory_space<hbm>>) target(%arg9 : memref<100x128xf32, #tpu.memory_space<vmem>>) offsets(%dma_start3A_452 : memref<100xi32, #tpu.memory_space<vmem>>) semaphore(%arg13 : memref<!tpu.dma_semaphore, #tpu.memory_space<semaphore_mem>>)
    %dma_start3A_456 = arith.constant 2 : i32
    %dma_start3A_457 = arith.constant 0 : i32
    %dma_start3A_458 = tpu.memref_slice %arg6[%dma_start3A_456, %dma_start3A_457] : memref<25x100xi32, #tpu.memory_space<vmem>> -> memref<1x100xi32, #tpu.memory_space<vmem>>
    %dma_start3A_459 = tpu.memref_squeeze %dma_start3A_458 : memref<1x100xi32, #tpu.memory_space<vmem>> -> memref<100xi32, #tpu.memory_space<vmem>>
    %dma_start3A_460 = arith.constant 0 : i32
    %dma_start3A_461 = arith.constant 0 : i32
    %dma_start3A_462 = tpu.memref_slice %arg2[%dma_start3A_460, %dma_start3A_461] : memref<10000x128xf32, #tpu.memory_space<hbm>> -> memref<10000x128xf32, #tpu.memory_space<hbm>>
    tpu.enqueue_indirect_dma source(%dma_start3A_462 : memref<10000x128xf32, #tpu.memory_space<hbm>>) target(%arg10 : memref<100x128xf32, #tpu.memory_space<vmem>>) offsets(%dma_start3A_459 : memref<100xi32, #tpu.memory_space<vmem>>) semaphore(%arg14 : memref<!tpu.dma_semaphore, #tpu.memory_space<semaphore_mem>>)
    %scan3A_463 = arith.constant 0 : i32
    %scan3A_464 = arith.constant 0 : i32
    %scan3A_465 = arith.constant 8 : i32
    %scan3A_466 = arith.addi %scan3A_464, %scan3A_465 : i32
    %scan3A_467 = arith.constant 1 : i32
    %scan3A_468 = scf.for %scan3A_723 = %scan3A_464 to %scan3A_466 step %scan3A_467 iter_args(%scan3A_724 = %scan3A_463) -> (i32)  : i32 {
      %mul3A_725 = arith.constant 3 : i32
      %mul3A_726 = arith.muli %mul3A_725, %scan3A_723 : i32
      %add3A_727 = arith.constant 0 : i32
      %add3A_728 = arith.addi %mul3A_726, %add3A_727 : i32
      %dma_wait3A_729 = arith.constant 0 : i32
      %dma_wait3A_730 = tpu.memref_slice %arg6[%add3A_728, %dma_wait3A_729] : memref<25x100xi32, #tpu.memory_space<vmem>> -> memref<1x100xi32, #tpu.memory_space<vmem>>
      %dma_wait3A_731 = tpu.memref_squeeze %dma_wait3A_730 : memref<1x100xi32, #tpu.memory_space<vmem>> -> memref<100xi32, #tpu.memory_space<vmem>>
      %dma_wait3A_732 = arith.constant 0 : i32
      %dma_wait3A_733 = arith.constant 0 : i32
      %dma_wait3A_734 = tpu.memref_slice %arg2[%dma_wait3A_732, %dma_wait3A_733] : memref<10000x128xf32, #tpu.memory_space<hbm>> -> memref<10000x128xf32, #tpu.memory_space<hbm>>
      tpu.wait_indirect_dma semaphore(%arg12 : memref<!tpu.dma_semaphore, #tpu.memory_space<semaphore_mem>>) src(%dma_wait3A_734 : memref<10000x128xf32, #tpu.memory_space<hbm>>) dst(%arg8 : memref<100x128xf32, #tpu.memory_space<vmem>>)
      "tpu.region"() ({
        %run_scoped3A_776 = tpu.sem_alloc : memref<!tpu.dma_semaphore, #tpu.memory_space<semaphore_mem>>
        %dma_start3A_777 = arith.constant 0 : i32
        %dma_start3A_778 = tpu.memref_slice %arg7[%add3A_728, %dma_start3A_777] : memref<25x100xi32, #tpu.memory_space<vmem>> -> memref<1x100xi32, #tpu.memory_space<vmem>>
        %dma_start3A_779 = tpu.memref_squeeze %dma_start3A_778 : memref<1x100xi32, #tpu.memory_space<vmem>> -> memref<100xi32, #tpu.memory_space<vmem>>
        %dma_start3A_780 = arith.constant 0 : i32
        %dma_start3A_781 = arith.constant 0 : i32
        %dma_start3A_782 = tpu.memref_slice %arg11[%dma_start3A_780, %dma_start3A_781] : memref<10000x128xf32, #tpu.memory_space<vmem_shared>> -> memref<10000x128xf32, #tpu.memory_space<vmem_shared>>
        tpu.enqueue_indirect_dma source(%arg8 : memref<100x128xf32, #tpu.memory_space<vmem>>) target(%dma_start3A_782 : memref<10000x128xf32, #tpu.memory_space<vmem_shared>>) offsets(%dma_start3A_779 : memref<100xi32, #tpu.memory_space<vmem>>) semaphore(%run_scoped3A_776 : memref<!tpu.dma_semaphore, #tpu.memory_space<semaphore_mem>>) {add = true}
        %dma_wait3A_783 = arith.constant 0 : i32
        %dma_wait3A_784 = tpu.memref_slice %arg7[%add3A_728, %dma_wait3A_783] : memref<25x100xi32, #tpu.memory_space<vmem>> -> memref<1x100xi32, #tpu.memory_space<vmem>>
        %dma_wait3A_785 = tpu.memref_squeeze %dma_wait3A_784 : memref<1x100xi32, #tpu.memory_space<vmem>> -> memref<100xi32, #tpu.memory_space<vmem>>
        %dma_wait3A_786 = arith.constant 0 : i32
        %dma_wait3A_787 = arith.constant 0 : i32
        %dma_wait3A_788 = tpu.memref_slice %arg11[%dma_wait3A_786, %dma_wait3A_787] : memref<10000x128xf32, #tpu.memory_space<vmem_shared>> -> memref<10000x128xf32, #tpu.memory_space<vmem_shared>>
        tpu.wait_indirect_dma semaphore(%run_scoped3A_776 : memref<!tpu.dma_semaphore, #tpu.memory_space<semaphore_mem>>) src(%arg8 : memref<100x128xf32, #tpu.memory_space<vmem>>) dst(%dma_wait3A_788 : memref<10000x128xf32, #tpu.memory_space<vmem_shared>>)
        tpu.yield
      }) : () -> ()
      %add3A_735 = arith.constant 3 : i32
      %add3A_736 = arith.addi %add3A_728, %add3A_735 : i32
      %lt3A = arith.constant 25 : i32
      %lt3A_737 = arith.cmpi slt, %add3A_736, %lt3A : i32
      %convert_element_type3A_738 = arith.extui %lt3A_737 : i1 to i32
      %cond3A_739 = arith.constant 0 : i32
      %cond3A_740 = arith.cmpi ne, %convert_element_type3A_738, %cond3A_739 : i32
      scf.if %cond3A_740 {
        %add3A_776 = arith.constant 3 : i32
        %add3A_777 = arith.addi %add3A_728, %add3A_776 : i32
        %dma_start3A_778 = arith.constant 0 : i32
        %dma_start3A_779 = tpu.memref_slice %arg6[%add3A_777, %dma_start3A_778] : memref<25x100xi32, #tpu.memory_space<vmem>> -> memref<1x100xi32, #tpu.memory_space<vmem>>
        %dma_start3A_780 = tpu.memref_squeeze %dma_start3A_779 : memref<1x100xi32, #tpu.memory_space<vmem>> -> memref<100xi32, #tpu.memory_space<vmem>>
        %dma_start3A_781 = arith.constant 0 : i32
        %dma_start3A_782 = arith.constant 0 : i32
        %dma_start3A_783 = tpu.memref_slice %arg2[%dma_start3A_781, %dma_start3A_782] : memref<10000x128xf32, #tpu.memory_space<hbm>> -> memref<10000x128xf32, #tpu.memory_space<hbm>>
        tpu.enqueue_indirect_dma source(%dma_start3A_783 : memref<10000x128xf32, #tpu.memory_space<hbm>>) target(%arg8 : memref<100x128xf32, #tpu.memory_space<vmem>>) offsets(%dma_start3A_780 : memref<100xi32, #tpu.memory_space<vmem>>) semaphore(%arg12 : memref<!tpu.dma_semaphore, #tpu.memory_space<semaphore_mem>>)
      } else {
      }
      %mul3A_741 = arith.constant 3 : i32
      %mul3A_742 = arith.muli %mul3A_741, %scan3A_723 : i32
      %add3A_743 = arith.constant 1 : i32
      %add3A_744 = arith.addi %mul3A_742, %add3A_743 : i32
      %dma_wait3A_745 = arith.constant 0 : i32
      %dma_wait3A_746 = tpu.memref_slice %arg6[%add3A_744, %dma_wait3A_745] : memref<25x100xi32, #tpu.memory_space<vmem>> -> memref<1x100xi32, #tpu.memory_space<vmem>>
      %dma_wait3A_747 = tpu.memref_squeeze %dma_wait3A_746 : memref<1x100xi32, #tpu.memory_space<vmem>> -> memref<100xi32, #tpu.memory_space<vmem>>
      %dma_wait3A_748 = arith.constant 0 : i32
      %dma_wait3A_749 = arith.constant 0 : i32
      %dma_wait3A_750 = tpu.memref_slice %arg2[%dma_wait3A_748, %dma_wait3A_749] : memref<10000x128xf32, #tpu.memory_space<hbm>> -> memref<10000x128xf32, #tpu.memory_space<hbm>>
      tpu.wait_indirect_dma semaphore(%arg13 : memref<!tpu.dma_semaphore, #tpu.memory_space<semaphore_mem>>) src(%dma_wait3A_750 : memref<10000x128xf32, #tpu.memory_space<hbm>>) dst(%arg9 : memref<100x128xf32, #tpu.memory_space<vmem>>)
      "tpu.region"() ({
        %run_scoped3A_776 = tpu.sem_alloc : memref<!tpu.dma_semaphore, #tpu.memory_space<semaphore_mem>>
        %dma_start3A_777 = arith.constant 0 : i32
        %dma_start3A_778 = tpu.memref_slice %arg7[%add3A_744, %dma_start3A_777] : memref<25x100xi32, #tpu.memory_space<vmem>> -> memref<1x100xi32, #tpu.memory_space<vmem>>
        %dma_start3A_779 = tpu.memref_squeeze %dma_start3A_778 : memref<1x100xi32, #tpu.memory_space<vmem>> -> memref<100xi32, #tpu.memory_space<vmem>>
        %dma_start3A_780 = arith.constant 0 : i32
        %dma_start3A_781 = arith.constant 0 : i32
        %dma_start3A_782 = tpu.memref_slice %arg11[%dma_start3A_780, %dma_start3A_781] : memref<10000x128xf32, #tpu.memory_space<vmem_shared>> -> memref<10000x128xf32, #tpu.memory_space<vmem_shared>>
        tpu.enqueue_indirect_dma source(%arg9 : memref<100x128xf32, #tpu.memory_space<vmem>>) target(%dma_start3A_782 : memref<10000x128xf32, #tpu.memory_space<vmem_shared>>) offsets(%dma_start3A_779 : memref<100xi32, #tpu.memory_space<vmem>>) semaphore(%run_scoped3A_776 : memref<!tpu.dma_semaphore, #tpu.memory_space<semaphore_mem>>) {add = true}
        %dma_wait3A_783 = arith.constant 0 : i32
        %dma_wait3A_784 = tpu.memref_slice %arg7[%add3A_744, %dma_wait3A_783] : memref<25x100xi32, #tpu.memory_space<vmem>> -> memref<1x100xi32, #tpu.memory_space<vmem>>
        %dma_wait3A_785 = tpu.memref_squeeze %dma_wait3A_784 : memref<1x100xi32, #tpu.memory_space<vmem>> -> memref<100xi32, #tpu.memory_space<vmem>>
        %dma_wait3A_786 = arith.constant 0 : i32
        %dma_wait3A_787 = arith.constant 0 : i32
        %dma_wait3A_788 = tpu.memref_slice %arg11[%dma_wait3A_786, %dma_wait3A_787] : memref<10000x128xf32, #tpu.memory_space<vmem_shared>> -> memref<10000x128xf32, #tpu.memory_space<vmem_shared>>
        tpu.wait_indirect_dma semaphore(%run_scoped3A_776 : memref<!tpu.dma_semaphore, #tpu.memory_space<semaphore_mem>>) src(%arg9 : memref<100x128xf32, #tpu.memory_space<vmem>>) dst(%dma_wait3A_788 : memref<10000x128xf32, #tpu.memory_space<vmem_shared>>)
        tpu.yield
      }) : () -> ()
      %add3A_751 = arith.constant 3 : i32
      %add3A_752 = arith.addi %add3A_744, %add3A_751 : i32
      %lt3A_753 = arith.constant 25 : i32
      %lt3A_754 = arith.cmpi slt, %add3A_752, %lt3A_753 : i32
      %convert_element_type3A_755 = arith.extui %lt3A_754 : i1 to i32
      %cond3A_756 = arith.constant 0 : i32
      %cond3A_757 = arith.cmpi ne, %convert_element_type3A_755, %cond3A_756 : i32
      scf.if %cond3A_757 {
        %add3A_776 = arith.constant 3 : i32
        %add3A_777 = arith.addi %add3A_744, %add3A_776 : i32
        %dma_start3A_778 = arith.constant 0 : i32
        %dma_start3A_779 = tpu.memref_slice %arg6[%add3A_777, %dma_start3A_778] : memref<25x100xi32, #tpu.memory_space<vmem>> -> memref<1x100xi32, #tpu.memory_space<vmem>>
        %dma_start3A_780 = tpu.memref_squeeze %dma_start3A_779 : memref<1x100xi32, #tpu.memory_space<vmem>> -> memref<100xi32, #tpu.memory_space<vmem>>
        %dma_start3A_781 = arith.constant 0 : i32
        %dma_start3A_782 = arith.constant 0 : i32
        %dma_start3A_783 = tpu.memref_slice %arg2[%dma_start3A_781, %dma_start3A_782] : memref<10000x128xf32, #tpu.memory_space<hbm>> -> memref<10000x128xf32, #tpu.memory_space<hbm>>
        tpu.enqueue_indirect_dma source(%dma_start3A_783 : memref<10000x128xf32, #tpu.memory_space<hbm>>) target(%arg9 : memref<100x128xf32, #tpu.memory_space<vmem>>) offsets(%dma_start3A_780 : memref<100xi32, #tpu.memory_space<vmem>>) semaphore(%arg13 : memref<!tpu.dma_semaphore, #tpu.memory_space<semaphore_mem>>)
      } else {
      }
      %mul3A_758 = arith.constant 3 : i32
      %mul3A_759 = arith.muli %mul3A_758, %scan3A_723 : i32
      %add3A_760 = arith.constant 2 : i32
      %add3A_761 = arith.addi %mul3A_759, %add3A_760 : i32
      %dma_wait3A_762 = arith.constant 0 : i32
      %dma_wait3A_763 = tpu.memref_slice %arg6[%add3A_761, %dma_wait3A_762] : memref<25x100xi32, #tpu.memory_space<vmem>> -> memref<1x100xi32, #tpu.memory_space<vmem>>
      %dma_wait3A_764 = tpu.memref_squeeze %dma_wait3A_763 : memref<1x100xi32, #tpu.memory_space<vmem>> -> memref<100xi32, #tpu.memory_space<vmem>>
      %dma_wait3A_765 = arith.constant 0 : i32
      %dma_wait3A_766 = arith.constant 0 : i32
      %dma_wait3A_767 = tpu.memref_slice %arg2[%dma_wait3A_765, %dma_wait3A_766] : memref<10000x128xf32, #tpu.memory_space<hbm>> -> memref<10000x128xf32, #tpu.memory_space<hbm>>
      tpu.wait_indirect_dma semaphore(%arg14 : memref<!tpu.dma_semaphore, #tpu.memory_space<semaphore_mem>>) src(%dma_wait3A_767 : memref<10000x128xf32, #tpu.memory_space<hbm>>) dst(%arg10 : memref<100x128xf32, #tpu.memory_space<vmem>>)
      "tpu.region"() ({
        %run_scoped3A_776 = tpu.sem_alloc : memref<!tpu.dma_semaphore, #tpu.memory_space<semaphore_mem>>
        %dma_start3A_777 = arith.constant 0 : i32
        %dma_start3A_778 = tpu.memref_slice %arg7[%add3A_761, %dma_start3A_777] : memref<25x100xi32, #tpu.memory_space<vmem>> -> memref<1x100xi32, #tpu.memory_space<vmem>>
        %dma_start3A_779 = tpu.memref_squeeze %dma_start3A_778 : memref<1x100xi32, #tpu.memory_space<vmem>> -> memref<100xi32, #tpu.memory_space<vmem>>
        %dma_start3A_780 = arith.constant 0 : i32
        %dma_start3A_781 = arith.constant 0 : i32
        %dma_start3A_782 = tpu.memref_slice %arg11[%dma_start3A_780, %dma_start3A_781] : memref<10000x128xf32, #tpu.memory_space<vmem_shared>> -> memref<10000x128xf32, #tpu.memory_space<vmem_shared>>
        tpu.enqueue_indirect_dma source(%arg10 : memref<100x128xf32, #tpu.memory_space<vmem>>) target(%dma_start3A_782 : memref<10000x128xf32, #tpu.memory_space<vmem_shared>>) offsets(%dma_start3A_779 : memref<100xi32, #tpu.memory_space<vmem>>) semaphore(%run_scoped3A_776 : memref<!tpu.dma_semaphore, #tpu.memory_space<semaphore_mem>>) {add = true}
        %dma_wait3A_783 = arith.constant 0 : i32
        %dma_wait3A_784 = tpu.memref_slice %arg7[%add3A_761, %dma_wait3A_783] : memref<25x100xi32, #tpu.memory_space<vmem>> -> memref<1x100xi32, #tpu.memory_space<vmem>>
        %dma_wait3A_785 = tpu.memref_squeeze %dma_wait3A_784 : memref<1x100xi32, #tpu.memory_space<vmem>> -> memref<100xi32, #tpu.memory_space<vmem>>
        %dma_wait3A_786 = arith.constant 0 : i32
        %dma_wait3A_787 = arith.constant 0 : i32
        %dma_wait3A_788 = tpu.memref_slice %arg11[%dma_wait3A_786, %dma_wait3A_787] : memref<10000x128xf32, #tpu.memory_space<vmem_shared>> -> memref<10000x128xf32, #tpu.memory_space<vmem_shared>>
        tpu.wait_indirect_dma semaphore(%run_scoped3A_776 : memref<!tpu.dma_semaphore, #tpu.memory_space<semaphore_mem>>) src(%arg10 : memref<100x128xf32, #tpu.memory_space<vmem>>) dst(%dma_wait3A_788 : memref<10000x128xf32, #tpu.memory_space<vmem_shared>>)
        tpu.yield
      }) : () -> ()
      %add3A_768 = arith.constant 3 : i32
      %add3A_769 = arith.addi %add3A_761, %add3A_768 : i32
      %lt3A_770 = arith.constant 25 : i32
      %lt3A_771 = arith.cmpi slt, %add3A_769, %lt3A_770 : i32
      %convert_element_type3A_772 = arith.extui %lt3A_771 : i1 to i32
      %cond3A_773 = arith.constant 0 : i32
      %cond3A_774 = arith.cmpi ne, %convert_element_type3A_772, %cond3A_773 : i32
      scf.if %cond3A_774 {
        %add3A_776 = arith.constant 3 : i32
        %add3A_777 = arith.addi %add3A_761, %add3A_776 : i32
        %dma_start3A_778 = arith.constant 0 : i32
        %dma_start3A_779 = tpu.memref_slice %arg6[%add3A_777, %dma_start3A_778] : memref<25x100xi32, #tpu.memory_space<vmem>> -> memref<1x100xi32, #tpu.memory_space<vmem>>
        %dma_start3A_780 = tpu.memref_squeeze %dma_start3A_779 : memref<1x100xi32, #tpu.memory_space<vmem>> -> memref<100xi32, #tpu.memory_space<vmem>>
        %dma_start3A_781 = arith.constant 0 : i32
        %dma_start3A_782 = arith.constant 0 : i32
        %dma_start3A_783 = tpu.memref_slice %arg2[%dma_start3A_781, %dma_start3A_782] : memref<10000x128xf32, #tpu.memory_space<hbm>> -> memref<10000x128xf32, #tpu.memory_space<hbm>>
        tpu.enqueue_indirect_dma source(%dma_start3A_783 : memref<10000x128xf32, #tpu.memory_space<hbm>>) target(%arg10 : memref<100x128xf32, #tpu.memory_space<vmem>>) offsets(%dma_start3A_780 : memref<100xi32, #tpu.memory_space<vmem>>) semaphore(%arg14 : memref<!tpu.dma_semaphore, #tpu.memory_space<semaphore_mem>>)
      } else {
      }
      %scan3A_775 = arith.constant 0 : i32
      scf.yield %scan3A_775 : i32
    }
    %scan3A_469 = arith.constant 8 : i32
    %dma_wait3A_470 = arith.constant 24 : i32
    %dma_wait3A_471 = arith.constant 0 : i32
    %dma_wait3A_472 = tpu.memref_slice %arg6[%dma_wait3A_470, %dma_wait3A_471] : memref<25x100xi32, #tpu.memory_space<vmem>> -> memref<1x100xi32, #tpu.memory_space<vmem>>
    %dma_wait3A_473 = tpu.memref_squeeze %dma_wait3A_472 : memref<1x100xi32, #tpu.memory_space<vmem>> -> memref<100xi32, #tpu.memory_space<vmem>>
    %dma_wait3A_474 = arith.constant 0 : i32
    %dma_wait3A_475 = arith.constant 0 : i32
    %dma_wait3A_476 = tpu.memref_slice %arg2[%dma_wait3A_474, %dma_wait3A_475] : memref<10000x128xf32, #tpu.memory_space<hbm>> -> memref<10000x128xf32, #tpu.memory_space<hbm>>
    tpu.wait_indirect_dma semaphore(%arg12 : memref<!tpu.dma_semaphore, #tpu.memory_space<semaphore_mem>>) src(%dma_wait3A_476 : memref<10000x128xf32, #tpu.memory_space<hbm>>) dst(%arg8 : memref<100x128xf32, #tpu.memory_space<vmem>>)
    %run_scoped3A_477 = arith.constant 24 : i32
    "tpu.region"() ({
      %run_scoped3A_723 = tpu.sem_alloc : memref<!tpu.dma_semaphore, #tpu.memory_space<semaphore_mem>>
      %dma_start3A_724 = arith.constant 0 : i32
      %dma_start3A_725 = tpu.memref_slice %arg7[%run_scoped3A_477, %dma_start3A_724] : memref<25x100xi32, #tpu.memory_space<vmem>> -> memref<1x100xi32, #tpu.memory_space<vmem>>
      %dma_start3A_726 = tpu.memref_squeeze %dma_start3A_725 : memref<1x100xi32, #tpu.memory_space<vmem>> -> memref<100xi32, #tpu.memory_space<vmem>>
      %dma_start3A_727 = arith.constant 0 : i32
      %dma_start3A_728 = arith.constant 0 : i32
      %dma_start3A_729 = tpu.memref_slice %arg11[%dma_start3A_727, %dma_start3A_728] : memref<10000x128xf32, #tpu.memory_space<vmem_shared>> -> memref<10000x128xf32, #tpu.memory_space<vmem_shared>>
      tpu.enqueue_indirect_dma source(%arg8 : memref<100x128xf32, #tpu.memory_space<vmem>>) target(%dma_start3A_729 : memref<10000x128xf32, #tpu.memory_space<vmem_shared>>) offsets(%dma_start3A_726 : memref<100xi32, #tpu.memory_space<vmem>>) semaphore(%run_scoped3A_723 : memref<!tpu.dma_semaphore, #tpu.memory_space<semaphore_mem>>) {add = true}
      %dma_wait3A_730 = arith.constant 0 : i32
      %dma_wait3A_731 = tpu.memref_slice %arg7[%run_scoped3A_477, %dma_wait3A_730] : memref<25x100xi32, #tpu.memory_space<vmem>> -> memref<1x100xi32, #tpu.memory_space<vmem>>
      %dma_wait3A_732 = tpu.memref_squeeze %dma_wait3A_731 : memref<1x100xi32, #tpu.memory_space<vmem>> -> memref<100xi32, #tpu.memory_space<vmem>>
      %dma_wait3A_733 = arith.constant 0 : i32
      %dma_wait3A_734 = arith.constant 0 : i32
      %dma_wait3A_735 = tpu.memref_slice %arg11[%dma_wait3A_733, %dma_wait3A_734] : memref<10000x128xf32, #tpu.memory_space<vmem_shared>> -> memref<10000x128xf32, #tpu.memory_space<vmem_shared>>
      tpu.wait_indirect_dma semaphore(%run_scoped3A_723 : memref<!tpu.dma_semaphore, #tpu.memory_space<semaphore_mem>>) src(%arg8 : memref<100x128xf32, #tpu.memory_space<vmem>>) dst(%dma_wait3A_735 : memref<10000x128xf32, #tpu.memory_space<vmem_shared>>)
      tpu.yield
    }) : () -> ()
    %barrier3A_478 = arith.constant 0 : index
    tpu.barrier barrier_id(%barrier3A_478)
    %add3A_479 = arith.constant 0 : i32
    %add3A_480 = arith.addi %multiple_of3A, %add3A_479 : i32
    %add3A_481 = arith.constant 0 : i32
    %add3A_482 = arith.addi %multiple_of3A, %add3A_481 : i32
    %dma_start3A_483 = arith.constant 0 : i32
    %dma_start3A_484 = tpu.memref_slice %arg5[%arg0, %add3A_482, %dma_start3A_483] : memref<2x10000x128xf32, #tpu.memory_space<hbm>> -> memref<1x48x128xf32, #tpu.memory_space<hbm>>
    %dma_start3A_485 = tpu.memref_squeeze %dma_start3A_484 : memref<1x48x128xf32, #tpu.memory_space<hbm>> -> memref<48x128xf32, #tpu.memory_space<hbm>>
    %dma_start3A_486 = arith.constant 0 : i32
    %dma_start3A_487 = tpu.memref_slice %arg11[%add3A_480, %dma_start3A_486] : memref<10000x128xf32, #tpu.memory_space<vmem_shared>> -> memref<48x128xf32, #tpu.memory_space<vmem_shared>>
    tpu.enqueue_dma source(%dma_start3A_487 : memref<48x128xf32, #tpu.memory_space<vmem_shared>>) target(%dma_start3A_485 : memref<48x128xf32, #tpu.memory_space<hbm>>) target_semaphore(%arg12 : memref<!tpu.dma_semaphore, #tpu.memory_space<semaphore_mem>>)
    %add3A_488 = arith.constant 48 : i32
    %add3A_489 = arith.addi %multiple_of3A, %add3A_488 : i32
    %add3A_490 = arith.constant 48 : i32
    %add3A_491 = arith.addi %multiple_of3A, %add3A_490 : i32
    %dma_start3A_492 = arith.constant 0 : i32
    %dma_start3A_493 = tpu.memref_slice %arg5[%arg0, %add3A_491, %dma_start3A_492] : memref<2x10000x128xf32, #tpu.memory_space<hbm>> -> memref<1x48x128xf32, #tpu.memory_space<hbm>>
    %dma_start3A_494 = tpu.memref_squeeze %dma_start3A_493 : memref<1x48x128xf32, #tpu.memory_space<hbm>> -> memref<48x128xf32, #tpu.memory_space<hbm>>
    %dma_start3A_495 = arith.constant 0 : i32
    %dma_start3A_496 = tpu.memref_slice %arg11[%add3A_489, %dma_start3A_495] : memref<10000x128xf32, #tpu.memory_space<vmem_shared>> -> memref<48x128xf32, #tpu.memory_space<vmem_shared>>
    tpu.enqueue_dma source(%dma_start3A_496 : memref<48x128xf32, #tpu.memory_space<vmem_shared>>) target(%dma_start3A_494 : memref<48x128xf32, #tpu.memory_space<hbm>>) target_semaphore(%arg12 : memref<!tpu.dma_semaphore, #tpu.memory_space<semaphore_mem>>)
    %add3A_497 = arith.constant 96 : i32
    %add3A_498 = arith.addi %multiple_of3A, %add3A_497 : i32
    %add3A_499 = arith.constant 96 : i32
    %add3A_500 = arith.addi %multiple_of3A, %add3A_499 : i32
    %dma_start3A_501 = arith.constant 0 : i32
    %dma_start3A_502 = tpu.memref_slice %arg5[%arg0, %add3A_500, %dma_start3A_501] : memref<2x10000x128xf32, #tpu.memory_space<hbm>> -> memref<1x48x128xf32, #tpu.memory_space<hbm>>
    %dma_start3A_503 = tpu.memref_squeeze %dma_start3A_502 : memref<1x48x128xf32, #tpu.memory_space<hbm>> -> memref<48x128xf32, #tpu.memory_space<hbm>>
    %dma_start3A_504 = arith.constant 0 : i32
    %dma_start3A_505 = tpu.memref_slice %arg11[%add3A_498, %dma_start3A_504] : memref<10000x128xf32, #tpu.memory_space<vmem_shared>> -> memref<48x128xf32, #tpu.memory_space<vmem_shared>>
    tpu.enqueue_dma source(%dma_start3A_505 : memref<48x128xf32, #tpu.memory_space<vmem_shared>>) target(%dma_start3A_503 : memref<48x128xf32, #tpu.memory_space<hbm>>) target_semaphore(%arg12 : memref<!tpu.dma_semaphore, #tpu.memory_space<semaphore_mem>>)
    %add3A_506 = arith.constant 144 : i32
    %add3A_507 = arith.addi %multiple_of3A, %add3A_506 : i32
    %add3A_508 = arith.constant 144 : i32
    %add3A_509 = arith.addi %multiple_of3A, %add3A_508 : i32
    %dma_start3A_510 = arith.constant 0 : i32
    %dma_start3A_511 = tpu.memref_slice %arg5[%arg0, %add3A_509, %dma_start3A_510] : memref<2x10000x128xf32, #tpu.memory_space<hbm>> -> memref<1x48x128xf32, #tpu.memory_space<hbm>>
    %dma_start3A_512 = tpu.memref_squeeze %dma_start3A_511 : memref<1x48x128xf32, #tpu.memory_space<hbm>> -> memref<48x128xf32, #tpu.memory_space<hbm>>
    %dma_start3A_513 = arith.constant 0 : i32
    %dma_start3A_514 = tpu.memref_slice %arg11[%add3A_507, %dma_start3A_513] : memref<10000x128xf32, #tpu.memory_space<vmem_shared>> -> memref<48x128xf32, #tpu.memory_space<vmem_shared>>
    tpu.enqueue_dma source(%dma_start3A_514 : memref<48x128xf32, #tpu.memory_space<vmem_shared>>) target(%dma_start3A_512 : memref<48x128xf32, #tpu.memory_space<hbm>>) target_semaphore(%arg12 : memref<!tpu.dma_semaphore, #tpu.memory_space<semaphore_mem>>)
    %add3A_515 = arith.constant 192 : i32
    %add3A_516 = arith.addi %multiple_of3A, %add3A_515 : i32
    %add3A_517 = arith.constant 192 : i32
    %add3A_518 = arith.addi %multiple_of3A, %add3A_517 : i32
    %dma_start3A_519 = arith.constant 0 : i32
    %dma_start3A_520 = tpu.memref_slice %arg5[%arg0, %add3A_518, %dma_start3A_519] : memref<2x10000x128xf32, #tpu.memory_space<hbm>> -> memref<1x48x128xf32, #tpu.memory_space<hbm>>
    %dma_start3A_521 = tpu.memref_squeeze %dma_start3A_520 : memref<1x48x128xf32, #tpu.memory_space<hbm>> -> memref<48x128xf32, #tpu.memory_space<hbm>>
    %dma_start3A_522 = arith.constant 0 : i32
    %dma_start3A_523 = tpu.memref_slice %arg11[%add3A_516, %dma_start3A_522] : memref<10000x128xf32, #tpu.memory_space<vmem_shared>> -> memref<48x128xf32, #tpu.memory_space<vmem_shared>>
    tpu.enqueue_dma source(%dma_start3A_523 : memref<48x128xf32, #tpu.memory_space<vmem_shared>>) target(%dma_start3A_521 : memref<48x128xf32, #tpu.memory_space<hbm>>) target_semaphore(%arg12 : memref<!tpu.dma_semaphore, #tpu.memory_space<semaphore_mem>>)
    %add3A_524 = arith.constant 240 : i32
    %add3A_525 = arith.addi %multiple_of3A, %add3A_524 : i32
    %add3A_526 = arith.constant 240 : i32
    %add3A_527 = arith.addi %multiple_of3A, %add3A_526 : i32
    %dma_start3A_528 = arith.constant 0 : i32
    %dma_start3A_529 = tpu.memref_slice %arg5[%arg0, %add3A_527, %dma_start3A_528] : memref<2x10000x128xf32, #tpu.memory_space<hbm>> -> memref<1x48x128xf32, #tpu.memory_space<hbm>>
    %dma_start3A_530 = tpu.memref_squeeze %dma_start3A_529 : memref<1x48x128xf32, #tpu.memory_space<hbm>> -> memref<48x128xf32, #tpu.memory_space<hbm>>
    %dma_start3A_531 = arith.constant 0 : i32
    %dma_start3A_532 = tpu.memref_slice %arg11[%add3A_525, %dma_start3A_531] : memref<10000x128xf32, #tpu.memory_space<vmem_shared>> -> memref<48x128xf32, #tpu.memory_space<vmem_shared>>
    tpu.enqueue_dma source(%dma_start3A_532 : memref<48x128xf32, #tpu.memory_space<vmem_shared>>) target(%dma_start3A_530 : memref<48x128xf32, #tpu.memory_space<hbm>>) target_semaphore(%arg12 : memref<!tpu.dma_semaphore, #tpu.memory_space<semaphore_mem>>)
    %add3A_533 = arith.constant 288 : i32
    %add3A_534 = arith.addi %multiple_of3A, %add3A_533 : i32
    %add3A_535 = arith.constant 288 : i32
    %add3A_536 = arith.addi %multiple_of3A, %add3A_535 : i32
    %dma_start3A_537 = arith.constant 0 : i32
    %dma_start3A_538 = tpu.memref_slice %arg5[%arg0, %add3A_536, %dma_start3A_537] : memref<2x10000x128xf32, #tpu.memory_space<hbm>> -> memref<1x48x128xf32, #tpu.memory_space<hbm>>
    %dma_start3A_539 = tpu.memref_squeeze %dma_start3A_538 : memref<1x48x128xf32, #tpu.memory_space<hbm>> -> memref<48x128xf32, #tpu.memory_space<hbm>>
    %dma_start3A_540 = arith.constant 0 : i32
    %dma_start3A_541 = tpu.memref_slice %arg11[%add3A_534, %dma_start3A_540] : memref<10000x128xf32, #tpu.memory_space<vmem_shared>> -> memref<48x128xf32, #tpu.memory_space<vmem_shared>>
    tpu.enqueue_dma source(%dma_start3A_541 : memref<48x128xf32, #tpu.memory_space<vmem_shared>>) target(%dma_start3A_539 : memref<48x128xf32, #tpu.memory_space<hbm>>) target_semaphore(%arg12 : memref<!tpu.dma_semaphore, #tpu.memory_space<semaphore_mem>>)
    %add3A_542 = arith.constant 336 : i32
    %add3A_543 = arith.addi %multiple_of3A, %add3A_542 : i32
    %add3A_544 = arith.constant 336 : i32
    %add3A_545 = arith.addi %multiple_of3A, %add3A_544 : i32
    %dma_start3A_546 = arith.constant 0 : i32
    %dma_start3A_547 = tpu.memref_slice %arg5[%arg0, %add3A_545, %dma_start3A_546] : memref<2x10000x128xf32, #tpu.memory_space<hbm>> -> memref<1x48x128xf32, #tpu.memory_space<hbm>>
    %dma_start3A_548 = tpu.memref_squeeze %dma_start3A_547 : memref<1x48x128xf32, #tpu.memory_space<hbm>> -> memref<48x128xf32, #tpu.memory_space<hbm>>
    %dma_start3A_549 = arith.constant 0 : i32
    %dma_start3A_550 = tpu.memref_slice %arg11[%add3A_543, %dma_start3A_549] : memref<10000x128xf32, #tpu.memory_space<vmem_shared>> -> memref<48x128xf32, #tpu.memory_space<vmem_shared>>
    tpu.enqueue_dma source(%dma_start3A_550 : memref<48x128xf32, #tpu.memory_space<vmem_shared>>) target(%dma_start3A_548 : memref<48x128xf32, #tpu.memory_space<hbm>>) target_semaphore(%arg12 : memref<!tpu.dma_semaphore, #tpu.memory_space<semaphore_mem>>)
    %add3A_551 = arith.constant 384 : i32
    %add3A_552 = arith.addi %multiple_of3A, %add3A_551 : i32
    %add3A_553 = arith.constant 384 : i32
    %add3A_554 = arith.addi %multiple_of3A, %add3A_553 : i32
    %dma_start3A_555 = arith.constant 0 : i32
    %dma_start3A_556 = tpu.memref_slice %arg5[%arg0, %add3A_554, %dma_start3A_555] : memref<2x10000x128xf32, #tpu.memory_space<hbm>> -> memref<1x48x128xf32, #tpu.memory_space<hbm>>
    %dma_start3A_557 = tpu.memref_squeeze %dma_start3A_556 : memref<1x48x128xf32, #tpu.memory_space<hbm>> -> memref<48x128xf32, #tpu.memory_space<hbm>>
    %dma_start3A_558 = arith.constant 0 : i32
    %dma_start3A_559 = tpu.memref_slice %arg11[%add3A_552, %dma_start3A_558] : memref<10000x128xf32, #tpu.memory_space<vmem_shared>> -> memref<48x128xf32, #tpu.memory_space<vmem_shared>>
    tpu.enqueue_dma source(%dma_start3A_559 : memref<48x128xf32, #tpu.memory_space<vmem_shared>>) target(%dma_start3A_557 : memref<48x128xf32, #tpu.memory_space<hbm>>) target_semaphore(%arg12 : memref<!tpu.dma_semaphore, #tpu.memory_space<semaphore_mem>>)
    %add3A_560 = arith.constant 432 : i32
    %add3A_561 = arith.addi %multiple_of3A, %add3A_560 : i32
    %add3A_562 = arith.constant 432 : i32
    %add3A_563 = arith.addi %multiple_of3A, %add3A_562 : i32
    %dma_start3A_564 = arith.constant 0 : i32
    %dma_start3A_565 = tpu.memref_slice %arg5[%arg0, %add3A_563, %dma_start3A_564] : memref<2x10000x128xf32, #tpu.memory_space<hbm>> -> memref<1x48x128xf32, #tpu.memory_space<hbm>>
    %dma_start3A_566 = tpu.memref_squeeze %dma_start3A_565 : memref<1x48x128xf32, #tpu.memory_space<hbm>> -> memref<48x128xf32, #tpu.memory_space<hbm>>
    %dma_start3A_567 = arith.constant 0 : i32
    %dma_start3A_568 = tpu.memref_slice %arg11[%add3A_561, %dma_start3A_567] : memref<10000x128xf32, #tpu.memory_space<vmem_shared>> -> memref<48x128xf32, #tpu.memory_space<vmem_shared>>
    tpu.enqueue_dma source(%dma_start3A_568 : memref<48x128xf32, #tpu.memory_space<vmem_shared>>) target(%dma_start3A_566 : memref<48x128xf32, #tpu.memory_space<hbm>>) target_semaphore(%arg12 : memref<!tpu.dma_semaphore, #tpu.memory_space<semaphore_mem>>)
    %add3A_569 = arith.constant 480 : i32
    %add3A_570 = arith.addi %multiple_of3A, %add3A_569 : i32
    %add3A_571 = arith.constant 480 : i32
    %add3A_572 = arith.addi %multiple_of3A, %add3A_571 : i32
    %dma_start3A_573 = arith.constant 0 : i32
    %dma_start3A_574 = tpu.memref_slice %arg5[%arg0, %add3A_572, %dma_start3A_573] : memref<2x10000x128xf32, #tpu.memory_space<hbm>> -> memref<1x48x128xf32, #tpu.memory_space<hbm>>
    %dma_start3A_575 = tpu.memref_squeeze %dma_start3A_574 : memref<1x48x128xf32, #tpu.memory_space<hbm>> -> memref<48x128xf32, #tpu.memory_space<hbm>>
    %dma_start3A_576 = arith.constant 0 : i32
    %dma_start3A_577 = tpu.memref_slice %arg11[%add3A_570, %dma_start3A_576] : memref<10000x128xf32, #tpu.memory_space<vmem_shared>> -> memref<48x128xf32, #tpu.memory_space<vmem_shared>>
    tpu.enqueue_dma source(%dma_start3A_577 : memref<48x128xf32, #tpu.memory_space<vmem_shared>>) target(%dma_start3A_575 : memref<48x128xf32, #tpu.memory_space<hbm>>) target_semaphore(%arg12 : memref<!tpu.dma_semaphore, #tpu.memory_space<semaphore_mem>>)
    %add3A_578 = arith.constant 528 : i32
    %add3A_579 = arith.addi %multiple_of3A, %add3A_578 : i32
    %add3A_580 = arith.constant 528 : i32
    %add3A_581 = arith.addi %multiple_of3A, %add3A_580 : i32
    %dma_start3A_582 = arith.constant 0 : i32
    %dma_start3A_583 = tpu.memref_slice %arg5[%arg0, %add3A_581, %dma_start3A_582] : memref<2x10000x128xf32, #tpu.memory_space<hbm>> -> memref<1x48x128xf32, #tpu.memory_space<hbm>>
    %dma_start3A_584 = tpu.memref_squeeze %dma_start3A_583 : memref<1x48x128xf32, #tpu.memory_space<hbm>> -> memref<48x128xf32, #tpu.memory_space<hbm>>
    %dma_start3A_585 = arith.constant 0 : i32
    %dma_start3A_586 = tpu.memref_slice %arg11[%add3A_579, %dma_start3A_585] : memref<10000x128xf32, #tpu.memory_space<vmem_shared>> -> memref<48x128xf32, #tpu.memory_space<vmem_shared>>
    tpu.enqueue_dma source(%dma_start3A_586 : memref<48x128xf32, #tpu.memory_space<vmem_shared>>) target(%dma_start3A_584 : memref<48x128xf32, #tpu.memory_space<hbm>>) target_semaphore(%arg12 : memref<!tpu.dma_semaphore, #tpu.memory_space<semaphore_mem>>)
    %add3A_587 = arith.constant 576 : i32
    %add3A_588 = arith.addi %multiple_of3A, %add3A_587 : i32
    %add3A_589 = arith.constant 576 : i32
    %add3A_590 = arith.addi %multiple_of3A, %add3A_589 : i32
    %dma_start3A_591 = arith.constant 0 : i32
    %dma_start3A_592 = tpu.memref_slice %arg5[%arg0, %add3A_590, %dma_start3A_591] : memref<2x10000x128xf32, #tpu.memory_space<hbm>> -> memref<1x48x128xf32, #tpu.memory_space<hbm>>
    %dma_start3A_593 = tpu.memref_squeeze %dma_start3A_592 : memref<1x48x128xf32, #tpu.memory_space<hbm>> -> memref<48x128xf32, #tpu.memory_space<hbm>>
    %dma_start3A_594 = arith.constant 0 : i32
    %dma_start3A_595 = tpu.memref_slice %arg11[%add3A_588, %dma_start3A_594] : memref<10000x128xf32, #tpu.memory_space<vmem_shared>> -> memref<48x128xf32, #tpu.memory_space<vmem_shared>>
    tpu.enqueue_dma source(%dma_start3A_595 : memref<48x128xf32, #tpu.memory_space<vmem_shared>>) target(%dma_start3A_593 : memref<48x128xf32, #tpu.memory_space<hbm>>) target_semaphore(%arg12 : memref<!tpu.dma_semaphore, #tpu.memory_space<semaphore_mem>>)
    %eq3A_596 = arith.constant 15 : i32
    %eq3A_597 = arith.cmpi eq, %arg1, %eq3A_596 : i32
    %convert_element_type3A_598 = arith.extui %eq3A_597 : i1 to i32
    %cond3A_599 = arith.constant 0 : i32
    %cond3A_600 = arith.cmpi ne, %convert_element_type3A_598, %cond3A_599 : i32
    scf.if %cond3A_600 {
      %dma_start3A_723 = arith.constant 9984 : i32
      %dma_start3A_724 = arith.constant 0 : i32
      %dma_start3A_725 = tpu.memref_slice %arg5[%arg0, %dma_start3A_723, %dma_start3A_724] : memref<2x10000x128xf32, #tpu.memory_space<hbm>> -> memref<1x16x128xf32, #tpu.memory_space<hbm>>
      %dma_start3A_726 = tpu.memref_squeeze %dma_start3A_725 : memref<1x16x128xf32, #tpu.memory_space<hbm>> -> memref<16x128xf32, #tpu.memory_space<hbm>>
      %dma_start3A_727 = arith.constant 9984 : i32
      %dma_start3A_728 = arith.constant 0 : i32
      %dma_start3A_729 = tpu.memref_slice %arg11[%dma_start3A_727, %dma_start3A_728] : memref<10000x128xf32, #tpu.memory_space<vmem_shared>> -> memref<16x128xf32, #tpu.memory_space<vmem_shared>>
      tpu.enqueue_dma source(%dma_start3A_729 : memref<16x128xf32, #tpu.memory_space<vmem_shared>>) target(%dma_start3A_726 : memref<16x128xf32, #tpu.memory_space<hbm>>) target_semaphore(%arg13 : memref<!tpu.dma_semaphore, #tpu.memory_space<semaphore_mem>>)
    } else {
    }
    %add3A_601 = arith.constant 0 : i32
    %add3A_602 = arith.addi %multiple_of3A, %add3A_601 : i32
    %add3A_603 = arith.constant 0 : i32
    %add3A_604 = arith.addi %multiple_of3A, %add3A_603 : i32
    %dma_wait3A_605 = arith.constant 0 : i32
    %dma_wait3A_606 = tpu.memref_slice %arg5[%arg0, %add3A_604, %dma_wait3A_605] : memref<2x10000x128xf32, #tpu.memory_space<hbm>> -> memref<1x48x128xf32, #tpu.memory_space<hbm>>
    %dma_wait3A_607 = tpu.memref_squeeze %dma_wait3A_606 : memref<1x48x128xf32, #tpu.memory_space<hbm>> -> memref<48x128xf32, #tpu.memory_space<hbm>>
    %dma_wait3A_608 = arith.constant 0 : i32
    %dma_wait3A_609 = tpu.memref_slice %arg11[%add3A_602, %dma_wait3A_608] : memref<10000x128xf32, #tpu.memory_space<vmem_shared>> -> memref<48x128xf32, #tpu.memory_space<vmem_shared>>
    tpu.wait_dma2 semaphore(%arg12 : memref<!tpu.dma_semaphore, #tpu.memory_space<semaphore_mem>>) src(%dma_wait3A_609 : memref<48x128xf32, #tpu.memory_space<vmem_shared>>) dst(%dma_wait3A_607 : memref<48x128xf32, #tpu.memory_space<hbm>>)
    %add3A_610 = arith.constant 48 : i32
    %add3A_611 = arith.addi %multiple_of3A, %add3A_610 : i32
    %add3A_612 = arith.constant 48 : i32
    %add3A_613 = arith.addi %multiple_of3A, %add3A_612 : i32
    %dma_wait3A_614 = arith.constant 0 : i32
    %dma_wait3A_615 = tpu.memref_slice %arg5[%arg0, %add3A_613, %dma_wait3A_614] : memref<2x10000x128xf32, #tpu.memory_space<hbm>> -> memref<1x48x128xf32, #tpu.memory_space<hbm>>
    %dma_wait3A_616 = tpu.memref_squeeze %dma_wait3A_615 : memref<1x48x128xf32, #tpu.memory_space<hbm>> -> memref<48x128xf32, #tpu.memory_space<hbm>>
    %dma_wait3A_617 = arith.constant 0 : i32
    %dma_wait3A_618 = tpu.memref_slice %arg11[%add3A_611, %dma_wait3A_617] : memref<10000x128xf32, #tpu.memory_space<vmem_shared>> -> memref<48x128xf32, #tpu.memory_space<vmem_shared>>
    tpu.wait_dma2 semaphore(%arg12 : memref<!tpu.dma_semaphore, #tpu.memory_space<semaphore_mem>>) src(%dma_wait3A_618 : memref<48x128xf32, #tpu.memory_space<vmem_shared>>) dst(%dma_wait3A_616 : memref<48x128xf32, #tpu.memory_space<hbm>>)
    %add3A_619 = arith.constant 96 : i32
    %add3A_620 = arith.addi %multiple_of3A, %add3A_619 : i32
    %add3A_621 = arith.constant 96 : i32
    %add3A_622 = arith.addi %multiple_of3A, %add3A_621 : i32
    %dma_wait3A_623 = arith.constant 0 : i32
    %dma_wait3A_624 = tpu.memref_slice %arg5[%arg0, %add3A_622, %dma_wait3A_623] : memref<2x10000x128xf32, #tpu.memory_space<hbm>> -> memref<1x48x128xf32, #tpu.memory_space<hbm>>
    %dma_wait3A_625 = tpu.memref_squeeze %dma_wait3A_624 : memref<1x48x128xf32, #tpu.memory_space<hbm>> -> memref<48x128xf32, #tpu.memory_space<hbm>>
    %dma_wait3A_626 = arith.constant 0 : i32
    %dma_wait3A_627 = tpu.memref_slice %arg11[%add3A_620, %dma_wait3A_626] : memref<10000x128xf32, #tpu.memory_space<vmem_shared>> -> memref<48x128xf32, #tpu.memory_space<vmem_shared>>
    tpu.wait_dma2 semaphore(%arg12 : memref<!tpu.dma_semaphore, #tpu.memory_space<semaphore_mem>>) src(%dma_wait3A_627 : memref<48x128xf32, #tpu.memory_space<vmem_shared>>) dst(%dma_wait3A_625 : memref<48x128xf32, #tpu.memory_space<hbm>>)
    %add3A_628 = arith.constant 144 : i32
    %add3A_629 = arith.addi %multiple_of3A, %add3A_628 : i32
    %add3A_630 = arith.constant 144 : i32
    %add3A_631 = arith.addi %multiple_of3A, %add3A_630 : i32
    %dma_wait3A_632 = arith.constant 0 : i32
    %dma_wait3A_633 = tpu.memref_slice %arg5[%arg0, %add3A_631, %dma_wait3A_632] : memref<2x10000x128xf32, #tpu.memory_space<hbm>> -> memref<1x48x128xf32, #tpu.memory_space<hbm>>
    %dma_wait3A_634 = tpu.memref_squeeze %dma_wait3A_633 : memref<1x48x128xf32, #tpu.memory_space<hbm>> -> memref<48x128xf32, #tpu.memory_space<hbm>>
    %dma_wait3A_635 = arith.constant 0 : i32
    %dma_wait3A_636 = tpu.memref_slice %arg11[%add3A_629, %dma_wait3A_635] : memref<10000x128xf32, #tpu.memory_space<vmem_shared>> -> memref<48x128xf32, #tpu.memory_space<vmem_shared>>
    tpu.wait_dma2 semaphore(%arg12 : memref<!tpu.dma_semaphore, #tpu.memory_space<semaphore_mem>>) src(%dma_wait3A_636 : memref<48x128xf32, #tpu.memory_space<vmem_shared>>) dst(%dma_wait3A_634 : memref<48x128xf32, #tpu.memory_space<hbm>>)
    %add3A_637 = arith.constant 192 : i32
    %add3A_638 = arith.addi %multiple_of3A, %add3A_637 : i32
    %add3A_639 = arith.constant 192 : i32
    %add3A_640 = arith.addi %multiple_of3A, %add3A_639 : i32
    %dma_wait3A_641 = arith.constant 0 : i32
    %dma_wait3A_642 = tpu.memref_slice %arg5[%arg0, %add3A_640, %dma_wait3A_641] : memref<2x10000x128xf32, #tpu.memory_space<hbm>> -> memref<1x48x128xf32, #tpu.memory_space<hbm>>
    %dma_wait3A_643 = tpu.memref_squeeze %dma_wait3A_642 : memref<1x48x128xf32, #tpu.memory_space<hbm>> -> memref<48x128xf32, #tpu.memory_space<hbm>>
    %dma_wait3A_644 = arith.constant 0 : i32
    %dma_wait3A_645 = tpu.memref_slice %arg11[%add3A_638, %dma_wait3A_644] : memref<10000x128xf32, #tpu.memory_space<vmem_shared>> -> memref<48x128xf32, #tpu.memory_space<vmem_shared>>
    tpu.wait_dma2 semaphore(%arg12 : memref<!tpu.dma_semaphore, #tpu.memory_space<semaphore_mem>>) src(%dma_wait3A_645 : memref<48x128xf32, #tpu.memory_space<vmem_shared>>) dst(%dma_wait3A_643 : memref<48x128xf32, #tpu.memory_space<hbm>>)
    %add3A_646 = arith.constant 240 : i32
    %add3A_647 = arith.addi %multiple_of3A, %add3A_646 : i32
    %add3A_648 = arith.constant 240 : i32
    %add3A_649 = arith.addi %multiple_of3A, %add3A_648 : i32
    %dma_wait3A_650 = arith.constant 0 : i32
    %dma_wait3A_651 = tpu.memref_slice %arg5[%arg0, %add3A_649, %dma_wait3A_650] : memref<2x10000x128xf32, #tpu.memory_space<hbm>> -> memref<1x48x128xf32, #tpu.memory_space<hbm>>
    %dma_wait3A_652 = tpu.memref_squeeze %dma_wait3A_651 : memref<1x48x128xf32, #tpu.memory_space<hbm>> -> memref<48x128xf32, #tpu.memory_space<hbm>>
    %dma_wait3A_653 = arith.constant 0 : i32
    %dma_wait3A_654 = tpu.memref_slice %arg11[%add3A_647, %dma_wait3A_653] : memref<10000x128xf32, #tpu.memory_space<vmem_shared>> -> memref<48x128xf32, #tpu.memory_space<vmem_shared>>
    tpu.wait_dma2 semaphore(%arg12 : memref<!tpu.dma_semaphore, #tpu.memory_space<semaphore_mem>>) src(%dma_wait3A_654 : memref<48x128xf32, #tpu.memory_space<vmem_shared>>) dst(%dma_wait3A_652 : memref<48x128xf32, #tpu.memory_space<hbm>>)
    %add3A_655 = arith.constant 288 : i32
    %add3A_656 = arith.addi %multiple_of3A, %add3A_655 : i32
    %add3A_657 = arith.constant 288 : i32
    %add3A_658 = arith.addi %multiple_of3A, %add3A_657 : i32
    %dma_wait3A_659 = arith.constant 0 : i32
    %dma_wait3A_660 = tpu.memref_slice %arg5[%arg0, %add3A_658, %dma_wait3A_659] : memref<2x10000x128xf32, #tpu.memory_space<hbm>> -> memref<1x48x128xf32, #tpu.memory_space<hbm>>
    %dma_wait3A_661 = tpu.memref_squeeze %dma_wait3A_660 : memref<1x48x128xf32, #tpu.memory_space<hbm>> -> memref<48x128xf32, #tpu.memory_space<hbm>>
    %dma_wait3A_662 = arith.constant 0 : i32
    %dma_wait3A_663 = tpu.memref_slice %arg11[%add3A_656, %dma_wait3A_662] : memref<10000x128xf32, #tpu.memory_space<vmem_shared>> -> memref<48x128xf32, #tpu.memory_space<vmem_shared>>
    tpu.wait_dma2 semaphore(%arg12 : memref<!tpu.dma_semaphore, #tpu.memory_space<semaphore_mem>>) src(%dma_wait3A_663 : memref<48x128xf32, #tpu.memory_space<vmem_shared>>) dst(%dma_wait3A_661 : memref<48x128xf32, #tpu.memory_space<hbm>>)
    %add3A_664 = arith.constant 336 : i32
    %add3A_665 = arith.addi %multiple_of3A, %add3A_664 : i32
    %add3A_666 = arith.constant 336 : i32
    %add3A_667 = arith.addi %multiple_of3A, %add3A_666 : i32
    %dma_wait3A_668 = arith.constant 0 : i32
    %dma_wait3A_669 = tpu.memref_slice %arg5[%arg0, %add3A_667, %dma_wait3A_668] : memref<2x10000x128xf32, #tpu.memory_space<hbm>> -> memref<1x48x128xf32, #tpu.memory_space<hbm>>
    %dma_wait3A_670 = tpu.memref_squeeze %dma_wait3A_669 : memref<1x48x128xf32, #tpu.memory_space<hbm>> -> memref<48x128xf32, #tpu.memory_space<hbm>>
    %dma_wait3A_671 = arith.constant 0 : i32
    %dma_wait3A_672 = tpu.memref_slice %arg11[%add3A_665, %dma_wait3A_671] : memref<10000x128xf32, #tpu.memory_space<vmem_shared>> -> memref<48x128xf32, #tpu.memory_space<vmem_shared>>
    tpu.wait_dma2 semaphore(%arg12 : memref<!tpu.dma_semaphore, #tpu.memory_space<semaphore_mem>>) src(%dma_wait3A_672 : memref<48x128xf32, #tpu.memory_space<vmem_shared>>) dst(%dma_wait3A_670 : memref<48x128xf32, #tpu.memory_space<hbm>>)
    %add3A_673 = arith.constant 384 : i32
    %add3A_674 = arith.addi %multiple_of3A, %add3A_673 : i32
    %add3A_675 = arith.constant 384 : i32
    %add3A_676 = arith.addi %multiple_of3A, %add3A_675 : i32
    %dma_wait3A_677 = arith.constant 0 : i32
    %dma_wait3A_678 = tpu.memref_slice %arg5[%arg0, %add3A_676, %dma_wait3A_677] : memref<2x10000x128xf32, #tpu.memory_space<hbm>> -> memref<1x48x128xf32, #tpu.memory_space<hbm>>
    %dma_wait3A_679 = tpu.memref_squeeze %dma_wait3A_678 : memref<1x48x128xf32, #tpu.memory_space<hbm>> -> memref<48x128xf32, #tpu.memory_space<hbm>>
    %dma_wait3A_680 = arith.constant 0 : i32
    %dma_wait3A_681 = tpu.memref_slice %arg11[%add3A_674, %dma_wait3A_680] : memref<10000x128xf32, #tpu.memory_space<vmem_shared>> -> memref<48x128xf32, #tpu.memory_space<vmem_shared>>
    tpu.wait_dma2 semaphore(%arg12 : memref<!tpu.dma_semaphore, #tpu.memory_space<semaphore_mem>>) src(%dma_wait3A_681 : memref<48x128xf32, #tpu.memory_space<vmem_shared>>) dst(%dma_wait3A_679 : memref<48x128xf32, #tpu.memory_space<hbm>>)
    %add3A_682 = arith.constant 432 : i32
    %add3A_683 = arith.addi %multiple_of3A, %add3A_682 : i32
    %add3A_684 = arith.constant 432 : i32
    %add3A_685 = arith.addi %multiple_of3A, %add3A_684 : i32
    %dma_wait3A_686 = arith.constant 0 : i32
    %dma_wait3A_687 = tpu.memref_slice %arg5[%arg0, %add3A_685, %dma_wait3A_686] : memref<2x10000x128xf32, #tpu.memory_space<hbm>> -> memref<1x48x128xf32, #tpu.memory_space<hbm>>
    %dma_wait3A_688 = tpu.memref_squeeze %dma_wait3A_687 : memref<1x48x128xf32, #tpu.memory_space<hbm>> -> memref<48x128xf32, #tpu.memory_space<hbm>>
    %dma_wait3A_689 = arith.constant 0 : i32
    %dma_wait3A_690 = tpu.memref_slice %arg11[%add3A_683, %dma_wait3A_689] : memref<10000x128xf32, #tpu.memory_space<vmem_shared>> -> memref<48x128xf32, #tpu.memory_space<vmem_shared>>
    tpu.wait_dma2 semaphore(%arg12 : memref<!tpu.dma_semaphore, #tpu.memory_space<semaphore_mem>>) src(%dma_wait3A_690 : memref<48x128xf32, #tpu.memory_space<vmem_shared>>) dst(%dma_wait3A_688 : memref<48x128xf32, #tpu.memory_space<hbm>>)
    %add3A_691 = arith.constant 480 : i32
    %add3A_692 = arith.addi %multiple_of3A, %add3A_691 : i32
    %add3A_693 = arith.constant 480 : i32
    %add3A_694 = arith.addi %multiple_of3A, %add3A_693 : i32
    %dma_wait3A_695 = arith.constant 0 : i32
    %dma_wait3A_696 = tpu.memref_slice %arg5[%arg0, %add3A_694, %dma_wait3A_695] : memref<2x10000x128xf32, #tpu.memory_space<hbm>> -> memref<1x48x128xf32, #tpu.memory_space<hbm>>
    %dma_wait3A_697 = tpu.memref_squeeze %dma_wait3A_696 : memref<1x48x128xf32, #tpu.memory_space<hbm>> -> memref<48x128xf32, #tpu.memory_space<hbm>>
    %dma_wait3A_698 = arith.constant 0 : i32
    %dma_wait3A_699 = tpu.memref_slice %arg11[%add3A_692, %dma_wait3A_698] : memref<10000x128xf32, #tpu.memory_space<vmem_shared>> -> memref<48x128xf32, #tpu.memory_space<vmem_shared>>
    tpu.wait_dma2 semaphore(%arg12 : memref<!tpu.dma_semaphore, #tpu.memory_space<semaphore_mem>>) src(%dma_wait3A_699 : memref<48x128xf32, #tpu.memory_space<vmem_shared>>) dst(%dma_wait3A_697 : memref<48x128xf32, #tpu.memory_space<hbm>>)
    %add3A_700 = arith.constant 528 : i32
    %add3A_701 = arith.addi %multiple_of3A, %add3A_700 : i32
    %add3A_702 = arith.constant 528 : i32
    %add3A_703 = arith.addi %multiple_of3A, %add3A_702 : i32
    %dma_wait3A_704 = arith.constant 0 : i32
    %dma_wait3A_705 = tpu.memref_slice %arg5[%arg0, %add3A_703, %dma_wait3A_704] : memref<2x10000x128xf32, #tpu.memory_space<hbm>> -> memref<1x48x128xf32, #tpu.memory_space<hbm>>
    %dma_wait3A_706 = tpu.memref_squeeze %dma_wait3A_705 : memref<1x48x128xf32, #tpu.memory_space<hbm>> -> memref<48x128xf32, #tpu.memory_space<hbm>>
    %dma_wait3A_707 = arith.constant 0 : i32
    %dma_wait3A_708 = tpu.memref_slice %arg11[%add3A_701, %dma_wait3A_707] : memref<10000x128xf32, #tpu.memory_space<vmem_shared>> -> memref<48x128xf32, #tpu.memory_space<vmem_shared>>
    tpu.wait_dma2 semaphore(%arg12 : memref<!tpu.dma_semaphore, #tpu.memory_space<semaphore_mem>>) src(%dma_wait3A_708 : memref<48x128xf32, #tpu.memory_space<vmem_shared>>) dst(%dma_wait3A_706 : memref<48x128xf32, #tpu.memory_space<hbm>>)
    %add3A_709 = arith.constant 576 : i32
    %add3A_710 = arith.addi %multiple_of3A, %add3A_709 : i32
    %add3A_711 = arith.constant 576 : i32
    %add3A_712 = arith.addi %multiple_of3A, %add3A_711 : i32
    %dma_wait3A_713 = arith.constant 0 : i32
    %dma_wait3A_714 = tpu.memref_slice %arg5[%arg0, %add3A_712, %dma_wait3A_713] : memref<2x10000x128xf32, #tpu.memory_space<hbm>> -> memref<1x48x128xf32, #tpu.memory_space<hbm>>
    %dma_wait3A_715 = tpu.memref_squeeze %dma_wait3A_714 : memref<1x48x128xf32, #tpu.memory_space<hbm>> -> memref<48x128xf32, #tpu.memory_space<hbm>>
    %dma_wait3A_716 = arith.constant 0 : i32
    %dma_wait3A_717 = tpu.memref_slice %arg11[%add3A_710, %dma_wait3A_716] : memref<10000x128xf32, #tpu.memory_space<vmem_shared>> -> memref<48x128xf32, #tpu.memory_space<vmem_shared>>
    tpu.wait_dma2 semaphore(%arg12 : memref<!tpu.dma_semaphore, #tpu.memory_space<semaphore_mem>>) src(%dma_wait3A_717 : memref<48x128xf32, #tpu.memory_space<vmem_shared>>) dst(%dma_wait3A_715 : memref<48x128xf32, #tpu.memory_space<hbm>>)
    %eq3A_718 = arith.constant 15 : i32
    %eq3A_719 = arith.cmpi eq, %arg1, %eq3A_718 : i32
    %convert_element_type3A_720 = arith.extui %eq3A_719 : i1 to i32
    %cond3A_721 = arith.constant 0 : i32
    %cond3A_722 = arith.cmpi ne, %convert_element_type3A_720, %cond3A_721 : i32
    scf.if %cond3A_722 {
      %dma_wait3A_723 = arith.constant 9984 : i32
      %dma_wait3A_724 = arith.constant 0 : i32
      %dma_wait3A_725 = tpu.memref_slice %arg5[%arg0, %dma_wait3A_723, %dma_wait3A_724] : memref<2x10000x128xf32, #tpu.memory_space<hbm>> -> memref<1x16x128xf32, #tpu.memory_space<hbm>>
      %dma_wait3A_726 = tpu.memref_squeeze %dma_wait3A_725 : memref<1x16x128xf32, #tpu.memory_space<hbm>> -> memref<16x128xf32, #tpu.memory_space<hbm>>
      %dma_wait3A_727 = arith.constant 9984 : i32
      %dma_wait3A_728 = arith.constant 0 : i32
      %dma_wait3A_729 = tpu.memref_slice %arg11[%dma_wait3A_727, %dma_wait3A_728] : memref<10000x128xf32, #tpu.memory_space<vmem_shared>> -> memref<16x128xf32, #tpu.memory_space<vmem_shared>>
      tpu.wait_dma2 semaphore(%arg13 : memref<!tpu.dma_semaphore, #tpu.memory_space<semaphore_mem>>) src(%dma_wait3A_729 : memref<16x128xf32, #tpu.memory_space<vmem_shared>>) dst(%dma_wait3A_726 : memref<16x128xf32, #tpu.memory_space<hbm>>)
    } else {
    }
    return
  }
}

#map = affine_map<(d0, d1) -> (0)>
module attributes {stable_mosaic.version = 14 : i64} {
  func.func @_deg_body(%arg0: i32, %arg1: i32, %arg2: memref<320000xi32, #tpu.memory_space<hbm>>, %arg3: memref<20480xf32, #tpu.memory_space<hbm>>, %arg4: memref<10000xi32, #tpu.memory_space<vmem>>, %arg5: memref<10000xf32, #tpu.memory_space<vmem>>, %arg6: memref<10240xf32, #tpu.memory_space<vmem>>, %arg7: memref<10240xf32, #tpu.memory_space<vmem_shared>>) attributes {dimension_semantics = [#tpu.dimension_semantics<core_parallel>, #tpu.dimension_semantics<subcore_parallel>], iteration_bounds = array<i64: 2, 16>, scalar_prefetch = 0 : i64, scratch_operands = 4 : i64, tpu.core_type = #tpu.core_type<sc_vector_subcore>, window_params = [{transform_indices = #map}, {transform_indices = #map}]} {
    %mul3A = arith.constant 2 : i32
    %mul3A_0 = arith.muli %arg1, %mul3A : i32
    %add3A = arith.addi %mul3A_0, %arg0 : i32
    %mul3A_1 = arith.constant 10000 : i32
    %mul3A_2 = arith.muli %add3A, %mul3A_1 : i32
    %multiple_of3A = tpu.assume_multiple %mul3A_2, 8 : i32
    "tpu.region"() ({
      %run_scoped3A = tpu.sem_alloc : memref<!tpu.dma_semaphore, #tpu.memory_space<semaphore_mem>>
      %dma_start3A = tpu.memref_slice %arg2[%multiple_of3A] : memref<320000xi32, #tpu.memory_space<hbm>> -> memref<10000xi32, #tpu.memory_space<hbm>>
      %dma_start3A_18 = tpu.memref_slice %arg2[%multiple_of3A] : memref<320000xi32, #tpu.memory_space<hbm>> -> memref<10000xi32, #tpu.memory_space<hbm>>
      tpu.enqueue_dma source(%dma_start3A_18 : memref<10000xi32, #tpu.memory_space<hbm>>) target(%arg4 : memref<10000xi32, #tpu.memory_space<vmem>>) target_semaphore(%run_scoped3A : memref<!tpu.dma_semaphore, #tpu.memory_space<semaphore_mem>>)
      %dma_wait3A = tpu.memref_slice %arg2[%multiple_of3A] : memref<320000xi32, #tpu.memory_space<hbm>> -> memref<10000xi32, #tpu.memory_space<hbm>>
      %dma_wait3A_19 = tpu.memref_slice %arg2[%multiple_of3A] : memref<320000xi32, #tpu.memory_space<hbm>> -> memref<10000xi32, #tpu.memory_space<hbm>>
      tpu.wait_dma2 semaphore(%run_scoped3A : memref<!tpu.dma_semaphore, #tpu.memory_space<semaphore_mem>>) src(%dma_wait3A_19 : memref<10000xi32, #tpu.memory_space<hbm>>) dst(%arg4 : memref<10000xi32, #tpu.memory_space<vmem>>)
      tpu.yield
    }) : () -> ()
    %broadcast_in_dim3A = arith.constant 1.000000e+00 : f32
    %broadcast_in_dim3A_3 = vector.broadcast %broadcast_in_dim3A : f32 to vector<16xf32>
    %scan3A = arith.constant 0 : i32
    %scan3A_4 = arith.constant 0 : i32
    %scan3A_5 = arith.constant 625 : i32
    %scan3A_6 = arith.addi %scan3A_4, %scan3A_5 : i32
    %scan3A_7 = arith.constant 1 : i32
    %scan3A_8 = scf.for %scan3A_18 = %scan3A_4 to %scan3A_6 step %scan3A_7 iter_args(%scan3A_19 = %scan3A) -> (i32)  : i32 {
      %mul3A_20 = arith.constant 16 : i32
      %mul3A_21 = arith.muli %scan3A_18, %mul3A_20 : i32
      %swap3A = arith.index_cast %mul3A_21 : i32 to index
      %swap3A_22 = tpu.vector_load %arg5[%swap3A] {strides = array<i32>} : memref<10000xf32, #tpu.memory_space<vmem>>, vector<16xf32>,
      %swap3A_23 = vector.shape_cast %swap3A_22 : vector<16xf32> to vector<16xf32>
      %swap3A_24 = vector.shape_cast %broadcast_in_dim3A_3 : vector<16xf32> to vector<16xf32>
      tpu.vector_store %arg5[%swap3A], %swap3A_24 {strides = array<i32>} : memref<10000xf32, #tpu.memory_space<vmem>>, vector<16xf32>,
      %scan3A_25 = arith.constant 0 : i32
      scf.yield %scan3A_25 : i32
    }
    %scan3A_9 = arith.constant 625 : i32
    %eq3A = arith.constant 0 : i32
    %eq3A_10 = arith.cmpi eq, %arg1, %eq3A : i32
    %convert_element_type3A = arith.extui %eq3A_10 : i1 to i32
    %cond3A = arith.constant 0 : i32
    %cond3A_11 = arith.cmpi ne, %convert_element_type3A, %cond3A : i32
    scf.if %cond3A_11 {
      %broadcast_in_dim3A_18 = arith.constant 0.000000e+00 : f32
      %broadcast_in_dim3A_19 = vector.broadcast %broadcast_in_dim3A_18 : f32 to vector<16xf32>
      %scan3A_20 = arith.constant 0 : i32
      %scan3A_21 = arith.constant 0 : i32
      %scan3A_22 = arith.constant 640 : i32
      %scan3A_23 = arith.addi %scan3A_21, %scan3A_22 : i32
      %scan3A_24 = arith.constant 1 : i32
      %scan3A_25 = scf.for %scan3A_27 = %scan3A_21 to %scan3A_23 step %scan3A_24 iter_args(%scan3A_28 = %scan3A_20) -> (i32)  : i32 {
        %mul3A_29 = arith.constant 16 : i32
        %mul3A_30 = arith.muli %scan3A_27, %mul3A_29 : i32
        %swap3A = arith.index_cast %mul3A_30 : i32 to index
        %swap3A_31 = tpu.vector_load %arg6[%swap3A] {strides = array<i32>} : memref<10240xf32, #tpu.memory_space<vmem>>, vector<16xf32>,
        %swap3A_32 = vector.shape_cast %swap3A_31 : vector<16xf32> to vector<16xf32>
        %swap3A_33 = vector.shape_cast %broadcast_in_dim3A_19 : vector<16xf32> to vector<16xf32>
        tpu.vector_store %arg6[%swap3A], %swap3A_33 {strides = array<i32>} : memref<10240xf32, #tpu.memory_space<vmem>>, vector<16xf32>,
        %scan3A_34 = arith.constant 0 : i32
        scf.yield %scan3A_34 : i32
      }
      %scan3A_26 = arith.constant 640 : i32
      "tpu.region"() ({
        %run_scoped3A = tpu.sem_alloc : memref<!tpu.dma_semaphore, #tpu.memory_space<semaphore_mem>>
        tpu.enqueue_dma source(%arg6 : memref<10240xf32, #tpu.memory_space<vmem>>) target(%arg7 : memref<10240xf32, #tpu.memory_space<vmem_shared>>) target_semaphore(%run_scoped3A : memref<!tpu.dma_semaphore, #tpu.memory_space<semaphore_mem>>)
        tpu.wait_dma2 semaphore(%run_scoped3A : memref<!tpu.dma_semaphore, #tpu.memory_space<semaphore_mem>>) src(%arg6 : memref<10240xf32, #tpu.memory_space<vmem>>) dst(%arg7 : memref<10240xf32, #tpu.memory_space<vmem_shared>>)
        tpu.yield
      }) : () -> ()
    } else {
    }
    %barrier3A = arith.constant 0 : index
    tpu.barrier barrier_id(%barrier3A)
    "tpu.region"() ({
      %run_scoped3A = tpu.sem_alloc : memref<!tpu.dma_semaphore, #tpu.memory_space<semaphore_mem>>
      %dma_start3A = arith.constant 0 : i32
      %dma_start3A_18 = tpu.memref_slice %arg7[%dma_start3A] : memref<10240xf32, #tpu.memory_space<vmem_shared>> -> memref<10240xf32, #tpu.memory_space<vmem_shared>>
      tpu.enqueue_indirect_dma source(%arg5 : memref<10000xf32, #tpu.memory_space<vmem>>) target(%dma_start3A_18 : memref<10240xf32, #tpu.memory_space<vmem_shared>>) offsets(%arg4 : memref<10000xi32, #tpu.memory_space<vmem>>) semaphore(%run_scoped3A : memref<!tpu.dma_semaphore, #tpu.memory_space<semaphore_mem>>) {add = true}
      %dma_wait3A = arith.constant 0 : i32
      %dma_wait3A_19 = tpu.memref_slice %arg7[%dma_wait3A] : memref<10240xf32, #tpu.memory_space<vmem_shared>> -> memref<10240xf32, #tpu.memory_space<vmem_shared>>
      tpu.wait_indirect_dma semaphore(%run_scoped3A : memref<!tpu.dma_semaphore, #tpu.memory_space<semaphore_mem>>) src(%arg5 : memref<10000xf32, #tpu.memory_space<vmem>>) dst(%dma_wait3A_19 : memref<10240xf32, #tpu.memory_space<vmem_shared>>)
      tpu.yield
    }) : () -> ()
    %barrier3A_12 = arith.constant 0 : index
    tpu.barrier barrier_id(%barrier3A_12)
    %eq3A_13 = arith.constant 0 : i32
    %eq3A_14 = arith.cmpi eq, %arg1, %eq3A_13 : i32
    %convert_element_type3A_15 = arith.extui %eq3A_14 : i1 to i32
    %cond3A_16 = arith.constant 0 : i32
    %cond3A_17 = arith.cmpi ne, %convert_element_type3A_15, %cond3A_16 : i32
    scf.if %cond3A_17 {
      %mul3A_18 = arith.constant 10240 : i32
      %mul3A_19 = arith.muli %arg0, %mul3A_18 : i32
      %multiple_of3A_20 = tpu.assume_multiple %mul3A_19, 10240 : i32
      "tpu.region"() ({
        %run_scoped3A = tpu.sem_alloc : memref<!tpu.dma_semaphore, #tpu.memory_space<semaphore_mem>>
        %dma_start3A = tpu.memref_slice %arg3[%multiple_of3A_20] : memref<20480xf32, #tpu.memory_space<hbm>> -> memref<10240xf32, #tpu.memory_space<hbm>>
        tpu.enqueue_dma source(%arg7 : memref<10240xf32, #tpu.memory_space<vmem_shared>>) target(%dma_start3A : memref<10240xf32, #tpu.memory_space<hbm>>) target_semaphore(%run_scoped3A : memref<!tpu.dma_semaphore, #tpu.memory_space<semaphore_mem>>)
        %dma_wait3A = tpu.memref_slice %arg3[%multiple_of3A_20] : memref<20480xf32, #tpu.memory_space<hbm>> -> memref<10240xf32, #tpu.memory_space<hbm>>
        tpu.wait_dma2 semaphore(%run_scoped3A : memref<!tpu.dma_semaphore, #tpu.memory_space<semaphore_mem>>) src(%arg7 : memref<10240xf32, #tpu.memory_space<vmem_shared>>) dst(%dma_wait3A : memref<10240xf32, #tpu.memory_space<hbm>>)
        tpu.yield
      }) : () -> ()
    } else {
    }
    return
  }
}

module attributes {stable_mosaic.version = 14 : i64} {
  func.func @_mm_body(%arg0: i32, %arg1: memref<1000x128xf32, #tpu.memory_space<vmem>>, %arg2: memref<1000x1xf32, #tpu.memory_space<vmem>>, %arg3: memref<1000x1xf32, #tpu.memory_space<vmem>>, %arg4: memref<128x128xf32, #tpu.memory_space<vmem>>, %arg5: memref<1000x128xf32, #tpu.memory_space<vmem>>) attributes {dimension_semantics = [#tpu.dimension_semantics<arbitrary>], iteration_bounds = array<i64: 10>, scalar_prefetch = 0 : i64, scratch_operands = 0 : i64, tpu.core_type = #tpu.core_type<tc>, window_params = [{transform_indices = @transform_0, window_bounds = array<i64: 1000, 128>}, {transform_indices = @transform_1, window_bounds = array<i64: 1000, 1>}, {transform_indices = @transform_2, window_bounds = array<i64: 1000, 1>}, {pipeline_mode = #tpu.pipeline_mode<synchronous>, transform_indices = @transform_3, window_bounds = array<i64: 128, 128>}, {transform_indices = @transform_4, window_bounds = array<i64: 1000, 128>}]} {
    %get3A = arith.constant 0 : index
    %get3A_0 = arith.constant 0 : index
    %get3A_1 = vector.load %arg2[%get3A, %get3A_0] : memref<1000x1xf32, #tpu.memory_space<vmem>>, vector<1000x1xf32>
    %get3A_2 = arith.constant 0 : index
    %get3A_3 = arith.constant 0 : index
    %get3A_4 = vector.load %arg3[%get3A_2, %get3A_3] : memref<1000x1xf32, #tpu.memory_space<vmem>>, vector<1000x1xf32>
    %add3A = arith.addf %get3A_1, %get3A_4 : vector<1000x1xf32>
    %max3A = arith.constant 1.000000e+00 : f32
    %max3A_5 = vector.broadcast %max3A : f32 to vector<1000x1xf32>
    %max3A_6 = arith.maximumf %add3A, %max3A_5 : vector<1000x1xf32>
    %rsqrt3A = math.rsqrt %max3A_6 : vector<1000x1xf32>
    %get3A_7 = arith.constant 0 : index
    %get3A_8 = arith.constant 0 : index
    %get3A_9 = vector.load %arg1[%get3A_7, %get3A_8] : memref<1000x128xf32, #tpu.memory_space<vmem>>, vector<1000x128xf32>
    %mul3A = vector.broadcast %rsqrt3A : vector<1000x1xf32> to vector<1000x128xf32>
    %mul3A_10 = arith.mulf %get3A_9, %mul3A : vector<1000x128xf32>
    %get3A_11 = arith.constant 0 : index
    %get3A_12 = arith.constant 0 : index
    %get3A_13 = vector.load %arg4[%get3A_11, %get3A_12] : memref<128x128xf32, #tpu.memory_space<vmem>>, vector<128x128xf32>
    %dot_general3A = arith.constant dense<0.000000e+00> : vector<1000x128xf32>
    %dot_general3A_14 = tpu.matmul %mul3A_10, %get3A_13, %dot_general3A {dimension_numbers = #tpu.dot_dimension_numbers<[1], [1], [0], [0], [0, 0, 1, 0], [], []>, transpose_lhs_hint = false} : vector<1000x128xf32>, vector<128x128xf32>, vector<1000x128xf32> -> vector<1000x128xf32>
    %swap3A = arith.constant 0 : index
    %swap3A_15 = arith.constant 0 : index
    %swap3A_16 = vector.load %arg5[%swap3A, %swap3A_15] : memref<1000x128xf32, #tpu.memory_space<vmem>>, vector<1000x128xf32>
    tpu.vector_store %arg5[%swap3A, %swap3A_15], %dot_general3A_14 {strides = array<i32>} : memref<1000x128xf32, #tpu.memory_space<vmem>>, vector<1000x128xf32>,
    return
  }
  func.func @transform_0(%arg0: i32) -> (i32, i32) {
    %c0_i32 = arith.constant 0 : i32
    %c0_i32_0 = arith.constant 0 : i32
    return %arg0, %c0_i32 : i32, i32
  }
  func.func @transform_1(%arg0: i32) -> (i32, i32) {
    %c0_i32 = arith.constant 0 : i32
    %c0_i32_0 = arith.constant 0 : i32
    return %arg0, %c0_i32 : i32, i32
  }
  func.func @transform_2(%arg0: i32) -> (i32, i32) {
    %c0_i32 = arith.constant 0 : i32
    %c0_i32_0 = arith.constant 0 : i32
    return %arg0, %c0_i32 : i32, i32
  }
  func.func @transform_3(%arg0: i32) -> (i32, i32) {
    %c0_i32 = arith.constant 0 : i32
    %c0_i32_0 = arith.constant 0 : i32
    %c0_i32_1 = arith.constant 0 : i32
    return %c0_i32, %c0_i32_0 : i32, i32
  }
  func.func @transform_4(%arg0: i32) -> (i32, i32) {
    %c0_i32 = arith.constant 0 : i32
    %c0_i32_0 = arith.constant 0 : i32
    return %arg0, %c0_i32 : i32, i32
  }
}

module attributes {stable_mosaic.version = 14 : i64} {
  func.func @_fin_body(%arg0: i32, %arg1: memref<2x1000x128xf32, #tpu.memory_space<vmem>>, %arg2: memref<128x128xf32, #tpu.memory_space<vmem>>, %arg3: memref<1x128xf32, #tpu.memory_space<vmem>>, %arg4: memref<1000x128xf32, #tpu.memory_space<vmem>>) attributes {dimension_semantics = [#tpu.dimension_semantics<arbitrary>], iteration_bounds = array<i64: 10>, scalar_prefetch = 0 : i64, scratch_operands = 0 : i64, tpu.core_type = #tpu.core_type<tc>, window_params = [{transform_indices = @transform_0, window_bounds = array<i64: 2, 1000, 128>}, {pipeline_mode = #tpu.pipeline_mode<synchronous>, transform_indices = @transform_1, window_bounds = array<i64: 128, 128>}, {pipeline_mode = #tpu.pipeline_mode<synchronous>, transform_indices = @transform_2, window_bounds = array<i64: 1, 128>}, {transform_indices = @transform_3, window_bounds = array<i64: 1000, 128>}]} {
    %get3A = arith.constant 0 : index
    %get3A_0 = arith.constant 0 : index
    %get3A_1 = vector.load %arg2[%get3A, %get3A_0] : memref<128x128xf32, #tpu.memory_space<vmem>>, vector<128x128xf32>
    %reduce_sum3A = arith.constant dense<0.000000e+00> : vector<128xf32>
    %reduce_sum3A_2 = vector.multi_reduction <add>, %get3A_1, %reduce_sum3A [1] : vector<128x128xf32> to vector<128xf32>
    %get3A_3 = arith.constant 0 : index
    %get3A_4 = arith.constant 0 : index
    %get3A_5 = vector.load %arg3[%get3A_3, %get3A_4] : memref<1x128xf32, #tpu.memory_space<vmem>>, vector<1x128xf32>
    %get3A_6 = vector.shape_cast %get3A_5 : vector<1x128xf32> to vector<128xf32>
    %add3A = arith.addf %reduce_sum3A_2, %get3A_6 : vector<128xf32>
    %get3A_7 = arith.constant 0 : index
    %get3A_8 = arith.constant 0 : index
    %get3A_9 = arith.constant 0 : index
    %get3A_10 = vector.load %arg1[%get3A_7, %get3A_8, %get3A_9] : memref<2x1000x128xf32, #tpu.memory_space<vmem>>, vector<1x1000x128xf32>
    %get3A_11 = vector.shape_cast %get3A_10 : vector<1x1000x128xf32> to vector<1000x128xf32>
    %get3A_12 = arith.constant 1 : index
    %get3A_13 = arith.constant 0 : index
    %get3A_14 = arith.constant 0 : index
    %get3A_15 = vector.load %arg1[%get3A_12, %get3A_13, %get3A_14] : memref<2x1000x128xf32, #tpu.memory_space<vmem>>, vector<1x1000x128xf32>
    %get3A_16 = vector.shape_cast %get3A_15 : vector<1x1000x128xf32> to vector<1000x128xf32>
    %add3A_17 = arith.addf %get3A_11, %get3A_16 : vector<1000x128xf32>
    %broadcast_in_dim3A = vector.shape_cast %add3A : vector<128xf32> to vector<1x128xf32>
    %add3A_18 = vector.broadcast %broadcast_in_dim3A : vector<1x128xf32> to vector<1000x128xf32>
    %add3A_19 = arith.addf %add3A_17, %add3A_18 : vector<1000x128xf32>
    %swap3A = arith.constant 0 : index
    %swap3A_20 = arith.constant 0 : index
    %swap3A_21 = vector.load %arg4[%swap3A, %swap3A_20] : memref<1000x128xf32, #tpu.memory_space<vmem>>, vector<1000x128xf32>
    tpu.vector_store %arg4[%swap3A, %swap3A_20], %add3A_19 {strides = array<i32>} : memref<1000x128xf32, #tpu.memory_space<vmem>>, vector<1000x128xf32>,
    return
  }
  func.func @transform_0(%arg0: i32) -> (i32, i32, i32) {
    %c0_i32 = arith.constant 0 : i32
    %c0_i32_0 = arith.constant 0 : i32
    %c0_i32_1 = arith.constant 0 : i32
    return %c0_i32, %arg0, %c0_i32_0 : i32, i32, i32
  }
  func.func @transform_1(%arg0: i32) -> (i32, i32) {
    %c0_i32 = arith.constant 0 : i32
    %c0_i32_0 = arith.constant 0 : i32
    %c0_i32_1 = arith.constant 0 : i32
    return %c0_i32, %c0_i32_0 : i32, i32
  }
  func.func @transform_2(%arg0: i32) -> (i32, i32) {
    %c0_i32 = arith.constant 0 : i32
    %c0_i32_0 = arith.constant 0 : i32
    %c0_i32_1 = arith.constant 0 : i32
    return %c0_i32, %c0_i32_0 : i32, i32
  }
  func.func @transform_3(%arg0: i32) -> (i32, i32) {
    %c0_i32 = arith.constant 0 : i32
    %c0_i32_0 = arith.constant 0 : i32
    return %arg0, %c0_i32 : i32, i32
  }
}

</mosaic_0001>

<sc_bundles>
// kernel: kernel.6.cloned.1.call-start
scs
__scs_entry_jumppad:
0x0: {  	(pc) =	sbr.rel $0x88, $3  }
0x1: {  	(tag) =	ssettag $0x0;
	lr =	simm.s32 $0x1  }
0x2: {  	[smem:$0x3F9D] =	sst lr;
	_ =	strace $0xD0000000  }
0x3: {  	_ = 	snop  }
0x4: {  	_ = 	snop  }
0x5: {  	_ = 	snop  }
0x6: {  	_ = 	snop  }
0x7: {  	_ = 	snop  }
__scs_overlays_trampoline_lowered:
0x8: {  	[smem:$0x3FAC] =	sst s0  }
0x9: {  	[smem:$0x3FAD] =	sst s1  }
0xa: {  	[smem:$0x3FAE] =	sst s2  }
0xb: {  	[smem:$0x3FAF] =	sst s3  }
0xc: {  	[smem:$0x3FB0] =	sst s4  }
0xd: {  	[smem:$0x3FB1] =	sst s5  }
0xe: {  	[smem:$0x3FB2] =	sst s6  }
0xf: {  	[smem:$0x3FB3] =	sst s7  }
0x10: {  	[smem:$0x3FB4] =	sst s8  }
0x11: {  	[smem:$0x3FB5] =	sst s9;
	s0 =	simm.s32 @!p0 $0x0  }
0x12: {  	s1 =	sld [smem:$0x3F9B];
	s0 =	simm.s32 @p0 $0x1  }
0x13: {  	[smem:$0x3FB6] =	sst s0;
	s0 =	simm.s32 @!p1 $0x0  }
0x14: {  	s2 =	sld [smem:$0x3F9A];
	s0 =	simm.s32 @p1 $0x1  }
0x15: {  	[smem:$0x3FB7] =	sst s0;
	s0 =	simm.s32 @!p2 $0x0  }
0x16: {  	s3 =	sld [smem:$0x3FDB];
	s0 =	simm.s32 @p2 $0x1  }
0x17: {  	s4 =	simm.s32 $0x1BF5;
	[smem:$0x3FB9] =	sst s0  }
0x18: {  	s0 =	sld [smem:$0x3F9C];
	_ =	swait.ge [sflag:s4], $0x0  }
0x19: {  	s7 =	sld [smem:$0x3F9D]  }
0x1a: {  	s8 =	sadd.s32 $0xFFFFE003, lr  }
0x1b: {  	s9 =	sadd.s32 $0xFFFFFEF7, lr;
	s5 =	simm.s32 $0xFFFFFFFF;
	p2 =	slt.u32 s8, $0xFFFFF086  }
0x1c: {  	p1 =	slt.u32 s9, $0xF7A;
	s5 =	simm.s32 @!p2 $0x0  }
0x1d: {  	s5 =	simm.s32 @p1 $0x1;
	p0 =	seq.s32 s7, s2  }
0x1e: {  	s7 =	smul.u32 @!p0 $0xF7A, s2;
	p2 =	seq.s32 @!p0 s5, $0x0  }
0x1f: {  	s9 =	smul.u32 $0xF7A, s1;
	s8 =	simm.s32 @!p0 $0x1BF5;
	p2 =	por !p2, p0  }
0x20: {  	[sflag:s8] =	ssyncset.s32 @!p0 $0xFFFFF086;
	s6 =	sadd.s32 @!p0 s3, s7;
	s7 =	simm.s32 @!p0 $0x108  }
0x21: {  	s3 =	sadd.s32 s3, s9;
	s6 =	sadd.s32 @!p0 $0x88, s6;
	s7 =	simm.s32 @p2 $0x1082  }
0x22: {  	[simem:s7], [sflag:s8] =	dma.local @!p0 [hbm:s6], $0xF7A  }
0x23: {  	s9 =	sor.u32 $0xD0000000, s2;
	s6 =	simm.s32 $0x108;
	_ =	swait.ge @!p0 [sflag:s8], $0x0  }
0x24: {  	s3 =	sadd.s32 $0x88, s3;
	s6 =	simm.s32 @!p1 $0x1082;
	[sflag:s4] =	ssyncset.s32 $0xFFFFF086  }
0x25: {  	[simem:s6], [sflag:s4] =	dma.local [hbm:s3], $0xF7A  }
0x26: {  	[smem:$0x3F9D] =	sst s1;
	(tag) =	ssettag s2;
	_ =	strace s9  }
0x27: {  	s1 =	sld [smem:$0x3FAD]  }
0x28: {  	s2 =	sld [smem:$0x3FAE]  }
0x29: {  	s4 =	sld [smem:$0x3FB0]  }
0x2a: {  	p0 =	seq.s32 s5, $0x0;
	s5 =	sld [smem:$0x3FB1]  }
0x2b: {  	s6 =	sld [smem:$0x3FB2]  }
0x2c: {  	s7 =	sld [smem:$0x3FB3]  }
0x2d: {  	s3 =	simm.s32 $0x108;
	s8 =	sld [smem:$0x3FB4]  }
0x2e: {  	s3 =	simm.s32 @!p0 $0x1082;
	s9 =	sld [smem:$0x3FB5]  }
0x2f: {  	lr =	sadd.s32 s0, s3;
	s0 =	sld [smem:$0x3FAC]  }
0x30: {  	s3 =	sld [smem:$0x3FAF]  }
0x31: {  	[smem:$0x3FB8] =	sst s10  }
0x32: {  	s10 =	sld [smem:$0x3FB6];
	_ =	sdelay $0x3  }
0x33: {  	p0 =	seq.s32 s10, $0x1;
	s10 =	sld [smem:$0x3FB8];
	_ =	sdelay $0x3  }
0x34: {  	[smem:$0x3FB8] =	sst s10  }
0x35: {  	s10 =	sld [smem:$0x3FB7];
	_ =	sdelay $0x3  }
0x36: {  	p1 =	seq.s32 s10, $0x1;
	s10 =	sld [smem:$0x3FB8];
	_ =	sdelay $0x3  }
0x37: {  	[smem:$0x3FB8] =	sst s10  }
0x38: {  	s10 =	sld [smem:$0x3FB9]  }
0x39: {  	_ = 	snop;
	(pc) =	sbr.ind lr, $3  }
0x3a: {  	_ = 	snop  }
0x3b: {  	_ = 	snop  }
0x3c: {  	p2 =	seq.s32 s10, $0x1;
	s10 =	sld [smem:$0x3FB8]  }
0x3d: {  	_ =	shalt  }
0x3e: {  	_ =	shalt  }
0x3f: {  	_ =	shalt  }
0x40: {  	_ =	shalt  }
0x41: {  	_ =	shalt  }
0x42: {  	_ =	shalt  }
0x43: {  	_ =	shalt  }
0x44: {  	_ =	shalt  }
0x45: {  	_ =	shalt  }
0x46: {  	_ =	shalt  }
0x47: {  	_ =	shalt  }
0x48: {  	_ =	shalt  }
0x49: {  	_ =	shalt  }
0x4a: {  	_ =	shalt  }
0x4b: {  	_ =	shalt  }
0x4c: {  	_ =	shalt  }
0x4d: {  	_ =	shalt  }
0x4e: {  	_ =	shalt  }
0x4f: {  	_ =	shalt  }
0x50: {  	_ =	shalt  }
0x51: {  	_ =	shalt  }
0x52: {  	_ =	shalt  }
0x53: {  	_ =	shalt  }
0x54: {  	_ =	shalt  }
0x55: {  	_ =	shalt  }
0x56: {  	_ =	shalt  }
0x57: {  	_ =	shalt  }
0x58: {  	_ =	shalt  }
0x59: {  	_ =	shalt  }
0x5a: {  	_ =	shalt  }
0x5b: {  	_ =	shalt  }
0x5c: {  	_ =	shalt  }
0x5d: {  	_ =	shalt  }
0x5e: {  	_ =	shalt  }
0x5f: {  	_ =	shalt  }
0x60: {  	_ =	shalt  }
0x61: {  	_ =	shalt  }
0x62: {  	_ =	shalt  }
0x63: {  	_ =	shalt  }
0x64: {  	_ =	shalt  }
0x65: {  	_ =	shalt  }
0x66: {  	_ =	shalt  }
0x67: {  	_ =	shalt  }
0x68: {  	_ =	shalt  }
0x69: {  	_ =	shalt  }
0x6a: {  	_ =	shalt  }
0x6b: {  	_ =	shalt  }
0x6c: {  	_ =	shalt  }
0x6d: {  	_ =	shalt  }
0x6e: {  	_ =	shalt  }
0x6f: {  	_ =	shalt  }
0x70: {  	_ =	shalt  }
0x71: {  	_ =	shalt  }
0x72: {  	_ =	shalt  }
0x73: {  	_ =	shalt  }
0x74: {  	_ =	shalt  }
0x75: {  	_ =	shalt  }
0x76: {  	_ =	shalt  }
0x77: {  	_ =	shalt  }
0x78: {  	_ =	shalt  }
0x79: {  	_ =	shalt  }
0x7a: {  	_ =	shalt  }
0x7b: {  	_ =	shalt  }
0x7c: {  	_ =	shalt  }
0x7d: {  	_ =	shalt  }
0x7e: {  	_ =	shalt  }
0x7f: {  	_ =	shalt  }
0x80: {  	_ =	shalt  }
0x81: {  	_ =	shalt  }
0x82: {  	_ =	shalt  }
0x83: {  	_ =	shalt  }
0x84: {  	_ =	shalt  }
0x85: {  	_ =	shalt  }
0x86: {  	_ =	shalt  }
0x87: {  	_ =	shalt  }
.Lfunc_end0:
.L_simem_size_0:
called_computation_lowered:
.L_overlay_start_0:
0x88: {  	s2 =	sld [smem:$0x3FD9]  }
0x89: {  	s3 =	sld [smem:$0x3FFE];
	_ =	sdelay $0x1  }
0x8a: {  	s1 =	srdreg.scid  }
0x8b: {  	s0 =	sand.u32 $0x1, s1  }
0x8c: {  	s17 =	sshll.u32 s0, $0xA;
	s2 =	sadd.s32 s3, s2  }
0x8d: {  	s2 =	sadd.s32 s2, s17  }
0x8e: {  	[smem:$0x3FC4] =	sst s2  }
0x8f: {  	_ = 	snop  }
0x90: {  	s2 =	sld [smem:$0x3FD0];
	(tm) =	ssettm $0x1  }
0x91: {  	s18 =	sld [smem:$0x3FFB];
	_ =	sdelay $0x3  }
0x92: {  	_ =	strace s18  }
0x93: {  	s3 =	sld [smem:$0x3FFC];
	_ =	sdelay $0x3  }
0x94: {  	_ =	strace s3  }
0x95: {  	s3 =	sld [smem:$0x3FFD];
	_ =	sdelay $0x3  }
0x96: {  	_ =	strace s3  }
0x97: {  	_ =	strace $0x8FFFFFFF  }
0x98: {  	s19 =	sld [smem:$0x3FDB];
	_ =	sdelay $0x1  }
0x99: {  	s4 =	simm.s32 $_scs_section_size  }
0x9a: {  	s5 =	simm.s32 $_size__tile_overlayer_lowered;
	s6 =	simm.s32 $_tile_overlayer_lowered  }
0x9b: {  	s22 =	simm.s32 $0x1BFF;
	s21 =	sshll.u32 s6, $0x1;
	s3 =	sadd.s32 s4, s19  }
0x9c: {  	s7 =	simm.s32 $0x0;
	s20 =	sshll.u32 s5, $0x1;
	s5 =	sadd.s32 s21, s3  }
0x9d: {  	[timem:s7], [sflag:s22] =	dma.local [hbm:s5], s20  }
0x9e: {  	_ =	swait.ge [sflag:s22], s20  }
0x9f: {  	s4 =	ssub.s32 $0x0, s20;
	[sflag:s22] =	ssyncset.done $0x0  }
0xa0: {  	[sflag:s22] =	ssyncadd.s32 s4;
	_ =	sdelay $0x1  }
0xa1: {  	s23 =	simm.s32 $0x1B8B  }
0xa2: {  	_ =	swait.ge [sflag:s23], $0x1  }
0xa3: {  	[sflag:s23] =	ssyncset.done $0x0  }
0xa4: {  	s25 =	simm.s32 $0x1B8E;
	s24 =	sld [smem:$0x3FFE];
	[sflag:s23] =	ssyncadd.s32 $0xFFFFFFFF  }
0xa5: {  	s26 =	simm.s32 $execute0_lowered;
	[smem:$0x3FD2] =	sst s25  }
0xa6: {  	s5 =	sshll.u32 s26, $0x1;
	_ =	strace $0x80000046;
	[dreg:$0x1] =	wrdreg $0xFFFFFFFF  }
0xa7: {  	s28 =	simm.s32 $_size_execute0_lowered;
	s3 =	sadd.s32 s3, s5;
	[dreg:$0x0] =	wrdreg $0x0  }
0xa8: {  	s5 =	sshll.u32 s28, $0x1;
	[dreg:$0x2] =	wrdreg s3  }
0xa9: {  	[dreg:$0x3] =	wrdreg s5  }
0xaa: {  	[dreg:$0x4] =	wrdreg $0xC0  }
0xab: {  	_ =	task [dreg:s7], $0x5FFFF  }
0xac: {  	[dreg:$0x1] =	wrdreg $0xFFFFFFFF  }
0xad: {  	[dreg:$0x0] =	wrdreg $0x60  }
0xae: {  	[dreg:$0x2] =	wrdreg s2  }
0xaf: {  	[dreg:$0x3] =	wrdreg s24  }
0xb0: {  	[dreg:$0x4] =	wrdreg $0x77000  }
0xb1: {  	[dreg:$0x5] =	wrdreg $0x9  }
0xb2: {  	_ =	task.clear_ibuf [dreg:s7], $0x6FFFF;
	_ =	strace $0x90000046  }
0xb3: {  	s29 =	simm.s32 $0x9;
	_ =	strace $0x80000048  }
0xb4: {  	_ =	swait.ge [sflag:s29], $0x1  }
0xb5: {  	[sflag:s29] =	ssyncadd.s32 $0xFFFFFFFF  }
0xb6: {  	_ =	strace $0x90000048  }
0xb7: {  	_ =	sfence  }
0xb8: {  	s30 =	sld [smem:$0x0];
	_ =	sdelay $0x2  }
0xb9: {  	s31 =	sshll.u32 s1, $0xD;
	s1 =	sshrl.u32 s1, $0x2  }
0xba: {  	s3 =	sand.u32 $0x4000, s31;
	s1 =	sadd.s32 s1, s30  }
0xbb: {  	s0 =	sor.u32 s3, s0;
	s1 =	sshll.u32 s1, $0x11  }
0xbc: {  	s0 =	sor.u32 s1, s0  }
0xbd: {  	s0 =	sadd.s32 $0x8F2B, s0  }
0xbe: {  	[sflag:s0] =	ssyncadd.remote.s32 $0x1  }
0xbf: {  	_ =	sfence.sel $0xFFFF  }
0xc0: {  	[dreg:$0x0] =	wrdreg $0xFFFFFFFF;
	(pc) =	sbr.abs _section_cstart, $3  }
0xc1: {  	[dreg:$0x1] =	wrdreg $0xFFFFFFFF  }
0xc2: {  	_ =	task.clear_ibuf [dreg:s7], $0x2FFFF;
	_ =	strace $0x9FFFFFFF  }
0xc3: {  	(tm) =	ssettm $0x7FFFFFFF  }
tec
execute0_lowered:
.L_overlay_start_1:
0x0: {  	(tag) =	ssettag $0x1  }
0x1: {  	s3 =	rddreg [dreg:$0x0]  }
0x2: {  	s4 =	rddreg [dreg:$0x1]  }
0x3: {  	s1 =	rddreg [dreg:$0x2];
	s2 =	srdreg.scid  }
0x4: {  	s7 =	stileid.u32;
	s0 =	rddreg [dreg:$0x3]  }
0x5: {  	s9 =	simm.s32 $0x2780;
	s11 =	simm.s32 $0x1C01;
	s12 =	simm.s32 $0x0  }
0x6: {  	s5 =	sand.u32 $0x1, s2;
	s6 =	sshll.u32 s7, $0x1;
	s2 =	simm.s32 $0x0  }
0x7: {  	p0 =	sne.s32 s7, $0x0;
	s7 =	simm.s32 $0x4F00;
	s8 =	smul.u32 $0x500, s5  }
.Ltmp0:
0x8: {  	s10 =	sshrl.u32 s1, $0x3;
	s6 =	sor.u32 s5, s6;
	(pc) =	sbr.rel .LBB2_1-.Ltmp0, $4  }
0x9: {  	[smem:$0x7FF] =	sst s2;
	s5 =	ssub.s32 $0x2, s5;
	s6 =	smul.u32 $0x4E2, s6  }
0xa: {  	_ =	strace $0x80000047;
	s31 =	sshrl.u32 s5, $0x1;
	s4 =	sadd.s32 s8, s4  }
0xb: {  	s5 =	ssub.s32 s5, s31;
	s8 =	simm.s32 $0x2710;
	s3 =	sadd.s32 s3, s6  }
0xc: {  	v0 =	vimm.f32 $1.000000000e+00;
	v1 =	vimm.f32 $0.0e+00;
	s4 =	sadd.s32 $0x1400, s4;
	s5 =	smax.u32 s5, $0x1;
	s6 =	simm.s32 $0x1  }
.LBB2_7:
0xd: {  	[bflag:$0x0] =	sbarrier.arrive $0xFFFF  }
0xe: {  	[spmem:s1] =	stream.indirect.scatter.add.f32 [tilespmem:s9], [sflag:$0x1], $0x1, s2, s8, $0xb8;
	[tilespmem:$0x7980] =	vst v63  }
0xf: {  	_ =	swait.ge [sflag:s6], $0x2710  }
0x10: {  	[sflag:s6] =	ssyncset.done $0x0  }
0x11: {  	[sflag:s6] =	ssyncadd.s32 $0xFFFFD8F0  }
0x12: {  	[bflag:$0x0] =	sbarrier.arrive $0xFFFF  }
.LBB2_8:
0x13: {  	s12 =	sadd.s32 $0x1, s12  }
0x14: {  	p1 =	sne.s32 s12, s5  }
.Ltmp1:
0x15: {  	_ = 	snop;
	(pc) =	sbr.rel @!p1 .LBB2_9-.Ltmp1, $1  }
0x16: {  	_ =	sdelay $0x3  }
.LBB2_1:
0x17: {  	[tilespmem:s2], [sflag:$0x1] =	stream.linear.gather [hbm4b:s3+s2], $0x2710, $0x38;
	[tilespmem:$0x7980] =	vst v63  }
0x18: {  	_ =	swait.ge [sflag:s6], $0x2710  }
0x19: {  	[sflag:s6] =	ssyncset.done $0x0  }
0x1a: {  	s13 =	simm.s32 $0x40;
	s14 =	simm.s32 $0x0;
	[sflag:s6] =	ssyncadd.s32 $0xFFFFD8F0  }
.LBB2_2:
0x1b: {  	p1 =	sne.s32 s13, $0x9C00;
	[tilespmem:s14+$0x2780] =	vst v0;
	s14 =	smov.u32 s13;
	s13 =	sadd.s32 $0x40, s13  }
.Ltmp2:
0x1c: {  	(pc) =	sbr.rel @p1 .LBB2_2-.Ltmp2, $2  }
0x1d: {  	_ =	sdelay $0x2  }
0x1e: {  	s14 =	sshra.s32 s14, $0x2  }
.Ltmp3:
0x1f: {  	(pc) =	sbr.rel @p0 .LBB2_7-.Ltmp3, $2  }
0x20: {  	_ =	sdelay $0x2  }
0x21: {  	[tilespmem:s14+$0x2780] =	vst v0  }
0x22: {  	s13 =	simm.s32 $0x40;
	s14 =	simm.s32 $0x0  }
.LBB2_5:
0x23: {  	p1 =	sne.s32 s13, $0x9FC0;
	[tilespmem:s14+$0x4F00] =	vst v1;
	s14 =	smov.u32 s13;
	s13 =	sadd.s32 $0x40, s13  }
.Ltmp4:
0x24: {  	(pc) =	sbr.rel @p1 .LBB2_5-.Ltmp4, $2  }
0x25: {  	_ =	sdelay $0x2  }
0x26: {  	s14 =	sshra.s32 s14, $0x2  }
0x27: {  	[tilespmem:s14+$0x4F00] =	vst v1  }
0x28: {  	[spmem:s1] =	stream.linear.scatter [tilespmem:s7], [sflag:$0x1], $0x2800, $0x38;
	[tilespmem:$0x7980] =	vst v63  }
0x29: {  	_ =	swait.ge [sflag:s6], $0x2800  }
0x2a: {  	[sflag:s6] =	ssyncset.done $0x0  }
0x2b: {  	[sflag:s6] =	ssyncadd.s32 $0xFFFFD800  }
0x2c: {  	[bflag:$0x0] =	sbarrier.arrive $0xFFFF  }
0x2d: {  	[spmem:s1] =	stream.indirect.scatter.add.f32 [tilespmem:s9], [sflag:$0x1], $0x1, s2, s8, $0xb8;
	[tilespmem:$0x7980] =	vst v63  }
0x2e: {  	_ =	swait.ge [sflag:s6], $0x2710  }
0x2f: {  	[sflag:s6] =	ssyncset.done $0x0  }
0x30: {  	[sflag:s6] =	ssyncadd.s32 $0xFFFFD8F0  }
.Ltmp5:
0x31: {  	[bflag:$0x0] =	sbarrier.arrive $0xFFFF;
	(pc) =	sbr.rel .LBB2_8-.Ltmp5, $4  }
0x32: {  	[hbm:s4], [sflag:s11] =	dma.local [spmem:s10], $0x500  }
0x33: {  	_ =	swait.ge [sflag:s6], $0x500  }
0x34: {  	[sflag:s6] =	ssyncset.done $0x0  }
0x35: {  	[sflag:s6] =	ssyncadd.s32 $0xFFFFFB00  }
.LBB2_9:
0x36: {  	_ =	sfence.sel $0x180000  }
0x37: {  	[bflag:$0x0] =	sbarrier.arrive $0xFFFF  }
0x38: {  	_ =	strace $0x90000047  }
0x39: {  	s0 =	sadd.s32 @!p0 $0x100000, s0;
	[bflag:$0x2] =	sbarrier.arrive $0xFFFF  }
0x3a: {  	[sflag:s0] =	ssyncadd.tile.s32 @!p0 $0x1;
	_ =	shalt  }
.Lfunc_end2:
_tile_overlayer_lowered:
.L_overlay_start_2:
0x3b: {  	(tag) =	ssettag $0x2  }
0x3c: {  	s0 =	rddreg [dreg:$0x0];
	s2 =	stileid.u32  }
0x3d: {  	s1 =	rddreg [dreg:$0x1];
	p0 =	sne.s32 s2, $0x0  }
0x3e: {  	s3 =	rddreg [dreg:$0x2];
	[bflag:$0x3] =	sbarrier.arrive $0xFFFF;
	s2 =	simm.s32 @!p0 $0x1C01  }
0x3f: {  	[timem:s3], [sflag:s2] =	dma.local @!p0 [hbm:s0], s1  }
0x40: {  	s0 =	simm.s32 @!p0 $0x1  }
0x41: {  	_ =	swait.ge @!p0 [sflag:s0], s1  }
0x42: {  	s1 =	ssub.s32 @!p0 $0x0, s1;
	[sflag:s0] =	ssyncset.done @!p0 $0x0  }
0x43: {  	[sflag:s0] =	ssyncadd.s32 @!p0 s1  }
0x44: {  	[bflag:$0x3] =	sbarrier.arrive $0xFFFF  }
0x45: {  	_ =	shalt  }

// kernel: kernel.9.cloned.1.call-start
scs
__scs_entry_jumppad:
0x0: {  	(pc) =	sbr.rel $0x88, $3  }
0x1: {  	(tag) =	ssettag $0x0;
	lr =	simm.s32 $0x1  }
0x2: {  	[smem:$0x3F9D] =	sst lr;
	_ =	strace $0xD0000000  }
0x3: {  	_ = 	snop  }
0x4: {  	_ = 	snop  }
0x5: {  	_ = 	snop  }
0x6: {  	_ = 	snop  }
0x7: {  	_ = 	snop  }
__scs_overlays_trampoline_lowered:
0x8: {  	[smem:$0x3FAC] =	sst s0  }
0x9: {  	[smem:$0x3FAD] =	sst s1  }
0xa: {  	[smem:$0x3FAE] =	sst s2  }
0xb: {  	[smem:$0x3FAF] =	sst s3  }
0xc: {  	[smem:$0x3FB0] =	sst s4  }
0xd: {  	[smem:$0x3FB1] =	sst s5  }
0xe: {  	[smem:$0x3FB2] =	sst s6  }
0xf: {  	[smem:$0x3FB3] =	sst s7  }
0x10: {  	[smem:$0x3FB4] =	sst s8  }
0x11: {  	[smem:$0x3FB5] =	sst s9;
	s0 =	simm.s32 @!p0 $0x0  }
0x12: {  	s1 =	sld [smem:$0x3F9B];
	s0 =	simm.s32 @p0 $0x1  }
0x13: {  	[smem:$0x3FB6] =	sst s0;
	s0 =	simm.s32 @!p1 $0x0  }
0x14: {  	s2 =	sld [smem:$0x3F9A];
	s0 =	simm.s32 @p1 $0x1  }
0x15: {  	[smem:$0x3FB7] =	sst s0;
	s0 =	simm.s32 @!p2 $0x0  }
0x16: {  	s3 =	sld [smem:$0x3FDB];
	s0 =	simm.s32 @p2 $0x1  }
0x17: {  	s4 =	simm.s32 $0x1BF5;
	[smem:$0x3FB9] =	sst s0  }
0x18: {  	s0 =	sld [smem:$0x3F9C];
	_ =	swait.ge [sflag:s4], $0x0  }
0x19: {  	s7 =	sld [smem:$0x3F9D]  }
0x1a: {  	s8 =	sadd.s32 $0xFFFFE003, lr  }
0x1b: {  	s9 =	sadd.s32 $0xFFFFFEF7, lr;
	s5 =	simm.s32 $0xFFFFFFFF;
	p2 =	slt.u32 s8, $0xFFFFF086  }
0x1c: {  	p1 =	slt.u32 s9, $0xF7A;
	s5 =	simm.s32 @!p2 $0x0  }
0x1d: {  	s5 =	simm.s32 @p1 $0x1;
	p0 =	seq.s32 s7, s2  }
0x1e: {  	s7 =	smul.u32 @!p0 $0xF7A, s2;
	p2 =	seq.s32 @!p0 s5, $0x0  }
0x1f: {  	s9 =	smul.u32 $0xF7A, s1;
	s8 =	simm.s32 @!p0 $0x1BF5;
	p2 =	por !p2, p0  }
0x20: {  	[sflag:s8] =	ssyncset.s32 @!p0 $0xFFFFF086;
	s6 =	sadd.s32 @!p0 s3, s7;
	s7 =	simm.s32 @!p0 $0x108  }
0x21: {  	s3 =	sadd.s32 s3, s9;
	s6 =	sadd.s32 @!p0 $0x88, s6;
	s7 =	simm.s32 @p2 $0x1082  }
0x22: {  	[simem:s7], [sflag:s8] =	dma.local @!p0 [hbm:s6], $0xF7A  }
0x23: {  	s9 =	sor.u32 $0xD0000000, s2;
	s6 =	simm.s32 $0x108;
	_ =	swait.ge @!p0 [sflag:s8], $0x0  }
0x24: {  	s3 =	sadd.s32 $0x88, s3;
	s6 =	simm.s32 @!p1 $0x1082;
	[sflag:s4] =	ssyncset.s32 $0xFFFFF086  }
0x25: {  	[simem:s6], [sflag:s4] =	dma.local [hbm:s3], $0xF7A  }
0x26: {  	[smem:$0x3F9D] =	sst s1;
	(tag) =	ssettag s2;
	_ =	strace s9  }
0x27: {  	s1 =	sld [smem:$0x3FAD]  }
0x28: {  	s2 =	sld [smem:$0x3FAE]  }
0x29: {  	s4 =	sld [smem:$0x3FB0]  }
0x2a: {  	p0 =	seq.s32 s5, $0x0;
	s5 =	sld [smem:$0x3FB1]  }
0x2b: {  	s6 =	sld [smem:$0x3FB2]  }
0x2c: {  	s7 =	sld [smem:$0x3FB3]  }
0x2d: {  	s3 =	simm.s32 $0x108;
	s8 =	sld [smem:$0x3FB4]  }
0x2e: {  	s3 =	simm.s32 @!p0 $0x1082;
	s9 =	sld [smem:$0x3FB5]  }
0x2f: {  	lr =	sadd.s32 s0, s3;
	s0 =	sld [smem:$0x3FAC]  }
0x30: {  	s3 =	sld [smem:$0x3FAF]  }
0x31: {  	[smem:$0x3FB8] =	sst s10  }
0x32: {  	s10 =	sld [smem:$0x3FB6];
	_ =	sdelay $0x3  }
0x33: {  	p0 =	seq.s32 s10, $0x1;
	s10 =	sld [smem:$0x3FB8];
	_ =	sdelay $0x3  }
0x34: {  	[smem:$0x3FB8] =	sst s10  }
0x35: {  	s10 =	sld [smem:$0x3FB7];
	_ =	sdelay $0x3  }
0x36: {  	p1 =	seq.s32 s10, $0x1;
	s10 =	sld [smem:$0x3FB8];
	_ =	sdelay $0x3  }
0x37: {  	[smem:$0x3FB8] =	sst s10  }
0x38: {  	s10 =	sld [smem:$0x3FB9]  }
0x39: {  	_ = 	snop;
	(pc) =	sbr.ind lr, $3  }
0x3a: {  	_ = 	snop  }
0x3b: {  	_ = 	snop  }
0x3c: {  	p2 =	seq.s32 s10, $0x1;
	s10 =	sld [smem:$0x3FB8]  }
0x3d: {  	_ =	shalt  }
0x3e: {  	_ =	shalt  }
0x3f: {  	_ =	shalt  }
0x40: {  	_ =	shalt  }
0x41: {  	_ =	shalt  }
0x42: {  	_ =	shalt  }
0x43: {  	_ =	shalt  }
0x44: {  	_ =	shalt  }
0x45: {  	_ =	shalt  }
0x46: {  	_ =	shalt  }
0x47: {  	_ =	shalt  }
0x48: {  	_ =	shalt  }
0x49: {  	_ =	shalt  }
0x4a: {  	_ =	shalt  }
0x4b: {  	_ =	shalt  }
0x4c: {  	_ =	shalt  }
0x4d: {  	_ =	shalt  }
0x4e: {  	_ =	shalt  }
0x4f: {  	_ =	shalt  }
0x50: {  	_ =	shalt  }
0x51: {  	_ =	shalt  }
0x52: {  	_ =	shalt  }
0x53: {  	_ =	shalt  }
0x54: {  	_ =	shalt  }
0x55: {  	_ =	shalt  }
0x56: {  	_ =	shalt  }
0x57: {  	_ =	shalt  }
0x58: {  	_ =	shalt  }
0x59: {  	_ =	shalt  }
0x5a: {  	_ =	shalt  }
0x5b: {  	_ =	shalt  }
0x5c: {  	_ =	shalt  }
0x5d: {  	_ =	shalt  }
0x5e: {  	_ =	shalt  }
0x5f: {  	_ =	shalt  }
0x60: {  	_ =	shalt  }
0x61: {  	_ =	shalt  }
0x62: {  	_ =	shalt  }
0x63: {  	_ =	shalt  }
0x64: {  	_ =	shalt  }
0x65: {  	_ =	shalt  }
0x66: {  	_ =	shalt  }
0x67: {  	_ =	shalt  }
0x68: {  	_ =	shalt  }
0x69: {  	_ =	shalt  }
0x6a: {  	_ =	shalt  }
0x6b: {  	_ =	shalt  }
0x6c: {  	_ =	shalt  }
0x6d: {  	_ =	shalt  }
0x6e: {  	_ =	shalt  }
0x6f: {  	_ =	shalt  }
0x70: {  	_ =	shalt  }
0x71: {  	_ =	shalt  }
0x72: {  	_ =	shalt  }
0x73: {  	_ =	shalt  }
0x74: {  	_ =	shalt  }
0x75: {  	_ =	shalt  }
0x76: {  	_ =	shalt  }
0x77: {  	_ =	shalt  }
0x78: {  	_ =	shalt  }
0x79: {  	_ =	shalt  }
0x7a: {  	_ =	shalt  }
0x7b: {  	_ =	shalt  }
0x7c: {  	_ =	shalt  }
0x7d: {  	_ =	shalt  }
0x7e: {  	_ =	shalt  }
0x7f: {  	_ =	shalt  }
0x80: {  	_ =	shalt  }
0x81: {  	_ =	shalt  }
0x82: {  	_ =	shalt  }
0x83: {  	_ =	shalt  }
0x84: {  	_ =	shalt  }
0x85: {  	_ =	shalt  }
0x86: {  	_ =	shalt  }
0x87: {  	_ =	shalt  }
.Lfunc_end0:
.L_simem_size_0:
called_computation.1_lowered:
.L_overlay_start_0:
0x88: {  	s2 =	sld [smem:$0x3FD9]  }
0x89: {  	s3 =	sld [smem:$0x3FFE];
	_ =	sdelay $0x1  }
0x8a: {  	s1 =	srdreg.scid  }
0x8b: {  	s0 =	sand.u32 $0x1, s1  }
0x8c: {  	s17 =	sshll.u32 s0, $0xA;
	s2 =	sadd.s32 s3, s2  }
0x8d: {  	s2 =	sadd.s32 s2, s17  }
0x8e: {  	[smem:$0x3FC4] =	sst s2  }
0x8f: {  	_ = 	snop  }
0x90: {  	s2 =	sld [smem:$0x3FD0];
	(tm) =	ssettm $0x1  }
0x91: {  	s18 =	sld [smem:$0x3FFB];
	_ =	sdelay $0x3  }
0x92: {  	_ =	strace s18  }
0x93: {  	s3 =	sld [smem:$0x3FFC];
	_ =	sdelay $0x3  }
0x94: {  	_ =	strace s3  }
0x95: {  	s3 =	sld [smem:$0x3FFD];
	_ =	sdelay $0x3  }
0x96: {  	_ =	strace s3  }
0x97: {  	_ =	strace $0x8FFFFFFF  }
0x98: {  	s19 =	sld [smem:$0x3FDB];
	_ =	sdelay $0x1  }
0x99: {  	s4 =	simm.s32 $_scs_section_size  }
0x9a: {  	s5 =	simm.s32 $_size__tile_overlayer_lowered;
	s6 =	simm.s32 $_tile_overlayer_lowered  }
0x9b: {  	s22 =	simm.s32 $0x1BFF;
	s21 =	sshll.u32 s6, $0x1;
	s3 =	sadd.s32 s4, s19  }
0x9c: {  	s7 =	simm.s32 $0x0;
	s20 =	sshll.u32 s5, $0x1;
	s5 =	sadd.s32 s21, s3  }
0x9d: {  	[timem:s7], [sflag:s22] =	dma.local [hbm:s5], s20  }
0x9e: {  	_ =	swait.ge [sflag:s22], s20  }
0x9f: {  	s4 =	ssub.s32 $0x0, s20;
	[sflag:s22] =	ssyncset.done $0x0  }
0xa0: {  	[sflag:s22] =	ssyncadd.s32 s4;
	_ =	sdelay $0x1  }
0xa1: {  	s23 =	simm.s32 $0x1B8B  }
0xa2: {  	_ =	swait.ge [sflag:s23], $0x1  }
0xa3: {  	[sflag:s23] =	ssyncset.done $0x0  }
0xa4: {  	s25 =	simm.s32 $0x1B8E;
	s24 =	sld [smem:$0x3FFE];
	[sflag:s23] =	ssyncadd.s32 $0xFFFFFFFF  }
0xa5: {  	s26 =	simm.s32 $execute0_lowered;
	[smem:$0x3FD2] =	sst s25  }
0xa6: {  	s5 =	sshll.u32 s26, $0x1;
	_ =	strace $0x80000049;
	[dreg:$0x1] =	wrdreg $0xFFFFFFFF  }
0xa7: {  	s28 =	simm.s32 $_size_execute0_lowered;
	s3 =	sadd.s32 s3, s5;
	[dreg:$0x0] =	wrdreg $0x0  }
0xa8: {  	s5 =	sshll.u32 s28, $0x1;
	[dreg:$0x2] =	wrdreg s3  }
0xa9: {  	[dreg:$0x3] =	wrdreg s5  }
0xaa: {  	[dreg:$0x4] =	wrdreg $0xC0  }
0xab: {  	_ =	task [dreg:s7], $0x5FFFF  }
0xac: {  	[dreg:$0x1] =	wrdreg $0xFFFFFFFF  }
0xad: {  	[dreg:$0x0] =	wrdreg $0x60  }
0xae: {  	[dreg:$0x2] =	wrdreg s2  }
0xaf: {  	[dreg:$0x3] =	wrdreg s24  }
0xb0: {  	[dreg:$0x4] =	wrdreg $0xBC000  }
0xb1: {  	[dreg:$0x5] =	wrdreg $0x9  }
0xb2: {  	_ =	task.clear_ibuf [dreg:s7], $0x6FFFF;
	_ =	strace $0x90000049  }
0xb3: {  	s29 =	simm.s32 $0x9;
	_ =	strace $0x8000004B  }
0xb4: {  	_ =	swait.ge [sflag:s29], $0x1  }
0xb5: {  	[sflag:s29] =	ssyncadd.s32 $0xFFFFFFFF  }
0xb6: {  	_ =	strace $0x9000004B  }
0xb7: {  	_ =	sfence  }
0xb8: {  	s30 =	sld [smem:$0x0];
	_ =	sdelay $0x2  }
0xb9: {  	s31 =	sshll.u32 s1, $0xD;
	s1 =	sshrl.u32 s1, $0x2  }
0xba: {  	s3 =	sand.u32 $0x4000, s31;
	s1 =	sadd.s32 s1, s30  }
0xbb: {  	s0 =	sor.u32 s3, s0;
	s1 =	sshll.u32 s1, $0x11  }
0xbc: {  	s0 =	sor.u32 s1, s0  }
0xbd: {  	s0 =	sadd.s32 $0x8F2B, s0  }
0xbe: {  	[sflag:s0] =	ssyncadd.remote.s32 $0x1  }
0xbf: {  	_ =	sfence.sel $0xFFFF  }
0xc0: {  	[dreg:$0x0] =	wrdreg $0xFFFFFFFF;
	(pc) =	sbr.abs _section_cstart, $3  }
0xc1: {  	[dreg:$0x1] =	wrdreg $0xFFFFFFFF  }
0xc2: {  	_ =	task.clear_ibuf [dreg:s7], $0x2FFFF;
	_ =	strace $0x9FFFFFFF  }
0xc3: {  	(tm) =	ssettm $0x7FFFFFFF  }
tec
execute0_lowered:
.L_overlay_start_1:
0x0: {  	(tag) =	ssettag $0x1  }
0x1: {  	s0 =	rddreg [dreg:$0x1];
	s1 =	simm.s32 $0x0;
	s2 =	srdreg.scid  }
0x2: {  	s20 =	stileid.u32;
	[smem:$0x7FF] =	sst s1  }
0x3: {  	s14 =	sand.u32 $0x1, s2;
	s15 =	sadd.s32 $0x1E00, s0;
	s16 =	smul.u32 $0x13800, s20  }
0x4: {  	s17 =	sadd.s32 $0x11E00, s0;
	s11 =	sadd.s32 $0x21E00, s0;
	s18 =	sshll.u32 s20, $0xC  }
0x5: {  	s2 =	ssub.s32 $0x2, s14;
	s19 =	sshll.u32 s14, $0xB;
	s14 =	smul.u32 $0x138800, s14  }
0x6: {  	s26 =	sshrl.u32 s2, $0x1;
	s3 =	sadd.s32 $0x3000, s16;
	s4 =	sadd.s32 $0x4800, s16  }
0x7: {  	s5 =	sadd.s32 $0x6000, s16;
	s6 =	sadd.s32 $0x7800, s16;
	s7 =	sadd.s32 $0x9000, s16  }
0x8: {  	s8 =	sadd.s32 $0xA800, s16;
	s9 =	sadd.s32 $0xC000, s16;
	s10 =	sadd.s32 $0xD800, s16  }
0x9: {  	s12 =	sadd.s32 $0xF000, s16;
	s13 =	sadd.s32 $0x10800, s16;
	s18 =	sor.u32 s19, s18  }
0xa: {  	s0 =	ssub.s32 s2, s26;
	s2 =	sadd.s32 $0x1800, s16;
	s19 =	sadd.s32 s15, s18  }
0xb: {  	s28 =	sadd.s32 s17, s18;
	s29 =	sor.u32 $0x200, s18;
	s30 =	sor.u32 $0x400, s18  }
0xc: {  	s18 =	sor.u32 $0x600, s18;
	s23 =	sadd.s32 s14, s3;
	[dreg:$0x4] =	wrdreg s19  }
0xd: {  	s26 =	sadd.s32 s14, s4;
	[dreg:$0x5] =	wrdreg s28;
	s21 =	sadd.s32 s15, s29  }
0xe: {  	s19 =	sadd.s32 s17, s29;
	s31 =	sadd.s32 s15, s30;
	s15 =	sadd.s32 s15, s18  }
0xf: {  	s22 =	sadd.s32 s14, s2;
	s25 =	sshrl.u32 s23, $0x3;
	[dreg:$0x6] =	wrdreg s21  }
0x10: {  	s28 =	sadd.s32 s14, s5;
	s29 =	sadd.s32 s14, s6;
	[dreg:$0x7] =	wrdreg s19  }
0x11: {  	s23 =	sadd.s32 s14, s10;
	[dreg:$0x8] =	wrdreg s31;
	s19 =	sadd.s32 s17, s30  }
0x12: {  	[dreg:$0xa] =	wrdreg s15;
	s21 =	sadd.s32 s17, s18;
	s15 =	sadd.s32 $0x12000, s16  }
0x13: {  	s16 =	sadd.s32 s16, s14;
	s17 =	sshrl.u32 s22, $0x3;
	s31 =	sshrl.u32 s29, $0x3  }
0x14: {  	s18 =	sadd.s32 s14, s8;
	[dreg:$0x9] =	wrdreg s19;
	s16 =	sshrl.u32 s16, $0x3  }
0x15: {  	[dreg:$0xb] =	wrdreg s21;
	s24 =	sadd.s32 s11, s17;
	s16 =	sadd.s32 s11, s16  }
0x16: {  	s17 =	sshrl.u32 s28, $0x3;
	[dreg:$0xc] =	wrdreg s16;
	s16 =	sadd.s32 s11, s25  }
0x17: {  	s19 =	sadd.s32 s14, s9;
	[dreg:$0xe] =	wrdreg s16;
	s16 =	sshrl.u32 s26, $0x3  }
0x18: {  	[dreg:$0xd] =	wrdreg s24;
	s30 =	sadd.s32 s11, s17;
	s16 =	sadd.s32 s11, s16  }
0x19: {  	s17 =	sadd.s32 s14, s7;
	[dreg:$0xf] =	wrdreg s16;
	s16 =	sadd.s32 s11, s31  }
0x1a: {  	s24 =	sadd.s32 s14, s12;
	[dreg:$0x11] =	wrdreg s16;
	s16 =	sshrl.u32 s17, $0x3  }
0x1b: {  	[dreg:$0x10] =	wrdreg s30;
	s17 =	sshrl.u32 s18, $0x3;
	s16 =	sadd.s32 s11, s16  }
0x1c: {  	s21 =	sadd.s32 s11, s17;
	s17 =	sshrl.u32 s24, $0x3;
	s24 =	rddreg [dreg:$0x2]  }
0x1d: {  	s29 =	sadd.s32 s14, s15;
	s22 =	sshrl.u32 s19, $0x3;
	[dreg:$0x12] =	wrdreg s16  }
0x1e: {  	s25 =	sadd.s32 s14, s13;
	[dreg:$0x13] =	wrdreg s21;
	s16 =	sadd.s32 s11, s22  }
0x1f: {  	s30 =	smul.u32 $0x4E000, s20;
	[dreg:$0x14] =	wrdreg s16;
	s16 =	sshrl.u32 s23, $0x3  }
0x20: {  	s28 =	sshrl.u32 s25, $0x3;
	s22 =	rddreg [dreg:$0x0];
	s16 =	sadd.s32 s11, s16  }
0x21: {  	s14 =	sshrl.u32 s14, $0x3;
	[dreg:$0x15] =	wrdreg s16;
	s16 =	sadd.s32 s11, s28  }
0x22: {  	s26 =	sadd.s32 s11, s17;
	[dreg:$0x17] =	wrdreg s16;
	s16 =	sshrl.u32 s29, $0x3  }
0x23: {  	s31 =	sshrl.u32 s30, $0x2;
	[dreg:$0x16] =	wrdreg s26;
	s16 =	sadd.s32 s11, s16  }
0x24: {  	s11 =	sadd.s32 s11, s14;
	s14 =	sadd.s32 s31, s24;
	[dreg:$0x18] =	wrdreg s16  }
0x25: {  	s2 =	sadd.s32 s2, s24;
	_ =	strace $0x8000004A;
	[dreg:$0x19] =	wrdreg s14  }
0x26: {  	s16 =	sadd.s32 s4, s24;
	[dreg:$0x1a] =	wrdreg s2  }
0x27: {  	s17 =	sadd.s32 s5, s24;
	[dreg:$0x1c] =	wrdreg s16  }
0x28: {  	s18 =	sadd.s32 s6, s24;
	[dreg:$0x1d] =	wrdreg s17  }
0x29: {  	s19 =	sadd.s32 s7, s24;
	[dreg:$0x1e] =	wrdreg s18  }
0x2a: {  	s21 =	sadd.s32 s8, s24;
	[dreg:$0x1f] =	wrdreg s19  }
0x2b: {  	s23 =	sadd.s32 s9, s24;
	[smem:$0x7F5] =	sst s21  }
0x2c: {  	p0 =	sne.s32 s20, $0xF;
	s25 =	sadd.s32 s10, s24;
	[smem:$0x7F6] =	sst s23  }
0x2d: {  	s0 =	smax.u32 s0, $0x1;
	s26 =	sadd.s32 s12, s24;
	[smem:$0x7F7] =	sst s25  }
0x2e: {  	s12 =	simm.s32 $0x1;
	s28 =	sadd.s32 s13, s24;
	[smem:$0x7F8] =	sst s26  }
0x2f: {  	s9 =	simm.s32 $0x3;
	s29 =	sadd.s32 s15, s24;
	[smem:$0x7F9] =	sst s28  }
0x30: {  	s13 =	simm.s32 $0x4;
	s30 =	sadd.s32 $0x27000, s11;
	[smem:$0x7FA] =	sst s29  }
0x31: {  	s15 =	simm.s32 $0x64;
	s31 =	sadd.s32 $0x138000, s24;
	[smem:$0x7FB] =	sst s30  }
0x32: {  	s11 =	simm.s32 $0x2000;
	s14 =	sadd.s32 s3, s24;
	[smem:$0x7FC] =	sst s0  }
0x33: {  	[smem:$0x7FD] =	sst s31;
	s17 =	simm.s32 $0x5400;
	s19 =	simm.s32 $0x8800  }
0x34: {  	v0 =	vimm.f32 $0.0e+00;
	s21 =	simm.s32 $0x2;
	s23 =	simm.s32 $0x0;
	[dreg:$0x1b] =	wrdreg s14  }
.LBB2_1:
0x35: {  	s0 =	sand.u32 $0xFE00, s1  }
0x36: {  	s2 =	sand.u32 $0x70, s1;
	s3 =	sshrl.u32 s0, $0x2  }
0x37: {  	s0 =	simm.s32 $0x40;
	s3 =	sor.u32 s2, s3;
	s2 =	simm.s32 $0x0  }
.LBB2_2:
0x38: {  	p1 =	sne.s32 s0, $0xC7C0  }
0x39: {  	[tilespmem:s3+$0x2000] =	vst v0;
	s2 =	sadd.s32 $0x10, s2;
	s3 =	smov.u32 s0;
	s0 =	sadd.s32 $0x40, s0  }
.Ltmp0:
0x3a: {  	(pc) =	sbr.rel @p1 .LBB2_2-.Ltmp0, $4  }
0x3b: {  	_ = 	snop  }
0x3c: {  	s3 =	sand.u32 $0xFE00, s3  }
0x3d: {  	s4 =	sand.u32 $0x70, s2;
	s3 =	sshrl.u32 s3, $0x2  }
0x3e: {  	s3 =	sor.u32 s4, s3  }
0x3f: {  	s0 =	rddreg [dreg:$0x19]  }
0x40: {  	[tilespmem:s3+$0x2000] =	vst v0;
	s6 =	rddreg [dreg:$0x1a]  }
0x41: {  	[spmem:s0] =	stream.linear.scatter [tilespmem:s11], [sflag:$0x1], $0x1800, $0x38;
	[tilespmem:$0x1F480] =	vst v63  }
0x42: {  	s7 =	rddreg [dreg:$0x1b]  }
0x43: {  	[spmem:s6] =	stream.linear.scatter [tilespmem:s11], [sflag:$0x1], $0x1800, $0x38;
	[tilespmem:$0x1F480] =	vst v63  }
0x44: {  	s8 =	rddreg [dreg:$0x1c]  }
0x45: {  	[spmem:s7] =	stream.linear.scatter [tilespmem:s11], [sflag:$0x1], $0x1800, $0x38;
	[tilespmem:$0x1F480] =	vst v63  }
0x46: {  	s10 =	rddreg [dreg:$0x1d]  }
0x47: {  	[spmem:s8] =	stream.linear.scatter [tilespmem:s11], [sflag:$0x1], $0x1800, $0x38;
	[tilespmem:$0x1F480] =	vst v63  }
0x48: {  	s14 =	rddreg [dreg:$0x1e]  }
0x49: {  	[spmem:s10] =	stream.linear.scatter [tilespmem:s11], [sflag:$0x1], $0x1800, $0x38;
	[tilespmem:$0x1F480] =	vst v63  }
0x4a: {  	s16 =	rddreg [dreg:$0x1f]  }
0x4b: {  	[spmem:s14] =	stream.linear.scatter [tilespmem:s11], [sflag:$0x1], $0x1800, $0x38;
	[tilespmem:$0x1F480] =	vst v63  }
0x4c: {  	s18 =	sld [smem:$0x7F5]  }
0x4d: {  	[spmem:s16] =	stream.linear.scatter [tilespmem:s11], [sflag:$0x1], $0x1800, $0x38;
	[tilespmem:$0x1F480] =	vst v63  }
0x4e: {  	s20 =	sld [smem:$0x7F6]  }
0x4f: {  	[spmem:s18] =	stream.linear.scatter [tilespmem:s11], [sflag:$0x1], $0x1800, $0x38;
	[tilespmem:$0x1F480] =	vst v63  }
0x50: {  	s25 =	sld [smem:$0x7F7]  }
0x51: {  	[spmem:s20] =	stream.linear.scatter [tilespmem:s11], [sflag:$0x1], $0x1800, $0x38;
	[tilespmem:$0x1F480] =	vst v63  }
0x52: {  	s26 =	sld [smem:$0x7F8]  }
0x53: {  	[spmem:s25] =	stream.linear.scatter [tilespmem:s11], [sflag:$0x1], $0x1800, $0x38;
	[tilespmem:$0x1F480] =	vst v63  }
0x54: {  	s28 =	sld [smem:$0x7F9]  }
0x55: {  	[spmem:s26] =	stream.linear.scatter [tilespmem:s11], [sflag:$0x1], $0x1800, $0x38;
	[tilespmem:$0x1F480] =	vst v63  }
0x56: {  	s29 =	sld [smem:$0x7FA]  }
0x57: {  	[spmem:s28] =	stream.linear.scatter [tilespmem:s11], [sflag:$0x1], $0x1800, $0x38;
	[tilespmem:$0x1F480] =	vst v63  }
0x58: {  	s2 =	sld [smem:$0x7FD]  }
0x59: {  	[spmem:s29] =	stream.linear.scatter [tilespmem:s11], [sflag:$0x1], $0x1800, $0x38;
	[tilespmem:$0x1F480] =	vst v63  }
0x5a: {  	s0 =	simm.s32 @!p0 $0x2000  }
0x5b: {  	[spmem:s2] =	stream.linear.scatter @!p0 [tilespmem:s0], [sflag:$0x2], $0x800, $0x38;
	[tilespmem:$0x1F480] =	vst v63  }
0x5c: {  	_ =	swait.ge [sflag:s12], $0x1800  }
0x5d: {  	[sflag:s12] =	ssyncset.done $0x0  }
0x5e: {  	[sflag:s12] =	ssyncadd.s32 $0xFFFFE800  }
0x5f: {  	_ =	swait.ge [sflag:s12], $0x1800  }
0x60: {  	[sflag:s12] =	ssyncset.done $0x0  }
0x61: {  	[sflag:s12] =	ssyncadd.s32 $0xFFFFE800  }
0x62: {  	_ =	swait.ge [sflag:s12], $0x1800  }
0x63: {  	[sflag:s12] =	ssyncset.done $0x0  }
0x64: {  	[sflag:s12] =	ssyncadd.s32 $0xFFFFE800  }
0x65: {  	_ =	swait.ge [sflag:s12], $0x1800  }
0x66: {  	[sflag:s12] =	ssyncset.done $0x0  }
0x67: {  	[sflag:s12] =	ssyncadd.s32 $0xFFFFE800  }
0x68: {  	_ =	swait.ge [sflag:s12], $0x1800  }
0x69: {  	[sflag:s12] =	ssyncset.done $0x0  }
0x6a: {  	[sflag:s12] =	ssyncadd.s32 $0xFFFFE800  }
0x6b: {  	_ =	swait.ge [sflag:s12], $0x1800  }
0x6c: {  	[sflag:s12] =	ssyncset.done $0x0  }
0x6d: {  	[sflag:s12] =	ssyncadd.s32 $0xFFFFE800  }
0x6e: {  	_ =	swait.ge [sflag:s12], $0x1800  }
0x6f: {  	[sflag:s12] =	ssyncset.done $0x0  }
0x70: {  	[sflag:s12] =	ssyncadd.s32 $0xFFFFE800  }
0x71: {  	_ =	swait.ge [sflag:s12], $0x1800  }
0x72: {  	[sflag:s12] =	ssyncset.done $0x0  }
0x73: {  	[sflag:s12] =	ssyncadd.s32 $0xFFFFE800  }
0x74: {  	_ =	swait.ge [sflag:s12], $0x1800  }
0x75: {  	[sflag:s12] =	ssyncset.done $0x0  }
0x76: {  	[sflag:s12] =	ssyncadd.s32 $0xFFFFE800  }
0x77: {  	_ =	swait.ge [sflag:s12], $0x1800  }
0x78: {  	[sflag:s12] =	ssyncset.done $0x0  }
0x79: {  	[sflag:s12] =	ssyncadd.s32 $0xFFFFE800  }
0x7a: {  	_ =	swait.ge [sflag:s12], $0x1800  }
0x7b: {  	[sflag:s12] =	ssyncset.done $0x0  }
0x7c: {  	[sflag:s12] =	ssyncadd.s32 $0xFFFFE800  }
0x7d: {  	_ =	swait.ge [sflag:s12], $0x1800  }
0x7e: {  	[sflag:s12] =	ssyncset.done $0x0  }
0x7f: {  	[sflag:s12] =	ssyncadd.s32 $0xFFFFE800  }
0x80: {  	_ =	swait.ge [sflag:s12], $0x1800  }
0x81: {  	[sflag:s12] =	ssyncset.done $0x0  }
0x82: {  	s0 =	simm.s32 @!p0 $0x2;
	[sflag:s12] =	ssyncadd.s32 $0xFFFFE800  }
0x83: {  	_ =	swait.ge @!p0 [sflag:s0], $0x800  }
0x84: {  	[sflag:s0] =	ssyncset.done @!p0 $0x0  }
0x85: {  	[sflag:s0] =	ssyncadd.s32 @!p0 $0xFFFFF800  }
0x86: {  	[bflag:$0x0] =	sbarrier.arrive $0xFFFF  }
0x87: {  	s30 =	rddreg [dreg:$0x4]  }
0x88: {  	[tilespmem:s1], [sflag:$0x4] =	stream.linear.gather [hbm4b:s30+s1], $0xC80, $0x38;
	[tilespmem:$0x1F480] =	vst v63  }
0x89: {  	_ =	swait.ge [sflag:s13], $0xC80  }
0x8a: {  	[sflag:s13] =	ssyncset.done $0x0  }
0x8b: {  	s0 =	simm.s32 $0x1000;
	s31 =	rddreg [dreg:$0x5];
	[sflag:s13] =	ssyncadd.s32 $0xFFFFF380  }
0x8c: {  	[tilespmem:s0], [sflag:$0x4] =	stream.linear.gather [hbm4b:s31+s1], $0xC80, $0x38;
	[tilespmem:$0x1F480] =	vst v63  }
0x8d: {  	_ =	swait.ge [sflag:s13], $0xC80  }
0x8e: {  	[sflag:s13] =	ssyncset.done $0x0  }
0x8f: {  	[sflag:s13] =	ssyncadd.s32 $0xFFFFF380  }
0x90: {  	[tilespmem:s11], [sflag:$0x1] =	stream.indirect.gather [hbm4b:s22+s15], $0x80, s1, s15, $0xb8;
	[tilespmem:$0x1F480] =	vst v63  }
0x91: {  	s3 =	simm.s32 $0x80  }
0x92: {  	[tilespmem:s17], [sflag:$0x2] =	stream.indirect.gather [hbm4b:s22+s15], $0x80, s3, s15, $0xb8;
	[tilespmem:$0x1F480] =	vst v63  }
0x93: {  	s4 =	simm.s32 $0x100  }
0x94: {  	[tilespmem:s19], [sflag:$0x3] =	stream.indirect.gather [hbm4b:s22+s15], $0x80, s4, s15, $0xb8;
	[tilespmem:$0x1F480] =	vst v63  }
0x95: {  	_ =	swait.ge [sflag:s12], $0x3200  }
0x96: {  	[sflag:s12] =	ssyncset.done $0x0  }
0x97: {  	[sflag:s12] =	ssyncadd.s32 $0xFFFFCE00  }
0x98: {  	[spmem:s24] =	stream.indirect.scatter.add.f32 [tilespmem:s11], [sflag:$0x4], $0x80, s0, s15, $0xb8;
	[tilespmem:$0x1F480] =	vst v63  }
0x99: {  	_ =	swait.ge [sflag:s13], $0x3200  }
0x9a: {  	[sflag:s13] =	ssyncset.done $0x0  }
0x9b: {  	s5 =	simm.s32 $0x180;
	[sflag:s13] =	ssyncadd.s32 $0xFFFFCE00  }
0x9c: {  	[tilespmem:s11], [sflag:$0x1] =	stream.indirect.gather [hbm4b:s22+s15], $0x80, s5, s15, $0xb8;
	[tilespmem:$0x1F480] =	vst v63  }
0x9d: {  	_ =	swait.ge [sflag:s21], $0x3200  }
0x9e: {  	[sflag:s21] =	ssyncset.done $0x0  }
0x9f: {  	s6 =	simm.s32 $0x1080;
	[sflag:s21] =	ssyncadd.s32 $0xFFFFCE00  }
0xa0: {  	[spmem:s24] =	stream.indirect.scatter.add.f32 [tilespmem:s17], [sflag:$0x4], $0x80, s6, s15, $0xb8;
	[tilespmem:$0x1F480] =	vst v63  }
0xa1: {  	_ =	swait.ge [sflag:s13], $0x3200  }
0xa2: {  	[sflag:s13] =	ssyncset.done $0x0  }
0xa3: {  	s7 =	simm.s32 $0x200;
	[sflag:s13] =	ssyncadd.s32 $0xFFFFCE00  }
0xa4: {  	[tilespmem:s17], [sflag:$0x2] =	stream.indirect.gather [hbm4b:s22+s15], $0x80, s7, s15, $0xb8;
	[tilespmem:$0x1F480] =	vst v63  }
0xa5: {  	_ =	swait.ge [sflag:s9], $0x3200  }
0xa6: {  	[sflag:s9] =	ssyncset.done $0x0  }
0xa7: {  	s8 =	simm.s32 $0x1100;
	[sflag:s9] =	ssyncadd.s32 $0xFFFFCE00  }
0xa8: {  	[spmem:s24] =	stream.indirect.scatter.add.f32 [tilespmem:s19], [sflag:$0x4], $0x80, s8, s15, $0xb8;
	[tilespmem:$0x1F480] =	vst v63  }
0xa9: {  	_ =	swait.ge [sflag:s13], $0x3200  }
0xaa: {  	[sflag:s13] =	ssyncset.done $0x0  }
0xab: {  	s10 =	simm.s32 $0x280;
	[sflag:s13] =	ssyncadd.s32 $0xFFFFCE00  }
0xac: {  	[tilespmem:s19], [sflag:$0x3] =	stream.indirect.gather [hbm4b:s22+s15], $0x80, s10, s15, $0xb8;
	[tilespmem:$0x1F480] =	vst v63  }
0xad: {  	_ =	swait.ge [sflag:s12], $0x3200  }
0xae: {  	[sflag:s12] =	ssyncset.done $0x0  }
0xaf: {  	s14 =	simm.s32 $0x1180;
	[sflag:s12] =	ssyncadd.s32 $0xFFFFCE00  }
0xb0: {  	[spmem:s24] =	stream.indirect.scatter.add.f32 [tilespmem:s11], [sflag:$0x4], $0x80, s14, s15, $0xb8;
	[tilespmem:$0x1F480] =	vst v63  }
0xb1: {  	_ =	swait.ge [sflag:s13], $0x3200  }
0xb2: {  	[sflag:s13] =	ssyncset.done $0x0  }
0xb3: {  	s16 =	simm.s32 $0x300;
	[sflag:s13] =	ssyncadd.s32 $0xFFFFCE00  }
0xb4: {  	[tilespmem:s11], [sflag:$0x1] =	stream.indirect.gather [hbm4b:s22+s15], $0x80, s16, s15, $0xb8;
	[tilespmem:$0x1F480] =	vst v63  }
0xb5: {  	_ =	swait.ge [sflag:s21], $0x3200  }
0xb6: {  	[sflag:s21] =	ssyncset.done $0x0  }
0xb7: {  	s18 =	simm.s32 $0x1200;
	[sflag:s21] =	ssyncadd.s32 $0xFFFFCE00  }
0xb8: {  	[spmem:s24] =	stream.indirect.scatter.add.f32 [tilespmem:s17], [sflag:$0x4], $0x80, s18, s15, $0xb8;
	[tilespmem:$0x1F480] =	vst v63  }
0xb9: {  	_ =	swait.ge [sflag:s13], $0x3200  }
0xba: {  	[sflag:s13] =	ssyncset.done $0x0  }
0xbb: {  	s20 =	simm.s32 $0x380;
	[sflag:s13] =	ssyncadd.s32 $0xFFFFCE00  }
0xbc: {  	[tilespmem:s17], [sflag:$0x2] =	stream.indirect.gather [hbm4b:s22+s15], $0x80, s20, s15, $0xb8;
	[tilespmem:$0x1F480] =	vst v63  }
0xbd: {  	_ =	swait.ge [sflag:s9], $0x3200  }
0xbe: {  	[sflag:s9] =	ssyncset.done $0x0  }
0xbf: {  	s25 =	simm.s32 $0x1280;
	[sflag:s9] =	ssyncadd.s32 $0xFFFFCE00  }
0xc0: {  	[spmem:s24] =	stream.indirect.scatter.add.f32 [tilespmem:s19], [sflag:$0x4], $0x80, s25, s15, $0xb8;
	[tilespmem:$0x1F480] =	vst v63  }
0xc1: {  	_ =	swait.ge [sflag:s13], $0x3200  }
0xc2: {  	[sflag:s13] =	ssyncset.done $0x0  }
0xc3: {  	s26 =	simm.s32 $0x400;
	[sflag:s13] =	ssyncadd.s32 $0xFFFFCE00  }
0xc4: {  	[tilespmem:s19], [sflag:$0x3] =	stream.indirect.gather [hbm4b:s22+s15], $0x80, s26, s15, $0xb8;
	[tilespmem:$0x1F480] =	vst v63  }
0xc5: {  	_ =	swait.ge [sflag:s12], $0x3200  }
0xc6: {  	[sflag:s12] =	ssyncset.done $0x0  }
0xc7: {  	s28 =	simm.s32 $0x1300;
	[sflag:s12] =	ssyncadd.s32 $0xFFFFCE00  }
0xc8: {  	[spmem:s24] =	stream.indirect.scatter.add.f32 [tilespmem:s11], [sflag:$0x4], $0x80, s28, s15, $0xb8;
	[tilespmem:$0x1F480] =	vst v63  }
0xc9: {  	_ =	swait.ge [sflag:s13], $0x3200  }
0xca: {  	[sflag:s13] =	ssyncset.done $0x0  }
0xcb: {  	s29 =	simm.s32 $0x480;
	[sflag:s13] =	ssyncadd.s32 $0xFFFFCE00  }
0xcc: {  	[tilespmem:s11], [sflag:$0x1] =	stream.indirect.gather [hbm4b:s22+s15], $0x80, s29, s15, $0xb8;
	[tilespmem:$0x1F480] =	vst v63  }
0xcd: {  	_ =	swait.ge [sflag:s21], $0x3200  }
0xce: {  	[sflag:s21] =	ssyncset.done $0x0  }
0xcf: {  	s30 =	simm.s32 $0x1380;
	[sflag:s21] =	ssyncadd.s32 $0xFFFFCE00  }
0xd0: {  	[spmem:s24] =	stream.indirect.scatter.add.f32 [tilespmem:s17], [sflag:$0x4], $0x80, s30, s15, $0xb8;
	[tilespmem:$0x1F480] =	vst v63  }
0xd1: {  	_ =	swait.ge [sflag:s13], $0x3200  }
0xd2: {  	[sflag:s13] =	ssyncset.done $0x0  }
0xd3: {  	s31 =	simm.s32 $0x500;
	[sflag:s13] =	ssyncadd.s32 $0xFFFFCE00  }
0xd4: {  	[tilespmem:s17], [sflag:$0x2] =	stream.indirect.gather [hbm4b:s22+s15], $0x80, s31, s15, $0xb8;
	[tilespmem:$0x1F480] =	vst v63  }
0xd5: {  	_ =	swait.ge [sflag:s9], $0x3200  }
0xd6: {  	[sflag:s9] =	ssyncset.done $0x0  }
0xd7: {  	s3 =	simm.s32 $0x1400;
	[sflag:s9] =	ssyncadd.s32 $0xFFFFCE00  }
0xd8: {  	[spmem:s24] =	stream.indirect.scatter.add.f32 [tilespmem:s19], [sflag:$0x4], $0x80, s3, s15, $0xb8;
	[tilespmem:$0x1F480] =	vst v63  }
0xd9: {  	_ =	swait.ge [sflag:s13], $0x3200  }
0xda: {  	[sflag:s13] =	ssyncset.done $0x0  }
0xdb: {  	s4 =	simm.s32 $0x580;
	[sflag:s13] =	ssyncadd.s32 $0xFFFFCE00  }
0xdc: {  	[tilespmem:s19], [sflag:$0x3] =	stream.indirect.gather [hbm4b:s22+s15], $0x80, s4, s15, $0xb8;
	[tilespmem:$0x1F480] =	vst v63  }
0xdd: {  	_ =	swait.ge [sflag:s12], $0x3200  }
0xde: {  	[sflag:s12] =	ssyncset.done $0x0  }
0xdf: {  	s5 =	simm.s32 $0x1480;
	[sflag:s12] =	ssyncadd.s32 $0xFFFFCE00  }
0xe0: {  	[spmem:s24] =	stream.indirect.scatter.add.f32 [tilespmem:s11], [sflag:$0x4], $0x80, s5, s15, $0xb8;
	[tilespmem:$0x1F480] =	vst v63  }
0xe1: {  	_ =	swait.ge [sflag:s13], $0x3200  }
0xe2: {  	[sflag:s13] =	ssyncset.done $0x0  }
0xe3: {  	s6 =	simm.s32 $0x600;
	[sflag:s13] =	ssyncadd.s32 $0xFFFFCE00  }
0xe4: {  	[tilespmem:s11], [sflag:$0x1] =	stream.indirect.gather [hbm4b:s22+s15], $0x80, s6, s15, $0xb8;
	[tilespmem:$0x1F480] =	vst v63  }
0xe5: {  	_ =	swait.ge [sflag:s21], $0x3200  }
0xe6: {  	[sflag:s21] =	ssyncset.done $0x0  }
0xe7: {  	s7 =	simm.s32 $0x1500;
	[sflag:s21] =	ssyncadd.s32 $0xFFFFCE00  }
0xe8: {  	[spmem:s24] =	stream.indirect.scatter.add.f32 [tilespmem:s17], [sflag:$0x4], $0x80, s7, s15, $0xb8;
	[tilespmem:$0x1F480] =	vst v63  }
0xe9: {  	_ =	swait.ge [sflag:s13], $0x3200  }
0xea: {  	[sflag:s13] =	ssyncset.done $0x0  }
0xeb: {  	s8 =	simm.s32 $0x680;
	[sflag:s13] =	ssyncadd.s32 $0xFFFFCE00  }
0xec: {  	[tilespmem:s17], [sflag:$0x2] =	stream.indirect.gather [hbm4b:s22+s15], $0x80, s8, s15, $0xb8;
	[tilespmem:$0x1F480] =	vst v63  }
0xed: {  	_ =	swait.ge [sflag:s9], $0x3200  }
0xee: {  	[sflag:s9] =	ssyncset.done $0x0  }
0xef: {  	s10 =	simm.s32 $0x1580;
	[sflag:s9] =	ssyncadd.s32 $0xFFFFCE00  }
0xf0: {  	[spmem:s24] =	stream.indirect.scatter.add.f32 [tilespmem:s19], [sflag:$0x4], $0x80, s10, s15, $0xb8;
	[tilespmem:$0x1F480] =	vst v63  }
0xf1: {  	_ =	swait.ge [sflag:s13], $0x3200  }
0xf2: {  	[sflag:s13] =	ssyncset.done $0x0  }
0xf3: {  	s14 =	simm.s32 $0x700;
	[sflag:s13] =	ssyncadd.s32 $0xFFFFCE00  }
0xf4: {  	[tilespmem:s19], [sflag:$0x3] =	stream.indirect.gather [hbm4b:s22+s15], $0x80, s14, s15, $0xb8;
	[tilespmem:$0x1F480] =	vst v63  }
0xf5: {  	_ =	swait.ge [sflag:s12], $0x3200  }
0xf6: {  	[sflag:s12] =	ssyncset.done $0x0  }
0xf7: {  	s16 =	simm.s32 $0x1600;
	[sflag:s12] =	ssyncadd.s32 $0xFFFFCE00  }
0xf8: {  	[spmem:s24] =	stream.indirect.scatter.add.f32 [tilespmem:s11], [sflag:$0x4], $0x80, s16, s15, $0xb8;
	[tilespmem:$0x1F480] =	vst v63  }
0xf9: {  	_ =	swait.ge [sflag:s13], $0x3200  }
0xfa: {  	[sflag:s13] =	ssyncset.done $0x0  }
0xfb: {  	s18 =	simm.s32 $0x780;
	[sflag:s13] =	ssyncadd.s32 $0xFFFFCE00  }
0xfc: {  	[tilespmem:s11], [sflag:$0x1] =	stream.indirect.gather [hbm4b:s22+s15], $0x80, s18, s15, $0xb8;
	[tilespmem:$0x1F480] =	vst v63  }
0xfd: {  	_ =	swait.ge [sflag:s21], $0x3200  }
0xfe: {  	[sflag:s21] =	ssyncset.done $0x0  }
0xff: {  	s20 =	simm.s32 $0x1680;
	[sflag:s21] =	ssyncadd.s32 $0xFFFFCE00  }
0x100: {  	[spmem:s24] =	stream.indirect.scatter.add.f32 [tilespmem:s17], [sflag:$0x4], $0x80, s20, s15, $0xb8;
	[tilespmem:$0x1F480] =	vst v63  }
0x101: {  	_ =	swait.ge [sflag:s13], $0x3200  }
0x102: {  	[sflag:s13] =	ssyncset.done $0x0  }
0x103: {  	s25 =	simm.s32 $0x800;
	[sflag:s13] =	ssyncadd.s32 $0xFFFFCE00  }
0x104: {  	[tilespmem:s17], [sflag:$0x2] =	stream.indirect.gather [hbm4b:s22+s15], $0x80, s25, s15, $0xb8;
	[tilespmem:$0x1F480] =	vst v63  }
0x105: {  	_ =	swait.ge [sflag:s9], $0x3200  }
0x106: {  	[sflag:s9] =	ssyncset.done $0x0  }
0x107: {  	s26 =	simm.s32 $0x1700;
	[sflag:s9] =	ssyncadd.s32 $0xFFFFCE00  }
0x108: {  	[spmem:s24] =	stream.indirect.scatter.add.f32 [tilespmem:s19], [sflag:$0x4], $0x80, s26, s15, $0xb8;
	[tilespmem:$0x1F480] =	vst v63  }
0x109: {  	_ =	swait.ge [sflag:s13], $0x3200  }
0x10a: {  	[sflag:s13] =	ssyncset.done $0x0  }
0x10b: {  	s28 =	simm.s32 $0x880;
	[sflag:s13] =	ssyncadd.s32 $0xFFFFCE00  }
0x10c: {  	[tilespmem:s19], [sflag:$0x3] =	stream.indirect.gather [hbm4b:s22+s15], $0x80, s28, s15, $0xb8;
	[tilespmem:$0x1F480] =	vst v63  }
0x10d: {  	_ =	swait.ge [sflag:s12], $0x3200  }
0x10e: {  	[sflag:s12] =	ssyncset.done $0x0  }
0x10f: {  	s29 =	simm.s32 $0x1780;
	[sflag:s12] =	ssyncadd.s32 $0xFFFFCE00  }
0x110: {  	[spmem:s24] =	stream.indirect.scatter.add.f32 [tilespmem:s11], [sflag:$0x4], $0x80, s29, s15, $0xb8;
	[tilespmem:$0x1F480] =	vst v63  }
0x111: {  	_ =	swait.ge [sflag:s13], $0x3200  }
0x112: {  	[sflag:s13] =	ssyncset.done $0x0  }
0x113: {  	s30 =	simm.s32 $0x900;
	[sflag:s13] =	ssyncadd.s32 $0xFFFFCE00  }
0x114: {  	[tilespmem:s11], [sflag:$0x1] =	stream.indirect.gather [hbm4b:s22+s15], $0x80, s30, s15, $0xb8;
	[tilespmem:$0x1F480] =	vst v63  }
0x115: {  	_ =	swait.ge [sflag:s21], $0x3200  }
0x116: {  	[sflag:s21] =	ssyncset.done $0x0  }
0x117: {  	s31 =	simm.s32 $0x1800;
	[sflag:s21] =	ssyncadd.s32 $0xFFFFCE00  }
0x118: {  	[spmem:s24] =	stream.indirect.scatter.add.f32 [tilespmem:s17], [sflag:$0x4], $0x80, s31, s15, $0xb8;
	[tilespmem:$0x1F480] =	vst v63  }
0x119: {  	_ =	swait.ge [sflag:s13], $0x3200  }
0x11a: {  	[sflag:s13] =	ssyncset.done $0x0  }
0x11b: {  	s2 =	simm.s32 $0x980;
	[sflag:s13] =	ssyncadd.s32 $0xFFFFCE00  }
0x11c: {  	[tilespmem:s17], [sflag:$0x2] =	stream.indirect.gather [hbm4b:s22+s15], $0x80, s2, s15, $0xb8;
	[tilespmem:$0x1F480] =	vst v63  }
0x11d: {  	_ =	swait.ge [sflag:s9], $0x3200  }
0x11e: {  	[sflag:s9] =	ssyncset.done $0x0  }
0x11f: {  	s2 =	simm.s32 $0x1880;
	[sflag:s9] =	ssyncadd.s32 $0xFFFFCE00  }
0x120: {  	[spmem:s24] =	stream.indirect.scatter.add.f32 [tilespmem:s19], [sflag:$0x4], $0x80, s2, s15, $0xb8;
	[tilespmem:$0x1F480] =	vst v63  }
0x121: {  	_ =	swait.ge [sflag:s13], $0x3200  }
0x122: {  	[sflag:s13] =	ssyncset.done $0x0  }
0x123: {  	s2 =	simm.s32 $0xA00;
	[sflag:s13] =	ssyncadd.s32 $0xFFFFCE00  }
0x124: {  	[tilespmem:s19], [sflag:$0x3] =	stream.indirect.gather [hbm4b:s22+s15], $0x80, s2, s15, $0xb8;
	[tilespmem:$0x1F480] =	vst v63  }
0x125: {  	_ =	swait.ge [sflag:s12], $0x3200  }
0x126: {  	[sflag:s12] =	ssyncset.done $0x0  }
0x127: {  	s2 =	simm.s32 $0x1900;
	[sflag:s12] =	ssyncadd.s32 $0xFFFFCE00  }
0x128: {  	[spmem:s24] =	stream.indirect.scatter.add.f32 [tilespmem:s11], [sflag:$0x4], $0x80, s2, s15, $0xb8;
	[tilespmem:$0x1F480] =	vst v63  }
0x129: {  	_ =	swait.ge [sflag:s13], $0x3200  }
0x12a: {  	[sflag:s13] =	ssyncset.done $0x0  }
0x12b: {  	s2 =	simm.s32 $0xA80;
	[sflag:s13] =	ssyncadd.s32 $0xFFFFCE00  }
0x12c: {  	[tilespmem:s11], [sflag:$0x1] =	stream.indirect.gather [hbm4b:s22+s15], $0x80, s2, s15, $0xb8;
	[tilespmem:$0x1F480] =	vst v63  }
0x12d: {  	_ =	swait.ge [sflag:s21], $0x3200  }
0x12e: {  	[sflag:s21] =	ssyncset.done $0x0  }
0x12f: {  	s2 =	simm.s32 $0x1980;
	[sflag:s21] =	ssyncadd.s32 $0xFFFFCE00  }
0x130: {  	[spmem:s24] =	stream.indirect.scatter.add.f32 [tilespmem:s17], [sflag:$0x4], $0x80, s2, s15, $0xb8;
	[tilespmem:$0x1F480] =	vst v63  }
0x131: {  	_ =	swait.ge [sflag:s13], $0x3200  }
0x132: {  	[sflag:s13] =	ssyncset.done $0x0  }
0x133: {  	s2 =	simm.s32 $0xB00;
	[sflag:s13] =	ssyncadd.s32 $0xFFFFCE00  }
0x134: {  	[tilespmem:s17], [sflag:$0x2] =	stream.indirect.gather [hbm4b:s22+s15], $0x80, s2, s15, $0xb8;
	[tilespmem:$0x1F480] =	vst v63  }
0x135: {  	_ =	swait.ge [sflag:s9], $0x3200  }
0x136: {  	[sflag:s9] =	ssyncset.done $0x0  }
0x137: {  	s2 =	simm.s32 $0x1A00;
	[sflag:s9] =	ssyncadd.s32 $0xFFFFCE00  }
0x138: {  	[spmem:s24] =	stream.indirect.scatter.add.f32 [tilespmem:s19], [sflag:$0x4], $0x80, s2, s15, $0xb8;
	[tilespmem:$0x1F480] =	vst v63  }
0x139: {  	_ =	swait.ge [sflag:s13], $0x3200  }
0x13a: {  	[sflag:s13] =	ssyncset.done $0x0  }
0x13b: {  	s2 =	simm.s32 $0xB80;
	[sflag:s13] =	ssyncadd.s32 $0xFFFFCE00  }
0x13c: {  	[tilespmem:s19], [sflag:$0x3] =	stream.indirect.gather [hbm4b:s22+s15], $0x80, s2, s15, $0xb8;
	[tilespmem:$0x1F480] =	vst v63  }
0x13d: {  	_ =	swait.ge [sflag:s12], $0x3200  }
0x13e: {  	[sflag:s12] =	ssyncset.done $0x0  }
0x13f: {  	s2 =	simm.s32 $0x1A80;
	[sflag:s12] =	ssyncadd.s32 $0xFFFFCE00  }
0x140: {  	[spmem:s24] =	stream.indirect.scatter.add.f32 [tilespmem:s11], [sflag:$0x4], $0x80, s2, s15, $0xb8;
	[tilespmem:$0x1F480] =	vst v63  }
0x141: {  	_ =	swait.ge [sflag:s13], $0x3200  }
0x142: {  	[sflag:s13] =	ssyncset.done $0x0  }
0x143: {  	s2 =	simm.s32 $0xC00;
	[sflag:s13] =	ssyncadd.s32 $0xFFFFCE00  }
0x144: {  	[tilespmem:s11], [sflag:$0x1] =	stream.indirect.gather [hbm4b:s22+s15], $0x80, s2, s15, $0xb8;
	[tilespmem:$0x1F480] =	vst v63  }
0x145: {  	_ =	swait.ge [sflag:s21], $0x3200  }
0x146: {  	[sflag:s21] =	ssyncset.done $0x0  }
0x147: {  	s2 =	simm.s32 $0x1B00;
	[sflag:s21] =	ssyncadd.s32 $0xFFFFCE00  }
0x148: {  	[spmem:s24] =	stream.indirect.scatter.add.f32 [tilespmem:s17], [sflag:$0x4], $0x80, s2, s15, $0xb8;
	[tilespmem:$0x1F480] =	vst v63  }
0x149: {  	_ =	swait.ge [sflag:s13], $0x3200  }
0x14a: {  	[sflag:s13] =	ssyncset.done $0x0  }
0x14b: {  	[sflag:s13] =	ssyncadd.s32 $0xFFFFCE00  }
0x14c: {  	_ =	swait.ge [sflag:s9], $0x3200  }
0x14d: {  	[sflag:s9] =	ssyncset.done $0x0  }
0x14e: {  	s2 =	simm.s32 $0x1B80;
	[sflag:s9] =	ssyncadd.s32 $0xFFFFCE00  }
0x14f: {  	[spmem:s24] =	stream.indirect.scatter.add.f32 [tilespmem:s19], [sflag:$0x4], $0x80, s2, s15, $0xb8;
	[tilespmem:$0x1F480] =	vst v63  }
0x150: {  	_ =	swait.ge [sflag:s13], $0x3200  }
0x151: {  	[sflag:s13] =	ssyncset.done $0x0  }
0x152: {  	[sflag:s13] =	ssyncadd.s32 $0xFFFFCE00  }
0x153: {  	_ =	swait.ge [sflag:s12], $0x3200  }
0x154: {  	[sflag:s12] =	ssyncset.done $0x0  }
0x155: {  	s2 =	simm.s32 $0x1C00;
	[sflag:s12] =	ssyncadd.s32 $0xFFFFCE00  }
0x156: {  	[spmem:s24] =	stream.indirect.scatter.add.f32 [tilespmem:s11], [sflag:$0x4], $0x80, s2, s15, $0xb8;
	[tilespmem:$0x1F480] =	vst v63  }
0x157: {  	_ =	swait.ge [sflag:s13], $0x3200  }
0x158: {  	[sflag:s13] =	ssyncset.done $0x0  }
0x159: {  	s2 =	rddreg [dreg:$0x6];
	[sflag:s13] =	ssyncadd.s32 $0xFFFFCE00  }
0x15a: {  	[tilespmem:s1], [sflag:$0x4] =	stream.linear.gather [hbm4b:s2+s1], $0xC80, $0x38;
	[tilespmem:$0x1F480] =	vst v63  }
0x15b: {  	_ =	swait.ge [sflag:s13], $0xC80  }
0x15c: {  	[sflag:s13] =	ssyncset.done $0x0  }
0x15d: {  	s2 =	rddreg [dreg:$0x7];
	[sflag:s13] =	ssyncadd.s32 $0xFFFFF380  }
0x15e: {  	[tilespmem:s0], [sflag:$0x4] =	stream.linear.gather [hbm4b:s2+s1], $0xC80, $0x38;
	[tilespmem:$0x1F480] =	vst v63  }
0x15f: {  	_ =	swait.ge [sflag:s13], $0xC80  }
0x160: {  	[sflag:s13] =	ssyncset.done $0x0  }
0x161: {  	[sflag:s13] =	ssyncadd.s32 $0xFFFFF380  }
0x162: {  	[tilespmem:s11], [sflag:$0x1] =	stream.indirect.gather [hbm4b:s22+s15], $0x80, s1, s15, $0xb8;
	[tilespmem:$0x1F480] =	vst v63  }
0x163: {  	s2 =	simm.s32 $0x80  }
0x164: {  	[tilespmem:s17], [sflag:$0x2] =	stream.indirect.gather [hbm4b:s22+s15], $0x80, s2, s15, $0xb8;
	[tilespmem:$0x1F480] =	vst v63  }
0x165: {  	s2 =	simm.s32 $0x100  }
0x166: {  	[tilespmem:s19], [sflag:$0x3] =	stream.indirect.gather [hbm4b:s22+s15], $0x80, s2, s15, $0xb8;
	[tilespmem:$0x1F480] =	vst v63  }
0x167: {  	_ =	swait.ge [sflag:s12], $0x3200  }
0x168: {  	[sflag:s12] =	ssyncset.done $0x0  }
0x169: {  	[sflag:s12] =	ssyncadd.s32 $0xFFFFCE00  }
0x16a: {  	[spmem:s24] =	stream.indirect.scatter.add.f32 [tilespmem:s11], [sflag:$0x4], $0x80, s0, s15, $0xb8;
	[tilespmem:$0x1F480] =	vst v63  }
0x16b: {  	_ =	swait.ge [sflag:s13], $0x3200  }
0x16c: {  	[sflag:s13] =	ssyncset.done $0x0  }
0x16d: {  	s2 =	simm.s32 $0x180;
	[sflag:s13] =	ssyncadd.s32 $0xFFFFCE00  }
0x16e: {  	[tilespmem:s11], [sflag:$0x1] =	stream.indirect.gather [hbm4b:s22+s15], $0x80, s2, s15, $0xb8;
	[tilespmem:$0x1F480] =	vst v63  }
0x16f: {  	_ =	swait.ge [sflag:s21], $0x3200  }
0x170: {  	[sflag:s21] =	ssyncset.done $0x0  }
0x171: {  	s2 =	simm.s32 $0x1080;
	[sflag:s21] =	ssyncadd.s32 $0xFFFFCE00  }
0x172: {  	[spmem:s24] =	stream.indirect.scatter.add.f32 [tilespmem:s17], [sflag:$0x4], $0x80, s2, s15, $0xb8;
	[tilespmem:$0x1F480] =	vst v63  }
0x173: {  	_ =	swait.ge [sflag:s13], $0x3200  }
0x174: {  	[sflag:s13] =	ssyncset.done $0x0  }
0x175: {  	s2 =	simm.s32 $0x200;
	[sflag:s13] =	ssyncadd.s32 $0xFFFFCE00  }
0x176: {  	[tilespmem:s17], [sflag:$0x2] =	stream.indirect.gather [hbm4b:s22+s15], $0x80, s2, s15, $0xb8;
	[tilespmem:$0x1F480] =	vst v63  }
0x177: {  	_ =	swait.ge [sflag:s9], $0x3200  }
0x178: {  	[sflag:s9] =	ssyncset.done $0x0  }
0x179: {  	s2 =	simm.s32 $0x1100;
	[sflag:s9] =	ssyncadd.s32 $0xFFFFCE00  }
0x17a: {  	[spmem:s24] =	stream.indirect.scatter.add.f32 [tilespmem:s19], [sflag:$0x4], $0x80, s2, s15, $0xb8;
	[tilespmem:$0x1F480] =	vst v63  }
0x17b: {  	_ =	swait.ge [sflag:s13], $0x3200  }
0x17c: {  	[sflag:s13] =	ssyncset.done $0x0  }
0x17d: {  	s2 =	simm.s32 $0x280;
	[sflag:s13] =	ssyncadd.s32 $0xFFFFCE00  }
0x17e: {  	[tilespmem:s19], [sflag:$0x3] =	stream.indirect.gather [hbm4b:s22+s15], $0x80, s2, s15, $0xb8;
	[tilespmem:$0x1F480] =	vst v63  }
0x17f: {  	_ =	swait.ge [sflag:s12], $0x3200  }
0x180: {  	[sflag:s12] =	ssyncset.done $0x0  }
0x181: {  	s2 =	simm.s32 $0x1180;
	[sflag:s12] =	ssyncadd.s32 $0xFFFFCE00  }
0x182: {  	[spmem:s24] =	stream.indirect.scatter.add.f32 [tilespmem:s11], [sflag:$0x4], $0x80, s2, s15, $0xb8;
	[tilespmem:$0x1F480] =	vst v63  }
0x183: {  	_ =	swait.ge [sflag:s13], $0x3200  }
0x184: {  	[sflag:s13] =	ssyncset.done $0x0  }
0x185: {  	s2 =	simm.s32 $0x300;
	[sflag:s13] =	ssyncadd.s32 $0xFFFFCE00  }
0x186: {  	[tilespmem:s11], [sflag:$0x1] =	stream.indirect.gather [hbm4b:s22+s15], $0x80, s2, s15, $0xb8;
	[tilespmem:$0x1F480] =	vst v63  }
0x187: {  	_ =	swait.ge [sflag:s21], $0x3200  }
0x188: {  	[sflag:s21] =	ssyncset.done $0x0  }
0x189: {  	s2 =	simm.s32 $0x1200;
	[sflag:s21] =	ssyncadd.s32 $0xFFFFCE00  }
0x18a: {  	[spmem:s24] =	stream.indirect.scatter.add.f32 [tilespmem:s17], [sflag:$0x4], $0x80, s2, s15, $0xb8;
	[tilespmem:$0x1F480] =	vst v63  }
0x18b: {  	_ =	swait.ge [sflag:s13], $0x3200  }
0x18c: {  	[sflag:s13] =	ssyncset.done $0x0  }
0x18d: {  	s2 =	simm.s32 $0x380;
	[sflag:s13] =	ssyncadd.s32 $0xFFFFCE00  }
0x18e: {  	[tilespmem:s17], [sflag:$0x2] =	stream.indirect.gather [hbm4b:s22+s15], $0x80, s2, s15, $0xb8;
	[tilespmem:$0x1F480] =	vst v63  }
0x18f: {  	_ =	swait.ge [sflag:s9], $0x3200  }
0x190: {  	[sflag:s9] =	ssyncset.done $0x0  }
0x191: {  	s2 =	simm.s32 $0x1280;
	[sflag:s9] =	ssyncadd.s32 $0xFFFFCE00  }
0x192: {  	[spmem:s24] =	stream.indirect.scatter.add.f32 [tilespmem:s19], [sflag:$0x4], $0x80, s2, s15, $0xb8;
	[tilespmem:$0x1F480] =	vst v63  }
0x193: {  	_ =	swait.ge [sflag:s13], $0x3200  }
0x194: {  	[sflag:s13] =	ssyncset.done $0x0  }
0x195: {  	s2 =	simm.s32 $0x400;
	[sflag:s13] =	ssyncadd.s32 $0xFFFFCE00  }
0x196: {  	[tilespmem:s19], [sflag:$0x3] =	stream.indirect.gather [hbm4b:s22+s15], $0x80, s2, s15, $0xb8;
	[tilespmem:$0x1F480] =	vst v63  }
0x197: {  	_ =	swait.ge [sflag:s12], $0x3200  }
0x198: {  	[sflag:s12] =	ssyncset.done $0x0  }
0x199: {  	s2 =	simm.s32 $0x1300;
	[sflag:s12] =	ssyncadd.s32 $0xFFFFCE00  }
0x19a: {  	[spmem:s24] =	stream.indirect.scatter.add.f32 [tilespmem:s11], [sflag:$0x4], $0x80, s2, s15, $0xb8;
	[tilespmem:$0x1F480] =	vst v63  }
0x19b: {  	_ =	swait.ge [sflag:s13], $0x3200  }
0x19c: {  	[sflag:s13] =	ssyncset.done $0x0  }
0x19d: {  	s2 =	simm.s32 $0x480;
	[sflag:s13] =	ssyncadd.s32 $0xFFFFCE00  }
0x19e: {  	[tilespmem:s11], [sflag:$0x1] =	stream.indirect.gather [hbm4b:s22+s15], $0x80, s2, s15, $0xb8;
	[tilespmem:$0x1F480] =	vst v63  }
0x19f: {  	_ =	swait.ge [sflag:s21], $0x3200  }
0x1a0: {  	[sflag:s21] =	ssyncset.done $0x0  }
0x1a1: {  	s2 =	simm.s32 $0x1380;
	[sflag:s21] =	ssyncadd.s32 $0xFFFFCE00  }
0x1a2: {  	[spmem:s24] =	stream.indirect.scatter.add.f32 [tilespmem:s17], [sflag:$0x4], $0x80, s2, s15, $0xb8;
	[tilespmem:$0x1F480] =	vst v63  }
0x1a3: {  	_ =	swait.ge [sflag:s13], $0x3200  }
0x1a4: {  	[sflag:s13] =	ssyncset.done $0x0  }
0x1a5: {  	s2 =	simm.s32 $0x500;
	[sflag:s13] =	ssyncadd.s32 $0xFFFFCE00  }
0x1a6: {  	[tilespmem:s17], [sflag:$0x2] =	stream.indirect.gather [hbm4b:s22+s15], $0x80, s2, s15, $0xb8;
	[tilespmem:$0x1F480] =	vst v63  }
0x1a7: {  	_ =	swait.ge [sflag:s9], $0x3200  }
0x1a8: {  	[sflag:s9] =	ssyncset.done $0x0  }
0x1a9: {  	s3 =	simm.s32 $0x1400;
	[sflag:s9] =	ssyncadd.s32 $0xFFFFCE00  }
0x1aa: {  	[spmem:s24] =	stream.indirect.scatter.add.f32 [tilespmem:s19], [sflag:$0x4], $0x80, s3, s15, $0xb8;
	[tilespmem:$0x1F480] =	vst v63  }
0x1ab: {  	_ =	swait.ge [sflag:s13], $0x3200  }
0x1ac: {  	[sflag:s13] =	ssyncset.done $0x0  }
0x1ad: {  	s4 =	simm.s32 $0x580;
	[sflag:s13] =	ssyncadd.s32 $0xFFFFCE00  }
0x1ae: {  	[tilespmem:s19], [sflag:$0x3] =	stream.indirect.gather [hbm4b:s22+s15], $0x80, s4, s15, $0xb8;
	[tilespmem:$0x1F480] =	vst v63  }
0x1af: {  	_ =	swait.ge [sflag:s12], $0x3200  }
0x1b0: {  	[sflag:s12] =	ssyncset.done $0x0  }
0x1b1: {  	s5 =	simm.s32 $0x1480;
	[sflag:s12] =	ssyncadd.s32 $0xFFFFCE00  }
0x1b2: {  	[spmem:s24] =	stream.indirect.scatter.add.f32 [tilespmem:s11], [sflag:$0x4], $0x80, s5, s15, $0xb8;
	[tilespmem:$0x1F480] =	vst v63  }
0x1b3: {  	_ =	swait.ge [sflag:s13], $0x3200  }
0x1b4: {  	[sflag:s13] =	ssyncset.done $0x0  }
0x1b5: {  	s6 =	simm.s32 $0x600;
	[sflag:s13] =	ssyncadd.s32 $0xFFFFCE00  }
0x1b6: {  	[tilespmem:s11], [sflag:$0x1] =	stream.indirect.gather [hbm4b:s22+s15], $0x80, s6, s15, $0xb8;
	[tilespmem:$0x1F480] =	vst v63  }
0x1b7: {  	_ =	swait.ge [sflag:s21], $0x3200  }
0x1b8: {  	[sflag:s21] =	ssyncset.done $0x0  }
0x1b9: {  	s7 =	simm.s32 $0x1500;
	[sflag:s21] =	ssyncadd.s32 $0xFFFFCE00  }
0x1ba: {  	[spmem:s24] =	stream.indirect.scatter.add.f32 [tilespmem:s17], [sflag:$0x4], $0x80, s7, s15, $0xb8;
	[tilespmem:$0x1F480] =	vst v63  }
0x1bb: {  	_ =	swait.ge [sflag:s13], $0x3200  }
0x1bc: {  	[sflag:s13] =	ssyncset.done $0x0  }
0x1bd: {  	s8 =	simm.s32 $0x680;
	[sflag:s13] =	ssyncadd.s32 $0xFFFFCE00  }
0x1be: {  	[tilespmem:s17], [sflag:$0x2] =	stream.indirect.gather [hbm4b:s22+s15], $0x80, s8, s15, $0xb8;
	[tilespmem:$0x1F480] =	vst v63  }
0x1bf: {  	_ =	swait.ge [sflag:s9], $0x3200  }
0x1c0: {  	[sflag:s9] =	ssyncset.done $0x0  }
0x1c1: {  	s10 =	simm.s32 $0x1580;
	[sflag:s9] =	ssyncadd.s32 $0xFFFFCE00  }
0x1c2: {  	[spmem:s24] =	stream.indirect.scatter.add.f32 [tilespmem:s19], [sflag:$0x4], $0x80, s10, s15, $0xb8;
	[tilespmem:$0x1F480] =	vst v63  }
0x1c3: {  	_ =	swait.ge [sflag:s13], $0x3200  }
0x1c4: {  	[sflag:s13] =	ssyncset.done $0x0  }
0x1c5: {  	s14 =	simm.s32 $0x700;
	[sflag:s13] =	ssyncadd.s32 $0xFFFFCE00  }
0x1c6: {  	[tilespmem:s19], [sflag:$0x3] =	stream.indirect.gather [hbm4b:s22+s15], $0x80, s14, s15, $0xb8;
	[tilespmem:$0x1F480] =	vst v63  }
0x1c7: {  	_ =	swait.ge [sflag:s12], $0x3200  }
0x1c8: {  	[sflag:s12] =	ssyncset.done $0x0  }
0x1c9: {  	s16 =	simm.s32 $0x1600;
	[sflag:s12] =	ssyncadd.s32 $0xFFFFCE00  }
0x1ca: {  	[spmem:s24] =	stream.indirect.scatter.add.f32 [tilespmem:s11], [sflag:$0x4], $0x80, s16, s15, $0xb8;
	[tilespmem:$0x1F480] =	vst v63  }
0x1cb: {  	_ =	swait.ge [sflag:s13], $0x3200  }
0x1cc: {  	[sflag:s13] =	ssyncset.done $0x0  }
0x1cd: {  	s18 =	simm.s32 $0x780;
	[sflag:s13] =	ssyncadd.s32 $0xFFFFCE00  }
0x1ce: {  	[tilespmem:s11], [sflag:$0x1] =	stream.indirect.gather [hbm4b:s22+s15], $0x80, s18, s15, $0xb8;
	[tilespmem:$0x1F480] =	vst v63  }
0x1cf: {  	_ =	swait.ge [sflag:s21], $0x3200  }
0x1d0: {  	[sflag:s21] =	ssyncset.done $0x0  }
0x1d1: {  	s20 =	simm.s32 $0x1680;
	[sflag:s21] =	ssyncadd.s32 $0xFFFFCE00  }
0x1d2: {  	[spmem:s24] =	stream.indirect.scatter.add.f32 [tilespmem:s17], [sflag:$0x4], $0x80, s20, s15, $0xb8;
	[tilespmem:$0x1F480] =	vst v63  }
0x1d3: {  	_ =	swait.ge [sflag:s13], $0x3200  }
0x1d4: {  	[sflag:s13] =	ssyncset.done $0x0  }
0x1d5: {  	s25 =	simm.s32 $0x800;
	[sflag:s13] =	ssyncadd.s32 $0xFFFFCE00  }
0x1d6: {  	[tilespmem:s17], [sflag:$0x2] =	stream.indirect.gather [hbm4b:s22+s15], $0x80, s25, s15, $0xb8;
	[tilespmem:$0x1F480] =	vst v63  }
0x1d7: {  	_ =	swait.ge [sflag:s9], $0x3200  }
0x1d8: {  	[sflag:s9] =	ssyncset.done $0x0  }
0x1d9: {  	s26 =	simm.s32 $0x1700;
	[sflag:s9] =	ssyncadd.s32 $0xFFFFCE00  }
0x1da: {  	[spmem:s24] =	stream.indirect.scatter.add.f32 [tilespmem:s19], [sflag:$0x4], $0x80, s26, s15, $0xb8;
	[tilespmem:$0x1F480] =	vst v63  }
0x1db: {  	_ =	swait.ge [sflag:s13], $0x3200  }
0x1dc: {  	[sflag:s13] =	ssyncset.done $0x0  }
0x1dd: {  	s28 =	simm.s32 $0x880;
	[sflag:s13] =	ssyncadd.s32 $0xFFFFCE00  }
0x1de: {  	[tilespmem:s19], [sflag:$0x3] =	stream.indirect.gather [hbm4b:s22+s15], $0x80, s28, s15, $0xb8;
	[tilespmem:$0x1F480] =	vst v63  }
0x1df: {  	_ =	swait.ge [sflag:s12], $0x3200  }
0x1e0: {  	[sflag:s12] =	ssyncset.done $0x0  }
0x1e1: {  	s29 =	simm.s32 $0x1780;
	[sflag:s12] =	ssyncadd.s32 $0xFFFFCE00  }
0x1e2: {  	[spmem:s24] =	stream.indirect.scatter.add.f32 [tilespmem:s11], [sflag:$0x4], $0x80, s29, s15, $0xb8;
	[tilespmem:$0x1F480] =	vst v63  }
0x1e3: {  	_ =	swait.ge [sflag:s13], $0x3200  }
0x1e4: {  	[sflag:s13] =	ssyncset.done $0x0  }
0x1e5: {  	s30 =	simm.s32 $0x900;
	[sflag:s13] =	ssyncadd.s32 $0xFFFFCE00  }
0x1e6: {  	[tilespmem:s11], [sflag:$0x1] =	stream.indirect.gather [hbm4b:s22+s15], $0x80, s30, s15, $0xb8;
	[tilespmem:$0x1F480] =	vst v63  }
0x1e7: {  	_ =	swait.ge [sflag:s21], $0x3200  }
0x1e8: {  	[sflag:s21] =	ssyncset.done $0x0  }
0x1e9: {  	s31 =	simm.s32 $0x1800;
	[sflag:s21] =	ssyncadd.s32 $0xFFFFCE00  }
0x1ea: {  	[spmem:s24] =	stream.indirect.scatter.add.f32 [tilespmem:s17], [sflag:$0x4], $0x80, s31, s15, $0xb8;
	[tilespmem:$0x1F480] =	vst v63  }
0x1eb: {  	_ =	swait.ge [sflag:s13], $0x3200  }
0x1ec: {  	[sflag:s13] =	ssyncset.done $0x0  }
0x1ed: {  	s28 =	simm.s32 $0x980;
	[sflag:s13] =	ssyncadd.s32 $0xFFFFCE00  }
0x1ee: {  	[tilespmem:s17], [sflag:$0x2] =	stream.indirect.gather [hbm4b:s22+s15], $0x80, s28, s15, $0xb8;
	[tilespmem:$0x1F480] =	vst v63  }
0x1ef: {  	_ =	swait.ge [sflag:s9], $0x3200  }
0x1f0: {  	[sflag:s9] =	ssyncset.done $0x0  }
0x1f1: {  	s29 =	simm.s32 $0x1880;
	[sflag:s9] =	ssyncadd.s32 $0xFFFFCE00  }
0x1f2: {  	[spmem:s24] =	stream.indirect.scatter.add.f32 [tilespmem:s19], [sflag:$0x4], $0x80, s29, s15, $0xb8;
	[tilespmem:$0x1F480] =	vst v63  }
0x1f3: {  	_ =	swait.ge [sflag:s13], $0x3200  }
0x1f4: {  	[sflag:s13] =	ssyncset.done $0x0  }
0x1f5: {  	s30 =	simm.s32 $0xA00;
	[sflag:s13] =	ssyncadd.s32 $0xFFFFCE00  }
0x1f6: {  	[tilespmem:s19], [sflag:$0x3] =	stream.indirect.gather [hbm4b:s22+s15], $0x80, s30, s15, $0xb8;
	[tilespmem:$0x1F480] =	vst v63  }
0x1f7: {  	_ =	swait.ge [sflag:s12], $0x3200  }
0x1f8: {  	[sflag:s12] =	ssyncset.done $0x0  }
0x1f9: {  	s31 =	simm.s32 $0x1900;
	[sflag:s12] =	ssyncadd.s32 $0xFFFFCE00  }
0x1fa: {  	[spmem:s24] =	stream.indirect.scatter.add.f32 [tilespmem:s11], [sflag:$0x4], $0x80, s31, s15, $0xb8;
	[tilespmem:$0x1F480] =	vst v63  }
0x1fb: {  	_ =	swait.ge [sflag:s13], $0x3200  }
0x1fc: {  	[sflag:s13] =	ssyncset.done $0x0  }
0x1fd: {  	s5 =	simm.s32 $0xA80;
	[sflag:s13] =	ssyncadd.s32 $0xFFFFCE00  }
0x1fe: {  	[tilespmem:s11], [sflag:$0x1] =	stream.indirect.gather [hbm4b:s22+s15], $0x80, s5, s15, $0xb8;
	[tilespmem:$0x1F480] =	vst v63  }
0x1ff: {  	_ =	swait.ge [sflag:s21], $0x3200  }
0x200: {  	[sflag:s21] =	ssyncset.done $0x0  }
0x201: {  	s6 =	simm.s32 $0x1980;
	[sflag:s21] =	ssyncadd.s32 $0xFFFFCE00  }
0x202: {  	[spmem:s24] =	stream.indirect.scatter.add.f32 [tilespmem:s17], [sflag:$0x4], $0x80, s6, s15, $0xb8;
	[tilespmem:$0x1F480] =	vst v63  }
0x203: {  	_ =	swait.ge [sflag:s13], $0x3200  }
0x204: {  	[sflag:s13] =	ssyncset.done $0x0  }
0x205: {  	s7 =	simm.s32 $0xB00;
	[sflag:s13] =	ssyncadd.s32 $0xFFFFCE00  }
0x206: {  	[tilespmem:s17], [sflag:$0x2] =	stream.indirect.gather [hbm4b:s22+s15], $0x80, s7, s15, $0xb8;
	[tilespmem:$0x1F480] =	vst v63  }
0x207: {  	_ =	swait.ge [sflag:s9], $0x3200  }
0x208: {  	[sflag:s9] =	ssyncset.done $0x0  }
0x209: {  	s8 =	simm.s32 $0x1A00;
	[sflag:s9] =	ssyncadd.s32 $0xFFFFCE00  }
0x20a: {  	[spmem:s24] =	stream.indirect.scatter.add.f32 [tilespmem:s19], [sflag:$0x4], $0x80, s8, s15, $0xb8;
	[tilespmem:$0x1F480] =	vst v63  }
0x20b: {  	_ =	swait.ge [sflag:s13], $0x3200  }
0x20c: {  	[sflag:s13] =	ssyncset.done $0x0  }
0x20d: {  	s10 =	simm.s32 $0xB80;
	[sflag:s13] =	ssyncadd.s32 $0xFFFFCE00  }
0x20e: {  	[tilespmem:s19], [sflag:$0x3] =	stream.indirect.gather [hbm4b:s22+s15], $0x80, s10, s15, $0xb8;
	[tilespmem:$0x1F480] =	vst v63  }
0x20f: {  	_ =	swait.ge [sflag:s12], $0x3200  }
0x210: {  	[sflag:s12] =	ssyncset.done $0x0  }
0x211: {  	s14 =	simm.s32 $0x1A80;
	[sflag:s12] =	ssyncadd.s32 $0xFFFFCE00  }
0x212: {  	[spmem:s24] =	stream.indirect.scatter.add.f32 [tilespmem:s11], [sflag:$0x4], $0x80, s14, s15, $0xb8;
	[tilespmem:$0x1F480] =	vst v63  }
0x213: {  	_ =	swait.ge [sflag:s13], $0x3200  }
0x214: {  	[sflag:s13] =	ssyncset.done $0x0  }
0x215: {  	s16 =	simm.s32 $0xC00;
	[sflag:s13] =	ssyncadd.s32 $0xFFFFCE00  }
0x216: {  	[tilespmem:s11], [sflag:$0x1] =	stream.indirect.gather [hbm4b:s22+s15], $0x80, s16, s15, $0xb8;
	[tilespmem:$0x1F480] =	vst v63  }
0x217: {  	_ =	swait.ge [sflag:s21], $0x3200  }
0x218: {  	[sflag:s21] =	ssyncset.done $0x0  }
0x219: {  	s18 =	simm.s32 $0x1B00;
	[sflag:s21] =	ssyncadd.s32 $0xFFFFCE00  }
0x21a: {  	[spmem:s24] =	stream.indirect.scatter.add.f32 [tilespmem:s17], [sflag:$0x4], $0x80, s18, s15, $0xb8;
	[tilespmem:$0x1F480] =	vst v63  }
0x21b: {  	_ =	swait.ge [sflag:s13], $0x3200  }
0x21c: {  	[sflag:s13] =	ssyncset.done $0x0  }
0x21d: {  	[sflag:s13] =	ssyncadd.s32 $0xFFFFCE00  }
0x21e: {  	_ =	swait.ge [sflag:s9], $0x3200  }
0x21f: {  	[sflag:s9] =	ssyncset.done $0x0  }
0x220: {  	s20 =	simm.s32 $0x1B80;
	[sflag:s9] =	ssyncadd.s32 $0xFFFFCE00  }
0x221: {  	[spmem:s24] =	stream.indirect.scatter.add.f32 [tilespmem:s19], [sflag:$0x4], $0x80, s20, s15, $0xb8;
	[tilespmem:$0x1F480] =	vst v63  }
0x222: {  	_ =	swait.ge [sflag:s13], $0x3200  }
0x223: {  	[sflag:s13] =	ssyncset.done $0x0  }
0x224: {  	[sflag:s13] =	ssyncadd.s32 $0xFFFFCE00  }
0x225: {  	_ =	swait.ge [sflag:s12], $0x3200  }
0x226: {  	[sflag:s12] =	ssyncset.done $0x0  }
0x227: {  	s25 =	simm.s32 $0x1C00;
	[sflag:s12] =	ssyncadd.s32 $0xFFFFCE00  }
0x228: {  	[spmem:s24] =	stream.indirect.scatter.add.f32 [tilespmem:s11], [sflag:$0x4], $0x80, s25, s15, $0xb8;
	[tilespmem:$0x1F480] =	vst v63  }
0x229: {  	_ =	swait.ge [sflag:s13], $0x3200  }
0x22a: {  	[sflag:s13] =	ssyncset.done $0x0  }
0x22b: {  	s26 =	rddreg [dreg:$0x8];
	[sflag:s13] =	ssyncadd.s32 $0xFFFFCE00  }
0x22c: {  	[tilespmem:s1], [sflag:$0x4] =	stream.linear.gather [hbm4b:s26+s1], $0xC80, $0x38;
	[tilespmem:$0x1F480] =	vst v63  }
0x22d: {  	_ =	swait.ge [sflag:s13], $0xC80  }
0x22e: {  	[sflag:s13] =	ssyncset.done $0x0  }
0x22f: {  	s28 =	rddreg [dreg:$0x9];
	[sflag:s13] =	ssyncadd.s32 $0xFFFFF380  }
0x230: {  	[tilespmem:s0], [sflag:$0x4] =	stream.linear.gather [hbm4b:s28+s1], $0xC80, $0x38;
	[tilespmem:$0x1F480] =	vst v63  }
0x231: {  	_ =	swait.ge [sflag:s13], $0xC80  }
0x232: {  	[sflag:s13] =	ssyncset.done $0x0  }
0x233: {  	[sflag:s13] =	ssyncadd.s32 $0xFFFFF380  }
0x234: {  	[tilespmem:s11], [sflag:$0x1] =	stream.indirect.gather [hbm4b:s22+s15], $0x80, s1, s15, $0xb8;
	[tilespmem:$0x1F480] =	vst v63  }
0x235: {  	s29 =	simm.s32 $0x80  }
0x236: {  	[tilespmem:s17], [sflag:$0x2] =	stream.indirect.gather [hbm4b:s22+s15], $0x80, s29, s15, $0xb8;
	[tilespmem:$0x1F480] =	vst v63  }
0x237: {  	s30 =	simm.s32 $0x100  }
0x238: {  	[tilespmem:s19], [sflag:$0x3] =	stream.indirect.gather [hbm4b:s22+s15], $0x80, s30, s15, $0xb8;
	[tilespmem:$0x1F480] =	vst v63  }
0x239: {  	_ =	swait.ge [sflag:s12], $0x3200  }
0x23a: {  	[sflag:s12] =	ssyncset.done $0x0  }
0x23b: {  	[sflag:s12] =	ssyncadd.s32 $0xFFFFCE00  }
0x23c: {  	[spmem:s24] =	stream.indirect.scatter.add.f32 [tilespmem:s11], [sflag:$0x4], $0x80, s0, s15, $0xb8;
	[tilespmem:$0x1F480] =	vst v63  }
0x23d: {  	_ =	swait.ge [sflag:s13], $0x3200  }
0x23e: {  	[sflag:s13] =	ssyncset.done $0x0  }
0x23f: {  	s31 =	simm.s32 $0x180;
	[sflag:s13] =	ssyncadd.s32 $0xFFFFCE00  }
0x240: {  	[tilespmem:s11], [sflag:$0x1] =	stream.indirect.gather [hbm4b:s22+s15], $0x80, s31, s15, $0xb8;
	[tilespmem:$0x1F480] =	vst v63  }
0x241: {  	_ =	swait.ge [sflag:s21], $0x3200  }
0x242: {  	[sflag:s21] =	ssyncset.done $0x0  }
0x243: {  	s6 =	simm.s32 $0x1080;
	[sflag:s21] =	ssyncadd.s32 $0xFFFFCE00  }
0x244: {  	[spmem:s24] =	stream.indirect.scatter.add.f32 [tilespmem:s17], [sflag:$0x4], $0x80, s6, s15, $0xb8;
	[tilespmem:$0x1F480] =	vst v63  }
0x245: {  	_ =	swait.ge [sflag:s13], $0x3200  }
0x246: {  	[sflag:s13] =	ssyncset.done $0x0  }
0x247: {  	s7 =	simm.s32 $0x200;
	[sflag:s13] =	ssyncadd.s32 $0xFFFFCE00  }
0x248: {  	[tilespmem:s17], [sflag:$0x2] =	stream.indirect.gather [hbm4b:s22+s15], $0x80, s7, s15, $0xb8;
	[tilespmem:$0x1F480] =	vst v63  }
0x249: {  	_ =	swait.ge [sflag:s9], $0x3200  }
0x24a: {  	[sflag:s9] =	ssyncset.done $0x0  }
0x24b: {  	s8 =	simm.s32 $0x1100;
	[sflag:s9] =	ssyncadd.s32 $0xFFFFCE00  }
0x24c: {  	[spmem:s24] =	stream.indirect.scatter.add.f32 [tilespmem:s19], [sflag:$0x4], $0x80, s8, s15, $0xb8;
	[tilespmem:$0x1F480] =	vst v63  }
0x24d: {  	_ =	swait.ge [sflag:s13], $0x3200  }
0x24e: {  	[sflag:s13] =	ssyncset.done $0x0  }
0x24f: {  	s10 =	simm.s32 $0x280;
	[sflag:s13] =	ssyncadd.s32 $0xFFFFCE00  }
0x250: {  	[tilespmem:s19], [sflag:$0x3] =	stream.indirect.gather [hbm4b:s22+s15], $0x80, s10, s15, $0xb8;
	[tilespmem:$0x1F480] =	vst v63  }
0x251: {  	_ =	swait.ge [sflag:s12], $0x3200  }
0x252: {  	[sflag:s12] =	ssyncset.done $0x0  }
0x253: {  	s14 =	simm.s32 $0x1180;
	[sflag:s12] =	ssyncadd.s32 $0xFFFFCE00  }
0x254: {  	[spmem:s24] =	stream.indirect.scatter.add.f32 [tilespmem:s11], [sflag:$0x4], $0x80, s14, s15, $0xb8;
	[tilespmem:$0x1F480] =	vst v63  }
0x255: {  	_ =	swait.ge [sflag:s13], $0x3200  }
0x256: {  	[sflag:s13] =	ssyncset.done $0x0  }
0x257: {  	s16 =	simm.s32 $0x300;
	[sflag:s13] =	ssyncadd.s32 $0xFFFFCE00  }
0x258: {  	[tilespmem:s11], [sflag:$0x1] =	stream.indirect.gather [hbm4b:s22+s15], $0x80, s16, s15, $0xb8;
	[tilespmem:$0x1F480] =	vst v63  }
0x259: {  	_ =	swait.ge [sflag:s21], $0x3200  }
0x25a: {  	[sflag:s21] =	ssyncset.done $0x0  }
0x25b: {  	s18 =	simm.s32 $0x1200;
	[sflag:s21] =	ssyncadd.s32 $0xFFFFCE00  }
0x25c: {  	[spmem:s24] =	stream.indirect.scatter.add.f32 [tilespmem:s17], [sflag:$0x4], $0x80, s18, s15, $0xb8;
	[tilespmem:$0x1F480] =	vst v63  }
0x25d: {  	_ =	swait.ge [sflag:s13], $0x3200  }
0x25e: {  	[sflag:s13] =	ssyncset.done $0x0  }
0x25f: {  	s20 =	simm.s32 $0x380;
	[sflag:s13] =	ssyncadd.s32 $0xFFFFCE00  }
0x260: {  	[tilespmem:s17], [sflag:$0x2] =	stream.indirect.gather [hbm4b:s22+s15], $0x80, s20, s15, $0xb8;
	[tilespmem:$0x1F480] =	vst v63  }
0x261: {  	_ =	swait.ge [sflag:s9], $0x3200  }
0x262: {  	[sflag:s9] =	ssyncset.done $0x0  }
0x263: {  	s25 =	simm.s32 $0x1280;
	[sflag:s9] =	ssyncadd.s32 $0xFFFFCE00  }
0x264: {  	[spmem:s24] =	stream.indirect.scatter.add.f32 [tilespmem:s19], [sflag:$0x4], $0x80, s25, s15, $0xb8;
	[tilespmem:$0x1F480] =	vst v63  }
0x265: {  	_ =	swait.ge [sflag:s13], $0x3200  }
0x266: {  	[sflag:s13] =	ssyncset.done $0x0  }
0x267: {  	s26 =	simm.s32 $0x400;
	[sflag:s13] =	ssyncadd.s32 $0xFFFFCE00  }
0x268: {  	[tilespmem:s19], [sflag:$0x3] =	stream.indirect.gather [hbm4b:s22+s15], $0x80, s26, s15, $0xb8;
	[tilespmem:$0x1F480] =	vst v63  }
0x269: {  	_ =	swait.ge [sflag:s12], $0x3200  }
0x26a: {  	[sflag:s12] =	ssyncset.done $0x0  }
0x26b: {  	s28 =	simm.s32 $0x1300;
	[sflag:s12] =	ssyncadd.s32 $0xFFFFCE00  }
0x26c: {  	[spmem:s24] =	stream.indirect.scatter.add.f32 [tilespmem:s11], [sflag:$0x4], $0x80, s28, s15, $0xb8;
	[tilespmem:$0x1F480] =	vst v63  }
0x26d: {  	_ =	swait.ge [sflag:s13], $0x3200  }
0x26e: {  	[sflag:s13] =	ssyncset.done $0x0  }
0x26f: {  	s29 =	simm.s32 $0x480;
	[sflag:s13] =	ssyncadd.s32 $0xFFFFCE00  }
0x270: {  	[tilespmem:s11], [sflag:$0x1] =	stream.indirect.gather [hbm4b:s22+s15], $0x80, s29, s15, $0xb8;
	[tilespmem:$0x1F480] =	vst v63  }
0x271: {  	_ =	swait.ge [sflag:s21], $0x3200  }
0x272: {  	[sflag:s21] =	ssyncset.done $0x0  }
0x273: {  	s30 =	simm.s32 $0x1380;
	[sflag:s21] =	ssyncadd.s32 $0xFFFFCE00  }
0x274: {  	[spmem:s24] =	stream.indirect.scatter.add.f32 [tilespmem:s17], [sflag:$0x4], $0x80, s30, s15, $0xb8;
	[tilespmem:$0x1F480] =	vst v63  }
0x275: {  	_ =	swait.ge [sflag:s13], $0x3200  }
0x276: {  	[sflag:s13] =	ssyncset.done $0x0  }
0x277: {  	s31 =	simm.s32 $0x500;
	[sflag:s13] =	ssyncadd.s32 $0xFFFFCE00  }
0x278: {  	[tilespmem:s17], [sflag:$0x2] =	stream.indirect.gather [hbm4b:s22+s15], $0x80, s31, s15, $0xb8;
	[tilespmem:$0x1F480] =	vst v63  }
0x279: {  	_ =	swait.ge [sflag:s9], $0x3200  }
0x27a: {  	[sflag:s9] =	ssyncset.done $0x0  }
0x27b: {  	s3 =	simm.s32 $0x1400;
	[sflag:s9] =	ssyncadd.s32 $0xFFFFCE00  }
0x27c: {  	[spmem:s24] =	stream.indirect.scatter.add.f32 [tilespmem:s19], [sflag:$0x4], $0x80, s3, s15, $0xb8;
	[tilespmem:$0x1F480] =	vst v63  }
0x27d: {  	_ =	swait.ge [sflag:s13], $0x3200  }
0x27e: {  	[sflag:s13] =	ssyncset.done $0x0  }
0x27f: {  	s4 =	simm.s32 $0x580;
	[sflag:s13] =	ssyncadd.s32 $0xFFFFCE00  }
0x280: {  	[tilespmem:s19], [sflag:$0x3] =	stream.indirect.gather [hbm4b:s22+s15], $0x80, s4, s15, $0xb8;
	[tilespmem:$0x1F480] =	vst v63  }
0x281: {  	_ =	swait.ge [sflag:s12], $0x3200  }
0x282: {  	[sflag:s12] =	ssyncset.done $0x0  }
0x283: {  	s6 =	simm.s32 $0x1480;
	[sflag:s12] =	ssyncadd.s32 $0xFFFFCE00  }
0x284: {  	[spmem:s24] =	stream.indirect.scatter.add.f32 [tilespmem:s11], [sflag:$0x4], $0x80, s6, s15, $0xb8;
	[tilespmem:$0x1F480] =	vst v63  }
0x285: {  	_ =	swait.ge [sflag:s13], $0x3200  }
0x286: {  	[sflag:s13] =	ssyncset.done $0x0  }
0x287: {  	s7 =	simm.s32 $0x600;
	[sflag:s13] =	ssyncadd.s32 $0xFFFFCE00  }
0x288: {  	[tilespmem:s11], [sflag:$0x1] =	stream.indirect.gather [hbm4b:s22+s15], $0x80, s7, s15, $0xb8;
	[tilespmem:$0x1F480] =	vst v63  }
0x289: {  	_ =	swait.ge [sflag:s21], $0x3200  }
0x28a: {  	[sflag:s21] =	ssyncset.done $0x0  }
0x28b: {  	s8 =	simm.s32 $0x1500;
	[sflag:s21] =	ssyncadd.s32 $0xFFFFCE00  }
0x28c: {  	[spmem:s24] =	stream.indirect.scatter.add.f32 [tilespmem:s17], [sflag:$0x4], $0x80, s8, s15, $0xb8;
	[tilespmem:$0x1F480] =	vst v63  }
0x28d: {  	_ =	swait.ge [sflag:s13], $0x3200  }
0x28e: {  	[sflag:s13] =	ssyncset.done $0x0  }
0x28f: {  	s10 =	simm.s32 $0x680;
	[sflag:s13] =	ssyncadd.s32 $0xFFFFCE00  }
0x290: {  	[tilespmem:s17], [sflag:$0x2] =	stream.indirect.gather [hbm4b:s22+s15], $0x80, s10, s15, $0xb8;
	[tilespmem:$0x1F480] =	vst v63  }
0x291: {  	_ =	swait.ge [sflag:s9], $0x3200  }
0x292: {  	[sflag:s9] =	ssyncset.done $0x0  }
0x293: {  	s14 =	simm.s32 $0x1580;
	[sflag:s9] =	ssyncadd.s32 $0xFFFFCE00  }
0x294: {  	[spmem:s24] =	stream.indirect.scatter.add.f32 [tilespmem:s19], [sflag:$0x4], $0x80, s14, s15, $0xb8;
	[tilespmem:$0x1F480] =	vst v63  }
0x295: {  	_ =	swait.ge [sflag:s13], $0x3200  }
0x296: {  	[sflag:s13] =	ssyncset.done $0x0  }
0x297: {  	s16 =	simm.s32 $0x700;
	[sflag:s13] =	ssyncadd.s32 $0xFFFFCE00  }
0x298: {  	[tilespmem:s19], [sflag:$0x3] =	stream.indirect.gather [hbm4b:s22+s15], $0x80, s16, s15, $0xb8;
	[tilespmem:$0x1F480] =	vst v63  }
0x299: {  	_ =	swait.ge [sflag:s12], $0x3200  }
0x29a: {  	[sflag:s12] =	ssyncset.done $0x0  }
0x29b: {  	s18 =	simm.s32 $0x1600;
	[sflag:s12] =	ssyncadd.s32 $0xFFFFCE00  }
0x29c: {  	[spmem:s24] =	stream.indirect.scatter.add.f32 [tilespmem:s11], [sflag:$0x4], $0x80, s18, s15, $0xb8;
	[tilespmem:$0x1F480] =	vst v63  }
0x29d: {  	_ =	swait.ge [sflag:s13], $0x3200  }
0x29e: {  	[sflag:s13] =	ssyncset.done $0x0  }
0x29f: {  	s20 =	simm.s32 $0x780;
	[sflag:s13] =	ssyncadd.s32 $0xFFFFCE00  }
0x2a0: {  	[tilespmem:s11], [sflag:$0x1] =	stream.indirect.gather [hbm4b:s22+s15], $0x80, s20, s15, $0xb8;
	[tilespmem:$0x1F480] =	vst v63  }
0x2a1: {  	_ =	swait.ge [sflag:s21], $0x3200  }
0x2a2: {  	[sflag:s21] =	ssyncset.done $0x0  }
0x2a3: {  	s25 =	simm.s32 $0x1680;
	[sflag:s21] =	ssyncadd.s32 $0xFFFFCE00  }
0x2a4: {  	[spmem:s24] =	stream.indirect.scatter.add.f32 [tilespmem:s17], [sflag:$0x4], $0x80, s25, s15, $0xb8;
	[tilespmem:$0x1F480] =	vst v63  }
0x2a5: {  	_ =	swait.ge [sflag:s13], $0x3200  }
0x2a6: {  	[sflag:s13] =	ssyncset.done $0x0  }
0x2a7: {  	s26 =	simm.s32 $0x800;
	[sflag:s13] =	ssyncadd.s32 $0xFFFFCE00  }
0x2a8: {  	[tilespmem:s17], [sflag:$0x2] =	stream.indirect.gather [hbm4b:s22+s15], $0x80, s26, s15, $0xb8;
	[tilespmem:$0x1F480] =	vst v63  }
0x2a9: {  	_ =	swait.ge [sflag:s9], $0x3200  }
0x2aa: {  	[sflag:s9] =	ssyncset.done $0x0  }
0x2ab: {  	s28 =	simm.s32 $0x1700;
	[sflag:s9] =	ssyncadd.s32 $0xFFFFCE00  }
0x2ac: {  	[spmem:s24] =	stream.indirect.scatter.add.f32 [tilespmem:s19], [sflag:$0x4], $0x80, s28, s15, $0xb8;
	[tilespmem:$0x1F480] =	vst v63  }
0x2ad: {  	_ =	swait.ge [sflag:s13], $0x3200  }
0x2ae: {  	[sflag:s13] =	ssyncset.done $0x0  }
0x2af: {  	s29 =	simm.s32 $0x880;
	[sflag:s13] =	ssyncadd.s32 $0xFFFFCE00  }
0x2b0: {  	[tilespmem:s19], [sflag:$0x3] =	stream.indirect.gather [hbm4b:s22+s15], $0x80, s29, s15, $0xb8;
	[tilespmem:$0x1F480] =	vst v63  }
0x2b1: {  	_ =	swait.ge [sflag:s12], $0x3200  }
0x2b2: {  	[sflag:s12] =	ssyncset.done $0x0  }
0x2b3: {  	s30 =	simm.s32 $0x1780;
	[sflag:s12] =	ssyncadd.s32 $0xFFFFCE00  }
0x2b4: {  	[spmem:s24] =	stream.indirect.scatter.add.f32 [tilespmem:s11], [sflag:$0x4], $0x80, s30, s15, $0xb8;
	[tilespmem:$0x1F480] =	vst v63  }
0x2b5: {  	_ =	swait.ge [sflag:s13], $0x3200  }
0x2b6: {  	[sflag:s13] =	ssyncset.done $0x0  }
0x2b7: {  	s31 =	simm.s32 $0x900;
	[sflag:s13] =	ssyncadd.s32 $0xFFFFCE00  }
0x2b8: {  	[tilespmem:s11], [sflag:$0x1] =	stream.indirect.gather [hbm4b:s22+s15], $0x80, s31, s15, $0xb8;
	[tilespmem:$0x1F480] =	vst v63  }
0x2b9: {  	_ =	swait.ge [sflag:s21], $0x3200  }
0x2ba: {  	[sflag:s21] =	ssyncset.done $0x0  }
0x2bb: {  	s2 =	simm.s32 $0x1800;
	[sflag:s21] =	ssyncadd.s32 $0xFFFFCE00  }
0x2bc: {  	[spmem:s24] =	stream.indirect.scatter.add.f32 [tilespmem:s17], [sflag:$0x4], $0x80, s2, s15, $0xb8;
	[tilespmem:$0x1F480] =	vst v63  }
0x2bd: {  	_ =	swait.ge [sflag:s13], $0x3200  }
0x2be: {  	[sflag:s13] =	ssyncset.done $0x0  }
0x2bf: {  	s2 =	simm.s32 $0x980;
	[sflag:s13] =	ssyncadd.s32 $0xFFFFCE00  }
0x2c0: {  	[tilespmem:s17], [sflag:$0x2] =	stream.indirect.gather [hbm4b:s22+s15], $0x80, s2, s15, $0xb8;
	[tilespmem:$0x1F480] =	vst v63  }
0x2c1: {  	_ =	swait.ge [sflag:s9], $0x3200  }
0x2c2: {  	[sflag:s9] =	ssyncset.done $0x0  }
0x2c3: {  	s2 =	simm.s32 $0x1880;
	[sflag:s9] =	ssyncadd.s32 $0xFFFFCE00  }
0x2c4: {  	[spmem:s24] =	stream.indirect.scatter.add.f32 [tilespmem:s19], [sflag:$0x4], $0x80, s2, s15, $0xb8;
	[tilespmem:$0x1F480] =	vst v63  }
0x2c5: {  	_ =	swait.ge [sflag:s13], $0x3200  }
0x2c6: {  	[sflag:s13] =	ssyncset.done $0x0  }
0x2c7: {  	s2 =	simm.s32 $0xA00;
	[sflag:s13] =	ssyncadd.s32 $0xFFFFCE00  }
0x2c8: {  	[tilespmem:s19], [sflag:$0x3] =	stream.indirect.gather [hbm4b:s22+s15], $0x80, s2, s15, $0xb8;
	[tilespmem:$0x1F480] =	vst v63  }
0x2c9: {  	_ =	swait.ge [sflag:s12], $0x3200  }
0x2ca: {  	[sflag:s12] =	ssyncset.done $0x0  }
0x2cb: {  	s2 =	simm.s32 $0x1900;
	[sflag:s12] =	ssyncadd.s32 $0xFFFFCE00  }
0x2cc: {  	[spmem:s24] =	stream.indirect.scatter.add.f32 [tilespmem:s11], [sflag:$0x4], $0x80, s2, s15, $0xb8;
	[tilespmem:$0x1F480] =	vst v63  }
0x2cd: {  	_ =	swait.ge [sflag:s13], $0x3200  }
0x2ce: {  	[sflag:s13] =	ssyncset.done $0x0  }
0x2cf: {  	s2 =	simm.s32 $0xA80;
	[sflag:s13] =	ssyncadd.s32 $0xFFFFCE00  }
0x2d0: {  	[tilespmem:s11], [sflag:$0x1] =	stream.indirect.gather [hbm4b:s22+s15], $0x80, s2, s15, $0xb8;
	[tilespmem:$0x1F480] =	vst v63  }
0x2d1: {  	_ =	swait.ge [sflag:s21], $0x3200  }
0x2d2: {  	[sflag:s21] =	ssyncset.done $0x0  }
0x2d3: {  	s2 =	simm.s32 $0x1980;
	[sflag:s21] =	ssyncadd.s32 $0xFFFFCE00  }
0x2d4: {  	[spmem:s24] =	stream.indirect.scatter.add.f32 [tilespmem:s17], [sflag:$0x4], $0x80, s2, s15, $0xb8;
	[tilespmem:$0x1F480] =	vst v63  }
0x2d5: {  	_ =	swait.ge [sflag:s13], $0x3200  }
0x2d6: {  	[sflag:s13] =	ssyncset.done $0x0  }
0x2d7: {  	s2 =	simm.s32 $0xB00;
	[sflag:s13] =	ssyncadd.s32 $0xFFFFCE00  }
0x2d8: {  	[tilespmem:s17], [sflag:$0x2] =	stream.indirect.gather [hbm4b:s22+s15], $0x80, s2, s15, $0xb8;
	[tilespmem:$0x1F480] =	vst v63  }
0x2d9: {  	_ =	swait.ge [sflag:s9], $0x3200  }
0x2da: {  	[sflag:s9] =	ssyncset.done $0x0  }
0x2db: {  	s2 =	simm.s32 $0x1A00;
	[sflag:s9] =	ssyncadd.s32 $0xFFFFCE00  }
0x2dc: {  	[spmem:s24] =	stream.indirect.scatter.add.f32 [tilespmem:s19], [sflag:$0x4], $0x80, s2, s15, $0xb8;
	[tilespmem:$0x1F480] =	vst v63  }
0x2dd: {  	_ =	swait.ge [sflag:s13], $0x3200  }
0x2de: {  	[sflag:s13] =	ssyncset.done $0x0  }
0x2df: {  	s2 =	simm.s32 $0xB80;
	[sflag:s13] =	ssyncadd.s32 $0xFFFFCE00  }
0x2e0: {  	[tilespmem:s19], [sflag:$0x3] =	stream.indirect.gather [hbm4b:s22+s15], $0x80, s2, s15, $0xb8;
	[tilespmem:$0x1F480] =	vst v63  }
0x2e1: {  	_ =	swait.ge [sflag:s12], $0x3200  }
0x2e2: {  	[sflag:s12] =	ssyncset.done $0x0  }
0x2e3: {  	s2 =	simm.s32 $0x1A80;
	[sflag:s12] =	ssyncadd.s32 $0xFFFFCE00  }
0x2e4: {  	[spmem:s24] =	stream.indirect.scatter.add.f32 [tilespmem:s11], [sflag:$0x4], $0x80, s2, s15, $0xb8;
	[tilespmem:$0x1F480] =	vst v63  }
0x2e5: {  	_ =	swait.ge [sflag:s13], $0x3200  }
0x2e6: {  	[sflag:s13] =	ssyncset.done $0x0  }
0x2e7: {  	s2 =	simm.s32 $0xC00;
	[sflag:s13] =	ssyncadd.s32 $0xFFFFCE00  }
0x2e8: {  	[tilespmem:s11], [sflag:$0x1] =	stream.indirect.gather [hbm4b:s22+s15], $0x80, s2, s15, $0xb8;
	[tilespmem:$0x1F480] =	vst v63  }
0x2e9: {  	_ =	swait.ge [sflag:s21], $0x3200  }
0x2ea: {  	[sflag:s21] =	ssyncset.done $0x0  }
0x2eb: {  	s2 =	simm.s32 $0x1B00;
	[sflag:s21] =	ssyncadd.s32 $0xFFFFCE00  }
0x2ec: {  	[spmem:s24] =	stream.indirect.scatter.add.f32 [tilespmem:s17], [sflag:$0x4], $0x80, s2, s15, $0xb8;
	[tilespmem:$0x1F480] =	vst v63  }
0x2ed: {  	_ =	swait.ge [sflag:s13], $0x3200  }
0x2ee: {  	[sflag:s13] =	ssyncset.done $0x0  }
0x2ef: {  	[sflag:s13] =	ssyncadd.s32 $0xFFFFCE00  }
0x2f0: {  	_ =	swait.ge [sflag:s9], $0x3200  }
0x2f1: {  	[sflag:s9] =	ssyncset.done $0x0  }
0x2f2: {  	s2 =	simm.s32 $0x1B80;
	[sflag:s9] =	ssyncadd.s32 $0xFFFFCE00  }
0x2f3: {  	[spmem:s24] =	stream.indirect.scatter.add.f32 [tilespmem:s19], [sflag:$0x4], $0x80, s2, s15, $0xb8;
	[tilespmem:$0x1F480] =	vst v63  }
0x2f4: {  	_ =	swait.ge [sflag:s13], $0x3200  }
0x2f5: {  	[sflag:s13] =	ssyncset.done $0x0  }
0x2f6: {  	[sflag:s13] =	ssyncadd.s32 $0xFFFFCE00  }
0x2f7: {  	_ =	swait.ge [sflag:s12], $0x3200  }
0x2f8: {  	[sflag:s12] =	ssyncset.done $0x0  }
0x2f9: {  	s2 =	simm.s32 $0x1C00;
	[sflag:s12] =	ssyncadd.s32 $0xFFFFCE00  }
0x2fa: {  	[spmem:s24] =	stream.indirect.scatter.add.f32 [tilespmem:s11], [sflag:$0x4], $0x80, s2, s15, $0xb8;
	[tilespmem:$0x1F480] =	vst v63  }
0x2fb: {  	_ =	swait.ge [sflag:s13], $0x3200  }
0x2fc: {  	[sflag:s13] =	ssyncset.done $0x0  }
0x2fd: {  	s2 =	rddreg [dreg:$0xa];
	[sflag:s13] =	ssyncadd.s32 $0xFFFFCE00  }
0x2fe: {  	[tilespmem:s1], [sflag:$0x4] =	stream.linear.gather [hbm4b:s2+s1], $0xC80, $0x38;
	[tilespmem:$0x1F480] =	vst v63  }
0x2ff: {  	_ =	swait.ge [sflag:s13], $0xC80  }
0x300: {  	[sflag:s13] =	ssyncset.done $0x0  }
0x301: {  	s2 =	rddreg [dreg:$0xb];
	[sflag:s13] =	ssyncadd.s32 $0xFFFFF380  }
0x302: {  	[tilespmem:s0], [sflag:$0x4] =	stream.linear.gather [hbm4b:s2+s1], $0xC80, $0x38;
	[tilespmem:$0x1F480] =	vst v63  }
0x303: {  	_ =	swait.ge [sflag:s13], $0xC80  }
0x304: {  	[sflag:s13] =	ssyncset.done $0x0  }
0x305: {  	[sflag:s13] =	ssyncadd.s32 $0xFFFFF380  }
0x306: {  	[tilespmem:s11], [sflag:$0x1] =	stream.indirect.gather [hbm4b:s22+s15], $0x80, s1, s15, $0xb8;
	[tilespmem:$0x1F480] =	vst v63  }
0x307: {  	s5 =	simm.s32 $0x80  }
0x308: {  	[tilespmem:s17], [sflag:$0x2] =	stream.indirect.gather [hbm4b:s22+s15], $0x80, s5, s15, $0xb8;
	[tilespmem:$0x1F480] =	vst v63  }
0x309: {  	s5 =	simm.s32 $0x100  }
0x30a: {  	[tilespmem:s19], [sflag:$0x3] =	stream.indirect.gather [hbm4b:s22+s15], $0x80, s5, s15, $0xb8;
	[tilespmem:$0x1F480] =	vst v63  }
0x30b: {  	_ =	swait.ge [sflag:s12], $0x3200  }
0x30c: {  	[sflag:s12] =	ssyncset.done $0x0  }
0x30d: {  	[sflag:s12] =	ssyncadd.s32 $0xFFFFCE00  }
0x30e: {  	[spmem:s24] =	stream.indirect.scatter.add.f32 [tilespmem:s11], [sflag:$0x4], $0x80, s0, s15, $0xb8;
	[tilespmem:$0x1F480] =	vst v63  }
0x30f: {  	_ =	swait.ge [sflag:s13], $0x3200  }
0x310: {  	[sflag:s13] =	ssyncset.done $0x0  }
0x311: {  	s5 =	simm.s32 $0x180;
	[sflag:s13] =	ssyncadd.s32 $0xFFFFCE00  }
0x312: {  	[tilespmem:s11], [sflag:$0x1] =	stream.indirect.gather [hbm4b:s22+s15], $0x80, s5, s15, $0xb8;
	[tilespmem:$0x1F480] =	vst v63  }
0x313: {  	_ =	swait.ge [sflag:s21], $0x3200  }
0x314: {  	[sflag:s21] =	ssyncset.done $0x0  }
0x315: {  	s2 =	simm.s32 $0x1080;
	[sflag:s21] =	ssyncadd.s32 $0xFFFFCE00  }
0x316: {  	[spmem:s24] =	stream.indirect.scatter.add.f32 [tilespmem:s17], [sflag:$0x4], $0x80, s2, s15, $0xb8;
	[tilespmem:$0x1F480] =	vst v63  }
0x317: {  	_ =	swait.ge [sflag:s13], $0x3200  }
0x318: {  	[sflag:s13] =	ssyncset.done $0x0  }
0x319: {  	s5 =	simm.s32 $0x200;
	[sflag:s13] =	ssyncadd.s32 $0xFFFFCE00  }
0x31a: {  	[tilespmem:s17], [sflag:$0x2] =	stream.indirect.gather [hbm4b:s22+s15], $0x80, s5, s15, $0xb8;
	[tilespmem:$0x1F480] =	vst v63  }
0x31b: {  	_ =	swait.ge [sflag:s9], $0x3200  }
0x31c: {  	[sflag:s9] =	ssyncset.done $0x0  }
0x31d: {  	s2 =	simm.s32 $0x1100;
	[sflag:s9] =	ssyncadd.s32 $0xFFFFCE00  }
0x31e: {  	[spmem:s24] =	stream.indirect.scatter.add.f32 [tilespmem:s19], [sflag:$0x4], $0x80, s2, s15, $0xb8;
	[tilespmem:$0x1F480] =	vst v63  }
0x31f: {  	_ =	swait.ge [sflag:s13], $0x3200  }
0x320: {  	[sflag:s13] =	ssyncset.done $0x0  }
0x321: {  	s5 =	simm.s32 $0x280;
	[sflag:s13] =	ssyncadd.s32 $0xFFFFCE00  }
0x322: {  	[tilespmem:s19], [sflag:$0x3] =	stream.indirect.gather [hbm4b:s22+s15], $0x80, s5, s15, $0xb8;
	[tilespmem:$0x1F480] =	vst v63  }
0x323: {  	_ =	swait.ge [sflag:s12], $0x3200  }
0x324: {  	[sflag:s12] =	ssyncset.done $0x0  }
0x325: {  	s2 =	simm.s32 $0x1180;
	[sflag:s12] =	ssyncadd.s32 $0xFFFFCE00  }
0x326: {  	[spmem:s24] =	stream.indirect.scatter.add.f32 [tilespmem:s11], [sflag:$0x4], $0x80, s2, s15, $0xb8;
	[tilespmem:$0x1F480] =	vst v63  }
0x327: {  	_ =	swait.ge [sflag:s13], $0x3200  }
0x328: {  	[sflag:s13] =	ssyncset.done $0x0  }
0x329: {  	s5 =	simm.s32 $0x300;
	[sflag:s13] =	ssyncadd.s32 $0xFFFFCE00  }
0x32a: {  	[tilespmem:s11], [sflag:$0x1] =	stream.indirect.gather [hbm4b:s22+s15], $0x80, s5, s15, $0xb8;
	[tilespmem:$0x1F480] =	vst v63  }
0x32b: {  	_ =	swait.ge [sflag:s21], $0x3200  }
0x32c: {  	[sflag:s21] =	ssyncset.done $0x0  }
0x32d: {  	s2 =	simm.s32 $0x1200;
	[sflag:s21] =	ssyncadd.s32 $0xFFFFCE00  }
0x32e: {  	[spmem:s24] =	stream.indirect.scatter.add.f32 [tilespmem:s17], [sflag:$0x4], $0x80, s2, s15, $0xb8;
	[tilespmem:$0x1F480] =	vst v63  }
0x32f: {  	_ =	swait.ge [sflag:s13], $0x3200  }
0x330: {  	[sflag:s13] =	ssyncset.done $0x0  }
0x331: {  	s5 =	simm.s32 $0x380;
	[sflag:s13] =	ssyncadd.s32 $0xFFFFCE00  }
0x332: {  	[tilespmem:s17], [sflag:$0x2] =	stream.indirect.gather [hbm4b:s22+s15], $0x80, s5, s15, $0xb8;
	[tilespmem:$0x1F480] =	vst v63  }
0x333: {  	_ =	swait.ge [sflag:s9], $0x3200  }
0x334: {  	[sflag:s9] =	ssyncset.done $0x0  }
0x335: {  	s2 =	simm.s32 $0x1280;
	[sflag:s9] =	ssyncadd.s32 $0xFFFFCE00  }
0x336: {  	[spmem:s24] =	stream.indirect.scatter.add.f32 [tilespmem:s19], [sflag:$0x4], $0x80, s2, s15, $0xb8;
	[tilespmem:$0x1F480] =	vst v63  }
0x337: {  	_ =	swait.ge [sflag:s13], $0x3200  }
0x338: {  	[sflag:s13] =	ssyncset.done $0x0  }
0x339: {  	s5 =	simm.s32 $0x400;
	[sflag:s13] =	ssyncadd.s32 $0xFFFFCE00  }
0x33a: {  	[tilespmem:s19], [sflag:$0x3] =	stream.indirect.gather [hbm4b:s22+s15], $0x80, s5, s15, $0xb8;
	[tilespmem:$0x1F480] =	vst v63  }
0x33b: {  	_ =	swait.ge [sflag:s12], $0x3200  }
0x33c: {  	[sflag:s12] =	ssyncset.done $0x0  }
0x33d: {  	s2 =	simm.s32 $0x1300;
	[sflag:s12] =	ssyncadd.s32 $0xFFFFCE00  }
0x33e: {  	[spmem:s24] =	stream.indirect.scatter.add.f32 [tilespmem:s11], [sflag:$0x4], $0x80, s2, s15, $0xb8;
	[tilespmem:$0x1F480] =	vst v63  }
0x33f: {  	_ =	swait.ge [sflag:s13], $0x3200  }
0x340: {  	[sflag:s13] =	ssyncset.done $0x0  }
0x341: {  	s5 =	simm.s32 $0x480;
	[sflag:s13] =	ssyncadd.s32 $0xFFFFCE00  }
0x342: {  	[tilespmem:s11], [sflag:$0x1] =	stream.indirect.gather [hbm4b:s22+s15], $0x80, s5, s15, $0xb8;
	[tilespmem:$0x1F480] =	vst v63  }
0x343: {  	_ =	swait.ge [sflag:s21], $0x3200  }
0x344: {  	[sflag:s21] =	ssyncset.done $0x0  }
0x345: {  	s2 =	simm.s32 $0x1380;
	[sflag:s21] =	ssyncadd.s32 $0xFFFFCE00  }
0x346: {  	[spmem:s24] =	stream.indirect.scatter.add.f32 [tilespmem:s17], [sflag:$0x4], $0x80, s2, s15, $0xb8;
	[tilespmem:$0x1F480] =	vst v63  }
0x347: {  	_ =	swait.ge [sflag:s13], $0x3200  }
0x348: {  	[sflag:s13] =	ssyncset.done $0x0  }
0x349: {  	s5 =	simm.s32 $0x500;
	[sflag:s13] =	ssyncadd.s32 $0xFFFFCE00  }
0x34a: {  	[tilespmem:s17], [sflag:$0x2] =	stream.indirect.gather [hbm4b:s22+s15], $0x80, s5, s15, $0xb8;
	[tilespmem:$0x1F480] =	vst v63  }
0x34b: {  	_ =	swait.ge [sflag:s9], $0x3200  }
0x34c: {  	[sflag:s9] =	ssyncset.done $0x0  }
0x34d: {  	s3 =	simm.s32 $0x1400;
	[sflag:s9] =	ssyncadd.s32 $0xFFFFCE00  }
0x34e: {  	[spmem:s24] =	stream.indirect.scatter.add.f32 [tilespmem:s19], [sflag:$0x4], $0x80, s3, s15, $0xb8;
	[tilespmem:$0x1F480] =	vst v63  }
0x34f: {  	_ =	swait.ge [sflag:s13], $0x3200  }
0x350: {  	[sflag:s13] =	ssyncset.done $0x0  }
0x351: {  	s4 =	simm.s32 $0x580;
	[sflag:s13] =	ssyncadd.s32 $0xFFFFCE00  }
0x352: {  	[tilespmem:s19], [sflag:$0x3] =	stream.indirect.gather [hbm4b:s22+s15], $0x80, s4, s15, $0xb8;
	[tilespmem:$0x1F480] =	vst v63  }
0x353: {  	_ =	swait.ge [sflag:s12], $0x3200  }
0x354: {  	[sflag:s12] =	ssyncset.done $0x0  }
0x355: {  	s6 =	simm.s32 $0x1480;
	[sflag:s12] =	ssyncadd.s32 $0xFFFFCE00  }
0x356: {  	[spmem:s24] =	stream.indirect.scatter.add.f32 [tilespmem:s11], [sflag:$0x4], $0x80, s6, s15, $0xb8;
	[tilespmem:$0x1F480] =	vst v63  }
0x357: {  	_ =	swait.ge [sflag:s13], $0x3200  }
0x358: {  	[sflag:s13] =	ssyncset.done $0x0  }
0x359: {  	s7 =	simm.s32 $0x600;
	[sflag:s13] =	ssyncadd.s32 $0xFFFFCE00  }
0x35a: {  	[tilespmem:s11], [sflag:$0x1] =	stream.indirect.gather [hbm4b:s22+s15], $0x80, s7, s15, $0xb8;
	[tilespmem:$0x1F480] =	vst v63  }
0x35b: {  	_ =	swait.ge [sflag:s21], $0x3200  }
0x35c: {  	[sflag:s21] =	ssyncset.done $0x0  }
0x35d: {  	s8 =	simm.s32 $0x1500;
	[sflag:s21] =	ssyncadd.s32 $0xFFFFCE00  }
0x35e: {  	[spmem:s24] =	stream.indirect.scatter.add.f32 [tilespmem:s17], [sflag:$0x4], $0x80, s8, s15, $0xb8;
	[tilespmem:$0x1F480] =	vst v63  }
0x35f: {  	_ =	swait.ge [sflag:s13], $0x3200  }
0x360: {  	[sflag:s13] =	ssyncset.done $0x0  }
0x361: {  	s10 =	simm.s32 $0x680;
	[sflag:s13] =	ssyncadd.s32 $0xFFFFCE00  }
0x362: {  	[tilespmem:s17], [sflag:$0x2] =	stream.indirect.gather [hbm4b:s22+s15], $0x80, s10, s15, $0xb8;
	[tilespmem:$0x1F480] =	vst v63  }
0x363: {  	_ =	swait.ge [sflag:s9], $0x3200  }
0x364: {  	[sflag:s9] =	ssyncset.done $0x0  }
0x365: {  	s14 =	simm.s32 $0x1580;
	[sflag:s9] =	ssyncadd.s32 $0xFFFFCE00  }
0x366: {  	[spmem:s24] =	stream.indirect.scatter.add.f32 [tilespmem:s19], [sflag:$0x4], $0x80, s14, s15, $0xb8;
	[tilespmem:$0x1F480] =	vst v63  }
0x367: {  	_ =	swait.ge [sflag:s13], $0x3200  }
0x368: {  	[sflag:s13] =	ssyncset.done $0x0  }
0x369: {  	s16 =	simm.s32 $0x700;
	[sflag:s13] =	ssyncadd.s32 $0xFFFFCE00  }
0x36a: {  	[tilespmem:s19], [sflag:$0x3] =	stream.indirect.gather [hbm4b:s22+s15], $0x80, s16, s15, $0xb8;
	[tilespmem:$0x1F480] =	vst v63  }
0x36b: {  	_ =	swait.ge [sflag:s12], $0x3200  }
0x36c: {  	[sflag:s12] =	ssyncset.done $0x0  }
0x36d: {  	s18 =	simm.s32 $0x1600;
	[sflag:s12] =	ssyncadd.s32 $0xFFFFCE00  }
0x36e: {  	[spmem:s24] =	stream.indirect.scatter.add.f32 [tilespmem:s11], [sflag:$0x4], $0x80, s18, s15, $0xb8;
	[tilespmem:$0x1F480] =	vst v63  }
0x36f: {  	_ =	swait.ge [sflag:s13], $0x3200  }
0x370: {  	[sflag:s13] =	ssyncset.done $0x0  }
0x371: {  	s20 =	simm.s32 $0x780;
	[sflag:s13] =	ssyncadd.s32 $0xFFFFCE00  }
0x372: {  	[tilespmem:s11], [sflag:$0x1] =	stream.indirect.gather [hbm4b:s22+s15], $0x80, s20, s15, $0xb8;
	[tilespmem:$0x1F480] =	vst v63  }
0x373: {  	_ =	swait.ge [sflag:s21], $0x3200  }
0x374: {  	[sflag:s21] =	ssyncset.done $0x0  }
0x375: {  	s25 =	simm.s32 $0x1680;
	[sflag:s21] =	ssyncadd.s32 $0xFFFFCE00  }
0x376: {  	[spmem:s24] =	stream.indirect.scatter.add.f32 [tilespmem:s17], [sflag:$0x4], $0x80, s25, s15, $0xb8;
	[tilespmem:$0x1F480] =	vst v63  }
0x377: {  	_ =	swait.ge [sflag:s13], $0x3200  }
0x378: {  	[sflag:s13] =	ssyncset.done $0x0  }
0x379: {  	s26 =	simm.s32 $0x800;
	[sflag:s13] =	ssyncadd.s32 $0xFFFFCE00  }
0x37a: {  	[tilespmem:s17], [sflag:$0x2] =	stream.indirect.gather [hbm4b:s22+s15], $0x80, s26, s15, $0xb8;
	[tilespmem:$0x1F480] =	vst v63  }
0x37b: {  	_ =	swait.ge [sflag:s9], $0x3200  }
0x37c: {  	[sflag:s9] =	ssyncset.done $0x0  }
0x37d: {  	s28 =	simm.s32 $0x1700;
	[sflag:s9] =	ssyncadd.s32 $0xFFFFCE00  }
0x37e: {  	[spmem:s24] =	stream.indirect.scatter.add.f32 [tilespmem:s19], [sflag:$0x4], $0x80, s28, s15, $0xb8;
	[tilespmem:$0x1F480] =	vst v63  }
0x37f: {  	_ =	swait.ge [sflag:s13], $0x3200  }
0x380: {  	[sflag:s13] =	ssyncset.done $0x0  }
0x381: {  	s29 =	simm.s32 $0x880;
	[sflag:s13] =	ssyncadd.s32 $0xFFFFCE00  }
0x382: {  	[tilespmem:s19], [sflag:$0x3] =	stream.indirect.gather [hbm4b:s22+s15], $0x80, s29, s15, $0xb8;
	[tilespmem:$0x1F480] =	vst v63  }
0x383: {  	_ =	swait.ge [sflag:s12], $0x3200  }
0x384: {  	[sflag:s12] =	ssyncset.done $0x0  }
0x385: {  	s30 =	simm.s32 $0x1780;
	[sflag:s12] =	ssyncadd.s32 $0xFFFFCE00  }
0x386: {  	[spmem:s24] =	stream.indirect.scatter.add.f32 [tilespmem:s11], [sflag:$0x4], $0x80, s30, s15, $0xb8;
	[tilespmem:$0x1F480] =	vst v63  }
0x387: {  	_ =	swait.ge [sflag:s13], $0x3200  }
0x388: {  	[sflag:s13] =	ssyncset.done $0x0  }
0x389: {  	s31 =	simm.s32 $0x900;
	[sflag:s13] =	ssyncadd.s32 $0xFFFFCE00  }
0x38a: {  	[tilespmem:s11], [sflag:$0x1] =	stream.indirect.gather [hbm4b:s22+s15], $0x80, s31, s15, $0xb8;
	[tilespmem:$0x1F480] =	vst v63  }
0x38b: {  	_ =	swait.ge [sflag:s21], $0x3200  }
0x38c: {  	[sflag:s21] =	ssyncset.done $0x0  }
0x38d: {  	s14 =	simm.s32 $0x1800;
	[sflag:s21] =	ssyncadd.s32 $0xFFFFCE00  }
0x38e: {  	[spmem:s24] =	stream.indirect.scatter.add.f32 [tilespmem:s17], [sflag:$0x4], $0x80, s14, s15, $0xb8;
	[tilespmem:$0x1F480] =	vst v63  }
0x38f: {  	_ =	swait.ge [sflag:s13], $0x3200  }
0x390: {  	[sflag:s13] =	ssyncset.done $0x0  }
0x391: {  	s16 =	simm.s32 $0x980;
	[sflag:s13] =	ssyncadd.s32 $0xFFFFCE00  }
0x392: {  	[tilespmem:s17], [sflag:$0x2] =	stream.indirect.gather [hbm4b:s22+s15], $0x80, s16, s15, $0xb8;
	[tilespmem:$0x1F480] =	vst v63  }
0x393: {  	_ =	swait.ge [sflag:s9], $0x3200  }
0x394: {  	[sflag:s9] =	ssyncset.done $0x0  }
0x395: {  	s18 =	simm.s32 $0x1880;
	[sflag:s9] =	ssyncadd.s32 $0xFFFFCE00  }
0x396: {  	[spmem:s24] =	stream.indirect.scatter.add.f32 [tilespmem:s19], [sflag:$0x4], $0x80, s18, s15, $0xb8;
	[tilespmem:$0x1F480] =	vst v63  }
0x397: {  	_ =	swait.ge [sflag:s13], $0x3200  }
0x398: {  	[sflag:s13] =	ssyncset.done $0x0  }
0x399: {  	s20 =	simm.s32 $0xA00;
	[sflag:s13] =	ssyncadd.s32 $0xFFFFCE00  }
0x39a: {  	[tilespmem:s19], [sflag:$0x3] =	stream.indirect.gather [hbm4b:s22+s15], $0x80, s20, s15, $0xb8;
	[tilespmem:$0x1F480] =	vst v63  }
0x39b: {  	_ =	swait.ge [sflag:s12], $0x3200  }
0x39c: {  	[sflag:s12] =	ssyncset.done $0x0  }
0x39d: {  	s25 =	simm.s32 $0x1900;
	[sflag:s12] =	ssyncadd.s32 $0xFFFFCE00  }
0x39e: {  	[spmem:s24] =	stream.indirect.scatter.add.f32 [tilespmem:s11], [sflag:$0x4], $0x80, s25, s15, $0xb8;
	[tilespmem:$0x1F480] =	vst v63  }
0x39f: {  	_ =	swait.ge [sflag:s13], $0x3200  }
0x3a0: {  	[sflag:s13] =	ssyncset.done $0x0  }
0x3a1: {  	s26 =	simm.s32 $0xA80;
	[sflag:s13] =	ssyncadd.s32 $0xFFFFCE00  }
0x3a2: {  	[tilespmem:s11], [sflag:$0x1] =	stream.indirect.gather [hbm4b:s22+s15], $0x80, s26, s15, $0xb8;
	[tilespmem:$0x1F480] =	vst v63  }
0x3a3: {  	_ =	swait.ge [sflag:s21], $0x3200  }
0x3a4: {  	[sflag:s21] =	ssyncset.done $0x0  }
0x3a5: {  	s28 =	simm.s32 $0x1980;
	[sflag:s21] =	ssyncadd.s32 $0xFFFFCE00  }
0x3a6: {  	[spmem:s24] =	stream.indirect.scatter.add.f32 [tilespmem:s17], [sflag:$0x4], $0x80, s28, s15, $0xb8;
	[tilespmem:$0x1F480] =	vst v63  }
0x3a7: {  	_ =	swait.ge [sflag:s13], $0x3200  }
0x3a8: {  	[sflag:s13] =	ssyncset.done $0x0  }
0x3a9: {  	s29 =	simm.s32 $0xB00;
	[sflag:s13] =	ssyncadd.s32 $0xFFFFCE00  }
0x3aa: {  	[tilespmem:s17], [sflag:$0x2] =	stream.indirect.gather [hbm4b:s22+s15], $0x80, s29, s15, $0xb8;
	[tilespmem:$0x1F480] =	vst v63  }
0x3ab: {  	_ =	swait.ge [sflag:s9], $0x3200  }
0x3ac: {  	[sflag:s9] =	ssyncset.done $0x0  }
0x3ad: {  	s30 =	simm.s32 $0x1A00;
	[sflag:s9] =	ssyncadd.s32 $0xFFFFCE00  }
0x3ae: {  	[spmem:s24] =	stream.indirect.scatter.add.f32 [tilespmem:s19], [sflag:$0x4], $0x80, s30, s15, $0xb8;
	[tilespmem:$0x1F480] =	vst v63  }
0x3af: {  	_ =	swait.ge [sflag:s13], $0x3200  }
0x3b0: {  	[sflag:s13] =	ssyncset.done $0x0  }
0x3b1: {  	s31 =	simm.s32 $0xB80;
	[sflag:s13] =	ssyncadd.s32 $0xFFFFCE00  }
0x3b2: {  	[tilespmem:s19], [sflag:$0x3] =	stream.indirect.gather [hbm4b:s22+s15], $0x80, s31, s15, $0xb8;
	[tilespmem:$0x1F480] =	vst v63  }
0x3b3: {  	_ =	swait.ge [sflag:s12], $0x3200  }
0x3b4: {  	[sflag:s12] =	ssyncset.done $0x0  }
0x3b5: {  	s2 =	simm.s32 $0x1A80;
	[sflag:s12] =	ssyncadd.s32 $0xFFFFCE00  }
0x3b6: {  	[spmem:s24] =	stream.indirect.scatter.add.f32 [tilespmem:s11], [sflag:$0x4], $0x80, s2, s15, $0xb8;
	[tilespmem:$0x1F480] =	vst v63  }
0x3b7: {  	_ =	swait.ge [sflag:s13], $0x3200  }
0x3b8: {  	[sflag:s13] =	ssyncset.done $0x0  }
0x3b9: {  	s3 =	simm.s32 $0xC00;
	[sflag:s13] =	ssyncadd.s32 $0xFFFFCE00  }
0x3ba: {  	[tilespmem:s11], [sflag:$0x1] =	stream.indirect.gather [hbm4b:s22+s15], $0x80, s3, s15, $0xb8;
	[tilespmem:$0x1F480] =	vst v63  }
0x3bb: {  	_ =	swait.ge [sflag:s21], $0x3200  }
0x3bc: {  	[sflag:s21] =	ssyncset.done $0x0  }
0x3bd: {  	s4 =	simm.s32 $0x1B00;
	[sflag:s21] =	ssyncadd.s32 $0xFFFFCE00  }
0x3be: {  	[spmem:s24] =	stream.indirect.scatter.add.f32 [tilespmem:s17], [sflag:$0x4], $0x80, s4, s15, $0xb8;
	[tilespmem:$0x1F480] =	vst v63  }
0x3bf: {  	_ =	swait.ge [sflag:s13], $0x3200  }
0x3c0: {  	[sflag:s13] =	ssyncset.done $0x0  }
0x3c1: {  	[sflag:s13] =	ssyncadd.s32 $0xFFFFCE00  }
0x3c2: {  	_ =	swait.ge [sflag:s9], $0x3200  }
0x3c3: {  	[sflag:s9] =	ssyncset.done $0x0  }
0x3c4: {  	s5 =	simm.s32 $0x1B80;
	[sflag:s9] =	ssyncadd.s32 $0xFFFFCE00  }
0x3c5: {  	[spmem:s24] =	stream.indirect.scatter.add.f32 [tilespmem:s19], [sflag:$0x4], $0x80, s5, s15, $0xb8;
	[tilespmem:$0x1F480] =	vst v63  }
0x3c6: {  	_ =	swait.ge [sflag:s13], $0x3200  }
0x3c7: {  	[sflag:s13] =	ssyncset.done $0x0  }
0x3c8: {  	[sflag:s13] =	ssyncadd.s32 $0xFFFFCE00  }
0x3c9: {  	_ =	swait.ge [sflag:s12], $0x3200  }
0x3ca: {  	[sflag:s12] =	ssyncset.done $0x0  }
0x3cb: {  	s6 =	simm.s32 $0x1C00;
	[sflag:s12] =	ssyncadd.s32 $0xFFFFCE00  }
0x3cc: {  	[spmem:s24] =	stream.indirect.scatter.add.f32 [tilespmem:s11], [sflag:$0x4], $0x80, s6, s15, $0xb8;
	[tilespmem:$0x1F480] =	vst v63  }
0x3cd: {  	_ =	swait.ge [sflag:s13], $0x3200  }
0x3ce: {  	[sflag:s13] =	ssyncset.done $0x0  }
0x3cf: {  	[sflag:s13] =	ssyncadd.s32 $0xFFFFCE00  }
0x3d0: {  	s7 =	stileid.u32;
	[bflag:$0x0] =	sbarrier.arrive $0xFFFF  }
0x3d1: {  	s2 =	sshll.u32 s7, $0x6;
	s8 =	rddreg [dreg:$0x19]  }
0x3d2: {  	s2 =	sor.u32 $0x1C01, s2;
	s14 =	rddreg [dreg:$0xc];
	s10 =	sshrl.u32 s8, $0x3  }
0x3d3: {  	[hbm:s14], [sflag:s2] =	dma.local [spmem:s10], $0x300  }
0x3d4: {  	s16 =	rddreg [dreg:$0x1a]  }
0x3d5: {  	s4 =	rddreg [dreg:$0xd];
	s18 =	sshrl.u32 s16, $0x3  }
0x3d6: {  	[hbm:s4], [sflag:s2] =	dma.local [spmem:s18], $0x300  }
0x3d7: {  	s20 =	rddreg [dreg:$0x1b]  }
0x3d8: {  	s4 =	rddreg [dreg:$0xe];
	s25 =	sshrl.u32 s20, $0x3  }
0x3d9: {  	[hbm:s4], [sflag:s2] =	dma.local [spmem:s25], $0x300  }
0x3da: {  	s26 =	rddreg [dreg:$0x1c]  }
0x3db: {  	s4 =	rddreg [dreg:$0xf];
	s28 =	sshrl.u32 s26, $0x3  }
0x3dc: {  	[hbm:s4], [sflag:s2] =	dma.local [spmem:s28], $0x300  }
0x3dd: {  	s29 =	rddreg [dreg:$0x1d]  }
0x3de: {  	s4 =	rddreg [dreg:$0x10];
	s30 =	sshrl.u32 s29, $0x3  }
0x3df: {  	[hbm:s4], [sflag:s2] =	dma.local [spmem:s30], $0x300  }
0x3e0: {  	s31 =	rddreg [dreg:$0x1e]  }
0x3e1: {  	s4 =	rddreg [dreg:$0x11];
	s0 =	sshrl.u32 s31, $0x3  }
0x3e2: {  	[hbm:s4], [sflag:s2] =	dma.local [spmem:s0], $0x300  }
0x3e3: {  	s5 =	rddreg [dreg:$0x1f]  }
0x3e4: {  	s4 =	rddreg [dreg:$0x12];
	s6 =	sshrl.u32 s5, $0x3  }
0x3e5: {  	[hbm:s4], [sflag:s2] =	dma.local [spmem:s6], $0x300  }
0x3e6: {  	s7 =	sld [smem:$0x7F5];
	_ =	sdelay $0x2  }
0x3e7: {  	s4 =	rddreg [dreg:$0x13];
	s8 =	sshrl.u32 s7, $0x3  }
0x3e8: {  	[hbm:s4], [sflag:s2] =	dma.local [spmem:s8], $0x300  }
0x3e9: {  	s10 =	sld [smem:$0x7F6];
	_ =	sdelay $0x2  }
0x3ea: {  	s4 =	rddreg [dreg:$0x14];
	s14 =	sshrl.u32 s10, $0x3  }
0x3eb: {  	[hbm:s4], [sflag:s2] =	dma.local [spmem:s14], $0x300  }
0x3ec: {  	s16 =	sld [smem:$0x7F7];
	_ =	sdelay $0x2  }
0x3ed: {  	s4 =	rddreg [dreg:$0x15];
	s18 =	sshrl.u32 s16, $0x3  }
0x3ee: {  	[hbm:s4], [sflag:s2] =	dma.local [spmem:s18], $0x300  }
0x3ef: {  	s20 =	sld [smem:$0x7F8];
	_ =	sdelay $0x2  }
0x3f0: {  	s4 =	rddreg [dreg:$0x16];
	s25 =	sshrl.u32 s20, $0x3  }
0x3f1: {  	[hbm:s4], [sflag:s2] =	dma.local [spmem:s25], $0x300  }
0x3f2: {  	s26 =	sld [smem:$0x7F9];
	_ =	sdelay $0x2  }
0x3f3: {  	s4 =	rddreg [dreg:$0x17];
	s28 =	sshrl.u32 s26, $0x3  }
0x3f4: {  	[hbm:s4], [sflag:s2] =	dma.local [spmem:s28], $0x300  }
0x3f5: {  	s29 =	sld [smem:$0x7FA];
	_ =	sdelay $0x2  }
0x3f6: {  	s4 =	rddreg [dreg:$0x18];
	s30 =	sshrl.u32 s29, $0x3  }
0x3f7: {  	[hbm:s4], [sflag:s2] =	dma.local [spmem:s30], $0x300  }
0x3f8: {  	s0 =	sld [smem:$0x7FD]  }
0x3f9: {  	s4 =	sld [smem:$0x7FB];
	_ =	sdelay $0x1  }
0x3fa: {  	s3 =	simm.s32 @!p0 $0x1FC2;
	s2 =	sshrl.u32 @!p0 s0, $0x3  }
0x3fb: {  	[hbm:s4], [sflag:s3] =	dma.local @!p0 [spmem:s2], $0x100  }
0x3fc: {  	_ =	swait.ge [sflag:s12], $0x300  }
0x3fd: {  	[sflag:s12] =	ssyncset.done $0x0  }
0x3fe: {  	[sflag:s12] =	ssyncadd.s32 $0xFFFFFD00  }
0x3ff: {  	_ =	swait.ge [sflag:s12], $0x300  }
0x400: {  	[sflag:s12] =	ssyncset.done $0x0  }
0x401: {  	[sflag:s12] =	ssyncadd.s32 $0xFFFFFD00  }
0x402: {  	_ =	swait.ge [sflag:s12], $0x300  }
0x403: {  	[sflag:s12] =	ssyncset.done $0x0  }
0x404: {  	[sflag:s12] =	ssyncadd.s32 $0xFFFFFD00  }
0x405: {  	_ =	swait.ge [sflag:s12], $0x300  }
0x406: {  	[sflag:s12] =	ssyncset.done $0x0  }
0x407: {  	[sflag:s12] =	ssyncadd.s32 $0xFFFFFD00  }
0x408: {  	_ =	swait.ge [sflag:s12], $0x300  }
0x409: {  	[sflag:s12] =	ssyncset.done $0x0  }
0x40a: {  	[sflag:s12] =	ssyncadd.s32 $0xFFFFFD00  }
0x40b: {  	_ =	swait.ge [sflag:s12], $0x300  }
0x40c: {  	[sflag:s12] =	ssyncset.done $0x0  }
0x40d: {  	[sflag:s12] =	ssyncadd.s32 $0xFFFFFD00  }
0x40e: {  	_ =	swait.ge [sflag:s12], $0x300  }
0x40f: {  	[sflag:s12] =	ssyncset.done $0x0  }
0x410: {  	[sflag:s12] =	ssyncadd.s32 $0xFFFFFD00  }
0x411: {  	_ =	swait.ge [sflag:s12], $0x300  }
0x412: {  	[sflag:s12] =	ssyncset.done $0x0  }
0x413: {  	[sflag:s12] =	ssyncadd.s32 $0xFFFFFD00  }
0x414: {  	_ =	swait.ge [sflag:s12], $0x300  }
0x415: {  	[sflag:s12] =	ssyncset.done $0x0  }
0x416: {  	[sflag:s12] =	ssyncadd.s32 $0xFFFFFD00  }
0x417: {  	_ =	swait.ge [sflag:s12], $0x300  }
0x418: {  	[sflag:s12] =	ssyncset.done $0x0  }
0x419: {  	[sflag:s12] =	ssyncadd.s32 $0xFFFFFD00  }
0x41a: {  	_ =	swait.ge [sflag:s12], $0x300  }
0x41b: {  	[sflag:s12] =	ssyncset.done $0x0  }
0x41c: {  	[sflag:s12] =	ssyncadd.s32 $0xFFFFFD00  }
0x41d: {  	_ =	swait.ge [sflag:s12], $0x300  }
0x41e: {  	[sflag:s12] =	ssyncset.done $0x0  }
0x41f: {  	[sflag:s12] =	ssyncadd.s32 $0xFFFFFD00  }
0x420: {  	_ =	swait.ge [sflag:s12], $0x300  }
0x421: {  	[sflag:s12] =	ssyncset.done $0x0  }
0x422: {  	s0 =	simm.s32 @!p0 $0x2;
	[sflag:s12] =	ssyncadd.s32 $0xFFFFFD00  }
0x423: {  	_ =	swait.ge @!p0 [sflag:s0], $0x100  }
0x424: {  	s31 =	sld [smem:$0x7FC];
	_ =	sdelay $0x1  }
0x425: {  	s23 =	sadd.s32 $0x1, s23  }
0x426: {  	p1 =	sne.s32 s23, s31  }
.Ltmp1:
0x427: {  	_ = 	snop;
	(pc) =	sbr.rel @p1 .LBB2_1-.Ltmp1, $3  }
0x428: {  	_ =	sdelay $0x1  }
0x429: {  	[sflag:s0] =	ssyncset.done @!p0 $0x0;
	s0 =	simm.s32 @!p0 $0x2  }
0x42a: {  	[sflag:s0] =	ssyncadd.s32 @!p0 $0xFFFFFF00  }
0x42b: {  	_ =	sfence.sel $0x180000  }
0x42c: {  	[bflag:$0x0] =	sbarrier.arrive $0xFFFF  }
0x42d: {  	_ =	strace $0x9000004A  }
0x42e: {  	s0 =	stileid.u32;
	[bflag:$0x2] =	sbarrier.arrive $0xFFFF  }
0x42f: {  	p0 =	sne.s32 s0, $0x0;
	s0 =	rddreg [dreg:$0x3]  }
0x430: {  	s0 =	sadd.s32 @!p0 $0x100000, s0  }
0x431: {  	[sflag:s0] =	ssyncadd.tile.s32 @!p0 $0x1;
	_ =	shalt  }
.Lfunc_end2:
_tile_overlayer_lowered:
.L_overlay_start_2:
0x432: {  	(tag) =	ssettag $0x2  }
0x433: {  	s0 =	rddreg [dreg:$0x0];
	s2 =	stileid.u32  }
0x434: {  	s1 =	rddreg [dreg:$0x1];
	p0 =	sne.s32 s2, $0x0  }
0x435: {  	s3 =	rddreg [dreg:$0x2];
	[bflag:$0x3] =	sbarrier.arrive $0xFFFF;
	s2 =	simm.s32 @!p0 $0x1C04  }
0x436: {  	[timem:s3], [sflag:s2] =	dma.local @!p0 [hbm:s0], s1  }
0x437: {  	s0 =	simm.s32 @!p0 $0x4  }
0x438: {  	_ =	swait.ge @!p0 [sflag:s0], s1  }
0x439: {  	s1 =	ssub.s32 @!p0 $0x0, s1;
	[sflag:s0] =	ssyncset.done @!p0 $0x0  }
0x43a: {  	[sflag:s0] =	ssyncadd.s32 @!p0 s1  }
0x43b: {  	[bflag:$0x3] =	sbarrier.arrive $0xFFFF  }
0x43c: {  	_ =	shalt  }

</sc_bundles>
